<compile_context>
chip_gen: v7x
topology: tpu7x:2x2x1
jax: 0.10.2.dev20260603
libtpu: 0.0.44.dev20260713+nightly
codegen_flags: <defaults>
</compile_context>

<pallas_src>
import functools

import jax
import jax.numpy as jnp
from jax import lax
from jax.experimental import pallas as pl
from jax.experimental.pallas import tpu as pltpu
from jax.experimental.pallas import tpu_sc as plsc

N = 10000
E = 160000
G = 64
DIN = 261
C = 64
LC = 32
GD = 24

BN = 2000
NB = N // BN
CH = 128
NWORK = 32
NPAD = 10240
RPT = NPAD // 16
EPAD = 163840
CPW = EPAD // (NWORK * CH)
EPW = CPW * CH

_SQRT_HALF = 0.7071067811865476


def _gelu_tc(x):
    return 0.5 * x * (1.0 + lax.erf(x * _SQRT_HALF))


def _ln_tc(x, g, b):
    mu = jnp.mean(x, axis=-1, keepdims=True)
    v = jnp.mean((x - mu) ** 2, axis=-1, keepdims=True)
    return (x - mu) * lax.rsqrt(v + 1e-5) * g + b



def _pre_body(x_ref, wl_ref, wr_ref, bl_ref, p_ref, r_ref):
    xb = x_ref[...]
    p_ref[...] = jnp.dot(xb, wl_ref[...], preferred_element_type=jnp.float32)
    r_ref[...] = (jnp.dot(xb, wr_ref[...], preferred_element_type=jnp.float32)
                  + bl_ref[...])


def _tc_pre(x, wl, wr, bl):
    return pl.pallas_call(
        _pre_body,
        grid=(NB,),
        in_specs=[
            pl.BlockSpec((BN, DIN), lambda i: (i, 0)),
            pl.BlockSpec((DIN, C), lambda i: (0, 0)),
            pl.BlockSpec((DIN, C), lambda i: (0, 0)),
            pl.BlockSpec((1, C), lambda i: (0, 0)),
        ],
        out_specs=[
            pl.BlockSpec((BN, C), lambda i: (i, 0)),
            pl.BlockSpec((BN, C), lambda i: (i, 0)),
        ],
        out_shape=[
            jax.ShapeDtypeStruct((N, C), jnp.float32),
            jax.ShapeDtypeStruct((N, C), jnp.float32),
        ],
    )(x, wl, wr, bl)


def _mid1_body(a0_ref, a1_ref, c0_ref, c1_ref, r_ref, g_ref, b_ref,
               wl_ref, wr_ref, bl_ref, p_ref, rn_ref, inv_ref):
    cnt = c0_ref[:, :1] + c1_ref[:, :1]
    inv = 1.0 / jnp.maximum(cnt, 1.0)
    f = (a0_ref[...] + a1_ref[...]) * inv + r_ref[...]
    h = _ln_tc(_gelu_tc(f), g_ref[...], b_ref[...])
    p_ref[...] = jnp.dot(h, wl_ref[...], preferred_element_type=jnp.float32)
    rn_ref[...] = (jnp.dot(h, wr_ref[...], preferred_element_type=jnp.float32)
                   + bl_ref[...])
    inv_ref[...] = inv


def _tc_mid1(a0, a1, c0, c1, r, g, b, wl, wr, bl):
    return pl.pallas_call(
        _mid1_body,
        grid=(NB,),
        in_specs=[
            pl.BlockSpec((BN, C), lambda i: (i, 0)),
            pl.BlockSpec((BN, C), lambda i: (i, 0)),
            pl.BlockSpec((BN, 16), lambda i: (i, 0)),
            pl.BlockSpec((BN, 16), lambda i: (i, 0)),
            pl.BlockSpec((BN, C), lambda i: (i, 0)),
            pl.BlockSpec((1, C), lambda i: (0, 0)),
            pl.BlockSpec((1, C), lambda i: (0, 0)),
            pl.BlockSpec((C, C), lambda i: (0, 0)),
            pl.BlockSpec((C, C), lambda i: (0, 0)),
            pl.BlockSpec((1, C), lambda i: (0, 0)),
        ],
        out_specs=[
            pl.BlockSpec((BN, C), lambda i: (i, 0)),
            pl.BlockSpec((BN, C), lambda i: (i, 0)),
            pl.BlockSpec((BN, 1), lambda i: (i, 0)),
        ],
        out_shape=[
            jax.ShapeDtypeStruct((N, C), jnp.float32),
            jax.ShapeDtypeStruct((N, C), jnp.float32),
            jax.ShapeDtypeStruct((N, 1), jnp.float32),
        ],
    )(a0, a1, c0, c1, r, g, b, wl, wr, bl)


def _mid_body(a0_ref, a1_ref, inv_ref, r_ref, g_ref, b_ref,
              wl_ref, wr_ref, bl_ref, p_ref, rn_ref):
    f = (a0_ref[...] + a1_ref[...]) * inv_ref[...] + r_ref[...]
    h = _ln_tc(_gelu_tc(f), g_ref[...], b_ref[...])
    p_ref[...] = jnp.dot(h, wl_ref[...], preferred_element_type=jnp.float32)
    rn_ref[...] = (jnp.dot(h, wr_ref[...], preferred_element_type=jnp.float32)
                   + bl_ref[...])


def _tc_mid(a0, a1, inv, r, g, b, wl, wr, bl):
    return pl.pallas_call(
        _mid_body,
        grid=(NB,),
        in_specs=[
            pl.BlockSpec((BN, C), lambda i: (i, 0)),
            pl.BlockSpec((BN, C), lambda i: (i, 0)),
            pl.BlockSpec((BN, 1), lambda i: (i, 0)),
            pl.BlockSpec((BN, C), lambda i: (i, 0)),
            pl.BlockSpec((1, C), lambda i: (0, 0)),
            pl.BlockSpec((1, C), lambda i: (0, 0)),
            pl.BlockSpec((C, C), lambda i: (0, 0)),
            pl.BlockSpec((C, C), lambda i: (0, 0)),
            pl.BlockSpec((1, C), lambda i: (0, 0)),
        ],
        out_specs=[
            pl.BlockSpec((BN, C), lambda i: (i, 0)),
            pl.BlockSpec((BN, C), lambda i: (i, 0)),
        ],
        out_shape=[
            jax.ShapeDtypeStruct((N, C), jnp.float32),
            jax.ShapeDtypeStruct((N, C), jnp.float32),
        ],
    )(a0, a1, inv, r, g, b, wl, wr, bl)


def _final_body(a0_ref, a1_ref, inv_ref, r_ref, g_ref, b_ref, bat_ref, gf_ref,
                m0wp_ref, m0wg_ref, m0b_ref, m0g_ref, m0be_ref,
                mw_ref, mb_ref, mg_ref, mbe_ref, hw_ref, hb_ref,
                out_ref, pool_acc, cnt_acc):
    pid = pl.program_id(0)
    f = (a0_ref[...] + a1_ref[...]) * inv_ref[...] + r_ref[...]
    h = _ln_tc(_gelu_tc(f), g_ref[...], b_ref[...])
    onehot = (bat_ref[...] == lax.broadcasted_iota(jnp.int32, (BN, G), 1)
              ).astype(jnp.float32)
    psum = lax.dot_general(onehot, h, (((0,), (0,)), ((), ())),
                           preferred_element_type=jnp.float32)
    csum = lax.dot_general(onehot, jnp.ones((BN, 1), jnp.float32),
                           (((0,), (0,)), ((), ())),
                           preferred_element_type=jnp.float32)

    @pl.when(pid == 0)
    def _():
        pool_acc[...] = psum
        cnt_acc[...] = csum

    @pl.when(pid > 0)
    def _():
        pool_acc[...] += psum
        cnt_acc[...] += csum

    @pl.when(pid == NB - 1)
    def _():
        pool = pool_acc[...] / jnp.maximum(cnt_acc[...], 1.0)
        f0 = (jnp.dot(pool, m0wp_ref[...], preferred_element_type=jnp.float32)
              + jnp.dot(gf_ref[...], m0wg_ref[...],
                        preferred_element_type=jnp.float32)
              + m0b_ref[...])
        fl = _ln_tc(_gelu_tc(f0), m0g_ref[...], m0be_ref[...])
        for i in range(3):
            t = jnp.dot(fl, mw_ref[i], preferred_element_type=jnp.float32) + mb_ref[i]
            fl = _ln_tc(_gelu_tc(t), mg_ref[i], mbe_ref[i]) + fl
        out_ref[...] = (jnp.dot(fl, hw_ref[...],
                                preferred_element_type=jnp.float32)
                        + hb_ref[...])


def _tc_final(a0, a1, inv, r, g, b, bat2, gf,
              m0wp, m0wg, m0b, m0g, m0be, mw, mb, mg, mbe, hw, hb):
    return pl.pallas_call(
        _final_body,
        grid=(NB,),
        in_specs=[
            pl.BlockSpec((BN, C), lambda i: (i, 0)),
            pl.BlockSpec((BN, C), lambda i: (i, 0)),
            pl.BlockSpec((BN, 1), lambda i: (i, 0)),
            pl.BlockSpec((BN, C), lambda i: (i, 0)),
            pl.BlockSpec((1, C), lambda i: (0, 0)),
            pl.BlockSpec((1, C), lambda i: (0, 0)),
            pl.BlockSpec((BN, 1), lambda i: (i, 0)),
            pl.BlockSpec((G, GD), lambda i: (0, 0)),
            pl.BlockSpec((C, LC), lambda i: (0, 0)),
            pl.BlockSpec((GD, LC), lambda i: (0, 0)),
            pl.BlockSpec((1, LC), lambda i: (0, 0)),
            pl.BlockSpec((1, LC), lambda i: (0, 0)),
            pl.BlockSpec((1, LC), lambda i: (0, 0)),
            pl.BlockSpec((3, LC, LC), lambda i: (0, 0, 0)),
            pl.BlockSpec((3, 1, LC), lambda i: (0, 0, 0)),
            pl.BlockSpec((3, 1, LC), lambda i: (0, 0, 0)),
            pl.BlockSpec((3, 1, LC), lambda i: (0, 0, 0)),
            pl.BlockSpec((LC, 1), lambda i: (0, 0)),
            pl.BlockSpec((1, 1), lambda i: (0, 0)),
        ],
        out_specs=pl.BlockSpec((G, 1), lambda i: (0, 0)),
        out_shape=jax.ShapeDtypeStruct((G, 1), jnp.float32),
        scratch_shapes=[
            pltpu.VMEM((G, C), jnp.float32),
            pltpu.VMEM((G, 1), jnp.float32),
        ],
    )(a0, a1, inv, r, g, b, bat2, gf,
      m0wp, m0wg, m0b, m0g, m0be, mw, mb, mg, mbe, hw, hb)



@functools.cache
def _sc_mesh():
    return plsc.VectorSubcoreMesh(
        core_axis_name="c", subcore_axis_name="s", num_cores=2,
        num_subcores=16)


def _sc_agg_body(p_hbm, srcg, dstg, zero_hbm, out0, out1, sidx, didx, rows,
                 aggs, sem):
    cid = lax.axis_index("c")
    sid = lax.axis_index("s")
    wid = sid * 2 + cid
    row0 = pl.multiple_of(sid * RPT, 8)
    pltpu.sync_copy(zero_hbm.at[pl.ds(row0, RPT)], aggs.at[pl.ds(row0, RPT)])
    crow = pl.multiple_of(wid * CPW, 8)
    pltpu.sync_copy(srcg.at[pl.ds(crow, CPW)], sidx)
    pltpu.sync_copy(dstg.at[pl.ds(crow, CPW)], didx)
    plsc.subcore_barrier()

    def body(k, carry):
        pltpu.async_copy(p_hbm.at[sidx.at[k]], rows, sem).wait()
        pltpu.sync_copy(rows, aggs.at[didx.at[k]], add=True)
        return carry

    lax.fori_loop(0, CPW, body, 0)
    plsc.subcore_barrier()

    @pl.when(cid == 0)
    def _():
        pltpu.sync_copy(aggs.at[pl.ds(row0, RPT)], out0.at[pl.ds(row0, RPT)])

    @pl.when(cid == 1)
    def _():
        pltpu.sync_copy(aggs.at[pl.ds(row0, RPT)], out1.at[pl.ds(row0, RPT)])


@functools.cache
def _sc_agg_kernel():
    return pl.kernel(
        _sc_agg_body,
        out_type=[jax.ShapeDtypeStruct((NPAD, C), jnp.float32),
                  jax.ShapeDtypeStruct((NPAD, C), jnp.float32)],
        mesh=_sc_mesh(),
        scratch_types=[
            pltpu.VMEM((CPW, CH), jnp.int32),
            pltpu.VMEM((CPW, CH), jnp.int32),
            pltpu.VMEM((CH, C), jnp.float32),
            pltpu.VMEM_SHARED((NPAD, C), jnp.float32),
            pltpu.SemaphoreType.DMA,
        ],
        compiler_params=pltpu.CompilerParams(use_tc_tiling_on_sc=False),
    )


def _sc_agg(p, srcg, dstg, zero64):
    return _sc_agg_kernel()(p, srcg, dstg, zero64)


def _sc_cnt_body(dstg, ones_hbm, zero_hbm, out0, out1, didx, ones_v, cnts):
    cid = lax.axis_index("c")
    sid = lax.axis_index("s")
    wid = sid * 2 + cid
    row0 = pl.multiple_of(sid * RPT, 8)
    pltpu.sync_copy(ones_hbm, ones_v)
    pltpu.sync_copy(zero_hbm.at[pl.ds(row0, RPT)], cnts.at[pl.ds(row0, RPT)])
    crow = pl.multiple_of(wid * CPW, 8)
    pltpu.sync_copy(dstg.at[pl.ds(crow, CPW)], didx)
    plsc.subcore_barrier()

    def body(k, carry):
        pltpu.sync_copy(ones_v, cnts.at[didx.at[k]], add=True)
        return carry

    lax.fori_loop(0, CPW, body, 0)
    plsc.subcore_barrier()

    @pl.when(cid == 0)
    def _():
        pltpu.sync_copy(cnts.at[pl.ds(row0, RPT)], out0.at[pl.ds(row0, RPT)])

    @pl.when(cid == 1)
    def _():
        pltpu.sync_copy(cnts.at[pl.ds(row0, RPT)], out1.at[pl.ds(row0, RPT)])


@functools.cache
def _sc_cnt_kernel():
    return pl.kernel(
        _sc_cnt_body,
        out_type=[jax.ShapeDtypeStruct((NPAD, 16), jnp.float32),
                  jax.ShapeDtypeStruct((NPAD, 16), jnp.float32)],
        mesh=_sc_mesh(),
        scratch_types=[
            pltpu.VMEM((CPW, CH), jnp.int32),
            pltpu.VMEM((CH, 16), jnp.float32),
            pltpu.VMEM_SHARED((NPAD, 16), jnp.float32),
        ],
        compiler_params=pltpu.CompilerParams(use_tc_tiling_on_sc=False),
    )


def _sc_cnt(dstg, ones16, zero16):
    return _sc_cnt_kernel()(dstg, ones16, zero16)



def kernel(x, edge_index, batch, global_features, s0Wl, s0bl, s0Wr, s0g, s0b,
           sWl, sbl, sWr, sg, sb, m0W, m0b, m0g, m0be, mW, mb, mg, mbe,
           hW, hb):
    epad = EPAD - E
    srcg = jnp.concatenate(
        [edge_index[0], jnp.zeros((epad,), jnp.int32)]).reshape(EPAD // CH, CH)
    dstg = jnp.concatenate(
        [edge_index[1], jnp.full((epad,), N, jnp.int32)]).reshape(EPAD // CH, CH)
    zero64 = jnp.zeros((NPAD, C), jnp.float32)
    zero16 = jnp.zeros((NPAD, 16), jnp.float32)
    ones16 = jnp.ones((CH, 16), jnp.float32)
    bat2 = batch.reshape(N, 1)

    r1 = lambda a: a.reshape(1, -1)
    r3 = lambda a: a.reshape(a.shape[0], 1, a.shape[1])

    c0, c1 = _sc_cnt(dstg, ones16, zero16)
    p, r = _tc_pre(x, s0Wl, s0Wr, r1(s0bl))

    a0, a1 = _sc_agg(p, srcg, dstg, zero64)
    p, r, inv = _tc_mid1(a0, a1, c0, c1, r, r1(s0g), r1(s0b),
                         sWl[0], sWr[0], r1(sbl[0]))

    for i in range(1, 6):
        a0, a1 = _sc_agg(p, srcg, dstg, zero64)
        p, r = _tc_mid(a0, a1, inv, r, r1(sg[i - 1]), r1(sb[i - 1]),
                       sWl[i], sWr[i], r1(sbl[i]))

    a0, a1 = _sc_agg(p, srcg, dstg, zero64)
    out = _tc_final(a0, a1, inv, r, r1(sg[5]), r1(sb[5]), bat2,
                    global_features, m0W[:C], m0W[C:], r1(m0b), r1(m0g),
                    r1(m0be), mW, r3(mb), r3(mg), r3(mbe), hW, r1(hb))
    return out

# --- scband reference (transcript-rebuilt; emitter-appended) ---
"""Pipeline reference for scband-sagemlp-15281493639253 (READ-ONLY COPY).

The authoritative reference and input builder live on the scoring server;
editing this copy changes nothing except your own understanding.
"""

import jax, jax.numpy as jnp
import numpy as np

N = 10000
E = 160000
G = 64
DIN = 261
C = 64
NSAGE_EXTRA = 6
LC = 32
NMLP_RES = 3
GD = 24

def _gelu(x):
    return jax.nn.gelu(x, approximate=False)

def _ln(x, g, b):
    mu = jnp.mean(x, axis=-1, keepdims=True)
    v = jnp.mean((x - mu) ** 2, axis=-1, keepdims=True)
    return (x - mu) / jnp.sqrt(v + 1e-5) * g + b

def _sage_conv(x, src, dst, Wl, bl, Wr):
    msg = x[src]
    agg = jax.ops.segment_sum(msg, dst, num_segments=N)
    cnt = jax.ops.segment_sum(jnp.ones((src.shape[0], 1), x.dtype), dst, num_segments=N)
    agg = agg / jnp.maximum(cnt, 1.0)
    return agg @ Wl + bl + x @ Wr

def setup_inputs(seed: int = 0):
    key = jax.random.key(seed)
    ks = [jax.random.fold_in(key, i) for i in range(24)]
    s = 0.05
    inp = {}
    inp['x'] = jax.random.normal(ks[0], (N, DIN), jnp.float32)
    inp['edge_index'] = jax.random.randint(ks[1], (2, E), 0, N, dtype=jnp.int32)
    inp['batch'] = jnp.sort(jax.random.randint(ks[2], (N,), 0, G, dtype=jnp.int32))
    inp['global_features'] = jax.random.normal(ks[3], (G, GD), jnp.float32)
    inp['s0Wl'] = jax.random.normal(ks[4], (DIN, C), jnp.float32) * s
    inp['s0bl'] = jnp.zeros((C,), jnp.float32)
    inp['s0Wr'] = jax.random.normal(ks[5], (DIN, C), jnp.float32) * s
    inp['s0g'] = jnp.ones((C,), jnp.float32)
    inp['s0b'] = jnp.zeros((C,), jnp.float32)
    inp['sWl'] = jax.random.normal(ks[6], (NSAGE_EXTRA, C, C), jnp.float32) * s
    inp['sbl'] = jnp.zeros((NSAGE_EXTRA, C), jnp.float32)
    inp['sWr'] = jax.random.normal(ks[7], (NSAGE_EXTRA, C, C), jnp.float32) * s
    inp['sg'] = jnp.ones((NSAGE_EXTRA, C), jnp.float32)
    inp['sb'] = jnp.zeros((NSAGE_EXTRA, C), jnp.float32)
    inp['m0W'] = jax.random.normal(ks[8], (C + GD, LC), jnp.float32) * s
    inp['m0b'] = jnp.zeros((LC,), jnp.float32)
    inp['m0g'] = jnp.ones((LC,), jnp.float32)
    inp['m0be'] = jnp.zeros((LC,), jnp.float32)
    inp['mW'] = jax.random.normal(ks[9], (NMLP_RES, LC, LC), jnp.float32) * s
    inp['mb'] = jnp.zeros((NMLP_RES, LC), jnp.float32)
    inp['mg'] = jnp.ones((NMLP_RES, LC), jnp.float32)
    inp['mbe'] = jnp.zeros((NMLP_RES, LC), jnp.float32)
    inp['hW'] = jax.random.normal(ks[10], (LC, 1), jnp.float32) * s
    inp['hb'] = jnp.zeros((1,), jnp.float32)
    return inp

def reference(x, edge_index, batch, global_features, s0Wl, s0bl, s0Wr, s0g, s0b, sWl, sbl, sWr, sg, sb, m0W, m0b, m0g, m0be, mW, mb, mg, mbe, hW, hb):
    src = edge_index[0]
    dst = edge_index[1]
    # SAGE block 0 (dropout is identity in eval mode; with_residual=False)
    h = _sage_conv(x, src, dst, s0Wl, s0bl, s0Wr)
    h = _ln(_gelu(h), s0g, s0b)
    for i in range(NSAGE_EXTRA):
        f = _sage_conv(h, src, dst, sWl[i], sbl[i], sWr[i])
        h = _ln(_gelu(f), sg[i], sb[i])
    # global_mean_pool
    pool = jax.ops.segment_sum(h, batch, num_segments=G)
    cnt = jax.ops.segment_sum(jnp.ones((N, 1), h.dtype), batch, num_segments=G)
    pool = pool / jnp.maximum(cnt, 1.0)
    pool = jnp.concatenate([pool, global_features.reshape(pool.shape[0], -1)], axis=1)
    # MLP: first LinearBlock no residual
    f = _ln(_gelu(pool @ m0W + m0b), m0g, m0be)
    for i in range(NMLP_RES):
        f = _ln(_gelu(f @ mW[i] + mb[i]), mg[i], mbe[i]) + f
    out = f @ hW + hb
    return out

if __name__ == "__main__":
    import jax
    _d = setup_inputs()
    print(jax.jit(kernel)(*tuple(_d.values())))

</pallas_src>

<mosaic_0001>
#map = affine_map<(d0, d1) -> (0, 0)>
module attributes {stable_mosaic.version = 14 : i64} {
  func.func @_sc_agg_body(%arg0: i32, %arg1: i32, %arg2: memref<10000x64xf32, #tpu.memory_space<hbm>>, %arg3: memref<1280x128xi32, #tpu.memory_space<hbm>>, %arg4: memref<1280x128xi32, #tpu.memory_space<hbm>>, %arg5: memref<10240x64xf32, #tpu.memory_space<hbm>>, %arg6: memref<10240x64xf32, #tpu.memory_space<hbm>>, %arg7: memref<10240x64xf32, #tpu.memory_space<hbm>>, %arg8: memref<40x128xi32, #tpu.memory_space<vmem>>, %arg9: memref<40x128xi32, #tpu.memory_space<vmem>>, %arg10: memref<128x64xf32, #tpu.memory_space<vmem>>, %arg11: memref<10240x64xf32, #tpu.memory_space<vmem_shared>>, %arg12: memref<!tpu.dma_semaphore, #tpu.memory_space<semaphore_mem>>) attributes {dimension_semantics = [#tpu.dimension_semantics<core_parallel>, #tpu.dimension_semantics<subcore_parallel>], iteration_bounds = array<i64: 2, 16>, scalar_prefetch = 0 : i64, scratch_operands = 5 : i64, tpu.core_type = #tpu.core_type<sc_vector_subcore>, window_params = [{transform_indices = #map}, {transform_indices = #map}, {transform_indices = #map}, {transform_indices = #map}, {transform_indices = #map}, {transform_indices = #map}]} {
    %mul3A = arith.constant 2 : i32
    %mul3A_0 = arith.muli %arg1, %mul3A : i32
    %add3A = arith.addi %mul3A_0, %arg0 : i32
    %mul3A_1 = arith.constant 640 : i32
    %mul3A_2 = arith.muli %arg1, %mul3A_1 : i32
    %multiple_of3A = tpu.assume_multiple %mul3A_2, 8 : i32
    "tpu.region"() ({
      %run_scoped3A = tpu.sem_alloc : memref<!tpu.dma_semaphore, #tpu.memory_space<semaphore_mem>>
      %dma_start3A = arith.constant 0 : i32
      %dma_start3A_19 = tpu.memref_slice %arg11[%multiple_of3A, %dma_start3A] : memref<10240x64xf32, #tpu.memory_space<vmem_shared>> -> memref<640x64xf32, #tpu.memory_space<vmem_shared>>
      %dma_start3A_20 = arith.constant 0 : i32
      %dma_start3A_21 = tpu.memref_slice %arg5[%multiple_of3A, %dma_start3A_20] : memref<10240x64xf32, #tpu.memory_space<hbm>> -> memref<640x64xf32, #tpu.memory_space<hbm>>
      tpu.enqueue_dma source(%dma_start3A_21 : memref<640x64xf32, #tpu.memory_space<hbm>>) target(%dma_start3A_19 : memref<640x64xf32, #tpu.memory_space<vmem_shared>>) target_semaphore(%run_scoped3A : memref<!tpu.dma_semaphore, #tpu.memory_space<semaphore_mem>>)
      %dma_wait3A = arith.constant 0 : i32
      %dma_wait3A_22 = tpu.memref_slice %arg11[%multiple_of3A, %dma_wait3A] : memref<10240x64xf32, #tpu.memory_space<vmem_shared>> -> memref<640x64xf32, #tpu.memory_space<vmem_shared>>
      %dma_wait3A_23 = arith.constant 0 : i32
      %dma_wait3A_24 = tpu.memref_slice %arg5[%multiple_of3A, %dma_wait3A_23] : memref<10240x64xf32, #tpu.memory_space<hbm>> -> memref<640x64xf32, #tpu.memory_space<hbm>>
      tpu.wait_dma2 semaphore(%run_scoped3A : memref<!tpu.dma_semaphore, #tpu.memory_space<semaphore_mem>>) src(%dma_wait3A_24 : memref<640x64xf32, #tpu.memory_space<hbm>>) dst(%dma_wait3A_22 : memref<640x64xf32, #tpu.memory_space<vmem_shared>>)
      tpu.yield
    }) : () -> ()
    %mul3A_3 = arith.constant 40 : i32
    %mul3A_4 = arith.muli %add3A, %mul3A_3 : i32
    %multiple_of3A_5 = tpu.assume_multiple %mul3A_4, 8 : i32
    "tpu.region"() ({
      %run_scoped3A = tpu.sem_alloc : memref<!tpu.dma_semaphore, #tpu.memory_space<semaphore_mem>>
      %dma_start3A = arith.constant 0 : i32
      %dma_start3A_19 = tpu.memref_slice %arg3[%multiple_of3A_5, %dma_start3A] : memref<1280x128xi32, #tpu.memory_space<hbm>> -> memref<40x128xi32, #tpu.memory_space<hbm>>
      %dma_start3A_20 = arith.constant 0 : i32
      %dma_start3A_21 = tpu.memref_slice %arg3[%multiple_of3A_5, %dma_start3A_20] : memref<1280x128xi32, #tpu.memory_space<hbm>> -> memref<40x128xi32, #tpu.memory_space<hbm>>
      tpu.enqueue_dma source(%dma_start3A_21 : memref<40x128xi32, #tpu.memory_space<hbm>>) target(%arg8 : memref<40x128xi32, #tpu.memory_space<vmem>>) target_semaphore(%run_scoped3A : memref<!tpu.dma_semaphore, #tpu.memory_space<semaphore_mem>>)
      %dma_wait3A = arith.constant 0 : i32
      %dma_wait3A_22 = tpu.memref_slice %arg3[%multiple_of3A_5, %dma_wait3A] : memref<1280x128xi32, #tpu.memory_space<hbm>> -> memref<40x128xi32, #tpu.memory_space<hbm>>
      %dma_wait3A_23 = arith.constant 0 : i32
      %dma_wait3A_24 = tpu.memref_slice %arg3[%multiple_of3A_5, %dma_wait3A_23] : memref<1280x128xi32, #tpu.memory_space<hbm>> -> memref<40x128xi32, #tpu.memory_space<hbm>>
      tpu.wait_dma2 semaphore(%run_scoped3A : memref<!tpu.dma_semaphore, #tpu.memory_space<semaphore_mem>>) src(%dma_wait3A_24 : memref<40x128xi32, #tpu.memory_space<hbm>>) dst(%arg8 : memref<40x128xi32, #tpu.memory_space<vmem>>)
      tpu.yield
    }) : () -> ()
    "tpu.region"() ({
      %run_scoped3A = tpu.sem_alloc : memref<!tpu.dma_semaphore, #tpu.memory_space<semaphore_mem>>
      %dma_start3A = arith.constant 0 : i32
      %dma_start3A_19 = tpu.memref_slice %arg4[%multiple_of3A_5, %dma_start3A] : memref<1280x128xi32, #tpu.memory_space<hbm>> -> memref<40x128xi32, #tpu.memory_space<hbm>>
      %dma_start3A_20 = arith.constant 0 : i32
      %dma_start3A_21 = tpu.memref_slice %arg4[%multiple_of3A_5, %dma_start3A_20] : memref<1280x128xi32, #tpu.memory_space<hbm>> -> memref<40x128xi32, #tpu.memory_space<hbm>>
      tpu.enqueue_dma source(%dma_start3A_21 : memref<40x128xi32, #tpu.memory_space<hbm>>) target(%arg9 : memref<40x128xi32, #tpu.memory_space<vmem>>) target_semaphore(%run_scoped3A : memref<!tpu.dma_semaphore, #tpu.memory_space<semaphore_mem>>)
      %dma_wait3A = arith.constant 0 : i32
      %dma_wait3A_22 = tpu.memref_slice %arg4[%multiple_of3A_5, %dma_wait3A] : memref<1280x128xi32, #tpu.memory_space<hbm>> -> memref<40x128xi32, #tpu.memory_space<hbm>>
      %dma_wait3A_23 = arith.constant 0 : i32
      %dma_wait3A_24 = tpu.memref_slice %arg4[%multiple_of3A_5, %dma_wait3A_23] : memref<1280x128xi32, #tpu.memory_space<hbm>> -> memref<40x128xi32, #tpu.memory_space<hbm>>
      tpu.wait_dma2 semaphore(%run_scoped3A : memref<!tpu.dma_semaphore, #tpu.memory_space<semaphore_mem>>) src(%dma_wait3A_24 : memref<40x128xi32, #tpu.memory_space<hbm>>) dst(%arg9 : memref<40x128xi32, #tpu.memory_space<vmem>>)
      tpu.yield
    }) : () -> ()
    %barrier3A = arith.constant 0 : index
    tpu.barrier barrier_id(%barrier3A)
    %scan3A = arith.constant 0 : i32
    %scan3A_6 = arith.constant 0 : i32
    %scan3A_7 = arith.constant 40 : i32
    %scan3A_8 = arith.addi %scan3A_6, %scan3A_7 : i32
    %scan3A_9 = arith.constant 1 : i32
    scf.for %scan3A_19 = %scan3A_6 to %scan3A_8 step %scan3A_9  : i32 {
      %dma_start3A = arith.constant 0 : i32
      %dma_start3A_20 = tpu.memref_slice %arg8[%scan3A_19, %dma_start3A] : memref<40x128xi32, #tpu.memory_space<vmem>> -> memref<1x128xi32, #tpu.memory_space<vmem>>
      %dma_start3A_21 = tpu.memref_squeeze %dma_start3A_20 : memref<1x128xi32, #tpu.memory_space<vmem>> -> memref<128xi32, #tpu.memory_space<vmem>>
      %dma_start3A_22 = arith.constant 0 : i32
      %dma_start3A_23 = arith.constant 0 : i32
      %dma_start3A_24 = tpu.memref_slice %arg2[%dma_start3A_22, %dma_start3A_23] : memref<10000x64xf32, #tpu.memory_space<hbm>> -> memref<10000x64xf32, #tpu.memory_space<hbm>>
      tpu.enqueue_indirect_dma source(%dma_start3A_24 : memref<10000x64xf32, #tpu.memory_space<hbm>>) target(%arg10 : memref<128x64xf32, #tpu.memory_space<vmem>>) offsets(%dma_start3A_21 : memref<128xi32, #tpu.memory_space<vmem>>) semaphore(%arg12 : memref<!tpu.dma_semaphore, #tpu.memory_space<semaphore_mem>>)
      %dma_wait3A = arith.constant 0 : i32
      %dma_wait3A_25 = tpu.memref_slice %arg8[%scan3A_19, %dma_wait3A] : memref<40x128xi32, #tpu.memory_space<vmem>> -> memref<1x128xi32, #tpu.memory_space<vmem>>
      %dma_wait3A_26 = tpu.memref_squeeze %dma_wait3A_25 : memref<1x128xi32, #tpu.memory_space<vmem>> -> memref<128xi32, #tpu.memory_space<vmem>>
      %dma_wait3A_27 = arith.constant 0 : i32
      %dma_wait3A_28 = arith.constant 0 : i32
      %dma_wait3A_29 = tpu.memref_slice %arg2[%dma_wait3A_27, %dma_wait3A_28] : memref<10000x64xf32, #tpu.memory_space<hbm>> -> memref<10000x64xf32, #tpu.memory_space<hbm>>
      tpu.wait_indirect_dma semaphore(%arg12 : memref<!tpu.dma_semaphore, #tpu.memory_space<semaphore_mem>>) src(%dma_wait3A_29 : memref<10000x64xf32, #tpu.memory_space<hbm>>) dst(%arg10 : memref<128x64xf32, #tpu.memory_space<vmem>>)
      "tpu.region"() ({
        %run_scoped3A = tpu.sem_alloc : memref<!tpu.dma_semaphore, #tpu.memory_space<semaphore_mem>>
        %dma_start3A_30 = arith.constant 0 : i32
        %dma_start3A_31 = tpu.memref_slice %arg9[%scan3A_19, %dma_start3A_30] : memref<40x128xi32, #tpu.memory_space<vmem>> -> memref<1x128xi32, #tpu.memory_space<vmem>>
        %dma_start3A_32 = tpu.memref_squeeze %dma_start3A_31 : memref<1x128xi32, #tpu.memory_space<vmem>> -> memref<128xi32, #tpu.memory_space<vmem>>
        %dma_start3A_33 = arith.constant 0 : i32
        %dma_start3A_34 = arith.constant 0 : i32
        %dma_start3A_35 = tpu.memref_slice %arg11[%dma_start3A_33, %dma_start3A_34] : memref<10240x64xf32, #tpu.memory_space<vmem_shared>> -> memref<10240x64xf32, #tpu.memory_space<vmem_shared>>
        tpu.enqueue_indirect_dma source(%arg10 : memref<128x64xf32, #tpu.memory_space<vmem>>) target(%dma_start3A_35 : memref<10240x64xf32, #tpu.memory_space<vmem_shared>>) offsets(%dma_start3A_32 : memref<128xi32, #tpu.memory_space<vmem>>) semaphore(%run_scoped3A : memref<!tpu.dma_semaphore, #tpu.memory_space<semaphore_mem>>) {add = true}
        %dma_wait3A_36 = arith.constant 0 : i32
        %dma_wait3A_37 = tpu.memref_slice %arg9[%scan3A_19, %dma_wait3A_36] : memref<40x128xi32, #tpu.memory_space<vmem>> -> memref<1x128xi32, #tpu.memory_space<vmem>>
        %dma_wait3A_38 = tpu.memref_squeeze %dma_wait3A_37 : memref<1x128xi32, #tpu.memory_space<vmem>> -> memref<128xi32, #tpu.memory_space<vmem>>
        %dma_wait3A_39 = arith.constant 0 : i32
        %dma_wait3A_40 = arith.constant 0 : i32
        %dma_wait3A_41 = tpu.memref_slice %arg11[%dma_wait3A_39, %dma_wait3A_40] : memref<10240x64xf32, #tpu.memory_space<vmem_shared>> -> memref<10240x64xf32, #tpu.memory_space<vmem_shared>>
        tpu.wait_indirect_dma semaphore(%run_scoped3A : memref<!tpu.dma_semaphore, #tpu.memory_space<semaphore_mem>>) src(%arg10 : memref<128x64xf32, #tpu.memory_space<vmem>>) dst(%dma_wait3A_41 : memref<10240x64xf32, #tpu.memory_space<vmem_shared>>)
        tpu.yield
      }) : () -> ()
    }
    %scan3A_10 = arith.constant 40 : i32
    %barrier3A_11 = arith.constant 0 : index
    tpu.barrier barrier_id(%barrier3A_11)
    %eq3A = arith.constant 0 : i32
    %eq3A_12 = arith.cmpi eq, %arg0, %eq3A : i32
    %convert_element_type3A = arith.extui %eq3A_12 : i1 to i32
    %cond3A = arith.constant 0 : i32
    %cond3A_13 = arith.cmpi ne, %convert_element_type3A, %cond3A : i32
    scf.if %cond3A_13 {
      "tpu.region"() ({
        %run_scoped3A = tpu.sem_alloc : memref<!tpu.dma_semaphore, #tpu.memory_space<semaphore_mem>>
        %dma_start3A = arith.constant 0 : i32
        %dma_start3A_19 = tpu.memref_slice %arg6[%multiple_of3A, %dma_start3A] : memref<10240x64xf32, #tpu.memory_space<hbm>> -> memref<640x64xf32, #tpu.memory_space<hbm>>
        %dma_start3A_20 = arith.constant 0 : i32
        %dma_start3A_21 = tpu.memref_slice %arg11[%multiple_of3A, %dma_start3A_20] : memref<10240x64xf32, #tpu.memory_space<vmem_shared>> -> memref<640x64xf32, #tpu.memory_space<vmem_shared>>
        tpu.enqueue_dma source(%dma_start3A_21 : memref<640x64xf32, #tpu.memory_space<vmem_shared>>) target(%dma_start3A_19 : memref<640x64xf32, #tpu.memory_space<hbm>>) target_semaphore(%run_scoped3A : memref<!tpu.dma_semaphore, #tpu.memory_space<semaphore_mem>>)
        %dma_wait3A = arith.constant 0 : i32
        %dma_wait3A_22 = tpu.memref_slice %arg6[%multiple_of3A, %dma_wait3A] : memref<10240x64xf32, #tpu.memory_space<hbm>> -> memref<640x64xf32, #tpu.memory_space<hbm>>
        %dma_wait3A_23 = arith.constant 0 : i32
        %dma_wait3A_24 = tpu.memref_slice %arg11[%multiple_of3A, %dma_wait3A_23] : memref<10240x64xf32, #tpu.memory_space<vmem_shared>> -> memref<640x64xf32, #tpu.memory_space<vmem_shared>>
        tpu.wait_dma2 semaphore(%run_scoped3A : memref<!tpu.dma_semaphore, #tpu.memory_space<semaphore_mem>>) src(%dma_wait3A_24 : memref<640x64xf32, #tpu.memory_space<vmem_shared>>) dst(%dma_wait3A_22 : memref<640x64xf32, #tpu.memory_space<hbm>>)
        tpu.yield
      }) : () -> ()
    } else {
    }
    %eq3A_14 = arith.constant 1 : i32
    %eq3A_15 = arith.cmpi eq, %arg0, %eq3A_14 : i32
    %convert_element_type3A_16 = arith.extui %eq3A_15 : i1 to i32
    %cond3A_17 = arith.constant 0 : i32
    %cond3A_18 = arith.cmpi ne, %convert_element_type3A_16, %cond3A_17 : i32
    scf.if %cond3A_18 {
      "tpu.region"() ({
        %run_scoped3A = tpu.sem_alloc : memref<!tpu.dma_semaphore, #tpu.memory_space<semaphore_mem>>
        %dma_start3A = arith.constant 0 : i32
        %dma_start3A_19 = tpu.memref_slice %arg7[%multiple_of3A, %dma_start3A] : memref<10240x64xf32, #tpu.memory_space<hbm>> -> memref<640x64xf32, #tpu.memory_space<hbm>>
        %dma_start3A_20 = arith.constant 0 : i32
        %dma_start3A_21 = tpu.memref_slice %arg11[%multiple_of3A, %dma_start3A_20] : memref<10240x64xf32, #tpu.memory_space<vmem_shared>> -> memref<640x64xf32, #tpu.memory_space<vmem_shared>>
        tpu.enqueue_dma source(%dma_start3A_21 : memref<640x64xf32, #tpu.memory_space<vmem_shared>>) target(%dma_start3A_19 : memref<640x64xf32, #tpu.memory_space<hbm>>) target_semaphore(%run_scoped3A : memref<!tpu.dma_semaphore, #tpu.memory_space<semaphore_mem>>)
        %dma_wait3A = arith.constant 0 : i32
        %dma_wait3A_22 = tpu.memref_slice %arg7[%multiple_of3A, %dma_wait3A] : memref<10240x64xf32, #tpu.memory_space<hbm>> -> memref<640x64xf32, #tpu.memory_space<hbm>>
        %dma_wait3A_23 = arith.constant 0 : i32
        %dma_wait3A_24 = tpu.memref_slice %arg11[%multiple_of3A, %dma_wait3A_23] : memref<10240x64xf32, #tpu.memory_space<vmem_shared>> -> memref<640x64xf32, #tpu.memory_space<vmem_shared>>
        tpu.wait_dma2 semaphore(%run_scoped3A : memref<!tpu.dma_semaphore, #tpu.memory_space<semaphore_mem>>) src(%dma_wait3A_24 : memref<640x64xf32, #tpu.memory_space<vmem_shared>>) dst(%dma_wait3A_22 : memref<640x64xf32, #tpu.memory_space<hbm>>)
        tpu.yield
      }) : () -> ()
    } else {
    }
    return
  }
}

#map = affine_map<(d0, d1) -> (0, 0)>
module attributes {stable_mosaic.version = 14 : i64} {
  func.func @_sc_agg_body(%arg0: i32, %arg1: i32, %arg2: memref<10000x64xf32, #tpu.memory_space<hbm>>, %arg3: memref<1280x128xi32, #tpu.memory_space<hbm>>, %arg4: memref<1280x128xi32, #tpu.memory_space<hbm>>, %arg5: memref<10240x64xf32, #tpu.memory_space<hbm>>, %arg6: memref<10240x64xf32, #tpu.memory_space<hbm>>, %arg7: memref<10240x64xf32, #tpu.memory_space<hbm>>, %arg8: memref<40x128xi32, #tpu.memory_space<vmem>>, %arg9: memref<40x128xi32, #tpu.memory_space<vmem>>, %arg10: memref<128x64xf32, #tpu.memory_space<vmem>>, %arg11: memref<10240x64xf32, #tpu.memory_space<vmem_shared>>, %arg12: memref<!tpu.dma_semaphore, #tpu.memory_space<semaphore_mem>>) attributes {dimension_semantics = [#tpu.dimension_semantics<core_parallel>, #tpu.dimension_semantics<subcore_parallel>], iteration_bounds = array<i64: 2, 16>, scalar_prefetch = 0 : i64, scratch_operands = 5 : i64, tpu.core_type = #tpu.core_type<sc_vector_subcore>, window_params = [{transform_indices = #map}, {transform_indices = #map}, {transform_indices = #map}, {transform_indices = #map}, {transform_indices = #map}, {transform_indices = #map}]} {
    %mul3A = arith.constant 2 : i32
    %mul3A_0 = arith.muli %arg1, %mul3A : i32
    %add3A = arith.addi %mul3A_0, %arg0 : i32
    %mul3A_1 = arith.constant 640 : i32
    %mul3A_2 = arith.muli %arg1, %mul3A_1 : i32
    %multiple_of3A = tpu.assume_multiple %mul3A_2, 8 : i32
    "tpu.region"() ({
      %run_scoped3A = tpu.sem_alloc : memref<!tpu.dma_semaphore, #tpu.memory_space<semaphore_mem>>
      %dma_start3A = arith.constant 0 : i32
      %dma_start3A_19 = tpu.memref_slice %arg11[%multiple_of3A, %dma_start3A] : memref<10240x64xf32, #tpu.memory_space<vmem_shared>> -> memref<640x64xf32, #tpu.memory_space<vmem_shared>>
      %dma_start3A_20 = arith.constant 0 : i32
      %dma_start3A_21 = tpu.memref_slice %arg5[%multiple_of3A, %dma_start3A_20] : memref<10240x64xf32, #tpu.memory_space<hbm>> -> memref<640x64xf32, #tpu.memory_space<hbm>>
      tpu.enqueue_dma source(%dma_start3A_21 : memref<640x64xf32, #tpu.memory_space<hbm>>) target(%dma_start3A_19 : memref<640x64xf32, #tpu.memory_space<vmem_shared>>) target_semaphore(%run_scoped3A : memref<!tpu.dma_semaphore, #tpu.memory_space<semaphore_mem>>)
      %dma_wait3A = arith.constant 0 : i32
      %dma_wait3A_22 = tpu.memref_slice %arg11[%multiple_of3A, %dma_wait3A] : memref<10240x64xf32, #tpu.memory_space<vmem_shared>> -> memref<640x64xf32, #tpu.memory_space<vmem_shared>>
      %dma_wait3A_23 = arith.constant 0 : i32
      %dma_wait3A_24 = tpu.memref_slice %arg5[%multiple_of3A, %dma_wait3A_23] : memref<10240x64xf32, #tpu.memory_space<hbm>> -> memref<640x64xf32, #tpu.memory_space<hbm>>
      tpu.wait_dma2 semaphore(%run_scoped3A : memref<!tpu.dma_semaphore, #tpu.memory_space<semaphore_mem>>) src(%dma_wait3A_24 : memref<640x64xf32, #tpu.memory_space<hbm>>) dst(%dma_wait3A_22 : memref<640x64xf32, #tpu.memory_space<vmem_shared>>)
      tpu.yield
    }) : () -> ()
    %mul3A_3 = arith.constant 40 : i32
    %mul3A_4 = arith.muli %add3A, %mul3A_3 : i32
    %multiple_of3A_5 = tpu.assume_multiple %mul3A_4, 8 : i32
    "tpu.region"() ({
      %run_scoped3A = tpu.sem_alloc : memref<!tpu.dma_semaphore, #tpu.memory_space<semaphore_mem>>
      %dma_start3A = arith.constant 0 : i32
      %dma_start3A_19 = tpu.memref_slice %arg3[%multiple_of3A_5, %dma_start3A] : memref<1280x128xi32, #tpu.memory_space<hbm>> -> memref<40x128xi32, #tpu.memory_space<hbm>>
      %dma_start3A_20 = arith.constant 0 : i32
      %dma_start3A_21 = tpu.memref_slice %arg3[%multiple_of3A_5, %dma_start3A_20] : memref<1280x128xi32, #tpu.memory_space<hbm>> -> memref<40x128xi32, #tpu.memory_space<hbm>>
      tpu.enqueue_dma source(%dma_start3A_21 : memref<40x128xi32, #tpu.memory_space<hbm>>) target(%arg8 : memref<40x128xi32, #tpu.memory_space<vmem>>) target_semaphore(%run_scoped3A : memref<!tpu.dma_semaphore, #tpu.memory_space<semaphore_mem>>)
      %dma_wait3A = arith.constant 0 : i32
      %dma_wait3A_22 = tpu.memref_slice %arg3[%multiple_of3A_5, %dma_wait3A] : memref<1280x128xi32, #tpu.memory_space<hbm>> -> memref<40x128xi32, #tpu.memory_space<hbm>>
      %dma_wait3A_23 = arith.constant 0 : i32
      %dma_wait3A_24 = tpu.memref_slice %arg3[%multiple_of3A_5, %dma_wait3A_23] : memref<1280x128xi32, #tpu.memory_space<hbm>> -> memref<40x128xi32, #tpu.memory_space<hbm>>
      tpu.wait_dma2 semaphore(%run_scoped3A : memref<!tpu.dma_semaphore, #tpu.memory_space<semaphore_mem>>) src(%dma_wait3A_24 : memref<40x128xi32, #tpu.memory_space<hbm>>) dst(%arg8 : memref<40x128xi32, #tpu.memory_space<vmem>>)
      tpu.yield
    }) : () -> ()
    "tpu.region"() ({
      %run_scoped3A = tpu.sem_alloc : memref<!tpu.dma_semaphore, #tpu.memory_space<semaphore_mem>>
      %dma_start3A = arith.constant 0 : i32
      %dma_start3A_19 = tpu.memref_slice %arg4[%multiple_of3A_5, %dma_start3A] : memref<1280x128xi32, #tpu.memory_space<hbm>> -> memref<40x128xi32, #tpu.memory_space<hbm>>
      %dma_start3A_20 = arith.constant 0 : i32
      %dma_start3A_21 = tpu.memref_slice %arg4[%multiple_of3A_5, %dma_start3A_20] : memref<1280x128xi32, #tpu.memory_space<hbm>> -> memref<40x128xi32, #tpu.memory_space<hbm>>
      tpu.enqueue_dma source(%dma_start3A_21 : memref<40x128xi32, #tpu.memory_space<hbm>>) target(%arg9 : memref<40x128xi32, #tpu.memory_space<vmem>>) target_semaphore(%run_scoped3A : memref<!tpu.dma_semaphore, #tpu.memory_space<semaphore_mem>>)
      %dma_wait3A = arith.constant 0 : i32
      %dma_wait3A_22 = tpu.memref_slice %arg4[%multiple_of3A_5, %dma_wait3A] : memref<1280x128xi32, #tpu.memory_space<hbm>> -> memref<40x128xi32, #tpu.memory_space<hbm>>
      %dma_wait3A_23 = arith.constant 0 : i32
      %dma_wait3A_24 = tpu.memref_slice %arg4[%multiple_of3A_5, %dma_wait3A_23] : memref<1280x128xi32, #tpu.memory_space<hbm>> -> memref<40x128xi32, #tpu.memory_space<hbm>>
      tpu.wait_dma2 semaphore(%run_scoped3A : memref<!tpu.dma_semaphore, #tpu.memory_space<semaphore_mem>>) src(%dma_wait3A_24 : memref<40x128xi32, #tpu.memory_space<hbm>>) dst(%arg9 : memref<40x128xi32, #tpu.memory_space<vmem>>)
      tpu.yield
    }) : () -> ()
    %barrier3A = arith.constant 0 : index
    tpu.barrier barrier_id(%barrier3A)
    %scan3A = arith.constant 0 : i32
    %scan3A_6 = arith.constant 0 : i32
    %scan3A_7 = arith.constant 40 : i32
    %scan3A_8 = arith.addi %scan3A_6, %scan3A_7 : i32
    %scan3A_9 = arith.constant 1 : i32
    scf.for %scan3A_19 = %scan3A_6 to %scan3A_8 step %scan3A_9  : i32 {
      %dma_start3A = arith.constant 0 : i32
      %dma_start3A_20 = tpu.memref_slice %arg8[%scan3A_19, %dma_start3A] : memref<40x128xi32, #tpu.memory_space<vmem>> -> memref<1x128xi32, #tpu.memory_space<vmem>>
      %dma_start3A_21 = tpu.memref_squeeze %dma_start3A_20 : memref<1x128xi32, #tpu.memory_space<vmem>> -> memref<128xi32, #tpu.memory_space<vmem>>
      %dma_start3A_22 = arith.constant 0 : i32
      %dma_start3A_23 = arith.constant 0 : i32
      %dma_start3A_24 = tpu.memref_slice %arg2[%dma_start3A_22, %dma_start3A_23] : memref<10000x64xf32, #tpu.memory_space<hbm>> -> memref<10000x64xf32, #tpu.memory_space<hbm>>
      tpu.enqueue_indirect_dma source(%dma_start3A_24 : memref<10000x64xf32, #tpu.memory_space<hbm>>) target(%arg10 : memref<128x64xf32, #tpu.memory_space<vmem>>) offsets(%dma_start3A_21 : memref<128xi32, #tpu.memory_space<vmem>>) semaphore(%arg12 : memref<!tpu.dma_semaphore, #tpu.memory_space<semaphore_mem>>)
      %dma_wait3A = arith.constant 0 : i32
      %dma_wait3A_25 = tpu.memref_slice %arg8[%scan3A_19, %dma_wait3A] : memref<40x128xi32, #tpu.memory_space<vmem>> -> memref<1x128xi32, #tpu.memory_space<vmem>>
      %dma_wait3A_26 = tpu.memref_squeeze %dma_wait3A_25 : memref<1x128xi32, #tpu.memory_space<vmem>> -> memref<128xi32, #tpu.memory_space<vmem>>
      %dma_wait3A_27 = arith.constant 0 : i32
      %dma_wait3A_28 = arith.constant 0 : i32
      %dma_wait3A_29 = tpu.memref_slice %arg2[%dma_wait3A_27, %dma_wait3A_28] : memref<10000x64xf32, #tpu.memory_space<hbm>> -> memref<10000x64xf32, #tpu.memory_space<hbm>>
      tpu.wait_indirect_dma semaphore(%arg12 : memref<!tpu.dma_semaphore, #tpu.memory_space<semaphore_mem>>) src(%dma_wait3A_29 : memref<10000x64xf32, #tpu.memory_space<hbm>>) dst(%arg10 : memref<128x64xf32, #tpu.memory_space<vmem>>)
      "tpu.region"() ({
        %run_scoped3A = tpu.sem_alloc : memref<!tpu.dma_semaphore, #tpu.memory_space<semaphore_mem>>
        %dma_start3A_30 = arith.constant 0 : i32
        %dma_start3A_31 = tpu.memref_slice %arg9[%scan3A_19, %dma_start3A_30] : memref<40x128xi32, #tpu.memory_space<vmem>> -> memref<1x128xi32, #tpu.memory_space<vmem>>
        %dma_start3A_32 = tpu.memref_squeeze %dma_start3A_31 : memref<1x128xi32, #tpu.memory_space<vmem>> -> memref<128xi32, #tpu.memory_space<vmem>>
        %dma_start3A_33 = arith.constant 0 : i32
        %dma_start3A_34 = arith.constant 0 : i32
        %dma_start3A_35 = tpu.memref_slice %arg11[%dma_start3A_33, %dma_start3A_34] : memref<10240x64xf32, #tpu.memory_space<vmem_shared>> -> memref<10240x64xf32, #tpu.memory_space<vmem_shared>>
        tpu.enqueue_indirect_dma source(%arg10 : memref<128x64xf32, #tpu.memory_space<vmem>>) target(%dma_start3A_35 : memref<10240x64xf32, #tpu.memory_space<vmem_shared>>) offsets(%dma_start3A_32 : memref<128xi32, #tpu.memory_space<vmem>>) semaphore(%run_scoped3A : memref<!tpu.dma_semaphore, #tpu.memory_space<semaphore_mem>>) {add = true}
        %dma_wait3A_36 = arith.constant 0 : i32
        %dma_wait3A_37 = tpu.memref_slice %arg9[%scan3A_19, %dma_wait3A_36] : memref<40x128xi32, #tpu.memory_space<vmem>> -> memref<1x128xi32, #tpu.memory_space<vmem>>
        %dma_wait3A_38 = tpu.memref_squeeze %dma_wait3A_37 : memref<1x128xi32, #tpu.memory_space<vmem>> -> memref<128xi32, #tpu.memory_space<vmem>>
        %dma_wait3A_39 = arith.constant 0 : i32
        %dma_wait3A_40 = arith.constant 0 : i32
        %dma_wait3A_41 = tpu.memref_slice %arg11[%dma_wait3A_39, %dma_wait3A_40] : memref<10240x64xf32, #tpu.memory_space<vmem_shared>> -> memref<10240x64xf32, #tpu.memory_space<vmem_shared>>
        tpu.wait_indirect_dma semaphore(%run_scoped3A : memref<!tpu.dma_semaphore, #tpu.memory_space<semaphore_mem>>) src(%arg10 : memref<128x64xf32, #tpu.memory_space<vmem>>) dst(%dma_wait3A_41 : memref<10240x64xf32, #tpu.memory_space<vmem_shared>>)
        tpu.yield
      }) : () -> ()
    }
    %scan3A_10 = arith.constant 40 : i32
    %barrier3A_11 = arith.constant 0 : index
    tpu.barrier barrier_id(%barrier3A_11)
    %eq3A = arith.constant 0 : i32
    %eq3A_12 = arith.cmpi eq, %arg0, %eq3A : i32
    %convert_element_type3A = arith.extui %eq3A_12 : i1 to i32
    %cond3A = arith.constant 0 : i32
    %cond3A_13 = arith.cmpi ne, %convert_element_type3A, %cond3A : i32
    scf.if %cond3A_13 {
      "tpu.region"() ({
        %run_scoped3A = tpu.sem_alloc : memref<!tpu.dma_semaphore, #tpu.memory_space<semaphore_mem>>
        %dma_start3A = arith.constant 0 : i32
        %dma_start3A_19 = tpu.memref_slice %arg6[%multiple_of3A, %dma_start3A] : memref<10240x64xf32, #tpu.memory_space<hbm>> -> memref<640x64xf32, #tpu.memory_space<hbm>>
        %dma_start3A_20 = arith.constant 0 : i32
        %dma_start3A_21 = tpu.memref_slice %arg11[%multiple_of3A, %dma_start3A_20] : memref<10240x64xf32, #tpu.memory_space<vmem_shared>> -> memref<640x64xf32, #tpu.memory_space<vmem_shared>>
        tpu.enqueue_dma source(%dma_start3A_21 : memref<640x64xf32, #tpu.memory_space<vmem_shared>>) target(%dma_start3A_19 : memref<640x64xf32, #tpu.memory_space<hbm>>) target_semaphore(%run_scoped3A : memref<!tpu.dma_semaphore, #tpu.memory_space<semaphore_mem>>)
        %dma_wait3A = arith.constant 0 : i32
        %dma_wait3A_22 = tpu.memref_slice %arg6[%multiple_of3A, %dma_wait3A] : memref<10240x64xf32, #tpu.memory_space<hbm>> -> memref<640x64xf32, #tpu.memory_space<hbm>>
        %dma_wait3A_23 = arith.constant 0 : i32
        %dma_wait3A_24 = tpu.memref_slice %arg11[%multiple_of3A, %dma_wait3A_23] : memref<10240x64xf32, #tpu.memory_space<vmem_shared>> -> memref<640x64xf32, #tpu.memory_space<vmem_shared>>
        tpu.wait_dma2 semaphore(%run_scoped3A : memref<!tpu.dma_semaphore, #tpu.memory_space<semaphore_mem>>) src(%dma_wait3A_24 : memref<640x64xf32, #tpu.memory_space<vmem_shared>>) dst(%dma_wait3A_22 : memref<640x64xf32, #tpu.memory_space<hbm>>)
        tpu.yield
      }) : () -> ()
    } else {
    }
    %eq3A_14 = arith.constant 1 : i32
    %eq3A_15 = arith.cmpi eq, %arg0, %eq3A_14 : i32
    %convert_element_type3A_16 = arith.extui %eq3A_15 : i1 to i32
    %cond3A_17 = arith.constant 0 : i32
    %cond3A_18 = arith.cmpi ne, %convert_element_type3A_16, %cond3A_17 : i32
    scf.if %cond3A_18 {
      "tpu.region"() ({
        %run_scoped3A = tpu.sem_alloc : memref<!tpu.dma_semaphore, #tpu.memory_space<semaphore_mem>>
        %dma_start3A = arith.constant 0 : i32
        %dma_start3A_19 = tpu.memref_slice %arg7[%multiple_of3A, %dma_start3A] : memref<10240x64xf32, #tpu.memory_space<hbm>> -> memref<640x64xf32, #tpu.memory_space<hbm>>
        %dma_start3A_20 = arith.constant 0 : i32
        %dma_start3A_21 = tpu.memref_slice %arg11[%multiple_of3A, %dma_start3A_20] : memref<10240x64xf32, #tpu.memory_space<vmem_shared>> -> memref<640x64xf32, #tpu.memory_space<vmem_shared>>
        tpu.enqueue_dma source(%dma_start3A_21 : memref<640x64xf32, #tpu.memory_space<vmem_shared>>) target(%dma_start3A_19 : memref<640x64xf32, #tpu.memory_space<hbm>>) target_semaphore(%run_scoped3A : memref<!tpu.dma_semaphore, #tpu.memory_space<semaphore_mem>>)
        %dma_wait3A = arith.constant 0 : i32
        %dma_wait3A_22 = tpu.memref_slice %arg7[%multiple_of3A, %dma_wait3A] : memref<10240x64xf32, #tpu.memory_space<hbm>> -> memref<640x64xf32, #tpu.memory_space<hbm>>
        %dma_wait3A_23 = arith.constant 0 : i32
        %dma_wait3A_24 = tpu.memref_slice %arg11[%multiple_of3A, %dma_wait3A_23] : memref<10240x64xf32, #tpu.memory_space<vmem_shared>> -> memref<640x64xf32, #tpu.memory_space<vmem_shared>>
        tpu.wait_dma2 semaphore(%run_scoped3A : memref<!tpu.dma_semaphore, #tpu.memory_space<semaphore_mem>>) src(%dma_wait3A_24 : memref<640x64xf32, #tpu.memory_space<vmem_shared>>) dst(%dma_wait3A_22 : memref<640x64xf32, #tpu.memory_space<hbm>>)
        tpu.yield
      }) : () -> ()
    } else {
    }
    return
  }
}

#map = affine_map<(d0, d1) -> (0, 0)>
module attributes {stable_mosaic.version = 14 : i64} {
  func.func @_sc_cnt_body(%arg0: i32, %arg1: i32, %arg2: memref<1280x128xi32, #tpu.memory_space<hbm>>, %arg3: memref<128x16xf32, #tpu.memory_space<hbm>>, %arg4: memref<10240x16xf32, #tpu.memory_space<hbm>>, %arg5: memref<10240x16xf32, #tpu.memory_space<hbm>>, %arg6: memref<10240x16xf32, #tpu.memory_space<hbm>>, %arg7: memref<40x128xi32, #tpu.memory_space<vmem>>, %arg8: memref<128x16xf32, #tpu.memory_space<vmem>>, %arg9: memref<10240x16xf32, #tpu.memory_space<vmem_shared>>) attributes {dimension_semantics = [#tpu.dimension_semantics<core_parallel>, #tpu.dimension_semantics<subcore_parallel>], iteration_bounds = array<i64: 2, 16>, scalar_prefetch = 0 : i64, scratch_operands = 3 : i64, tpu.core_type = #tpu.core_type<sc_vector_subcore>, window_params = [{transform_indices = #map}, {transform_indices = #map}, {transform_indices = #map}, {transform_indices = #map}, {transform_indices = #map}]} {
    %mul3A = arith.constant 2 : i32
    %mul3A_0 = arith.muli %arg1, %mul3A : i32
    %add3A = arith.addi %mul3A_0, %arg0 : i32
    %mul3A_1 = arith.constant 640 : i32
    %mul3A_2 = arith.muli %arg1, %mul3A_1 : i32
    %multiple_of3A = tpu.assume_multiple %mul3A_2, 8 : i32
    "tpu.region"() ({
      %run_scoped3A = tpu.sem_alloc : memref<!tpu.dma_semaphore, #tpu.memory_space<semaphore_mem>>
      tpu.enqueue_dma source(%arg3 : memref<128x16xf32, #tpu.memory_space<hbm>>) target(%arg8 : memref<128x16xf32, #tpu.memory_space<vmem>>) target_semaphore(%run_scoped3A : memref<!tpu.dma_semaphore, #tpu.memory_space<semaphore_mem>>)
      tpu.wait_dma2 semaphore(%run_scoped3A : memref<!tpu.dma_semaphore, #tpu.memory_space<semaphore_mem>>) src(%arg3 : memref<128x16xf32, #tpu.memory_space<hbm>>) dst(%arg8 : memref<128x16xf32, #tpu.memory_space<vmem>>)
      tpu.yield
    }) : () -> ()
    "tpu.region"() ({
      %run_scoped3A = tpu.sem_alloc : memref<!tpu.dma_semaphore, #tpu.memory_space<semaphore_mem>>
      %dma_start3A = arith.constant 0 : i32
      %dma_start3A_19 = tpu.memref_slice %arg9[%multiple_of3A, %dma_start3A] : memref<10240x16xf32, #tpu.memory_space<vmem_shared>> -> memref<640x16xf32, #tpu.memory_space<vmem_shared>>
      %dma_start3A_20 = arith.constant 0 : i32
      %dma_start3A_21 = tpu.memref_slice %arg4[%multiple_of3A, %dma_start3A_20] : memref<10240x16xf32, #tpu.memory_space<hbm>> -> memref<640x16xf32, #tpu.memory_space<hbm>>
      tpu.enqueue_dma source(%dma_start3A_21 : memref<640x16xf32, #tpu.memory_space<hbm>>) target(%dma_start3A_19 : memref<640x16xf32, #tpu.memory_space<vmem_shared>>) target_semaphore(%run_scoped3A : memref<!tpu.dma_semaphore, #tpu.memory_space<semaphore_mem>>)
      %dma_wait3A = arith.constant 0 : i32
      %dma_wait3A_22 = tpu.memref_slice %arg9[%multiple_of3A, %dma_wait3A] : memref<10240x16xf32, #tpu.memory_space<vmem_shared>> -> memref<640x16xf32, #tpu.memory_space<vmem_shared>>
      %dma_wait3A_23 = arith.constant 0 : i32
      %dma_wait3A_24 = tpu.memref_slice %arg4[%multiple_of3A, %dma_wait3A_23] : memref<10240x16xf32, #tpu.memory_space<hbm>> -> memref<640x16xf32, #tpu.memory_space<hbm>>
      tpu.wait_dma2 semaphore(%run_scoped3A : memref<!tpu.dma_semaphore, #tpu.memory_space<semaphore_mem>>) src(%dma_wait3A_24 : memref<640x16xf32, #tpu.memory_space<hbm>>) dst(%dma_wait3A_22 : memref<640x16xf32, #tpu.memory_space<vmem_shared>>)
      tpu.yield
    }) : () -> ()
    %mul3A_3 = arith.constant 40 : i32
    %mul3A_4 = arith.muli %add3A, %mul3A_3 : i32
    %multiple_of3A_5 = tpu.assume_multiple %mul3A_4, 8 : i32
    "tpu.region"() ({
      %run_scoped3A = tpu.sem_alloc : memref<!tpu.dma_semaphore, #tpu.memory_space<semaphore_mem>>
      %dma_start3A = arith.constant 0 : i32
      %dma_start3A_19 = tpu.memref_slice %arg2[%multiple_of3A_5, %dma_start3A] : memref<1280x128xi32, #tpu.memory_space<hbm>> -> memref<40x128xi32, #tpu.memory_space<hbm>>
      %dma_start3A_20 = arith.constant 0 : i32
      %dma_start3A_21 = tpu.memref_slice %arg2[%multiple_of3A_5, %dma_start3A_20] : memref<1280x128xi32, #tpu.memory_space<hbm>> -> memref<40x128xi32, #tpu.memory_space<hbm>>
      tpu.enqueue_dma source(%dma_start3A_21 : memref<40x128xi32, #tpu.memory_space<hbm>>) target(%arg7 : memref<40x128xi32, #tpu.memory_space<vmem>>) target_semaphore(%run_scoped3A : memref<!tpu.dma_semaphore, #tpu.memory_space<semaphore_mem>>)
      %dma_wait3A = arith.constant 0 : i32
      %dma_wait3A_22 = tpu.memref_slice %arg2[%multiple_of3A_5, %dma_wait3A] : memref<1280x128xi32, #tpu.memory_space<hbm>> -> memref<40x128xi32, #tpu.memory_space<hbm>>
      %dma_wait3A_23 = arith.constant 0 : i32
      %dma_wait3A_24 = tpu.memref_slice %arg2[%multiple_of3A_5, %dma_wait3A_23] : memref<1280x128xi32, #tpu.memory_space<hbm>> -> memref<40x128xi32, #tpu.memory_space<hbm>>
      tpu.wait_dma2 semaphore(%run_scoped3A : memref<!tpu.dma_semaphore, #tpu.memory_space<semaphore_mem>>) src(%dma_wait3A_24 : memref<40x128xi32, #tpu.memory_space<hbm>>) dst(%arg7 : memref<40x128xi32, #tpu.memory_space<vmem>>)
      tpu.yield
    }) : () -> ()
    %barrier3A = arith.constant 0 : index
    tpu.barrier barrier_id(%barrier3A)
    %scan3A = arith.constant 0 : i32
    %scan3A_6 = arith.constant 0 : i32
    %scan3A_7 = arith.constant 40 : i32
    %scan3A_8 = arith.addi %scan3A_6, %scan3A_7 : i32
    %scan3A_9 = arith.constant 1 : i32
    scf.for %scan3A_19 = %scan3A_6 to %scan3A_8 step %scan3A_9  : i32 {
      "tpu.region"() ({
        %run_scoped3A = tpu.sem_alloc : memref<!tpu.dma_semaphore, #tpu.memory_space<semaphore_mem>>
        %dma_start3A = arith.constant 0 : i32
        %dma_start3A_20 = tpu.memref_slice %arg7[%scan3A_19, %dma_start3A] : memref<40x128xi32, #tpu.memory_space<vmem>> -> memref<1x128xi32, #tpu.memory_space<vmem>>
        %dma_start3A_21 = tpu.memref_squeeze %dma_start3A_20 : memref<1x128xi32, #tpu.memory_space<vmem>> -> memref<128xi32, #tpu.memory_space<vmem>>
        %dma_start3A_22 = arith.constant 0 : i32
        %dma_start3A_23 = arith.constant 0 : i32
        %dma_start3A_24 = tpu.memref_slice %arg9[%dma_start3A_22, %dma_start3A_23] : memref<10240x16xf32, #tpu.memory_space<vmem_shared>> -> memref<10240x16xf32, #tpu.memory_space<vmem_shared>>
        tpu.enqueue_indirect_dma source(%arg8 : memref<128x16xf32, #tpu.memory_space<vmem>>) target(%dma_start3A_24 : memref<10240x16xf32, #tpu.memory_space<vmem_shared>>) offsets(%dma_start3A_21 : memref<128xi32, #tpu.memory_space<vmem>>) semaphore(%run_scoped3A : memref<!tpu.dma_semaphore, #tpu.memory_space<semaphore_mem>>) {add = true}
        %dma_wait3A = arith.constant 0 : i32
        %dma_wait3A_25 = tpu.memref_slice %arg7[%scan3A_19, %dma_wait3A] : memref<40x128xi32, #tpu.memory_space<vmem>> -> memref<1x128xi32, #tpu.memory_space<vmem>>
        %dma_wait3A_26 = tpu.memref_squeeze %dma_wait3A_25 : memref<1x128xi32, #tpu.memory_space<vmem>> -> memref<128xi32, #tpu.memory_space<vmem>>
        %dma_wait3A_27 = arith.constant 0 : i32
        %dma_wait3A_28 = arith.constant 0 : i32
        %dma_wait3A_29 = tpu.memref_slice %arg9[%dma_wait3A_27, %dma_wait3A_28] : memref<10240x16xf32, #tpu.memory_space<vmem_shared>> -> memref<10240x16xf32, #tpu.memory_space<vmem_shared>>
        tpu.wait_indirect_dma semaphore(%run_scoped3A : memref<!tpu.dma_semaphore, #tpu.memory_space<semaphore_mem>>) src(%arg8 : memref<128x16xf32, #tpu.memory_space<vmem>>) dst(%dma_wait3A_29 : memref<10240x16xf32, #tpu.memory_space<vmem_shared>>)
        tpu.yield
      }) : () -> ()
    }
    %scan3A_10 = arith.constant 40 : i32
    %barrier3A_11 = arith.constant 0 : index
    tpu.barrier barrier_id(%barrier3A_11)
    %eq3A = arith.constant 0 : i32
    %eq3A_12 = arith.cmpi eq, %arg0, %eq3A : i32
    %convert_element_type3A = arith.extui %eq3A_12 : i1 to i32
    %cond3A = arith.constant 0 : i32
    %cond3A_13 = arith.cmpi ne, %convert_element_type3A, %cond3A : i32
    scf.if %cond3A_13 {
      "tpu.region"() ({
        %run_scoped3A = tpu.sem_alloc : memref<!tpu.dma_semaphore, #tpu.memory_space<semaphore_mem>>
        %dma_start3A = arith.constant 0 : i32
        %dma_start3A_19 = tpu.memref_slice %arg5[%multiple_of3A, %dma_start3A] : memref<10240x16xf32, #tpu.memory_space<hbm>> -> memref<640x16xf32, #tpu.memory_space<hbm>>
        %dma_start3A_20 = arith.constant 0 : i32
        %dma_start3A_21 = tpu.memref_slice %arg9[%multiple_of3A, %dma_start3A_20] : memref<10240x16xf32, #tpu.memory_space<vmem_shared>> -> memref<640x16xf32, #tpu.memory_space<vmem_shared>>
        tpu.enqueue_dma source(%dma_start3A_21 : memref<640x16xf32, #tpu.memory_space<vmem_shared>>) target(%dma_start3A_19 : memref<640x16xf32, #tpu.memory_space<hbm>>) target_semaphore(%run_scoped3A : memref<!tpu.dma_semaphore, #tpu.memory_space<semaphore_mem>>)
        %dma_wait3A = arith.constant 0 : i32
        %dma_wait3A_22 = tpu.memref_slice %arg5[%multiple_of3A, %dma_wait3A] : memref<10240x16xf32, #tpu.memory_space<hbm>> -> memref<640x16xf32, #tpu.memory_space<hbm>>
        %dma_wait3A_23 = arith.constant 0 : i32
        %dma_wait3A_24 = tpu.memref_slice %arg9[%multiple_of3A, %dma_wait3A_23] : memref<10240x16xf32, #tpu.memory_space<vmem_shared>> -> memref<640x16xf32, #tpu.memory_space<vmem_shared>>
        tpu.wait_dma2 semaphore(%run_scoped3A : memref<!tpu.dma_semaphore, #tpu.memory_space<semaphore_mem>>) src(%dma_wait3A_24 : memref<640x16xf32, #tpu.memory_space<vmem_shared>>) dst(%dma_wait3A_22 : memref<640x16xf32, #tpu.memory_space<hbm>>)
        tpu.yield
      }) : () -> ()
    } else {
    }
    %eq3A_14 = arith.constant 1 : i32
    %eq3A_15 = arith.cmpi eq, %arg0, %eq3A_14 : i32
    %convert_element_type3A_16 = arith.extui %eq3A_15 : i1 to i32
    %cond3A_17 = arith.constant 0 : i32
    %cond3A_18 = arith.cmpi ne, %convert_element_type3A_16, %cond3A_17 : i32
    scf.if %cond3A_18 {
      "tpu.region"() ({
        %run_scoped3A = tpu.sem_alloc : memref<!tpu.dma_semaphore, #tpu.memory_space<semaphore_mem>>
        %dma_start3A = arith.constant 0 : i32
        %dma_start3A_19 = tpu.memref_slice %arg6[%multiple_of3A, %dma_start3A] : memref<10240x16xf32, #tpu.memory_space<hbm>> -> memref<640x16xf32, #tpu.memory_space<hbm>>
        %dma_start3A_20 = arith.constant 0 : i32
        %dma_start3A_21 = tpu.memref_slice %arg9[%multiple_of3A, %dma_start3A_20] : memref<10240x16xf32, #tpu.memory_space<vmem_shared>> -> memref<640x16xf32, #tpu.memory_space<vmem_shared>>
        tpu.enqueue_dma source(%dma_start3A_21 : memref<640x16xf32, #tpu.memory_space<vmem_shared>>) target(%dma_start3A_19 : memref<640x16xf32, #tpu.memory_space<hbm>>) target_semaphore(%run_scoped3A : memref<!tpu.dma_semaphore, #tpu.memory_space<semaphore_mem>>)
        %dma_wait3A = arith.constant 0 : i32
        %dma_wait3A_22 = tpu.memref_slice %arg6[%multiple_of3A, %dma_wait3A] : memref<10240x16xf32, #tpu.memory_space<hbm>> -> memref<640x16xf32, #tpu.memory_space<hbm>>
        %dma_wait3A_23 = arith.constant 0 : i32
        %dma_wait3A_24 = tpu.memref_slice %arg9[%multiple_of3A, %dma_wait3A_23] : memref<10240x16xf32, #tpu.memory_space<vmem_shared>> -> memref<640x16xf32, #tpu.memory_space<vmem_shared>>
        tpu.wait_dma2 semaphore(%run_scoped3A : memref<!tpu.dma_semaphore, #tpu.memory_space<semaphore_mem>>) src(%dma_wait3A_24 : memref<640x16xf32, #tpu.memory_space<vmem_shared>>) dst(%dma_wait3A_22 : memref<640x16xf32, #tpu.memory_space<hbm>>)
        tpu.yield
      }) : () -> ()
    } else {
    }
    return
  }
}

#map = affine_map<(d0, d1) -> (0, 0)>
module attributes {stable_mosaic.version = 14 : i64} {
  func.func @_sc_agg_body(%arg0: i32, %arg1: i32, %arg2: memref<10000x64xf32, #tpu.memory_space<hbm>>, %arg3: memref<1280x128xi32, #tpu.memory_space<hbm>>, %arg4: memref<1280x128xi32, #tpu.memory_space<hbm>>, %arg5: memref<10240x64xf32, #tpu.memory_space<hbm>>, %arg6: memref<10240x64xf32, #tpu.memory_space<hbm>>, %arg7: memref<10240x64xf32, #tpu.memory_space<hbm>>, %arg8: memref<40x128xi32, #tpu.memory_space<vmem>>, %arg9: memref<40x128xi32, #tpu.memory_space<vmem>>, %arg10: memref<128x64xf32, #tpu.memory_space<vmem>>, %arg11: memref<10240x64xf32, #tpu.memory_space<vmem_shared>>, %arg12: memref<!tpu.dma_semaphore, #tpu.memory_space<semaphore_mem>>) attributes {dimension_semantics = [#tpu.dimension_semantics<core_parallel>, #tpu.dimension_semantics<subcore_parallel>], iteration_bounds = array<i64: 2, 16>, scalar_prefetch = 0 : i64, scratch_operands = 5 : i64, tpu.core_type = #tpu.core_type<sc_vector_subcore>, window_params = [{transform_indices = #map}, {transform_indices = #map}, {transform_indices = #map}, {transform_indices = #map}, {transform_indices = #map}, {transform_indices = #map}]} {
    %mul3A = arith.constant 2 : i32
    %mul3A_0 = arith.muli %arg1, %mul3A : i32
    %add3A = arith.addi %mul3A_0, %arg0 : i32
    %mul3A_1 = arith.constant 640 : i32
    %mul3A_2 = arith.muli %arg1, %mul3A_1 : i32
    %multiple_of3A = tpu.assume_multiple %mul3A_2, 8 : i32
    "tpu.region"() ({
      %run_scoped3A = tpu.sem_alloc : memref<!tpu.dma_semaphore, #tpu.memory_space<semaphore_mem>>
      %dma_start3A = arith.constant 0 : i32
      %dma_start3A_19 = tpu.memref_slice %arg11[%multiple_of3A, %dma_start3A] : memref<10240x64xf32, #tpu.memory_space<vmem_shared>> -> memref<640x64xf32, #tpu.memory_space<vmem_shared>>
      %dma_start3A_20 = arith.constant 0 : i32
      %dma_start3A_21 = tpu.memref_slice %arg5[%multiple_of3A, %dma_start3A_20] : memref<10240x64xf32, #tpu.memory_space<hbm>> -> memref<640x64xf32, #tpu.memory_space<hbm>>
      tpu.enqueue_dma source(%dma_start3A_21 : memref<640x64xf32, #tpu.memory_space<hbm>>) target(%dma_start3A_19 : memref<640x64xf32, #tpu.memory_space<vmem_shared>>) target_semaphore(%run_scoped3A : memref<!tpu.dma_semaphore, #tpu.memory_space<semaphore_mem>>)
      %dma_wait3A = arith.constant 0 : i32
      %dma_wait3A_22 = tpu.memref_slice %arg11[%multiple_of3A, %dma_wait3A] : memref<10240x64xf32, #tpu.memory_space<vmem_shared>> -> memref<640x64xf32, #tpu.memory_space<vmem_shared>>
      %dma_wait3A_23 = arith.constant 0 : i32
      %dma_wait3A_24 = tpu.memref_slice %arg5[%multiple_of3A, %dma_wait3A_23] : memref<10240x64xf32, #tpu.memory_space<hbm>> -> memref<640x64xf32, #tpu.memory_space<hbm>>
      tpu.wait_dma2 semaphore(%run_scoped3A : memref<!tpu.dma_semaphore, #tpu.memory_space<semaphore_mem>>) src(%dma_wait3A_24 : memref<640x64xf32, #tpu.memory_space<hbm>>) dst(%dma_wait3A_22 : memref<640x64xf32, #tpu.memory_space<vmem_shared>>)
      tpu.yield
    }) : () -> ()
    %mul3A_3 = arith.constant 40 : i32
    %mul3A_4 = arith.muli %add3A, %mul3A_3 : i32
    %multiple_of3A_5 = tpu.assume_multiple %mul3A_4, 8 : i32
    "tpu.region"() ({
      %run_scoped3A = tpu.sem_alloc : memref<!tpu.dma_semaphore, #tpu.memory_space<semaphore_mem>>
      %dma_start3A = arith.constant 0 : i32
      %dma_start3A_19 = tpu.memref_slice %arg3[%multiple_of3A_5, %dma_start3A] : memref<1280x128xi32, #tpu.memory_space<hbm>> -> memref<40x128xi32, #tpu.memory_space<hbm>>
      %dma_start3A_20 = arith.constant 0 : i32
      %dma_start3A_21 = tpu.memref_slice %arg3[%multiple_of3A_5, %dma_start3A_20] : memref<1280x128xi32, #tpu.memory_space<hbm>> -> memref<40x128xi32, #tpu.memory_space<hbm>>
      tpu.enqueue_dma source(%dma_start3A_21 : memref<40x128xi32, #tpu.memory_space<hbm>>) target(%arg8 : memref<40x128xi32, #tpu.memory_space<vmem>>) target_semaphore(%run_scoped3A : memref<!tpu.dma_semaphore, #tpu.memory_space<semaphore_mem>>)
      %dma_wait3A = arith.constant 0 : i32
      %dma_wait3A_22 = tpu.memref_slice %arg3[%multiple_of3A_5, %dma_wait3A] : memref<1280x128xi32, #tpu.memory_space<hbm>> -> memref<40x128xi32, #tpu.memory_space<hbm>>
      %dma_wait3A_23 = arith.constant 0 : i32
      %dma_wait3A_24 = tpu.memref_slice %arg3[%multiple_of3A_5, %dma_wait3A_23] : memref<1280x128xi32, #tpu.memory_space<hbm>> -> memref<40x128xi32, #tpu.memory_space<hbm>>
      tpu.wait_dma2 semaphore(%run_scoped3A : memref<!tpu.dma_semaphore, #tpu.memory_space<semaphore_mem>>) src(%dma_wait3A_24 : memref<40x128xi32, #tpu.memory_space<hbm>>) dst(%arg8 : memref<40x128xi32, #tpu.memory_space<vmem>>)
      tpu.yield
    }) : () -> ()
    "tpu.region"() ({
      %run_scoped3A = tpu.sem_alloc : memref<!tpu.dma_semaphore, #tpu.memory_space<semaphore_mem>>
      %dma_start3A = arith.constant 0 : i32
      %dma_start3A_19 = tpu.memref_slice %arg4[%multiple_of3A_5, %dma_start3A] : memref<1280x128xi32, #tpu.memory_space<hbm>> -> memref<40x128xi32, #tpu.memory_space<hbm>>
      %dma_start3A_20 = arith.constant 0 : i32
      %dma_start3A_21 = tpu.memref_slice %arg4[%multiple_of3A_5, %dma_start3A_20] : memref<1280x128xi32, #tpu.memory_space<hbm>> -> memref<40x128xi32, #tpu.memory_space<hbm>>
      tpu.enqueue_dma source(%dma_start3A_21 : memref<40x128xi32, #tpu.memory_space<hbm>>) target(%arg9 : memref<40x128xi32, #tpu.memory_space<vmem>>) target_semaphore(%run_scoped3A : memref<!tpu.dma_semaphore, #tpu.memory_space<semaphore_mem>>)
      %dma_wait3A = arith.constant 0 : i32
      %dma_wait3A_22 = tpu.memref_slice %arg4[%multiple_of3A_5, %dma_wait3A] : memref<1280x128xi32, #tpu.memory_space<hbm>> -> memref<40x128xi32, #tpu.memory_space<hbm>>
      %dma_wait3A_23 = arith.constant 0 : i32
      %dma_wait3A_24 = tpu.memref_slice %arg4[%multiple_of3A_5, %dma_wait3A_23] : memref<1280x128xi32, #tpu.memory_space<hbm>> -> memref<40x128xi32, #tpu.memory_space<hbm>>
      tpu.wait_dma2 semaphore(%run_scoped3A : memref<!tpu.dma_semaphore, #tpu.memory_space<semaphore_mem>>) src(%dma_wait3A_24 : memref<40x128xi32, #tpu.memory_space<hbm>>) dst(%arg9 : memref<40x128xi32, #tpu.memory_space<vmem>>)
      tpu.yield
    }) : () -> ()
    %barrier3A = arith.constant 0 : index
    tpu.barrier barrier_id(%barrier3A)
    %scan3A = arith.constant 0 : i32
    %scan3A_6 = arith.constant 0 : i32
    %scan3A_7 = arith.constant 40 : i32
    %scan3A_8 = arith.addi %scan3A_6, %scan3A_7 : i32
    %scan3A_9 = arith.constant 1 : i32
    scf.for %scan3A_19 = %scan3A_6 to %scan3A_8 step %scan3A_9  : i32 {
      %dma_start3A = arith.constant 0 : i32
      %dma_start3A_20 = tpu.memref_slice %arg8[%scan3A_19, %dma_start3A] : memref<40x128xi32, #tpu.memory_space<vmem>> -> memref<1x128xi32, #tpu.memory_space<vmem>>
      %dma_start3A_21 = tpu.memref_squeeze %dma_start3A_20 : memref<1x128xi32, #tpu.memory_space<vmem>> -> memref<128xi32, #tpu.memory_space<vmem>>
      %dma_start3A_22 = arith.constant 0 : i32
      %dma_start3A_23 = arith.constant 0 : i32
      %dma_start3A_24 = tpu.memref_slice %arg2[%dma_start3A_22, %dma_start3A_23] : memref<10000x64xf32, #tpu.memory_space<hbm>> -> memref<10000x64xf32, #tpu.memory_space<hbm>>
      tpu.enqueue_indirect_dma source(%dma_start3A_24 : memref<10000x64xf32, #tpu.memory_space<hbm>>) target(%arg10 : memref<128x64xf32, #tpu.memory_space<vmem>>) offsets(%dma_start3A_21 : memref<128xi32, #tpu.memory_space<vmem>>) semaphore(%arg12 : memref<!tpu.dma_semaphore, #tpu.memory_space<semaphore_mem>>)
      %dma_wait3A = arith.constant 0 : i32
      %dma_wait3A_25 = tpu.memref_slice %arg8[%scan3A_19, %dma_wait3A] : memref<40x128xi32, #tpu.memory_space<vmem>> -> memref<1x128xi32, #tpu.memory_space<vmem>>
      %dma_wait3A_26 = tpu.memref_squeeze %dma_wait3A_25 : memref<1x128xi32, #tpu.memory_space<vmem>> -> memref<128xi32, #tpu.memory_space<vmem>>
      %dma_wait3A_27 = arith.constant 0 : i32
      %dma_wait3A_28 = arith.constant 0 : i32
      %dma_wait3A_29 = tpu.memref_slice %arg2[%dma_wait3A_27, %dma_wait3A_28] : memref<10000x64xf32, #tpu.memory_space<hbm>> -> memref<10000x64xf32, #tpu.memory_space<hbm>>
      tpu.wait_indirect_dma semaphore(%arg12 : memref<!tpu.dma_semaphore, #tpu.memory_space<semaphore_mem>>) src(%dma_wait3A_29 : memref<10000x64xf32, #tpu.memory_space<hbm>>) dst(%arg10 : memref<128x64xf32, #tpu.memory_space<vmem>>)
      "tpu.region"() ({
        %run_scoped3A = tpu.sem_alloc : memref<!tpu.dma_semaphore, #tpu.memory_space<semaphore_mem>>
        %dma_start3A_30 = arith.constant 0 : i32
        %dma_start3A_31 = tpu.memref_slice %arg9[%scan3A_19, %dma_start3A_30] : memref<40x128xi32, #tpu.memory_space<vmem>> -> memref<1x128xi32, #tpu.memory_space<vmem>>
        %dma_start3A_32 = tpu.memref_squeeze %dma_start3A_31 : memref<1x128xi32, #tpu.memory_space<vmem>> -> memref<128xi32, #tpu.memory_space<vmem>>
        %dma_start3A_33 = arith.constant 0 : i32
        %dma_start3A_34 = arith.constant 0 : i32
        %dma_start3A_35 = tpu.memref_slice %arg11[%dma_start3A_33, %dma_start3A_34] : memref<10240x64xf32, #tpu.memory_space<vmem_shared>> -> memref<10240x64xf32, #tpu.memory_space<vmem_shared>>
        tpu.enqueue_indirect_dma source(%arg10 : memref<128x64xf32, #tpu.memory_space<vmem>>) target(%dma_start3A_35 : memref<10240x64xf32, #tpu.memory_space<vmem_shared>>) offsets(%dma_start3A_32 : memref<128xi32, #tpu.memory_space<vmem>>) semaphore(%run_scoped3A : memref<!tpu.dma_semaphore, #tpu.memory_space<semaphore_mem>>) {add = true}
        %dma_wait3A_36 = arith.constant 0 : i32
        %dma_wait3A_37 = tpu.memref_slice %arg9[%scan3A_19, %dma_wait3A_36] : memref<40x128xi32, #tpu.memory_space<vmem>> -> memref<1x128xi32, #tpu.memory_space<vmem>>
        %dma_wait3A_38 = tpu.memref_squeeze %dma_wait3A_37 : memref<1x128xi32, #tpu.memory_space<vmem>> -> memref<128xi32, #tpu.memory_space<vmem>>
        %dma_wait3A_39 = arith.constant 0 : i32
        %dma_wait3A_40 = arith.constant 0 : i32
        %dma_wait3A_41 = tpu.memref_slice %arg11[%dma_wait3A_39, %dma_wait3A_40] : memref<10240x64xf32, #tpu.memory_space<vmem_shared>> -> memref<10240x64xf32, #tpu.memory_space<vmem_shared>>
        tpu.wait_indirect_dma semaphore(%run_scoped3A : memref<!tpu.dma_semaphore, #tpu.memory_space<semaphore_mem>>) src(%arg10 : memref<128x64xf32, #tpu.memory_space<vmem>>) dst(%dma_wait3A_41 : memref<10240x64xf32, #tpu.memory_space<vmem_shared>>)
        tpu.yield
      }) : () -> ()
    }
    %scan3A_10 = arith.constant 40 : i32
    %barrier3A_11 = arith.constant 0 : index
    tpu.barrier barrier_id(%barrier3A_11)
    %eq3A = arith.constant 0 : i32
    %eq3A_12 = arith.cmpi eq, %arg0, %eq3A : i32
    %convert_element_type3A = arith.extui %eq3A_12 : i1 to i32
    %cond3A = arith.constant 0 : i32
    %cond3A_13 = arith.cmpi ne, %convert_element_type3A, %cond3A : i32
    scf.if %cond3A_13 {
      "tpu.region"() ({
        %run_scoped3A = tpu.sem_alloc : memref<!tpu.dma_semaphore, #tpu.memory_space<semaphore_mem>>
        %dma_start3A = arith.constant 0 : i32
        %dma_start3A_19 = tpu.memref_slice %arg6[%multiple_of3A, %dma_start3A] : memref<10240x64xf32, #tpu.memory_space<hbm>> -> memref<640x64xf32, #tpu.memory_space<hbm>>
        %dma_start3A_20 = arith.constant 0 : i32
        %dma_start3A_21 = tpu.memref_slice %arg11[%multiple_of3A, %dma_start3A_20] : memref<10240x64xf32, #tpu.memory_space<vmem_shared>> -> memref<640x64xf32, #tpu.memory_space<vmem_shared>>
        tpu.enqueue_dma source(%dma_start3A_21 : memref<640x64xf32, #tpu.memory_space<vmem_shared>>) target(%dma_start3A_19 : memref<640x64xf32, #tpu.memory_space<hbm>>) target_semaphore(%run_scoped3A : memref<!tpu.dma_semaphore, #tpu.memory_space<semaphore_mem>>)
        %dma_wait3A = arith.constant 0 : i32
        %dma_wait3A_22 = tpu.memref_slice %arg6[%multiple_of3A, %dma_wait3A] : memref<10240x64xf32, #tpu.memory_space<hbm>> -> memref<640x64xf32, #tpu.memory_space<hbm>>
        %dma_wait3A_23 = arith.constant 0 : i32
        %dma_wait3A_24 = tpu.memref_slice %arg11[%multiple_of3A, %dma_wait3A_23] : memref<10240x64xf32, #tpu.memory_space<vmem_shared>> -> memref<640x64xf32, #tpu.memory_space<vmem_shared>>
        tpu.wait_dma2 semaphore(%run_scoped3A : memref<!tpu.dma_semaphore, #tpu.memory_space<semaphore_mem>>) src(%dma_wait3A_24 : memref<640x64xf32, #tpu.memory_space<vmem_shared>>) dst(%dma_wait3A_22 : memref<640x64xf32, #tpu.memory_space<hbm>>)
        tpu.yield
      }) : () -> ()
    } else {
    }
    %eq3A_14 = arith.constant 1 : i32
    %eq3A_15 = arith.cmpi eq, %arg0, %eq3A_14 : i32
    %convert_element_type3A_16 = arith.extui %eq3A_15 : i1 to i32
    %cond3A_17 = arith.constant 0 : i32
    %cond3A_18 = arith.cmpi ne, %convert_element_type3A_16, %cond3A_17 : i32
    scf.if %cond3A_18 {
      "tpu.region"() ({
        %run_scoped3A = tpu.sem_alloc : memref<!tpu.dma_semaphore, #tpu.memory_space<semaphore_mem>>
        %dma_start3A = arith.constant 0 : i32
        %dma_start3A_19 = tpu.memref_slice %arg7[%multiple_of3A, %dma_start3A] : memref<10240x64xf32, #tpu.memory_space<hbm>> -> memref<640x64xf32, #tpu.memory_space<hbm>>
        %dma_start3A_20 = arith.constant 0 : i32
        %dma_start3A_21 = tpu.memref_slice %arg11[%multiple_of3A, %dma_start3A_20] : memref<10240x64xf32, #tpu.memory_space<vmem_shared>> -> memref<640x64xf32, #tpu.memory_space<vmem_shared>>
        tpu.enqueue_dma source(%dma_start3A_21 : memref<640x64xf32, #tpu.memory_space<vmem_shared>>) target(%dma_start3A_19 : memref<640x64xf32, #tpu.memory_space<hbm>>) target_semaphore(%run_scoped3A : memref<!tpu.dma_semaphore, #tpu.memory_space<semaphore_mem>>)
        %dma_wait3A = arith.constant 0 : i32
        %dma_wait3A_22 = tpu.memref_slice %arg7[%multiple_of3A, %dma_wait3A] : memref<10240x64xf32, #tpu.memory_space<hbm>> -> memref<640x64xf32, #tpu.memory_space<hbm>>
        %dma_wait3A_23 = arith.constant 0 : i32
        %dma_wait3A_24 = tpu.memref_slice %arg11[%multiple_of3A, %dma_wait3A_23] : memref<10240x64xf32, #tpu.memory_space<vmem_shared>> -> memref<640x64xf32, #tpu.memory_space<vmem_shared>>
        tpu.wait_dma2 semaphore(%run_scoped3A : memref<!tpu.dma_semaphore, #tpu.memory_space<semaphore_mem>>) src(%dma_wait3A_24 : memref<640x64xf32, #tpu.memory_space<vmem_shared>>) dst(%dma_wait3A_22 : memref<640x64xf32, #tpu.memory_space<hbm>>)
        tpu.yield
      }) : () -> ()
    } else {
    }
    return
  }
}

#map = affine_map<(d0, d1) -> (0, 0)>
module attributes {stable_mosaic.version = 14 : i64} {
  func.func @_sc_agg_body(%arg0: i32, %arg1: i32, %arg2: memref<10000x64xf32, #tpu.memory_space<hbm>>, %arg3: memref<1280x128xi32, #tpu.memory_space<hbm>>, %arg4: memref<1280x128xi32, #tpu.memory_space<hbm>>, %arg5: memref<10240x64xf32, #tpu.memory_space<hbm>>, %arg6: memref<10240x64xf32, #tpu.memory_space<hbm>>, %arg7: memref<10240x64xf32, #tpu.memory_space<hbm>>, %arg8: memref<40x128xi32, #tpu.memory_space<vmem>>, %arg9: memref<40x128xi32, #tpu.memory_space<vmem>>, %arg10: memref<128x64xf32, #tpu.memory_space<vmem>>, %arg11: memref<10240x64xf32, #tpu.memory_space<vmem_shared>>, %arg12: memref<!tpu.dma_semaphore, #tpu.memory_space<semaphore_mem>>) attributes {dimension_semantics = [#tpu.dimension_semantics<core_parallel>, #tpu.dimension_semantics<subcore_parallel>], iteration_bounds = array<i64: 2, 16>, scalar_prefetch = 0 : i64, scratch_operands = 5 : i64, tpu.core_type = #tpu.core_type<sc_vector_subcore>, window_params = [{transform_indices = #map}, {transform_indices = #map}, {transform_indices = #map}, {transform_indices = #map}, {transform_indices = #map}, {transform_indices = #map}]} {
    %mul3A = arith.constant 2 : i32
    %mul3A_0 = arith.muli %arg1, %mul3A : i32
    %add3A = arith.addi %mul3A_0, %arg0 : i32
    %mul3A_1 = arith.constant 640 : i32
    %mul3A_2 = arith.muli %arg1, %mul3A_1 : i32
    %multiple_of3A = tpu.assume_multiple %mul3A_2, 8 : i32
    "tpu.region"() ({
      %run_scoped3A = tpu.sem_alloc : memref<!tpu.dma_semaphore, #tpu.memory_space<semaphore_mem>>
      %dma_start3A = arith.constant 0 : i32
      %dma_start3A_19 = tpu.memref_slice %arg11[%multiple_of3A, %dma_start3A] : memref<10240x64xf32, #tpu.memory_space<vmem_shared>> -> memref<640x64xf32, #tpu.memory_space<vmem_shared>>
      %dma_start3A_20 = arith.constant 0 : i32
      %dma_start3A_21 = tpu.memref_slice %arg5[%multiple_of3A, %dma_start3A_20] : memref<10240x64xf32, #tpu.memory_space<hbm>> -> memref<640x64xf32, #tpu.memory_space<hbm>>
      tpu.enqueue_dma source(%dma_start3A_21 : memref<640x64xf32, #tpu.memory_space<hbm>>) target(%dma_start3A_19 : memref<640x64xf32, #tpu.memory_space<vmem_shared>>) target_semaphore(%run_scoped3A : memref<!tpu.dma_semaphore, #tpu.memory_space<semaphore_mem>>)
      %dma_wait3A = arith.constant 0 : i32
      %dma_wait3A_22 = tpu.memref_slice %arg11[%multiple_of3A, %dma_wait3A] : memref<10240x64xf32, #tpu.memory_space<vmem_shared>> -> memref<640x64xf32, #tpu.memory_space<vmem_shared>>
      %dma_wait3A_23 = arith.constant 0 : i32
      %dma_wait3A_24 = tpu.memref_slice %arg5[%multiple_of3A, %dma_wait3A_23] : memref<10240x64xf32, #tpu.memory_space<hbm>> -> memref<640x64xf32, #tpu.memory_space<hbm>>
      tpu.wait_dma2 semaphore(%run_scoped3A : memref<!tpu.dma_semaphore, #tpu.memory_space<semaphore_mem>>) src(%dma_wait3A_24 : memref<640x64xf32, #tpu.memory_space<hbm>>) dst(%dma_wait3A_22 : memref<640x64xf32, #tpu.memory_space<vmem_shared>>)
      tpu.yield
    }) : () -> ()
    %mul3A_3 = arith.constant 40 : i32
    %mul3A_4 = arith.muli %add3A, %mul3A_3 : i32
    %multiple_of3A_5 = tpu.assume_multiple %mul3A_4, 8 : i32
    "tpu.region"() ({
      %run_scoped3A = tpu.sem_alloc : memref<!tpu.dma_semaphore, #tpu.memory_space<semaphore_mem>>
      %dma_start3A = arith.constant 0 : i32
      %dma_start3A_19 = tpu.memref_slice %arg3[%multiple_of3A_5, %dma_start3A] : memref<1280x128xi32, #tpu.memory_space<hbm>> -> memref<40x128xi32, #tpu.memory_space<hbm>>
      %dma_start3A_20 = arith.constant 0 : i32
      %dma_start3A_21 = tpu.memref_slice %arg3[%multiple_of3A_5, %dma_start3A_20] : memref<1280x128xi32, #tpu.memory_space<hbm>> -> memref<40x128xi32, #tpu.memory_space<hbm>>
      tpu.enqueue_dma source(%dma_start3A_21 : memref<40x128xi32, #tpu.memory_space<hbm>>) target(%arg8 : memref<40x128xi32, #tpu.memory_space<vmem>>) target_semaphore(%run_scoped3A : memref<!tpu.dma_semaphore, #tpu.memory_space<semaphore_mem>>)
      %dma_wait3A = arith.constant 0 : i32
      %dma_wait3A_22 = tpu.memref_slice %arg3[%multiple_of3A_5, %dma_wait3A] : memref<1280x128xi32, #tpu.memory_space<hbm>> -> memref<40x128xi32, #tpu.memory_space<hbm>>
      %dma_wait3A_23 = arith.constant 0 : i32
      %dma_wait3A_24 = tpu.memref_slice %arg3[%multiple_of3A_5, %dma_wait3A_23] : memref<1280x128xi32, #tpu.memory_space<hbm>> -> memref<40x128xi32, #tpu.memory_space<hbm>>
      tpu.wait_dma2 semaphore(%run_scoped3A : memref<!tpu.dma_semaphore, #tpu.memory_space<semaphore_mem>>) src(%dma_wait3A_24 : memref<40x128xi32, #tpu.memory_space<hbm>>) dst(%arg8 : memref<40x128xi32, #tpu.memory_space<vmem>>)
      tpu.yield
    }) : () -> ()
    "tpu.region"() ({
      %run_scoped3A = tpu.sem_alloc : memref<!tpu.dma_semaphore, #tpu.memory_space<semaphore_mem>>
      %dma_start3A = arith.constant 0 : i32
      %dma_start3A_19 = tpu.memref_slice %arg4[%multiple_of3A_5, %dma_start3A] : memref<1280x128xi32, #tpu.memory_space<hbm>> -> memref<40x128xi32, #tpu.memory_space<hbm>>
      %dma_start3A_20 = arith.constant 0 : i32
      %dma_start3A_21 = tpu.memref_slice %arg4[%multiple_of3A_5, %dma_start3A_20] : memref<1280x128xi32, #tpu.memory_space<hbm>> -> memref<40x128xi32, #tpu.memory_space<hbm>>
      tpu.enqueue_dma source(%dma_start3A_21 : memref<40x128xi32, #tpu.memory_space<hbm>>) target(%arg9 : memref<40x128xi32, #tpu.memory_space<vmem>>) target_semaphore(%run_scoped3A : memref<!tpu.dma_semaphore, #tpu.memory_space<semaphore_mem>>)
      %dma_wait3A = arith.constant 0 : i32
      %dma_wait3A_22 = tpu.memref_slice %arg4[%multiple_of3A_5, %dma_wait3A] : memref<1280x128xi32, #tpu.memory_space<hbm>> -> memref<40x128xi32, #tpu.memory_space<hbm>>
      %dma_wait3A_23 = arith.constant 0 : i32
      %dma_wait3A_24 = tpu.memref_slice %arg4[%multiple_of3A_5, %dma_wait3A_23] : memref<1280x128xi32, #tpu.memory_space<hbm>> -> memref<40x128xi32, #tpu.memory_space<hbm>>
      tpu.wait_dma2 semaphore(%run_scoped3A : memref<!tpu.dma_semaphore, #tpu.memory_space<semaphore_mem>>) src(%dma_wait3A_24 : memref<40x128xi32, #tpu.memory_space<hbm>>) dst(%arg9 : memref<40x128xi32, #tpu.memory_space<vmem>>)
      tpu.yield
    }) : () -> ()
    %barrier3A = arith.constant 0 : index
    tpu.barrier barrier_id(%barrier3A)
    %scan3A = arith.constant 0 : i32
    %scan3A_6 = arith.constant 0 : i32
    %scan3A_7 = arith.constant 40 : i32
    %scan3A_8 = arith.addi %scan3A_6, %scan3A_7 : i32
    %scan3A_9 = arith.constant 1 : i32
    scf.for %scan3A_19 = %scan3A_6 to %scan3A_8 step %scan3A_9  : i32 {
      %dma_start3A = arith.constant 0 : i32
      %dma_start3A_20 = tpu.memref_slice %arg8[%scan3A_19, %dma_start3A] : memref<40x128xi32, #tpu.memory_space<vmem>> -> memref<1x128xi32, #tpu.memory_space<vmem>>
      %dma_start3A_21 = tpu.memref_squeeze %dma_start3A_20 : memref<1x128xi32, #tpu.memory_space<vmem>> -> memref<128xi32, #tpu.memory_space<vmem>>
      %dma_start3A_22 = arith.constant 0 : i32
      %dma_start3A_23 = arith.constant 0 : i32
      %dma_start3A_24 = tpu.memref_slice %arg2[%dma_start3A_22, %dma_start3A_23] : memref<10000x64xf32, #tpu.memory_space<hbm>> -> memref<10000x64xf32, #tpu.memory_space<hbm>>
      tpu.enqueue_indirect_dma source(%dma_start3A_24 : memref<10000x64xf32, #tpu.memory_space<hbm>>) target(%arg10 : memref<128x64xf32, #tpu.memory_space<vmem>>) offsets(%dma_start3A_21 : memref<128xi32, #tpu.memory_space<vmem>>) semaphore(%arg12 : memref<!tpu.dma_semaphore, #tpu.memory_space<semaphore_mem>>)
      %dma_wait3A = arith.constant 0 : i32
      %dma_wait3A_25 = tpu.memref_slice %arg8[%scan3A_19, %dma_wait3A] : memref<40x128xi32, #tpu.memory_space<vmem>> -> memref<1x128xi32, #tpu.memory_space<vmem>>
      %dma_wait3A_26 = tpu.memref_squeeze %dma_wait3A_25 : memref<1x128xi32, #tpu.memory_space<vmem>> -> memref<128xi32, #tpu.memory_space<vmem>>
      %dma_wait3A_27 = arith.constant 0 : i32
      %dma_wait3A_28 = arith.constant 0 : i32
      %dma_wait3A_29 = tpu.memref_slice %arg2[%dma_wait3A_27, %dma_wait3A_28] : memref<10000x64xf32, #tpu.memory_space<hbm>> -> memref<10000x64xf32, #tpu.memory_space<hbm>>
      tpu.wait_indirect_dma semaphore(%arg12 : memref<!tpu.dma_semaphore, #tpu.memory_space<semaphore_mem>>) src(%dma_wait3A_29 : memref<10000x64xf32, #tpu.memory_space<hbm>>) dst(%arg10 : memref<128x64xf32, #tpu.memory_space<vmem>>)
      "tpu.region"() ({
        %run_scoped3A = tpu.sem_alloc : memref<!tpu.dma_semaphore, #tpu.memory_space<semaphore_mem>>
        %dma_start3A_30 = arith.constant 0 : i32
        %dma_start3A_31 = tpu.memref_slice %arg9[%scan3A_19, %dma_start3A_30] : memref<40x128xi32, #tpu.memory_space<vmem>> -> memref<1x128xi32, #tpu.memory_space<vmem>>
        %dma_start3A_32 = tpu.memref_squeeze %dma_start3A_31 : memref<1x128xi32, #tpu.memory_space<vmem>> -> memref<128xi32, #tpu.memory_space<vmem>>
        %dma_start3A_33 = arith.constant 0 : i32
        %dma_start3A_34 = arith.constant 0 : i32
        %dma_start3A_35 = tpu.memref_slice %arg11[%dma_start3A_33, %dma_start3A_34] : memref<10240x64xf32, #tpu.memory_space<vmem_shared>> -> memref<10240x64xf32, #tpu.memory_space<vmem_shared>>
        tpu.enqueue_indirect_dma source(%arg10 : memref<128x64xf32, #tpu.memory_space<vmem>>) target(%dma_start3A_35 : memref<10240x64xf32, #tpu.memory_space<vmem_shared>>) offsets(%dma_start3A_32 : memref<128xi32, #tpu.memory_space<vmem>>) semaphore(%run_scoped3A : memref<!tpu.dma_semaphore, #tpu.memory_space<semaphore_mem>>) {add = true}
        %dma_wait3A_36 = arith.constant 0 : i32
        %dma_wait3A_37 = tpu.memref_slice %arg9[%scan3A_19, %dma_wait3A_36] : memref<40x128xi32, #tpu.memory_space<vmem>> -> memref<1x128xi32, #tpu.memory_space<vmem>>
        %dma_wait3A_38 = tpu.memref_squeeze %dma_wait3A_37 : memref<1x128xi32, #tpu.memory_space<vmem>> -> memref<128xi32, #tpu.memory_space<vmem>>
        %dma_wait3A_39 = arith.constant 0 : i32
        %dma_wait3A_40 = arith.constant 0 : i32
        %dma_wait3A_41 = tpu.memref_slice %arg11[%dma_wait3A_39, %dma_wait3A_40] : memref<10240x64xf32, #tpu.memory_space<vmem_shared>> -> memref<10240x64xf32, #tpu.memory_space<vmem_shared>>
        tpu.wait_indirect_dma semaphore(%run_scoped3A : memref<!tpu.dma_semaphore, #tpu.memory_space<semaphore_mem>>) src(%arg10 : memref<128x64xf32, #tpu.memory_space<vmem>>) dst(%dma_wait3A_41 : memref<10240x64xf32, #tpu.memory_space<vmem_shared>>)
        tpu.yield
      }) : () -> ()
    }
    %scan3A_10 = arith.constant 40 : i32
    %barrier3A_11 = arith.constant 0 : index
    tpu.barrier barrier_id(%barrier3A_11)
    %eq3A = arith.constant 0 : i32
    %eq3A_12 = arith.cmpi eq, %arg0, %eq3A : i32
    %convert_element_type3A = arith.extui %eq3A_12 : i1 to i32
    %cond3A = arith.constant 0 : i32
    %cond3A_13 = arith.cmpi ne, %convert_element_type3A, %cond3A : i32
    scf.if %cond3A_13 {
      "tpu.region"() ({
        %run_scoped3A = tpu.sem_alloc : memref<!tpu.dma_semaphore, #tpu.memory_space<semaphore_mem>>
        %dma_start3A = arith.constant 0 : i32
        %dma_start3A_19 = tpu.memref_slice %arg6[%multiple_of3A, %dma_start3A] : memref<10240x64xf32, #tpu.memory_space<hbm>> -> memref<640x64xf32, #tpu.memory_space<hbm>>
        %dma_start3A_20 = arith.constant 0 : i32
        %dma_start3A_21 = tpu.memref_slice %arg11[%multiple_of3A, %dma_start3A_20] : memref<10240x64xf32, #tpu.memory_space<vmem_shared>> -> memref<640x64xf32, #tpu.memory_space<vmem_shared>>
        tpu.enqueue_dma source(%dma_start3A_21 : memref<640x64xf32, #tpu.memory_space<vmem_shared>>) target(%dma_start3A_19 : memref<640x64xf32, #tpu.memory_space<hbm>>) target_semaphore(%run_scoped3A : memref<!tpu.dma_semaphore, #tpu.memory_space<semaphore_mem>>)
        %dma_wait3A = arith.constant 0 : i32
        %dma_wait3A_22 = tpu.memref_slice %arg6[%multiple_of3A, %dma_wait3A] : memref<10240x64xf32, #tpu.memory_space<hbm>> -> memref<640x64xf32, #tpu.memory_space<hbm>>
        %dma_wait3A_23 = arith.constant 0 : i32
        %dma_wait3A_24 = tpu.memref_slice %arg11[%multiple_of3A, %dma_wait3A_23] : memref<10240x64xf32, #tpu.memory_space<vmem_shared>> -> memref<640x64xf32, #tpu.memory_space<vmem_shared>>
        tpu.wait_dma2 semaphore(%run_scoped3A : memref<!tpu.dma_semaphore, #tpu.memory_space<semaphore_mem>>) src(%dma_wait3A_24 : memref<640x64xf32, #tpu.memory_space<vmem_shared>>) dst(%dma_wait3A_22 : memref<640x64xf32, #tpu.memory_space<hbm>>)
        tpu.yield
      }) : () -> ()
    } else {
    }
    %eq3A_14 = arith.constant 1 : i32
    %eq3A_15 = arith.cmpi eq, %arg0, %eq3A_14 : i32
    %convert_element_type3A_16 = arith.extui %eq3A_15 : i1 to i32
    %cond3A_17 = arith.constant 0 : i32
    %cond3A_18 = arith.cmpi ne, %convert_element_type3A_16, %cond3A_17 : i32
    scf.if %cond3A_18 {
      "tpu.region"() ({
        %run_scoped3A = tpu.sem_alloc : memref<!tpu.dma_semaphore, #tpu.memory_space<semaphore_mem>>
        %dma_start3A = arith.constant 0 : i32
        %dma_start3A_19 = tpu.memref_slice %arg7[%multiple_of3A, %dma_start3A] : memref<10240x64xf32, #tpu.memory_space<hbm>> -> memref<640x64xf32, #tpu.memory_space<hbm>>
        %dma_start3A_20 = arith.constant 0 : i32
        %dma_start3A_21 = tpu.memref_slice %arg11[%multiple_of3A, %dma_start3A_20] : memref<10240x64xf32, #tpu.memory_space<vmem_shared>> -> memref<640x64xf32, #tpu.memory_space<vmem_shared>>
        tpu.enqueue_dma source(%dma_start3A_21 : memref<640x64xf32, #tpu.memory_space<vmem_shared>>) target(%dma_start3A_19 : memref<640x64xf32, #tpu.memory_space<hbm>>) target_semaphore(%run_scoped3A : memref<!tpu.dma_semaphore, #tpu.memory_space<semaphore_mem>>)
        %dma_wait3A = arith.constant 0 : i32
        %dma_wait3A_22 = tpu.memref_slice %arg7[%multiple_of3A, %dma_wait3A] : memref<10240x64xf32, #tpu.memory_space<hbm>> -> memref<640x64xf32, #tpu.memory_space<hbm>>
        %dma_wait3A_23 = arith.constant 0 : i32
        %dma_wait3A_24 = tpu.memref_slice %arg11[%multiple_of3A, %dma_wait3A_23] : memref<10240x64xf32, #tpu.memory_space<vmem_shared>> -> memref<640x64xf32, #tpu.memory_space<vmem_shared>>
        tpu.wait_dma2 semaphore(%run_scoped3A : memref<!tpu.dma_semaphore, #tpu.memory_space<semaphore_mem>>) src(%dma_wait3A_24 : memref<640x64xf32, #tpu.memory_space<vmem_shared>>) dst(%dma_wait3A_22 : memref<640x64xf32, #tpu.memory_space<hbm>>)
        tpu.yield
      }) : () -> ()
    } else {
    }
    return
  }
}

#map = affine_map<(d0, d1) -> (0, 0)>
module attributes {stable_mosaic.version = 14 : i64} {
  func.func @_sc_agg_body(%arg0: i32, %arg1: i32, %arg2: memref<10000x64xf32, #tpu.memory_space<hbm>>, %arg3: memref<1280x128xi32, #tpu.memory_space<hbm>>, %arg4: memref<1280x128xi32, #tpu.memory_space<hbm>>, %arg5: memref<10240x64xf32, #tpu.memory_space<hbm>>, %arg6: memref<10240x64xf32, #tpu.memory_space<hbm>>, %arg7: memref<10240x64xf32, #tpu.memory_space<hbm>>, %arg8: memref<40x128xi32, #tpu.memory_space<vmem>>, %arg9: memref<40x128xi32, #tpu.memory_space<vmem>>, %arg10: memref<128x64xf32, #tpu.memory_space<vmem>>, %arg11: memref<10240x64xf32, #tpu.memory_space<vmem_shared>>, %arg12: memref<!tpu.dma_semaphore, #tpu.memory_space<semaphore_mem>>) attributes {dimension_semantics = [#tpu.dimension_semantics<core_parallel>, #tpu.dimension_semantics<subcore_parallel>], iteration_bounds = array<i64: 2, 16>, scalar_prefetch = 0 : i64, scratch_operands = 5 : i64, tpu.core_type = #tpu.core_type<sc_vector_subcore>, window_params = [{transform_indices = #map}, {transform_indices = #map}, {transform_indices = #map}, {transform_indices = #map}, {transform_indices = #map}, {transform_indices = #map}]} {
    %mul3A = arith.constant 2 : i32
    %mul3A_0 = arith.muli %arg1, %mul3A : i32
    %add3A = arith.addi %mul3A_0, %arg0 : i32
    %mul3A_1 = arith.constant 640 : i32
    %mul3A_2 = arith.muli %arg1, %mul3A_1 : i32
    %multiple_of3A = tpu.assume_multiple %mul3A_2, 8 : i32
    "tpu.region"() ({
      %run_scoped3A = tpu.sem_alloc : memref<!tpu.dma_semaphore, #tpu.memory_space<semaphore_mem>>
      %dma_start3A = arith.constant 0 : i32
      %dma_start3A_19 = tpu.memref_slice %arg11[%multiple_of3A, %dma_start3A] : memref<10240x64xf32, #tpu.memory_space<vmem_shared>> -> memref<640x64xf32, #tpu.memory_space<vmem_shared>>
      %dma_start3A_20 = arith.constant 0 : i32
      %dma_start3A_21 = tpu.memref_slice %arg5[%multiple_of3A, %dma_start3A_20] : memref<10240x64xf32, #tpu.memory_space<hbm>> -> memref<640x64xf32, #tpu.memory_space<hbm>>
      tpu.enqueue_dma source(%dma_start3A_21 : memref<640x64xf32, #tpu.memory_space<hbm>>) target(%dma_start3A_19 : memref<640x64xf32, #tpu.memory_space<vmem_shared>>) target_semaphore(%run_scoped3A : memref<!tpu.dma_semaphore, #tpu.memory_space<semaphore_mem>>)
      %dma_wait3A = arith.constant 0 : i32
      %dma_wait3A_22 = tpu.memref_slice %arg11[%multiple_of3A, %dma_wait3A] : memref<10240x64xf32, #tpu.memory_space<vmem_shared>> -> memref<640x64xf32, #tpu.memory_space<vmem_shared>>
      %dma_wait3A_23 = arith.constant 0 : i32
      %dma_wait3A_24 = tpu.memref_slice %arg5[%multiple_of3A, %dma_wait3A_23] : memref<10240x64xf32, #tpu.memory_space<hbm>> -> memref<640x64xf32, #tpu.memory_space<hbm>>
      tpu.wait_dma2 semaphore(%run_scoped3A : memref<!tpu.dma_semaphore, #tpu.memory_space<semaphore_mem>>) src(%dma_wait3A_24 : memref<640x64xf32, #tpu.memory_space<hbm>>) dst(%dma_wait3A_22 : memref<640x64xf32, #tpu.memory_space<vmem_shared>>)
      tpu.yield
    }) : () -> ()
    %mul3A_3 = arith.constant 40 : i32
    %mul3A_4 = arith.muli %add3A, %mul3A_3 : i32
    %multiple_of3A_5 = tpu.assume_multiple %mul3A_4, 8 : i32
    "tpu.region"() ({
      %run_scoped3A = tpu.sem_alloc : memref<!tpu.dma_semaphore, #tpu.memory_space<semaphore_mem>>
      %dma_start3A = arith.constant 0 : i32
      %dma_start3A_19 = tpu.memref_slice %arg3[%multiple_of3A_5, %dma_start3A] : memref<1280x128xi32, #tpu.memory_space<hbm>> -> memref<40x128xi32, #tpu.memory_space<hbm>>
      %dma_start3A_20 = arith.constant 0 : i32
      %dma_start3A_21 = tpu.memref_slice %arg3[%multiple_of3A_5, %dma_start3A_20] : memref<1280x128xi32, #tpu.memory_space<hbm>> -> memref<40x128xi32, #tpu.memory_space<hbm>>
      tpu.enqueue_dma source(%dma_start3A_21 : memref<40x128xi32, #tpu.memory_space<hbm>>) target(%arg8 : memref<40x128xi32, #tpu.memory_space<vmem>>) target_semaphore(%run_scoped3A : memref<!tpu.dma_semaphore, #tpu.memory_space<semaphore_mem>>)
      %dma_wait3A = arith.constant 0 : i32
      %dma_wait3A_22 = tpu.memref_slice %arg3[%multiple_of3A_5, %dma_wait3A] : memref<1280x128xi32, #tpu.memory_space<hbm>> -> memref<40x128xi32, #tpu.memory_space<hbm>>
      %dma_wait3A_23 = arith.constant 0 : i32
      %dma_wait3A_24 = tpu.memref_slice %arg3[%multiple_of3A_5, %dma_wait3A_23] : memref<1280x128xi32, #tpu.memory_space<hbm>> -> memref<40x128xi32, #tpu.memory_space<hbm>>
      tpu.wait_dma2 semaphore(%run_scoped3A : memref<!tpu.dma_semaphore, #tpu.memory_space<semaphore_mem>>) src(%dma_wait3A_24 : memref<40x128xi32, #tpu.memory_space<hbm>>) dst(%arg8 : memref<40x128xi32, #tpu.memory_space<vmem>>)
      tpu.yield
    }) : () -> ()
    "tpu.region"() ({
      %run_scoped3A = tpu.sem_alloc : memref<!tpu.dma_semaphore, #tpu.memory_space<semaphore_mem>>
      %dma_start3A = arith.constant 0 : i32
      %dma_start3A_19 = tpu.memref_slice %arg4[%multiple_of3A_5, %dma_start3A] : memref<1280x128xi32, #tpu.memory_space<hbm>> -> memref<40x128xi32, #tpu.memory_space<hbm>>
      %dma_start3A_20 = arith.constant 0 : i32
      %dma_start3A_21 = tpu.memref_slice %arg4[%multiple_of3A_5, %dma_start3A_20] : memref<1280x128xi32, #tpu.memory_space<hbm>> -> memref<40x128xi32, #tpu.memory_space<hbm>>
      tpu.enqueue_dma source(%dma_start3A_21 : memref<40x128xi32, #tpu.memory_space<hbm>>) target(%arg9 : memref<40x128xi32, #tpu.memory_space<vmem>>) target_semaphore(%run_scoped3A : memref<!tpu.dma_semaphore, #tpu.memory_space<semaphore_mem>>)
      %dma_wait3A = arith.constant 0 : i32
      %dma_wait3A_22 = tpu.memref_slice %arg4[%multiple_of3A_5, %dma_wait3A] : memref<1280x128xi32, #tpu.memory_space<hbm>> -> memref<40x128xi32, #tpu.memory_space<hbm>>
      %dma_wait3A_23 = arith.constant 0 : i32
      %dma_wait3A_24 = tpu.memref_slice %arg4[%multiple_of3A_5, %dma_wait3A_23] : memref<1280x128xi32, #tpu.memory_space<hbm>> -> memref<40x128xi32, #tpu.memory_space<hbm>>
      tpu.wait_dma2 semaphore(%run_scoped3A : memref<!tpu.dma_semaphore, #tpu.memory_space<semaphore_mem>>) src(%dma_wait3A_24 : memref<40x128xi32, #tpu.memory_space<hbm>>) dst(%arg9 : memref<40x128xi32, #tpu.memory_space<vmem>>)
      tpu.yield
    }) : () -> ()
    %barrier3A = arith.constant 0 : index
    tpu.barrier barrier_id(%barrier3A)
    %scan3A = arith.constant 0 : i32
    %scan3A_6 = arith.constant 0 : i32
    %scan3A_7 = arith.constant 40 : i32
    %scan3A_8 = arith.addi %scan3A_6, %scan3A_7 : i32
    %scan3A_9 = arith.constant 1 : i32
    scf.for %scan3A_19 = %scan3A_6 to %scan3A_8 step %scan3A_9  : i32 {
      %dma_start3A = arith.constant 0 : i32
      %dma_start3A_20 = tpu.memref_slice %arg8[%scan3A_19, %dma_start3A] : memref<40x128xi32, #tpu.memory_space<vmem>> -> memref<1x128xi32, #tpu.memory_space<vmem>>
      %dma_start3A_21 = tpu.memref_squeeze %dma_start3A_20 : memref<1x128xi32, #tpu.memory_space<vmem>> -> memref<128xi32, #tpu.memory_space<vmem>>
      %dma_start3A_22 = arith.constant 0 : i32
      %dma_start3A_23 = arith.constant 0 : i32
      %dma_start3A_24 = tpu.memref_slice %arg2[%dma_start3A_22, %dma_start3A_23] : memref<10000x64xf32, #tpu.memory_space<hbm>> -> memref<10000x64xf32, #tpu.memory_space<hbm>>
      tpu.enqueue_indirect_dma source(%dma_start3A_24 : memref<10000x64xf32, #tpu.memory_space<hbm>>) target(%arg10 : memref<128x64xf32, #tpu.memory_space<vmem>>) offsets(%dma_start3A_21 : memref<128xi32, #tpu.memory_space<vmem>>) semaphore(%arg12 : memref<!tpu.dma_semaphore, #tpu.memory_space<semaphore_mem>>)
      %dma_wait3A = arith.constant 0 : i32
      %dma_wait3A_25 = tpu.memref_slice %arg8[%scan3A_19, %dma_wait3A] : memref<40x128xi32, #tpu.memory_space<vmem>> -> memref<1x128xi32, #tpu.memory_space<vmem>>
      %dma_wait3A_26 = tpu.memref_squeeze %dma_wait3A_25 : memref<1x128xi32, #tpu.memory_space<vmem>> -> memref<128xi32, #tpu.memory_space<vmem>>
      %dma_wait3A_27 = arith.constant 0 : i32
      %dma_wait3A_28 = arith.constant 0 : i32
      %dma_wait3A_29 = tpu.memref_slice %arg2[%dma_wait3A_27, %dma_wait3A_28] : memref<10000x64xf32, #tpu.memory_space<hbm>> -> memref<10000x64xf32, #tpu.memory_space<hbm>>
      tpu.wait_indirect_dma semaphore(%arg12 : memref<!tpu.dma_semaphore, #tpu.memory_space<semaphore_mem>>) src(%dma_wait3A_29 : memref<10000x64xf32, #tpu.memory_space<hbm>>) dst(%arg10 : memref<128x64xf32, #tpu.memory_space<vmem>>)
      "tpu.region"() ({
        %run_scoped3A = tpu.sem_alloc : memref<!tpu.dma_semaphore, #tpu.memory_space<semaphore_mem>>
        %dma_start3A_30 = arith.constant 0 : i32
        %dma_start3A_31 = tpu.memref_slice %arg9[%scan3A_19, %dma_start3A_30] : memref<40x128xi32, #tpu.memory_space<vmem>> -> memref<1x128xi32, #tpu.memory_space<vmem>>
        %dma_start3A_32 = tpu.memref_squeeze %dma_start3A_31 : memref<1x128xi32, #tpu.memory_space<vmem>> -> memref<128xi32, #tpu.memory_space<vmem>>
        %dma_start3A_33 = arith.constant 0 : i32
        %dma_start3A_34 = arith.constant 0 : i32
        %dma_start3A_35 = tpu.memref_slice %arg11[%dma_start3A_33, %dma_start3A_34] : memref<10240x64xf32, #tpu.memory_space<vmem_shared>> -> memref<10240x64xf32, #tpu.memory_space<vmem_shared>>
        tpu.enqueue_indirect_dma source(%arg10 : memref<128x64xf32, #tpu.memory_space<vmem>>) target(%dma_start3A_35 : memref<10240x64xf32, #tpu.memory_space<vmem_shared>>) offsets(%dma_start3A_32 : memref<128xi32, #tpu.memory_space<vmem>>) semaphore(%run_scoped3A : memref<!tpu.dma_semaphore, #tpu.memory_space<semaphore_mem>>) {add = true}
        %dma_wait3A_36 = arith.constant 0 : i32
        %dma_wait3A_37 = tpu.memref_slice %arg9[%scan3A_19, %dma_wait3A_36] : memref<40x128xi32, #tpu.memory_space<vmem>> -> memref<1x128xi32, #tpu.memory_space<vmem>>
        %dma_wait3A_38 = tpu.memref_squeeze %dma_wait3A_37 : memref<1x128xi32, #tpu.memory_space<vmem>> -> memref<128xi32, #tpu.memory_space<vmem>>
        %dma_wait3A_39 = arith.constant 0 : i32
        %dma_wait3A_40 = arith.constant 0 : i32
        %dma_wait3A_41 = tpu.memref_slice %arg11[%dma_wait3A_39, %dma_wait3A_40] : memref<10240x64xf32, #tpu.memory_space<vmem_shared>> -> memref<10240x64xf32, #tpu.memory_space<vmem_shared>>
        tpu.wait_indirect_dma semaphore(%run_scoped3A : memref<!tpu.dma_semaphore, #tpu.memory_space<semaphore_mem>>) src(%arg10 : memref<128x64xf32, #tpu.memory_space<vmem>>) dst(%dma_wait3A_41 : memref<10240x64xf32, #tpu.memory_space<vmem_shared>>)
        tpu.yield
      }) : () -> ()
    }
    %scan3A_10 = arith.constant 40 : i32
    %barrier3A_11 = arith.constant 0 : index
    tpu.barrier barrier_id(%barrier3A_11)
    %eq3A = arith.constant 0 : i32
    %eq3A_12 = arith.cmpi eq, %arg0, %eq3A : i32
    %convert_element_type3A = arith.extui %eq3A_12 : i1 to i32
    %cond3A = arith.constant 0 : i32
    %cond3A_13 = arith.cmpi ne, %convert_element_type3A, %cond3A : i32
    scf.if %cond3A_13 {
      "tpu.region"() ({
        %run_scoped3A = tpu.sem_alloc : memref<!tpu.dma_semaphore, #tpu.memory_space<semaphore_mem>>
        %dma_start3A = arith.constant 0 : i32
        %dma_start3A_19 = tpu.memref_slice %arg6[%multiple_of3A, %dma_start3A] : memref<10240x64xf32, #tpu.memory_space<hbm>> -> memref<640x64xf32, #tpu.memory_space<hbm>>
        %dma_start3A_20 = arith.constant 0 : i32
        %dma_start3A_21 = tpu.memref_slice %arg11[%multiple_of3A, %dma_start3A_20] : memref<10240x64xf32, #tpu.memory_space<vmem_shared>> -> memref<640x64xf32, #tpu.memory_space<vmem_shared>>
        tpu.enqueue_dma source(%dma_start3A_21 : memref<640x64xf32, #tpu.memory_space<vmem_shared>>) target(%dma_start3A_19 : memref<640x64xf32, #tpu.memory_space<hbm>>) target_semaphore(%run_scoped3A : memref<!tpu.dma_semaphore, #tpu.memory_space<semaphore_mem>>)
        %dma_wait3A = arith.constant 0 : i32
        %dma_wait3A_22 = tpu.memref_slice %arg6[%multiple_of3A, %dma_wait3A] : memref<10240x64xf32, #tpu.memory_space<hbm>> -> memref<640x64xf32, #tpu.memory_space<hbm>>
        %dma_wait3A_23 = arith.constant 0 : i32
        %dma_wait3A_24 = tpu.memref_slice %arg11[%multiple_of3A, %dma_wait3A_23] : memref<10240x64xf32, #tpu.memory_space<vmem_shared>> -> memref<640x64xf32, #tpu.memory_space<vmem_shared>>
        tpu.wait_dma2 semaphore(%run_scoped3A : memref<!tpu.dma_semaphore, #tpu.memory_space<semaphore_mem>>) src(%dma_wait3A_24 : memref<640x64xf32, #tpu.memory_space<vmem_shared>>) dst(%dma_wait3A_22 : memref<640x64xf32, #tpu.memory_space<hbm>>)
        tpu.yield
      }) : () -> ()
    } else {
    }
    %eq3A_14 = arith.constant 1 : i32
    %eq3A_15 = arith.cmpi eq, %arg0, %eq3A_14 : i32
    %convert_element_type3A_16 = arith.extui %eq3A_15 : i1 to i32
    %cond3A_17 = arith.constant 0 : i32
    %cond3A_18 = arith.cmpi ne, %convert_element_type3A_16, %cond3A_17 : i32
    scf.if %cond3A_18 {
      "tpu.region"() ({
        %run_scoped3A = tpu.sem_alloc : memref<!tpu.dma_semaphore, #tpu.memory_space<semaphore_mem>>
        %dma_start3A = arith.constant 0 : i32
        %dma_start3A_19 = tpu.memref_slice %arg7[%multiple_of3A, %dma_start3A] : memref<10240x64xf32, #tpu.memory_space<hbm>> -> memref<640x64xf32, #tpu.memory_space<hbm>>
        %dma_start3A_20 = arith.constant 0 : i32
        %dma_start3A_21 = tpu.memref_slice %arg11[%multiple_of3A, %dma_start3A_20] : memref<10240x64xf32, #tpu.memory_space<vmem_shared>> -> memref<640x64xf32, #tpu.memory_space<vmem_shared>>
        tpu.enqueue_dma source(%dma_start3A_21 : memref<640x64xf32, #tpu.memory_space<vmem_shared>>) target(%dma_start3A_19 : memref<640x64xf32, #tpu.memory_space<hbm>>) target_semaphore(%run_scoped3A : memref<!tpu.dma_semaphore, #tpu.memory_space<semaphore_mem>>)
        %dma_wait3A = arith.constant 0 : i32
        %dma_wait3A_22 = tpu.memref_slice %arg7[%multiple_of3A, %dma_wait3A] : memref<10240x64xf32, #tpu.memory_space<hbm>> -> memref<640x64xf32, #tpu.memory_space<hbm>>
        %dma_wait3A_23 = arith.constant 0 : i32
        %dma_wait3A_24 = tpu.memref_slice %arg11[%multiple_of3A, %dma_wait3A_23] : memref<10240x64xf32, #tpu.memory_space<vmem_shared>> -> memref<640x64xf32, #tpu.memory_space<vmem_shared>>
        tpu.wait_dma2 semaphore(%run_scoped3A : memref<!tpu.dma_semaphore, #tpu.memory_space<semaphore_mem>>) src(%dma_wait3A_24 : memref<640x64xf32, #tpu.memory_space<vmem_shared>>) dst(%dma_wait3A_22 : memref<640x64xf32, #tpu.memory_space<hbm>>)
        tpu.yield
      }) : () -> ()
    } else {
    }
    return
  }
}

#map = affine_map<(d0, d1) -> (0, 0)>
module attributes {stable_mosaic.version = 14 : i64} {
  func.func @_sc_agg_body(%arg0: i32, %arg1: i32, %arg2: memref<10000x64xf32, #tpu.memory_space<hbm>>, %arg3: memref<1280x128xi32, #tpu.memory_space<hbm>>, %arg4: memref<1280x128xi32, #tpu.memory_space<hbm>>, %arg5: memref<10240x64xf32, #tpu.memory_space<hbm>>, %arg6: memref<10240x64xf32, #tpu.memory_space<hbm>>, %arg7: memref<10240x64xf32, #tpu.memory_space<hbm>>, %arg8: memref<40x128xi32, #tpu.memory_space<vmem>>, %arg9: memref<40x128xi32, #tpu.memory_space<vmem>>, %arg10: memref<128x64xf32, #tpu.memory_space<vmem>>, %arg11: memref<10240x64xf32, #tpu.memory_space<vmem_shared>>, %arg12: memref<!tpu.dma_semaphore, #tpu.memory_space<semaphore_mem>>) attributes {dimension_semantics = [#tpu.dimension_semantics<core_parallel>, #tpu.dimension_semantics<subcore_parallel>], iteration_bounds = array<i64: 2, 16>, scalar_prefetch = 0 : i64, scratch_operands = 5 : i64, tpu.core_type = #tpu.core_type<sc_vector_subcore>, window_params = [{transform_indices = #map}, {transform_indices = #map}, {transform_indices = #map}, {transform_indices = #map}, {transform_indices = #map}, {transform_indices = #map}]} {
    %mul3A = arith.constant 2 : i32
    %mul3A_0 = arith.muli %arg1, %mul3A : i32
    %add3A = arith.addi %mul3A_0, %arg0 : i32
    %mul3A_1 = arith.constant 640 : i32
    %mul3A_2 = arith.muli %arg1, %mul3A_1 : i32
    %multiple_of3A = tpu.assume_multiple %mul3A_2, 8 : i32
    "tpu.region"() ({
      %run_scoped3A = tpu.sem_alloc : memref<!tpu.dma_semaphore, #tpu.memory_space<semaphore_mem>>
      %dma_start3A = arith.constant 0 : i32
      %dma_start3A_19 = tpu.memref_slice %arg11[%multiple_of3A, %dma_start3A] : memref<10240x64xf32, #tpu.memory_space<vmem_shared>> -> memref<640x64xf32, #tpu.memory_space<vmem_shared>>
      %dma_start3A_20 = arith.constant 0 : i32
      %dma_start3A_21 = tpu.memref_slice %arg5[%multiple_of3A, %dma_start3A_20] : memref<10240x64xf32, #tpu.memory_space<hbm>> -> memref<640x64xf32, #tpu.memory_space<hbm>>
      tpu.enqueue_dma source(%dma_start3A_21 : memref<640x64xf32, #tpu.memory_space<hbm>>) target(%dma_start3A_19 : memref<640x64xf32, #tpu.memory_space<vmem_shared>>) target_semaphore(%run_scoped3A : memref<!tpu.dma_semaphore, #tpu.memory_space<semaphore_mem>>)
      %dma_wait3A = arith.constant 0 : i32
      %dma_wait3A_22 = tpu.memref_slice %arg11[%multiple_of3A, %dma_wait3A] : memref<10240x64xf32, #tpu.memory_space<vmem_shared>> -> memref<640x64xf32, #tpu.memory_space<vmem_shared>>
      %dma_wait3A_23 = arith.constant 0 : i32
      %dma_wait3A_24 = tpu.memref_slice %arg5[%multiple_of3A, %dma_wait3A_23] : memref<10240x64xf32, #tpu.memory_space<hbm>> -> memref<640x64xf32, #tpu.memory_space<hbm>>
      tpu.wait_dma2 semaphore(%run_scoped3A : memref<!tpu.dma_semaphore, #tpu.memory_space<semaphore_mem>>) src(%dma_wait3A_24 : memref<640x64xf32, #tpu.memory_space<hbm>>) dst(%dma_wait3A_22 : memref<640x64xf32, #tpu.memory_space<vmem_shared>>)
      tpu.yield
    }) : () -> ()
    %mul3A_3 = arith.constant 40 : i32
    %mul3A_4 = arith.muli %add3A, %mul3A_3 : i32
    %multiple_of3A_5 = tpu.assume_multiple %mul3A_4, 8 : i32
    "tpu.region"() ({
      %run_scoped3A = tpu.sem_alloc : memref<!tpu.dma_semaphore, #tpu.memory_space<semaphore_mem>>
      %dma_start3A = arith.constant 0 : i32
      %dma_start3A_19 = tpu.memref_slice %arg3[%multiple_of3A_5, %dma_start3A] : memref<1280x128xi32, #tpu.memory_space<hbm>> -> memref<40x128xi32, #tpu.memory_space<hbm>>
      %dma_start3A_20 = arith.constant 0 : i32
      %dma_start3A_21 = tpu.memref_slice %arg3[%multiple_of3A_5, %dma_start3A_20] : memref<1280x128xi32, #tpu.memory_space<hbm>> -> memref<40x128xi32, #tpu.memory_space<hbm>>
      tpu.enqueue_dma source(%dma_start3A_21 : memref<40x128xi32, #tpu.memory_space<hbm>>) target(%arg8 : memref<40x128xi32, #tpu.memory_space<vmem>>) target_semaphore(%run_scoped3A : memref<!tpu.dma_semaphore, #tpu.memory_space<semaphore_mem>>)
      %dma_wait3A = arith.constant 0 : i32
      %dma_wait3A_22 = tpu.memref_slice %arg3[%multiple_of3A_5, %dma_wait3A] : memref<1280x128xi32, #tpu.memory_space<hbm>> -> memref<40x128xi32, #tpu.memory_space<hbm>>
      %dma_wait3A_23 = arith.constant 0 : i32
      %dma_wait3A_24 = tpu.memref_slice %arg3[%multiple_of3A_5, %dma_wait3A_23] : memref<1280x128xi32, #tpu.memory_space<hbm>> -> memref<40x128xi32, #tpu.memory_space<hbm>>
      tpu.wait_dma2 semaphore(%run_scoped3A : memref<!tpu.dma_semaphore, #tpu.memory_space<semaphore_mem>>) src(%dma_wait3A_24 : memref<40x128xi32, #tpu.memory_space<hbm>>) dst(%arg8 : memref<40x128xi32, #tpu.memory_space<vmem>>)
      tpu.yield
    }) : () -> ()
    "tpu.region"() ({
      %run_scoped3A = tpu.sem_alloc : memref<!tpu.dma_semaphore, #tpu.memory_space<semaphore_mem>>
      %dma_start3A = arith.constant 0 : i32
      %dma_start3A_19 = tpu.memref_slice %arg4[%multiple_of3A_5, %dma_start3A] : memref<1280x128xi32, #tpu.memory_space<hbm>> -> memref<40x128xi32, #tpu.memory_space<hbm>>
      %dma_start3A_20 = arith.constant 0 : i32
      %dma_start3A_21 = tpu.memref_slice %arg4[%multiple_of3A_5, %dma_start3A_20] : memref<1280x128xi32, #tpu.memory_space<hbm>> -> memref<40x128xi32, #tpu.memory_space<hbm>>
      tpu.enqueue_dma source(%dma_start3A_21 : memref<40x128xi32, #tpu.memory_space<hbm>>) target(%arg9 : memref<40x128xi32, #tpu.memory_space<vmem>>) target_semaphore(%run_scoped3A : memref<!tpu.dma_semaphore, #tpu.memory_space<semaphore_mem>>)
      %dma_wait3A = arith.constant 0 : i32
      %dma_wait3A_22 = tpu.memref_slice %arg4[%multiple_of3A_5, %dma_wait3A] : memref<1280x128xi32, #tpu.memory_space<hbm>> -> memref<40x128xi32, #tpu.memory_space<hbm>>
      %dma_wait3A_23 = arith.constant 0 : i32
      %dma_wait3A_24 = tpu.memref_slice %arg4[%multiple_of3A_5, %dma_wait3A_23] : memref<1280x128xi32, #tpu.memory_space<hbm>> -> memref<40x128xi32, #tpu.memory_space<hbm>>
      tpu.wait_dma2 semaphore(%run_scoped3A : memref<!tpu.dma_semaphore, #tpu.memory_space<semaphore_mem>>) src(%dma_wait3A_24 : memref<40x128xi32, #tpu.memory_space<hbm>>) dst(%arg9 : memref<40x128xi32, #tpu.memory_space<vmem>>)
      tpu.yield
    }) : () -> ()
    %barrier3A = arith.constant 0 : index
    tpu.barrier barrier_id(%barrier3A)
    %scan3A = arith.constant 0 : i32
    %scan3A_6 = arith.constant 0 : i32
    %scan3A_7 = arith.constant 40 : i32
    %scan3A_8 = arith.addi %scan3A_6, %scan3A_7 : i32
    %scan3A_9 = arith.constant 1 : i32
    scf.for %scan3A_19 = %scan3A_6 to %scan3A_8 step %scan3A_9  : i32 {
      %dma_start3A = arith.constant 0 : i32
      %dma_start3A_20 = tpu.memref_slice %arg8[%scan3A_19, %dma_start3A] : memref<40x128xi32, #tpu.memory_space<vmem>> -> memref<1x128xi32, #tpu.memory_space<vmem>>
      %dma_start3A_21 = tpu.memref_squeeze %dma_start3A_20 : memref<1x128xi32, #tpu.memory_space<vmem>> -> memref<128xi32, #tpu.memory_space<vmem>>
      %dma_start3A_22 = arith.constant 0 : i32
      %dma_start3A_23 = arith.constant 0 : i32
      %dma_start3A_24 = tpu.memref_slice %arg2[%dma_start3A_22, %dma_start3A_23] : memref<10000x64xf32, #tpu.memory_space<hbm>> -> memref<10000x64xf32, #tpu.memory_space<hbm>>
      tpu.enqueue_indirect_dma source(%dma_start3A_24 : memref<10000x64xf32, #tpu.memory_space<hbm>>) target(%arg10 : memref<128x64xf32, #tpu.memory_space<vmem>>) offsets(%dma_start3A_21 : memref<128xi32, #tpu.memory_space<vmem>>) semaphore(%arg12 : memref<!tpu.dma_semaphore, #tpu.memory_space<semaphore_mem>>)
      %dma_wait3A = arith.constant 0 : i32
      %dma_wait3A_25 = tpu.memref_slice %arg8[%scan3A_19, %dma_wait3A] : memref<40x128xi32, #tpu.memory_space<vmem>> -> memref<1x128xi32, #tpu.memory_space<vmem>>
      %dma_wait3A_26 = tpu.memref_squeeze %dma_wait3A_25 : memref<1x128xi32, #tpu.memory_space<vmem>> -> memref<128xi32, #tpu.memory_space<vmem>>
      %dma_wait3A_27 = arith.constant 0 : i32
      %dma_wait3A_28 = arith.constant 0 : i32
      %dma_wait3A_29 = tpu.memref_slice %arg2[%dma_wait3A_27, %dma_wait3A_28] : memref<10000x64xf32, #tpu.memory_space<hbm>> -> memref<10000x64xf32, #tpu.memory_space<hbm>>
      tpu.wait_indirect_dma semaphore(%arg12 : memref<!tpu.dma_semaphore, #tpu.memory_space<semaphore_mem>>) src(%dma_wait3A_29 : memref<10000x64xf32, #tpu.memory_space<hbm>>) dst(%arg10 : memref<128x64xf32, #tpu.memory_space<vmem>>)
      "tpu.region"() ({
        %run_scoped3A = tpu.sem_alloc : memref<!tpu.dma_semaphore, #tpu.memory_space<semaphore_mem>>
        %dma_start3A_30 = arith.constant 0 : i32
        %dma_start3A_31 = tpu.memref_slice %arg9[%scan3A_19, %dma_start3A_30] : memref<40x128xi32, #tpu.memory_space<vmem>> -> memref<1x128xi32, #tpu.memory_space<vmem>>
        %dma_start3A_32 = tpu.memref_squeeze %dma_start3A_31 : memref<1x128xi32, #tpu.memory_space<vmem>> -> memref<128xi32, #tpu.memory_space<vmem>>
        %dma_start3A_33 = arith.constant 0 : i32
        %dma_start3A_34 = arith.constant 0 : i32
        %dma_start3A_35 = tpu.memref_slice %arg11[%dma_start3A_33, %dma_start3A_34] : memref<10240x64xf32, #tpu.memory_space<vmem_shared>> -> memref<10240x64xf32, #tpu.memory_space<vmem_shared>>
        tpu.enqueue_indirect_dma source(%arg10 : memref<128x64xf32, #tpu.memory_space<vmem>>) target(%dma_start3A_35 : memref<10240x64xf32, #tpu.memory_space<vmem_shared>>) offsets(%dma_start3A_32 : memref<128xi32, #tpu.memory_space<vmem>>) semaphore(%run_scoped3A : memref<!tpu.dma_semaphore, #tpu.memory_space<semaphore_mem>>) {add = true}
        %dma_wait3A_36 = arith.constant 0 : i32
        %dma_wait3A_37 = tpu.memref_slice %arg9[%scan3A_19, %dma_wait3A_36] : memref<40x128xi32, #tpu.memory_space<vmem>> -> memref<1x128xi32, #tpu.memory_space<vmem>>
        %dma_wait3A_38 = tpu.memref_squeeze %dma_wait3A_37 : memref<1x128xi32, #tpu.memory_space<vmem>> -> memref<128xi32, #tpu.memory_space<vmem>>
        %dma_wait3A_39 = arith.constant 0 : i32
        %dma_wait3A_40 = arith.constant 0 : i32
        %dma_wait3A_41 = tpu.memref_slice %arg11[%dma_wait3A_39, %dma_wait3A_40] : memref<10240x64xf32, #tpu.memory_space<vmem_shared>> -> memref<10240x64xf32, #tpu.memory_space<vmem_shared>>
        tpu.wait_indirect_dma semaphore(%run_scoped3A : memref<!tpu.dma_semaphore, #tpu.memory_space<semaphore_mem>>) src(%arg10 : memref<128x64xf32, #tpu.memory_space<vmem>>) dst(%dma_wait3A_41 : memref<10240x64xf32, #tpu.memory_space<vmem_shared>>)
        tpu.yield
      }) : () -> ()
    }
    %scan3A_10 = arith.constant 40 : i32
    %barrier3A_11 = arith.constant 0 : index
    tpu.barrier barrier_id(%barrier3A_11)
    %eq3A = arith.constant 0 : i32
    %eq3A_12 = arith.cmpi eq, %arg0, %eq3A : i32
    %convert_element_type3A = arith.extui %eq3A_12 : i1 to i32
    %cond3A = arith.constant 0 : i32
    %cond3A_13 = arith.cmpi ne, %convert_element_type3A, %cond3A : i32
    scf.if %cond3A_13 {
      "tpu.region"() ({
        %run_scoped3A = tpu.sem_alloc : memref<!tpu.dma_semaphore, #tpu.memory_space<semaphore_mem>>
        %dma_start3A = arith.constant 0 : i32
        %dma_start3A_19 = tpu.memref_slice %arg6[%multiple_of3A, %dma_start3A] : memref<10240x64xf32, #tpu.memory_space<hbm>> -> memref<640x64xf32, #tpu.memory_space<hbm>>
        %dma_start3A_20 = arith.constant 0 : i32
        %dma_start3A_21 = tpu.memref_slice %arg11[%multiple_of3A, %dma_start3A_20] : memref<10240x64xf32, #tpu.memory_space<vmem_shared>> -> memref<640x64xf32, #tpu.memory_space<vmem_shared>>
        tpu.enqueue_dma source(%dma_start3A_21 : memref<640x64xf32, #tpu.memory_space<vmem_shared>>) target(%dma_start3A_19 : memref<640x64xf32, #tpu.memory_space<hbm>>) target_semaphore(%run_scoped3A : memref<!tpu.dma_semaphore, #tpu.memory_space<semaphore_mem>>)
        %dma_wait3A = arith.constant 0 : i32
        %dma_wait3A_22 = tpu.memref_slice %arg6[%multiple_of3A, %dma_wait3A] : memref<10240x64xf32, #tpu.memory_space<hbm>> -> memref<640x64xf32, #tpu.memory_space<hbm>>
        %dma_wait3A_23 = arith.constant 0 : i32
        %dma_wait3A_24 = tpu.memref_slice %arg11[%multiple_of3A, %dma_wait3A_23] : memref<10240x64xf32, #tpu.memory_space<vmem_shared>> -> memref<640x64xf32, #tpu.memory_space<vmem_shared>>
        tpu.wait_dma2 semaphore(%run_scoped3A : memref<!tpu.dma_semaphore, #tpu.memory_space<semaphore_mem>>) src(%dma_wait3A_24 : memref<640x64xf32, #tpu.memory_space<vmem_shared>>) dst(%dma_wait3A_22 : memref<640x64xf32, #tpu.memory_space<hbm>>)
        tpu.yield
      }) : () -> ()
    } else {
    }
    %eq3A_14 = arith.constant 1 : i32
    %eq3A_15 = arith.cmpi eq, %arg0, %eq3A_14 : i32
    %convert_element_type3A_16 = arith.extui %eq3A_15 : i1 to i32
    %cond3A_17 = arith.constant 0 : i32
    %cond3A_18 = arith.cmpi ne, %convert_element_type3A_16, %cond3A_17 : i32
    scf.if %cond3A_18 {
      "tpu.region"() ({
        %run_scoped3A = tpu.sem_alloc : memref<!tpu.dma_semaphore, #tpu.memory_space<semaphore_mem>>
        %dma_start3A = arith.constant 0 : i32
        %dma_start3A_19 = tpu.memref_slice %arg7[%multiple_of3A, %dma_start3A] : memref<10240x64xf32, #tpu.memory_space<hbm>> -> memref<640x64xf32, #tpu.memory_space<hbm>>
        %dma_start3A_20 = arith.constant 0 : i32
        %dma_start3A_21 = tpu.memref_slice %arg11[%multiple_of3A, %dma_start3A_20] : memref<10240x64xf32, #tpu.memory_space<vmem_shared>> -> memref<640x64xf32, #tpu.memory_space<vmem_shared>>
        tpu.enqueue_dma source(%dma_start3A_21 : memref<640x64xf32, #tpu.memory_space<vmem_shared>>) target(%dma_start3A_19 : memref<640x64xf32, #tpu.memory_space<hbm>>) target_semaphore(%run_scoped3A : memref<!tpu.dma_semaphore, #tpu.memory_space<semaphore_mem>>)
        %dma_wait3A = arith.constant 0 : i32
        %dma_wait3A_22 = tpu.memref_slice %arg7[%multiple_of3A, %dma_wait3A] : memref<10240x64xf32, #tpu.memory_space<hbm>> -> memref<640x64xf32, #tpu.memory_space<hbm>>
        %dma_wait3A_23 = arith.constant 0 : i32
        %dma_wait3A_24 = tpu.memref_slice %arg11[%multiple_of3A, %dma_wait3A_23] : memref<10240x64xf32, #tpu.memory_space<vmem_shared>> -> memref<640x64xf32, #tpu.memory_space<vmem_shared>>
        tpu.wait_dma2 semaphore(%run_scoped3A : memref<!tpu.dma_semaphore, #tpu.memory_space<semaphore_mem>>) src(%dma_wait3A_24 : memref<640x64xf32, #tpu.memory_space<vmem_shared>>) dst(%dma_wait3A_22 : memref<640x64xf32, #tpu.memory_space<hbm>>)
        tpu.yield
      }) : () -> ()
    } else {
    }
    return
  }
}

#map = affine_map<(d0, d1) -> (0, 0)>
module attributes {stable_mosaic.version = 14 : i64} {
  func.func @_sc_agg_body(%arg0: i32, %arg1: i32, %arg2: memref<10000x64xf32, #tpu.memory_space<hbm>>, %arg3: memref<1280x128xi32, #tpu.memory_space<hbm>>, %arg4: memref<1280x128xi32, #tpu.memory_space<hbm>>, %arg5: memref<10240x64xf32, #tpu.memory_space<hbm>>, %arg6: memref<10240x64xf32, #tpu.memory_space<hbm>>, %arg7: memref<10240x64xf32, #tpu.memory_space<hbm>>, %arg8: memref<40x128xi32, #tpu.memory_space<vmem>>, %arg9: memref<40x128xi32, #tpu.memory_space<vmem>>, %arg10: memref<128x64xf32, #tpu.memory_space<vmem>>, %arg11: memref<10240x64xf32, #tpu.memory_space<vmem_shared>>, %arg12: memref<!tpu.dma_semaphore, #tpu.memory_space<semaphore_mem>>) attributes {dimension_semantics = [#tpu.dimension_semantics<core_parallel>, #tpu.dimension_semantics<subcore_parallel>], iteration_bounds = array<i64: 2, 16>, scalar_prefetch = 0 : i64, scratch_operands = 5 : i64, tpu.core_type = #tpu.core_type<sc_vector_subcore>, window_params = [{transform_indices = #map}, {transform_indices = #map}, {transform_indices = #map}, {transform_indices = #map}, {transform_indices = #map}, {transform_indices = #map}]} {
    %mul3A = arith.constant 2 : i32
    %mul3A_0 = arith.muli %arg1, %mul3A : i32
    %add3A = arith.addi %mul3A_0, %arg0 : i32
    %mul3A_1 = arith.constant 640 : i32
    %mul3A_2 = arith.muli %arg1, %mul3A_1 : i32
    %multiple_of3A = tpu.assume_multiple %mul3A_2, 8 : i32
    "tpu.region"() ({
      %run_scoped3A = tpu.sem_alloc : memref<!tpu.dma_semaphore, #tpu.memory_space<semaphore_mem>>
      %dma_start3A = arith.constant 0 : i32
      %dma_start3A_19 = tpu.memref_slice %arg11[%multiple_of3A, %dma_start3A] : memref<10240x64xf32, #tpu.memory_space<vmem_shared>> -> memref<640x64xf32, #tpu.memory_space<vmem_shared>>
      %dma_start3A_20 = arith.constant 0 : i32
      %dma_start3A_21 = tpu.memref_slice %arg5[%multiple_of3A, %dma_start3A_20] : memref<10240x64xf32, #tpu.memory_space<hbm>> -> memref<640x64xf32, #tpu.memory_space<hbm>>
      tpu.enqueue_dma source(%dma_start3A_21 : memref<640x64xf32, #tpu.memory_space<hbm>>) target(%dma_start3A_19 : memref<640x64xf32, #tpu.memory_space<vmem_shared>>) target_semaphore(%run_scoped3A : memref<!tpu.dma_semaphore, #tpu.memory_space<semaphore_mem>>)
      %dma_wait3A = arith.constant 0 : i32
      %dma_wait3A_22 = tpu.memref_slice %arg11[%multiple_of3A, %dma_wait3A] : memref<10240x64xf32, #tpu.memory_space<vmem_shared>> -> memref<640x64xf32, #tpu.memory_space<vmem_shared>>
      %dma_wait3A_23 = arith.constant 0 : i32
      %dma_wait3A_24 = tpu.memref_slice %arg5[%multiple_of3A, %dma_wait3A_23] : memref<10240x64xf32, #tpu.memory_space<hbm>> -> memref<640x64xf32, #tpu.memory_space<hbm>>
      tpu.wait_dma2 semaphore(%run_scoped3A : memref<!tpu.dma_semaphore, #tpu.memory_space<semaphore_mem>>) src(%dma_wait3A_24 : memref<640x64xf32, #tpu.memory_space<hbm>>) dst(%dma_wait3A_22 : memref<640x64xf32, #tpu.memory_space<vmem_shared>>)
      tpu.yield
    }) : () -> ()
    %mul3A_3 = arith.constant 40 : i32
    %mul3A_4 = arith.muli %add3A, %mul3A_3 : i32
    %multiple_of3A_5 = tpu.assume_multiple %mul3A_4, 8 : i32
    "tpu.region"() ({
      %run_scoped3A = tpu.sem_alloc : memref<!tpu.dma_semaphore, #tpu.memory_space<semaphore_mem>>
      %dma_start3A = arith.constant 0 : i32
      %dma_start3A_19 = tpu.memref_slice %arg3[%multiple_of3A_5, %dma_start3A] : memref<1280x128xi32, #tpu.memory_space<hbm>> -> memref<40x128xi32, #tpu.memory_space<hbm>>
      %dma_start3A_20 = arith.constant 0 : i32
      %dma_start3A_21 = tpu.memref_slice %arg3[%multiple_of3A_5, %dma_start3A_20] : memref<1280x128xi32, #tpu.memory_space<hbm>> -> memref<40x128xi32, #tpu.memory_space<hbm>>
      tpu.enqueue_dma source(%dma_start3A_21 : memref<40x128xi32, #tpu.memory_space<hbm>>) target(%arg8 : memref<40x128xi32, #tpu.memory_space<vmem>>) target_semaphore(%run_scoped3A : memref<!tpu.dma_semaphore, #tpu.memory_space<semaphore_mem>>)
      %dma_wait3A = arith.constant 0 : i32
      %dma_wait3A_22 = tpu.memref_slice %arg3[%multiple_of3A_5, %dma_wait3A] : memref<1280x128xi32, #tpu.memory_space<hbm>> -> memref<40x128xi32, #tpu.memory_space<hbm>>
      %dma_wait3A_23 = arith.constant 0 : i32
      %dma_wait3A_24 = tpu.memref_slice %arg3[%multiple_of3A_5, %dma_wait3A_23] : memref<1280x128xi32, #tpu.memory_space<hbm>> -> memref<40x128xi32, #tpu.memory_space<hbm>>
      tpu.wait_dma2 semaphore(%run_scoped3A : memref<!tpu.dma_semaphore, #tpu.memory_space<semaphore_mem>>) src(%dma_wait3A_24 : memref<40x128xi32, #tpu.memory_space<hbm>>) dst(%arg8 : memref<40x128xi32, #tpu.memory_space<vmem>>)
      tpu.yield
    }) : () -> ()
    "tpu.region"() ({
      %run_scoped3A = tpu.sem_alloc : memref<!tpu.dma_semaphore, #tpu.memory_space<semaphore_mem>>
      %dma_start3A = arith.constant 0 : i32
      %dma_start3A_19 = tpu.memref_slice %arg4[%multiple_of3A_5, %dma_start3A] : memref<1280x128xi32, #tpu.memory_space<hbm>> -> memref<40x128xi32, #tpu.memory_space<hbm>>
      %dma_start3A_20 = arith.constant 0 : i32
      %dma_start3A_21 = tpu.memref_slice %arg4[%multiple_of3A_5, %dma_start3A_20] : memref<1280x128xi32, #tpu.memory_space<hbm>> -> memref<40x128xi32, #tpu.memory_space<hbm>>
      tpu.enqueue_dma source(%dma_start3A_21 : memref<40x128xi32, #tpu.memory_space<hbm>>) target(%arg9 : memref<40x128xi32, #tpu.memory_space<vmem>>) target_semaphore(%run_scoped3A : memref<!tpu.dma_semaphore, #tpu.memory_space<semaphore_mem>>)
      %dma_wait3A = arith.constant 0 : i32
      %dma_wait3A_22 = tpu.memref_slice %arg4[%multiple_of3A_5, %dma_wait3A] : memref<1280x128xi32, #tpu.memory_space<hbm>> -> memref<40x128xi32, #tpu.memory_space<hbm>>
      %dma_wait3A_23 = arith.constant 0 : i32
      %dma_wait3A_24 = tpu.memref_slice %arg4[%multiple_of3A_5, %dma_wait3A_23] : memref<1280x128xi32, #tpu.memory_space<hbm>> -> memref<40x128xi32, #tpu.memory_space<hbm>>
      tpu.wait_dma2 semaphore(%run_scoped3A : memref<!tpu.dma_semaphore, #tpu.memory_space<semaphore_mem>>) src(%dma_wait3A_24 : memref<40x128xi32, #tpu.memory_space<hbm>>) dst(%arg9 : memref<40x128xi32, #tpu.memory_space<vmem>>)
      tpu.yield
    }) : () -> ()
    %barrier3A = arith.constant 0 : index
    tpu.barrier barrier_id(%barrier3A)
    %scan3A = arith.constant 0 : i32
    %scan3A_6 = arith.constant 0 : i32
    %scan3A_7 = arith.constant 40 : i32
    %scan3A_8 = arith.addi %scan3A_6, %scan3A_7 : i32
    %scan3A_9 = arith.constant 1 : i32
    scf.for %scan3A_19 = %scan3A_6 to %scan3A_8 step %scan3A_9  : i32 {
      %dma_start3A = arith.constant 0 : i32
      %dma_start3A_20 = tpu.memref_slice %arg8[%scan3A_19, %dma_start3A] : memref<40x128xi32, #tpu.memory_space<vmem>> -> memref<1x128xi32, #tpu.memory_space<vmem>>
      %dma_start3A_21 = tpu.memref_squeeze %dma_start3A_20 : memref<1x128xi32, #tpu.memory_space<vmem>> -> memref<128xi32, #tpu.memory_space<vmem>>
      %dma_start3A_22 = arith.constant 0 : i32
      %dma_start3A_23 = arith.constant 0 : i32
      %dma_start3A_24 = tpu.memref_slice %arg2[%dma_start3A_22, %dma_start3A_23] : memref<10000x64xf32, #tpu.memory_space<hbm>> -> memref<10000x64xf32, #tpu.memory_space<hbm>>
      tpu.enqueue_indirect_dma source(%dma_start3A_24 : memref<10000x64xf32, #tpu.memory_space<hbm>>) target(%arg10 : memref<128x64xf32, #tpu.memory_space<vmem>>) offsets(%dma_start3A_21 : memref<128xi32, #tpu.memory_space<vmem>>) semaphore(%arg12 : memref<!tpu.dma_semaphore, #tpu.memory_space<semaphore_mem>>)
      %dma_wait3A = arith.constant 0 : i32
      %dma_wait3A_25 = tpu.memref_slice %arg8[%scan3A_19, %dma_wait3A] : memref<40x128xi32, #tpu.memory_space<vmem>> -> memref<1x128xi32, #tpu.memory_space<vmem>>
      %dma_wait3A_26 = tpu.memref_squeeze %dma_wait3A_25 : memref<1x128xi32, #tpu.memory_space<vmem>> -> memref<128xi32, #tpu.memory_space<vmem>>
      %dma_wait3A_27 = arith.constant 0 : i32
      %dma_wait3A_28 = arith.constant 0 : i32
      %dma_wait3A_29 = tpu.memref_slice %arg2[%dma_wait3A_27, %dma_wait3A_28] : memref<10000x64xf32, #tpu.memory_space<hbm>> -> memref<10000x64xf32, #tpu.memory_space<hbm>>
      tpu.wait_indirect_dma semaphore(%arg12 : memref<!tpu.dma_semaphore, #tpu.memory_space<semaphore_mem>>) src(%dma_wait3A_29 : memref<10000x64xf32, #tpu.memory_space<hbm>>) dst(%arg10 : memref<128x64xf32, #tpu.memory_space<vmem>>)
      "tpu.region"() ({
        %run_scoped3A = tpu.sem_alloc : memref<!tpu.dma_semaphore, #tpu.memory_space<semaphore_mem>>
        %dma_start3A_30 = arith.constant 0 : i32
        %dma_start3A_31 = tpu.memref_slice %arg9[%scan3A_19, %dma_start3A_30] : memref<40x128xi32, #tpu.memory_space<vmem>> -> memref<1x128xi32, #tpu.memory_space<vmem>>
        %dma_start3A_32 = tpu.memref_squeeze %dma_start3A_31 : memref<1x128xi32, #tpu.memory_space<vmem>> -> memref<128xi32, #tpu.memory_space<vmem>>
        %dma_start3A_33 = arith.constant 0 : i32
        %dma_start3A_34 = arith.constant 0 : i32
        %dma_start3A_35 = tpu.memref_slice %arg11[%dma_start3A_33, %dma_start3A_34] : memref<10240x64xf32, #tpu.memory_space<vmem_shared>> -> memref<10240x64xf32, #tpu.memory_space<vmem_shared>>
        tpu.enqueue_indirect_dma source(%arg10 : memref<128x64xf32, #tpu.memory_space<vmem>>) target(%dma_start3A_35 : memref<10240x64xf32, #tpu.memory_space<vmem_shared>>) offsets(%dma_start3A_32 : memref<128xi32, #tpu.memory_space<vmem>>) semaphore(%run_scoped3A : memref<!tpu.dma_semaphore, #tpu.memory_space<semaphore_mem>>) {add = true}
        %dma_wait3A_36 = arith.constant 0 : i32
        %dma_wait3A_37 = tpu.memref_slice %arg9[%scan3A_19, %dma_wait3A_36] : memref<40x128xi32, #tpu.memory_space<vmem>> -> memref<1x128xi32, #tpu.memory_space<vmem>>
        %dma_wait3A_38 = tpu.memref_squeeze %dma_wait3A_37 : memref<1x128xi32, #tpu.memory_space<vmem>> -> memref<128xi32, #tpu.memory_space<vmem>>
        %dma_wait3A_39 = arith.constant 0 : i32
        %dma_wait3A_40 = arith.constant 0 : i32
        %dma_wait3A_41 = tpu.memref_slice %arg11[%dma_wait3A_39, %dma_wait3A_40] : memref<10240x64xf32, #tpu.memory_space<vmem_shared>> -> memref<10240x64xf32, #tpu.memory_space<vmem_shared>>
        tpu.wait_indirect_dma semaphore(%run_scoped3A : memref<!tpu.dma_semaphore, #tpu.memory_space<semaphore_mem>>) src(%arg10 : memref<128x64xf32, #tpu.memory_space<vmem>>) dst(%dma_wait3A_41 : memref<10240x64xf32, #tpu.memory_space<vmem_shared>>)
        tpu.yield
      }) : () -> ()
    }
    %scan3A_10 = arith.constant 40 : i32
    %barrier3A_11 = arith.constant 0 : index
    tpu.barrier barrier_id(%barrier3A_11)
    %eq3A = arith.constant 0 : i32
    %eq3A_12 = arith.cmpi eq, %arg0, %eq3A : i32
    %convert_element_type3A = arith.extui %eq3A_12 : i1 to i32
    %cond3A = arith.constant 0 : i32
    %cond3A_13 = arith.cmpi ne, %convert_element_type3A, %cond3A : i32
    scf.if %cond3A_13 {
      "tpu.region"() ({
        %run_scoped3A = tpu.sem_alloc : memref<!tpu.dma_semaphore, #tpu.memory_space<semaphore_mem>>
        %dma_start3A = arith.constant 0 : i32
        %dma_start3A_19 = tpu.memref_slice %arg6[%multiple_of3A, %dma_start3A] : memref<10240x64xf32, #tpu.memory_space<hbm>> -> memref<640x64xf32, #tpu.memory_space<hbm>>
        %dma_start3A_20 = arith.constant 0 : i32
        %dma_start3A_21 = tpu.memref_slice %arg11[%multiple_of3A, %dma_start3A_20] : memref<10240x64xf32, #tpu.memory_space<vmem_shared>> -> memref<640x64xf32, #tpu.memory_space<vmem_shared>>
        tpu.enqueue_dma source(%dma_start3A_21 : memref<640x64xf32, #tpu.memory_space<vmem_shared>>) target(%dma_start3A_19 : memref<640x64xf32, #tpu.memory_space<hbm>>) target_semaphore(%run_scoped3A : memref<!tpu.dma_semaphore, #tpu.memory_space<semaphore_mem>>)
        %dma_wait3A = arith.constant 0 : i32
        %dma_wait3A_22 = tpu.memref_slice %arg6[%multiple_of3A, %dma_wait3A] : memref<10240x64xf32, #tpu.memory_space<hbm>> -> memref<640x64xf32, #tpu.memory_space<hbm>>
        %dma_wait3A_23 = arith.constant 0 : i32
        %dma_wait3A_24 = tpu.memref_slice %arg11[%multiple_of3A, %dma_wait3A_23] : memref<10240x64xf32, #tpu.memory_space<vmem_shared>> -> memref<640x64xf32, #tpu.memory_space<vmem_shared>>
        tpu.wait_dma2 semaphore(%run_scoped3A : memref<!tpu.dma_semaphore, #tpu.memory_space<semaphore_mem>>) src(%dma_wait3A_24 : memref<640x64xf32, #tpu.memory_space<vmem_shared>>) dst(%dma_wait3A_22 : memref<640x64xf32, #tpu.memory_space<hbm>>)
        tpu.yield
      }) : () -> ()
    } else {
    }
    %eq3A_14 = arith.constant 1 : i32
    %eq3A_15 = arith.cmpi eq, %arg0, %eq3A_14 : i32
    %convert_element_type3A_16 = arith.extui %eq3A_15 : i1 to i32
    %cond3A_17 = arith.constant 0 : i32
    %cond3A_18 = arith.cmpi ne, %convert_element_type3A_16, %cond3A_17 : i32
    scf.if %cond3A_18 {
      "tpu.region"() ({
        %run_scoped3A = tpu.sem_alloc : memref<!tpu.dma_semaphore, #tpu.memory_space<semaphore_mem>>
        %dma_start3A = arith.constant 0 : i32
        %dma_start3A_19 = tpu.memref_slice %arg7[%multiple_of3A, %dma_start3A] : memref<10240x64xf32, #tpu.memory_space<hbm>> -> memref<640x64xf32, #tpu.memory_space<hbm>>
        %dma_start3A_20 = arith.constant 0 : i32
        %dma_start3A_21 = tpu.memref_slice %arg11[%multiple_of3A, %dma_start3A_20] : memref<10240x64xf32, #tpu.memory_space<vmem_shared>> -> memref<640x64xf32, #tpu.memory_space<vmem_shared>>
        tpu.enqueue_dma source(%dma_start3A_21 : memref<640x64xf32, #tpu.memory_space<vmem_shared>>) target(%dma_start3A_19 : memref<640x64xf32, #tpu.memory_space<hbm>>) target_semaphore(%run_scoped3A : memref<!tpu.dma_semaphore, #tpu.memory_space<semaphore_mem>>)
        %dma_wait3A = arith.constant 0 : i32
        %dma_wait3A_22 = tpu.memref_slice %arg7[%multiple_of3A, %dma_wait3A] : memref<10240x64xf32, #tpu.memory_space<hbm>> -> memref<640x64xf32, #tpu.memory_space<hbm>>
        %dma_wait3A_23 = arith.constant 0 : i32
        %dma_wait3A_24 = tpu.memref_slice %arg11[%multiple_of3A, %dma_wait3A_23] : memref<10240x64xf32, #tpu.memory_space<vmem_shared>> -> memref<640x64xf32, #tpu.memory_space<vmem_shared>>
        tpu.wait_dma2 semaphore(%run_scoped3A : memref<!tpu.dma_semaphore, #tpu.memory_space<semaphore_mem>>) src(%dma_wait3A_24 : memref<640x64xf32, #tpu.memory_space<vmem_shared>>) dst(%dma_wait3A_22 : memref<640x64xf32, #tpu.memory_space<hbm>>)
        tpu.yield
      }) : () -> ()
    } else {
    }
    return
  }
}

module attributes {stable_mosaic.version = 14 : i64} {
  func.func @_pre_body(%arg0: i32, %arg1: memref<2000x261xf32, #tpu.memory_space<vmem>>, %arg2: memref<261x64xf32, #tpu.memory_space<vmem>>, %arg3: memref<261x64xf32, #tpu.memory_space<vmem>>, %arg4: memref<1x64xf32, #tpu.memory_space<vmem>>, %arg5: memref<2000x64xf32, #tpu.memory_space<vmem>>, %arg6: memref<2000x64xf32, #tpu.memory_space<vmem>>) attributes {dimension_semantics = [#tpu.dimension_semantics<arbitrary>], iteration_bounds = array<i64: 5>, scalar_prefetch = 0 : i64, scratch_operands = 0 : i64, tpu.core_type = #tpu.core_type<tc>, window_params = [{transform_indices = @transform_0, window_bounds = array<i64: 2000, 261>}, {pipeline_mode = #tpu.pipeline_mode<synchronous>, transform_indices = @transform_1, window_bounds = array<i64: 261, 64>}, {pipeline_mode = #tpu.pipeline_mode<synchronous>, transform_indices = @transform_2, window_bounds = array<i64: 261, 64>}, {pipeline_mode = #tpu.pipeline_mode<synchronous>, transform_indices = @transform_3, window_bounds = array<i64: 1, 64>}, {transform_indices = @transform_4, window_bounds = array<i64: 2000, 64>}, {transform_indices = @transform_5, window_bounds = array<i64: 2000, 64>}]} {
    %get3A = arith.constant 0 : index
    %get3A_0 = arith.constant 0 : index
    %get3A_1 = vector.load %arg1[%get3A, %get3A_0] : memref<2000x261xf32, #tpu.memory_space<vmem>>, vector<2000x261xf32>
    %get3A_2 = arith.constant 0 : index
    %get3A_3 = arith.constant 0 : index
    %get3A_4 = vector.load %arg2[%get3A_2, %get3A_3] : memref<261x64xf32, #tpu.memory_space<vmem>>, vector<261x64xf32>
    %dot_general3A = arith.constant dense<0.000000e+00> : vector<2000x64xf32>
    %dot_general3A_5 = tpu.matmul %get3A_1, %get3A_4, %dot_general3A {dimension_numbers = #tpu.dot_dimension_numbers<[1], [0], [0], [1], [0, 0, 1, 1], [], []>, transpose_lhs_hint = false} : vector<2000x261xf32>, vector<261x64xf32>, vector<2000x64xf32> -> vector<2000x64xf32>
    %swap3A = arith.constant 0 : index
    %swap3A_6 = arith.constant 0 : index
    %swap3A_7 = vector.load %arg5[%swap3A, %swap3A_6] : memref<2000x64xf32, #tpu.memory_space<vmem>>, vector<2000x64xf32>
    tpu.vector_store %arg5[%swap3A, %swap3A_6], %dot_general3A_5 {strides = array<i32>} : memref<2000x64xf32, #tpu.memory_space<vmem>>, vector<2000x64xf32>,
    %get3A_8 = arith.constant 0 : index
    %get3A_9 = arith.constant 0 : index
    %get3A_10 = vector.load %arg3[%get3A_8, %get3A_9] : memref<261x64xf32, #tpu.memory_space<vmem>>, vector<261x64xf32>
    %dot_general3A_11 = arith.constant dense<0.000000e+00> : vector<2000x64xf32>
    %dot_general3A_12 = tpu.matmul %get3A_1, %get3A_10, %dot_general3A_11 {dimension_numbers = #tpu.dot_dimension_numbers<[1], [0], [0], [1], [0, 0, 1, 1], [], []>, transpose_lhs_hint = false} : vector<2000x261xf32>, vector<261x64xf32>, vector<2000x64xf32> -> vector<2000x64xf32>
    %get3A_13 = arith.constant 0 : index
    %get3A_14 = arith.constant 0 : index
    %get3A_15 = vector.load %arg4[%get3A_13, %get3A_14] : memref<1x64xf32, #tpu.memory_space<vmem>>, vector<1x64xf32>
    %add3A = vector.broadcast %get3A_15 : vector<1x64xf32> to vector<2000x64xf32>
    %add3A_16 = arith.addf %dot_general3A_12, %add3A : vector<2000x64xf32>
    %swap3A_17 = arith.constant 0 : index
    %swap3A_18 = arith.constant 0 : index
    %swap3A_19 = vector.load %arg6[%swap3A_17, %swap3A_18] : memref<2000x64xf32, #tpu.memory_space<vmem>>, vector<2000x64xf32>
    tpu.vector_store %arg6[%swap3A_17, %swap3A_18], %add3A_16 {strides = array<i32>} : memref<2000x64xf32, #tpu.memory_space<vmem>>, vector<2000x64xf32>,
    return
  }
  func.func @transform_0(%arg0: i32) -> (i32, i32) {
    %c0_i32 = arith.constant 0 : i32
    %c0_i32_0 = arith.constant 0 : i32
    return %arg0, %c0_i32 : i32, i32
  }
  func.func @transform_1(%arg0: i32) -> (i32, i32) {
    %c0_i32 = arith.constant 0 : i32
    %c0_i32_0 = arith.constant 0 : i32
    %c0_i32_1 = arith.constant 0 : i32
    return %c0_i32, %c0_i32_0 : i32, i32
  }
  func.func @transform_2(%arg0: i32) -> (i32, i32) {
    %c0_i32 = arith.constant 0 : i32
    %c0_i32_0 = arith.constant 0 : i32
    %c0_i32_1 = arith.constant 0 : i32
    return %c0_i32, %c0_i32_0 : i32, i32
  }
  func.func @transform_3(%arg0: i32) -> (i32, i32) {
    %c0_i32 = arith.constant 0 : i32
    %c0_i32_0 = arith.constant 0 : i32
    %c0_i32_1 = arith.constant 0 : i32
    return %c0_i32, %c0_i32_0 : i32, i32
  }
  func.func @transform_4(%arg0: i32) -> (i32, i32) {
    %c0_i32 = arith.constant 0 : i32
    %c0_i32_0 = arith.constant 0 : i32
    return %arg0, %c0_i32 : i32, i32
  }
  func.func @transform_5(%arg0: i32) -> (i32, i32) {
    %c0_i32 = arith.constant 0 : i32
    %c0_i32_0 = arith.constant 0 : i32
    return %arg0, %c0_i32 : i32, i32
  }
}

module attributes {stable_mosaic.version = 14 : i64} {
  func.func @_mid1_body(%arg0: i32, %arg1: memref<2000x64xf32, #tpu.memory_space<vmem>>, %arg2: memref<2000x64xf32, #tpu.memory_space<vmem>>, %arg3: memref<2000x16xf32, #tpu.memory_space<vmem>>, %arg4: memref<2000x16xf32, #tpu.memory_space<vmem>>, %arg5: memref<2000x64xf32, #tpu.memory_space<vmem>>, %arg6: memref<1x64xf32, #tpu.memory_space<vmem>>, %arg7: memref<1x64xf32, #tpu.memory_space<vmem>>, %arg8: memref<64x64xf32, #tpu.memory_space<vmem>>, %arg9: memref<64x64xf32, #tpu.memory_space<vmem>>, %arg10: memref<1x64xf32, #tpu.memory_space<vmem>>, %arg11: memref<2000x64xf32, #tpu.memory_space<vmem>>, %arg12: memref<2000x64xf32, #tpu.memory_space<vmem>>, %arg13: memref<2000x1xf32, #tpu.memory_space<vmem>>) attributes {dimension_semantics = [#tpu.dimension_semantics<arbitrary>], iteration_bounds = array<i64: 5>, scalar_prefetch = 0 : i64, scratch_operands = 0 : i64, tpu.core_type = #tpu.core_type<tc>, window_params = [{transform_indices = @transform_0, window_bounds = array<i64: 2000, 64>}, {transform_indices = @transform_1, window_bounds = array<i64: 2000, 64>}, {transform_indices = @transform_2, window_bounds = array<i64: 2000, 16>}, {transform_indices = @transform_3, window_bounds = array<i64: 2000, 16>}, {transform_indices = @transform_4, window_bounds = array<i64: 2000, 64>}, {pipeline_mode = #tpu.pipeline_mode<synchronous>, transform_indices = @transform_5, window_bounds = array<i64: 1, 64>}, {pipeline_mode = #tpu.pipeline_mode<synchronous>, transform_indices = @transform_6, window_bounds = array<i64: 1, 64>}, {pipeline_mode = #tpu.pipeline_mode<synchronous>, transform_indices = @transform_7, window_bounds = array<i64: 64, 64>}, {pipeline_mode = #tpu.pipeline_mode<synchronous>, transform_indices = @transform_8, window_bounds = array<i64: 64, 64>}, {pipeline_mode = #tpu.pipeline_mode<synchronous>, transform_indices = @transform_9, window_bounds = array<i64: 1, 64>}, {transform_indices = @transform_10, window_bounds = array<i64: 2000, 64>}, {transform_indices = @transform_11, window_bounds = array<i64: 2000, 64>}, {transform_indices = @transform_12, window_bounds = array<i64: 2000, 1>}]} {
    %get3A = arith.constant 0 : index
    %get3A_0 = arith.constant 0 : index
    %get3A_1 = vector.load %arg3[%get3A, %get3A_0] : memref<2000x16xf32, #tpu.memory_space<vmem>>, vector<2000x1xf32>
    %get3A_2 = arith.constant 0 : index
    %get3A_3 = arith.constant 0 : index
    %get3A_4 = vector.load %arg4[%get3A_2, %get3A_3] : memref<2000x16xf32, #tpu.memory_space<vmem>>, vector<2000x1xf32>
    %add3A = arith.addf %get3A_1, %get3A_4 : vector<2000x1xf32>
    %max3A = arith.constant 1.000000e+00 : f32
    %max3A_5 = vector.broadcast %max3A : f32 to vector<2000x1xf32>
    %max3A_6 = arith.maximumf %add3A, %max3A_5 : vector<2000x1xf32>
    %div3A = arith.constant 1.000000e+00 : f32
    %div3A_7 = vector.broadcast %div3A : f32 to vector<2000x1xf32>
    %div3A_8 = arith.divf %div3A_7, %max3A_6 : vector<2000x1xf32>
    %get3A_9 = arith.constant 0 : index
    %get3A_10 = arith.constant 0 : index
    %get3A_11 = vector.load %arg1[%get3A_9, %get3A_10] : memref<2000x64xf32, #tpu.memory_space<vmem>>, vector<2000x64xf32>
    %get3A_12 = arith.constant 0 : index
    %get3A_13 = arith.constant 0 : index
    %get3A_14 = vector.load %arg2[%get3A_12, %get3A_13] : memref<2000x64xf32, #tpu.memory_space<vmem>>, vector<2000x64xf32>
    %add3A_15 = arith.addf %get3A_11, %get3A_14 : vector<2000x64xf32>
    %mul3A = vector.broadcast %div3A_8 : vector<2000x1xf32> to vector<2000x64xf32>
    %mul3A_16 = arith.mulf %add3A_15, %mul3A : vector<2000x64xf32>
    %get3A_17 = arith.constant 0 : index
    %get3A_18 = arith.constant 0 : index
    %get3A_19 = vector.load %arg5[%get3A_17, %get3A_18] : memref<2000x64xf32, #tpu.memory_space<vmem>>, vector<2000x64xf32>
    %add3A_20 = arith.addf %mul3A_16, %get3A_19 : vector<2000x64xf32>
    %mul3A_21 = arith.constant 5.000000e-01 : f32
    %mul3A_22 = vector.broadcast %mul3A_21 : f32 to vector<2000x64xf32>
    %mul3A_23 = arith.mulf %mul3A_22, %add3A_20 : vector<2000x64xf32>
    %mul3A_24 = arith.constant 0.707106769 : f32
    %mul3A_25 = vector.broadcast %mul3A_24 : f32 to vector<2000x64xf32>
    %mul3A_26 = arith.mulf %add3A_20, %mul3A_25 : vector<2000x64xf32>
    %erf3A = math.erf %mul3A_26 : vector<2000x64xf32>
    %add3A_27 = arith.constant 1.000000e+00 : f32
    %add3A_28 = vector.broadcast %add3A_27 : f32 to vector<2000x64xf32>
    %add3A_29 = arith.addf %add3A_28, %erf3A : vector<2000x64xf32>
    %mul3A_30 = arith.mulf %mul3A_23, %add3A_29 : vector<2000x64xf32>
    %get3A_31 = arith.constant 0 : index
    %get3A_32 = arith.constant 0 : index
    %get3A_33 = vector.load %arg6[%get3A_31, %get3A_32] : memref<1x64xf32, #tpu.memory_space<vmem>>, vector<1x64xf32>
    %get3A_34 = arith.constant 0 : index
    %get3A_35 = arith.constant 0 : index
    %get3A_36 = vector.load %arg7[%get3A_34, %get3A_35] : memref<1x64xf32, #tpu.memory_space<vmem>>, vector<1x64xf32>
    %reduce_sum3A = arith.constant dense<0.000000e+00> : vector<2000xf32>
    %reduce_sum3A_37 = vector.multi_reduction <add>, %mul3A_30, %reduce_sum3A [1] : vector<2000x64xf32> to vector<2000xf32>
    %broadcast_in_dim3A = vector.shape_cast %reduce_sum3A_37 : vector<2000xf32> to vector<2000x1xf32>
    %div3A_38 = arith.constant 6.400000e+01 : f32
    %div3A_39 = vector.broadcast %div3A_38 : f32 to vector<2000x1xf32>
    %div3A_40 = arith.divf %broadcast_in_dim3A, %div3A_39 : vector<2000x1xf32>
    %sub3A = vector.broadcast %div3A_40 : vector<2000x1xf32> to vector<2000x64xf32>
    %sub3A_41 = arith.subf %mul3A_30, %sub3A : vector<2000x64xf32>
    %integer_pow3A = arith.mulf %sub3A_41, %sub3A_41 : vector<2000x64xf32>
    %reduce_sum3A_42 = arith.constant dense<0.000000e+00> : vector<2000xf32>
    %reduce_sum3A_43 = vector.multi_reduction <add>, %integer_pow3A, %reduce_sum3A_42 [1] : vector<2000x64xf32> to vector<2000xf32>
    %broadcast_in_dim3A_44 = vector.shape_cast %reduce_sum3A_43 : vector<2000xf32> to vector<2000x1xf32>
    %div3A_45 = arith.constant 6.400000e+01 : f32
    %div3A_46 = vector.broadcast %div3A_45 : f32 to vector<2000x1xf32>
    %div3A_47 = arith.divf %broadcast_in_dim3A_44, %div3A_46 : vector<2000x1xf32>
    %sub3A_48 = vector.broadcast %div3A_40 : vector<2000x1xf32> to vector<2000x64xf32>
    %sub3A_49 = arith.subf %mul3A_30, %sub3A_48 : vector<2000x64xf32>
    %add3A_50 = arith.constant 9.99999974E-6 : f32
    %add3A_51 = vector.broadcast %add3A_50 : f32 to vector<2000x1xf32>
    %add3A_52 = arith.addf %div3A_47, %add3A_51 : vector<2000x1xf32>
    %rsqrt3A = math.rsqrt %add3A_52 : vector<2000x1xf32>
    %mul3A_53 = vector.broadcast %rsqrt3A : vector<2000x1xf32> to vector<2000x64xf32>
    %mul3A_54 = arith.mulf %sub3A_49, %mul3A_53 : vector<2000x64xf32>
    %mul3A_55 = vector.broadcast %get3A_33 : vector<1x64xf32> to vector<2000x64xf32>
    %mul3A_56 = arith.mulf %mul3A_54, %mul3A_55 : vector<2000x64xf32>
    %add3A_57 = vector.broadcast %get3A_36 : vector<1x64xf32> to vector<2000x64xf32>
    %add3A_58 = arith.addf %mul3A_56, %add3A_57 : vector<2000x64xf32>
    %get3A_59 = arith.constant 0 : index
    %get3A_60 = arith.constant 0 : index
    %get3A_61 = vector.load %arg8[%get3A_59, %get3A_60] : memref<64x64xf32, #tpu.memory_space<vmem>>, vector<64x64xf32>
    %dot_general3A = arith.constant dense<0.000000e+00> : vector<2000x64xf32>
    %dot_general3A_62 = tpu.matmul %add3A_58, %get3A_61, %dot_general3A {dimension_numbers = #tpu.dot_dimension_numbers<[1], [0], [0], [1], [0, 0, 1, 1], [], []>, transpose_lhs_hint = false} : vector<2000x64xf32>, vector<64x64xf32>, vector<2000x64xf32> -> vector<2000x64xf32>
    %swap3A = arith.constant 0 : index
    %swap3A_63 = arith.constant 0 : index
    %swap3A_64 = vector.load %arg11[%swap3A, %swap3A_63] : memref<2000x64xf32, #tpu.memory_space<vmem>>, vector<2000x64xf32>
    tpu.vector_store %arg11[%swap3A, %swap3A_63], %dot_general3A_62 {strides = array<i32>} : memref<2000x64xf32, #tpu.memory_space<vmem>>, vector<2000x64xf32>,
    %get3A_65 = arith.constant 0 : index
    %get3A_66 = arith.constant 0 : index
    %get3A_67 = vector.load %arg9[%get3A_65, %get3A_66] : memref<64x64xf32, #tpu.memory_space<vmem>>, vector<64x64xf32>
    %dot_general3A_68 = arith.constant dense<0.000000e+00> : vector<2000x64xf32>
    %dot_general3A_69 = tpu.matmul %add3A_58, %get3A_67, %dot_general3A_68 {dimension_numbers = #tpu.dot_dimension_numbers<[1], [0], [0], [1], [0, 0, 1, 1], [], []>, transpose_lhs_hint = false} : vector<2000x64xf32>, vector<64x64xf32>, vector<2000x64xf32> -> vector<2000x64xf32>
    %get3A_70 = arith.constant 0 : index
    %get3A_71 = arith.constant 0 : index
    %get3A_72 = vector.load %arg10[%get3A_70, %get3A_71] : memref<1x64xf32, #tpu.memory_space<vmem>>, vector<1x64xf32>
    %add3A_73 = vector.broadcast %get3A_72 : vector<1x64xf32> to vector<2000x64xf32>
    %add3A_74 = arith.addf %dot_general3A_69, %add3A_73 : vector<2000x64xf32>
    %swap3A_75 = arith.constant 0 : index
    %swap3A_76 = arith.constant 0 : index
    %swap3A_77 = vector.load %arg12[%swap3A_75, %swap3A_76] : memref<2000x64xf32, #tpu.memory_space<vmem>>, vector<2000x64xf32>
    tpu.vector_store %arg12[%swap3A_75, %swap3A_76], %add3A_74 {strides = array<i32>} : memref<2000x64xf32, #tpu.memory_space<vmem>>, vector<2000x64xf32>,
    %swap3A_78 = arith.constant 0 : index
    %swap3A_79 = arith.constant 0 : index
    %swap3A_80 = vector.load %arg13[%swap3A_78, %swap3A_79] : memref<2000x1xf32, #tpu.memory_space<vmem>>, vector<2000x1xf32>
    tpu.vector_store %arg13[%swap3A_78, %swap3A_79], %div3A_8 {strides = array<i32>} : memref<2000x1xf32, #tpu.memory_space<vmem>>, vector<2000x1xf32>,
    return
  }
  func.func @transform_0(%arg0: i32) -> (i32, i32) {
    %c0_i32 = arith.constant 0 : i32
    %c0_i32_0 = arith.constant 0 : i32
    return %arg0, %c0_i32 : i32, i32
  }
  func.func @transform_1(%arg0: i32) -> (i32, i32) {
    %c0_i32 = arith.constant 0 : i32
    %c0_i32_0 = arith.constant 0 : i32
    return %arg0, %c0_i32 : i32, i32
  }
  func.func @transform_2(%arg0: i32) -> (i32, i32) {
    %c0_i32 = arith.constant 0 : i32
    %c0_i32_0 = arith.constant 0 : i32
    return %arg0, %c0_i32 : i32, i32
  }
  func.func @transform_3(%arg0: i32) -> (i32, i32) {
    %c0_i32 = arith.constant 0 : i32
    %c0_i32_0 = arith.constant 0 : i32
    return %arg0, %c0_i32 : i32, i32
  }
  func.func @transform_4(%arg0: i32) -> (i32, i32) {
    %c0_i32 = arith.constant 0 : i32
    %c0_i32_0 = arith.constant 0 : i32
    return %arg0, %c0_i32 : i32, i32
  }
  func.func @transform_5(%arg0: i32) -> (i32, i32) {
    %c0_i32 = arith.constant 0 : i32
    %c0_i32_0 = arith.constant 0 : i32
    %c0_i32_1 = arith.constant 0 : i32
    return %c0_i32, %c0_i32_0 : i32, i32
  }
  func.func @transform_6(%arg0: i32) -> (i32, i32) {
    %c0_i32 = arith.constant 0 : i32
    %c0_i32_0 = arith.constant 0 : i32
    %c0_i32_1 = arith.constant 0 : i32
    return %c0_i32, %c0_i32_0 : i32, i32
  }
  func.func @transform_7(%arg0: i32) -> (i32, i32) {
    %c0_i32 = arith.constant 0 : i32
    %c0_i32_0 = arith.constant 0 : i32
    %c0_i32_1 = arith.constant 0 : i32
    return %c0_i32, %c0_i32_0 : i32, i32
  }
  func.func @transform_8(%arg0: i32) -> (i32, i32) {
    %c0_i32 = arith.constant 0 : i32
    %c0_i32_0 = arith.constant 0 : i32
    %c0_i32_1 = arith.constant 0 : i32
    return %c0_i32, %c0_i32_0 : i32, i32
  }
  func.func @transform_9(%arg0: i32) -> (i32, i32) {
    %c0_i32 = arith.constant 0 : i32
    %c0_i32_0 = arith.constant 0 : i32
    %c0_i32_1 = arith.constant 0 : i32
    return %c0_i32, %c0_i32_0 : i32, i32
  }
  func.func @transform_10(%arg0: i32) -> (i32, i32) {
    %c0_i32 = arith.constant 0 : i32
    %c0_i32_0 = arith.constant 0 : i32
    return %arg0, %c0_i32 : i32, i32
  }
  func.func @transform_11(%arg0: i32) -> (i32, i32) {
    %c0_i32 = arith.constant 0 : i32
    %c0_i32_0 = arith.constant 0 : i32
    return %arg0, %c0_i32 : i32, i32
  }
  func.func @transform_12(%arg0: i32) -> (i32, i32) {
    %c0_i32 = arith.constant 0 : i32
    %c0_i32_0 = arith.constant 0 : i32
    return %arg0, %c0_i32 : i32, i32
  }
}

module attributes {stable_mosaic.version = 14 : i64} {
  func.func @_mid_body(%arg0: i32, %arg1: memref<2000x64xf32, #tpu.memory_space<vmem>>, %arg2: memref<2000x64xf32, #tpu.memory_space<vmem>>, %arg3: memref<2000x1xf32, #tpu.memory_space<vmem>>, %arg4: memref<2000x64xf32, #tpu.memory_space<vmem>>, %arg5: memref<1x64xf32, #tpu.memory_space<vmem>>, %arg6: memref<1x64xf32, #tpu.memory_space<vmem>>, %arg7: memref<64x64xf32, #tpu.memory_space<vmem>>, %arg8: memref<64x64xf32, #tpu.memory_space<vmem>>, %arg9: memref<1x64xf32, #tpu.memory_space<vmem>>, %arg10: memref<2000x64xf32, #tpu.memory_space<vmem>>, %arg11: memref<2000x64xf32, #tpu.memory_space<vmem>>) attributes {dimension_semantics = [#tpu.dimension_semantics<arbitrary>], iteration_bounds = array<i64: 5>, scalar_prefetch = 0 : i64, scratch_operands = 0 : i64, tpu.core_type = #tpu.core_type<tc>, window_params = [{transform_indices = @transform_0, window_bounds = array<i64: 2000, 64>}, {transform_indices = @transform_1, window_bounds = array<i64: 2000, 64>}, {transform_indices = @transform_2, window_bounds = array<i64: 2000, 1>}, {transform_indices = @transform_3, window_bounds = array<i64: 2000, 64>}, {pipeline_mode = #tpu.pipeline_mode<synchronous>, transform_indices = @transform_4, window_bounds = array<i64: 1, 64>}, {pipeline_mode = #tpu.pipeline_mode<synchronous>, transform_indices = @transform_5, window_bounds = array<i64: 1, 64>}, {pipeline_mode = #tpu.pipeline_mode<synchronous>, transform_indices = @transform_6, window_bounds = array<i64: 64, 64>}, {pipeline_mode = #tpu.pipeline_mode<synchronous>, transform_indices = @transform_7, window_bounds = array<i64: 64, 64>}, {pipeline_mode = #tpu.pipeline_mode<synchronous>, transform_indices = @transform_8, window_bounds = array<i64: 1, 64>}, {transform_indices = @transform_9, window_bounds = array<i64: 2000, 64>}, {transform_indices = @transform_10, window_bounds = array<i64: 2000, 64>}]} {
    %get3A = arith.constant 0 : index
    %get3A_0 = arith.constant 0 : index
    %get3A_1 = vector.load %arg1[%get3A, %get3A_0] : memref<2000x64xf32, #tpu.memory_space<vmem>>, vector<2000x64xf32>
    %get3A_2 = arith.constant 0 : index
    %get3A_3 = arith.constant 0 : index
    %get3A_4 = vector.load %arg2[%get3A_2, %get3A_3] : memref<2000x64xf32, #tpu.memory_space<vmem>>, vector<2000x64xf32>
    %add3A = arith.addf %get3A_1, %get3A_4 : vector<2000x64xf32>
    %get3A_5 = arith.constant 0 : index
    %get3A_6 = arith.constant 0 : index
    %get3A_7 = vector.load %arg3[%get3A_5, %get3A_6] : memref<2000x1xf32, #tpu.memory_space<vmem>>, vector<2000x1xf32>
    %mul3A = vector.broadcast %get3A_7 : vector<2000x1xf32> to vector<2000x64xf32>
    %mul3A_8 = arith.mulf %add3A, %mul3A : vector<2000x64xf32>
    %get3A_9 = arith.constant 0 : index
    %get3A_10 = arith.constant 0 : index
    %get3A_11 = vector.load %arg4[%get3A_9, %get3A_10] : memref<2000x64xf32, #tpu.memory_space<vmem>>, vector<2000x64xf32>
    %add3A_12 = arith.addf %mul3A_8, %get3A_11 : vector<2000x64xf32>
    %mul3A_13 = arith.constant 5.000000e-01 : f32
    %mul3A_14 = vector.broadcast %mul3A_13 : f32 to vector<2000x64xf32>
    %mul3A_15 = arith.mulf %mul3A_14, %add3A_12 : vector<2000x64xf32>
    %mul3A_16 = arith.constant 0.707106769 : f32
    %mul3A_17 = vector.broadcast %mul3A_16 : f32 to vector<2000x64xf32>
    %mul3A_18 = arith.mulf %add3A_12, %mul3A_17 : vector<2000x64xf32>
    %erf3A = math.erf %mul3A_18 : vector<2000x64xf32>
    %add3A_19 = arith.constant 1.000000e+00 : f32
    %add3A_20 = vector.broadcast %add3A_19 : f32 to vector<2000x64xf32>
    %add3A_21 = arith.addf %add3A_20, %erf3A : vector<2000x64xf32>
    %mul3A_22 = arith.mulf %mul3A_15, %add3A_21 : vector<2000x64xf32>
    %get3A_23 = arith.constant 0 : index
    %get3A_24 = arith.constant 0 : index
    %get3A_25 = vector.load %arg5[%get3A_23, %get3A_24] : memref<1x64xf32, #tpu.memory_space<vmem>>, vector<1x64xf32>
    %get3A_26 = arith.constant 0 : index
    %get3A_27 = arith.constant 0 : index
    %get3A_28 = vector.load %arg6[%get3A_26, %get3A_27] : memref<1x64xf32, #tpu.memory_space<vmem>>, vector<1x64xf32>
    %reduce_sum3A = arith.constant dense<0.000000e+00> : vector<2000xf32>
    %reduce_sum3A_29 = vector.multi_reduction <add>, %mul3A_22, %reduce_sum3A [1] : vector<2000x64xf32> to vector<2000xf32>
    %broadcast_in_dim3A = vector.shape_cast %reduce_sum3A_29 : vector<2000xf32> to vector<2000x1xf32>
    %div3A = arith.constant 6.400000e+01 : f32
    %div3A_30 = vector.broadcast %div3A : f32 to vector<2000x1xf32>
    %div3A_31 = arith.divf %broadcast_in_dim3A, %div3A_30 : vector<2000x1xf32>
    %sub3A = vector.broadcast %div3A_31 : vector<2000x1xf32> to vector<2000x64xf32>
    %sub3A_32 = arith.subf %mul3A_22, %sub3A : vector<2000x64xf32>
    %integer_pow3A = arith.mulf %sub3A_32, %sub3A_32 : vector<2000x64xf32>
    %reduce_sum3A_33 = arith.constant dense<0.000000e+00> : vector<2000xf32>
    %reduce_sum3A_34 = vector.multi_reduction <add>, %integer_pow3A, %reduce_sum3A_33 [1] : vector<2000x64xf32> to vector<2000xf32>
    %broadcast_in_dim3A_35 = vector.shape_cast %reduce_sum3A_34 : vector<2000xf32> to vector<2000x1xf32>
    %div3A_36 = arith.constant 6.400000e+01 : f32
    %div3A_37 = vector.broadcast %div3A_36 : f32 to vector<2000x1xf32>
    %div3A_38 = arith.divf %broadcast_in_dim3A_35, %div3A_37 : vector<2000x1xf32>
    %sub3A_39 = vector.broadcast %div3A_31 : vector<2000x1xf32> to vector<2000x64xf32>
    %sub3A_40 = arith.subf %mul3A_22, %sub3A_39 : vector<2000x64xf32>
    %add3A_41 = arith.constant 9.99999974E-6 : f32
    %add3A_42 = vector.broadcast %add3A_41 : f32 to vector<2000x1xf32>
    %add3A_43 = arith.addf %div3A_38, %add3A_42 : vector<2000x1xf32>
    %rsqrt3A = math.rsqrt %add3A_43 : vector<2000x1xf32>
    %mul3A_44 = vector.broadcast %rsqrt3A : vector<2000x1xf32> to vector<2000x64xf32>
    %mul3A_45 = arith.mulf %sub3A_40, %mul3A_44 : vector<2000x64xf32>
    %mul3A_46 = vector.broadcast %get3A_25 : vector<1x64xf32> to vector<2000x64xf32>
    %mul3A_47 = arith.mulf %mul3A_45, %mul3A_46 : vector<2000x64xf32>
    %add3A_48 = vector.broadcast %get3A_28 : vector<1x64xf32> to vector<2000x64xf32>
    %add3A_49 = arith.addf %mul3A_47, %add3A_48 : vector<2000x64xf32>
    %get3A_50 = arith.constant 0 : index
    %get3A_51 = arith.constant 0 : index
    %get3A_52 = vector.load %arg7[%get3A_50, %get3A_51] : memref<64x64xf32, #tpu.memory_space<vmem>>, vector<64x64xf32>
    %dot_general3A = arith.constant dense<0.000000e+00> : vector<2000x64xf32>
    %dot_general3A_53 = tpu.matmul %add3A_49, %get3A_52, %dot_general3A {dimension_numbers = #tpu.dot_dimension_numbers<[1], [0], [0], [1], [0, 0, 1, 1], [], []>, transpose_lhs_hint = false} : vector<2000x64xf32>, vector<64x64xf32>, vector<2000x64xf32> -> vector<2000x64xf32>
    %swap3A = arith.constant 0 : index
    %swap3A_54 = arith.constant 0 : index
    %swap3A_55 = vector.load %arg10[%swap3A, %swap3A_54] : memref<2000x64xf32, #tpu.memory_space<vmem>>, vector<2000x64xf32>
    tpu.vector_store %arg10[%swap3A, %swap3A_54], %dot_general3A_53 {strides = array<i32>} : memref<2000x64xf32, #tpu.memory_space<vmem>>, vector<2000x64xf32>,
    %get3A_56 = arith.constant 0 : index
    %get3A_57 = arith.constant 0 : index
    %get3A_58 = vector.load %arg8[%get3A_56, %get3A_57] : memref<64x64xf32, #tpu.memory_space<vmem>>, vector<64x64xf32>
    %dot_general3A_59 = arith.constant dense<0.000000e+00> : vector<2000x64xf32>
    %dot_general3A_60 = tpu.matmul %add3A_49, %get3A_58, %dot_general3A_59 {dimension_numbers = #tpu.dot_dimension_numbers<[1], [0], [0], [1], [0, 0, 1, 1], [], []>, transpose_lhs_hint = false} : vector<2000x64xf32>, vector<64x64xf32>, vector<2000x64xf32> -> vector<2000x64xf32>
    %get3A_61 = arith.constant 0 : index
    %get3A_62 = arith.constant 0 : index
    %get3A_63 = vector.load %arg9[%get3A_61, %get3A_62] : memref<1x64xf32, #tpu.memory_space<vmem>>, vector<1x64xf32>
    %add3A_64 = vector.broadcast %get3A_63 : vector<1x64xf32> to vector<2000x64xf32>
    %add3A_65 = arith.addf %dot_general3A_60, %add3A_64 : vector<2000x64xf32>
    %swap3A_66 = arith.constant 0 : index
    %swap3A_67 = arith.constant 0 : index
    %swap3A_68 = vector.load %arg11[%swap3A_66, %swap3A_67] : memref<2000x64xf32, #tpu.memory_space<vmem>>, vector<2000x64xf32>
    tpu.vector_store %arg11[%swap3A_66, %swap3A_67], %add3A_65 {strides = array<i32>} : memref<2000x64xf32, #tpu.memory_space<vmem>>, vector<2000x64xf32>,
    return
  }
  func.func @transform_0(%arg0: i32) -> (i32, i32) {
    %c0_i32 = arith.constant 0 : i32
    %c0_i32_0 = arith.constant 0 : i32
    return %arg0, %c0_i32 : i32, i32
  }
  func.func @transform_1(%arg0: i32) -> (i32, i32) {
    %c0_i32 = arith.constant 0 : i32
    %c0_i32_0 = arith.constant 0 : i32
    return %arg0, %c0_i32 : i32, i32
  }
  func.func @transform_2(%arg0: i32) -> (i32, i32) {
    %c0_i32 = arith.constant 0 : i32
    %c0_i32_0 = arith.constant 0 : i32
    return %arg0, %c0_i32 : i32, i32
  }
  func.func @transform_3(%arg0: i32) -> (i32, i32) {
    %c0_i32 = arith.constant 0 : i32
    %c0_i32_0 = arith.constant 0 : i32
    return %arg0, %c0_i32 : i32, i32
  }
  func.func @transform_4(%arg0: i32) -> (i32, i32) {
    %c0_i32 = arith.constant 0 : i32
    %c0_i32_0 = arith.constant 0 : i32
    %c0_i32_1 = arith.constant 0 : i32
    return %c0_i32, %c0_i32_0 : i32, i32
  }
  func.func @transform_5(%arg0: i32) -> (i32, i32) {
    %c0_i32 = arith.constant 0 : i32
    %c0_i32_0 = arith.constant 0 : i32
    %c0_i32_1 = arith.constant 0 : i32
    return %c0_i32, %c0_i32_0 : i32, i32
  }
  func.func @transform_6(%arg0: i32) -> (i32, i32) {
    %c0_i32 = arith.constant 0 : i32
    %c0_i32_0 = arith.constant 0 : i32
    %c0_i32_1 = arith.constant 0 : i32
    return %c0_i32, %c0_i32_0 : i32, i32
  }
  func.func @transform_7(%arg0: i32) -> (i32, i32) {
    %c0_i32 = arith.constant 0 : i32
    %c0_i32_0 = arith.constant 0 : i32
    %c0_i32_1 = arith.constant 0 : i32
    return %c0_i32, %c0_i32_0 : i32, i32
  }
  func.func @transform_8(%arg0: i32) -> (i32, i32) {
    %c0_i32 = arith.constant 0 : i32
    %c0_i32_0 = arith.constant 0 : i32
    %c0_i32_1 = arith.constant 0 : i32
    return %c0_i32, %c0_i32_0 : i32, i32
  }
  func.func @transform_9(%arg0: i32) -> (i32, i32) {
    %c0_i32 = arith.constant 0 : i32
    %c0_i32_0 = arith.constant 0 : i32
    return %arg0, %c0_i32 : i32, i32
  }
  func.func @transform_10(%arg0: i32) -> (i32, i32) {
    %c0_i32 = arith.constant 0 : i32
    %c0_i32_0 = arith.constant 0 : i32
    return %arg0, %c0_i32 : i32, i32
  }
}

module attributes {stable_mosaic.version = 14 : i64} {
  func.func @_final_body(%arg0: i32, %arg1: memref<2000x64xf32, #tpu.memory_space<vmem>>, %arg2: memref<2000x64xf32, #tpu.memory_space<vmem>>, %arg3: memref<2000x1xf32, #tpu.memory_space<vmem>>, %arg4: memref<2000x64xf32, #tpu.memory_space<vmem>>, %arg5: memref<1x64xf32, #tpu.memory_space<vmem>>, %arg6: memref<1x64xf32, #tpu.memory_space<vmem>>, %arg7: memref<2000x1xi32, #tpu.memory_space<vmem>>, %arg8: memref<64x24xf32, #tpu.memory_space<vmem>>, %arg9: memref<64x32xf32, #tpu.memory_space<vmem>>, %arg10: memref<24x32xf32, #tpu.memory_space<vmem>>, %arg11: memref<1x32xf32, #tpu.memory_space<vmem>>, %arg12: memref<1x32xf32, #tpu.memory_space<vmem>>, %arg13: memref<1x32xf32, #tpu.memory_space<vmem>>, %arg14: memref<3x32x32xf32, #tpu.memory_space<vmem>>, %arg15: memref<3x1x32xf32, #tpu.memory_space<vmem>>, %arg16: memref<3x1x32xf32, #tpu.memory_space<vmem>>, %arg17: memref<3x1x32xf32, #tpu.memory_space<vmem>>, %arg18: memref<32x1xf32, #tpu.memory_space<vmem>>, %arg19: memref<1x1xf32, #tpu.memory_space<vmem>>, %arg20: memref<64x1xf32, #tpu.memory_space<vmem>>, %arg21: memref<64x64xf32, #tpu.memory_space<vmem>>, %arg22: memref<64x1xf32, #tpu.memory_space<vmem>>) attributes {dimension_semantics = [#tpu.dimension_semantics<arbitrary>], iteration_bounds = array<i64: 5>, scalar_prefetch = 0 : i64, scratch_operands = 2 : i64, tpu.core_type = #tpu.core_type<tc>, window_params = [{transform_indices = @transform_0, window_bounds = array<i64: 2000, 64>}, {transform_indices = @transform_1, window_bounds = array<i64: 2000, 64>}, {transform_indices = @transform_2, window_bounds = array<i64: 2000, 1>}, {transform_indices = @transform_3, window_bounds = array<i64: 2000, 64>}, {pipeline_mode = #tpu.pipeline_mode<synchronous>, transform_indices = @transform_4, window_bounds = array<i64: 1, 64>}, {pipeline_mode = #tpu.pipeline_mode<synchronous>, transform_indices = @transform_5, window_bounds = array<i64: 1, 64>}, {transform_indices = @transform_6, window_bounds = array<i64: 2000, 1>}, {pipeline_mode = #tpu.pipeline_mode<synchronous>, transform_indices = @transform_7, window_bounds = array<i64: 64, 24>}, {pipeline_mode = #tpu.pipeline_mode<synchronous>, transform_indices = @transform_8, window_bounds = array<i64: 64, 32>}, {pipeline_mode = #tpu.pipeline_mode<synchronous>, transform_indices = @transform_9, window_bounds = array<i64: 24, 32>}, {pipeline_mode = #tpu.pipeline_mode<synchronous>, transform_indices = @transform_10, window_bounds = array<i64: 1, 32>}, {pipeline_mode = #tpu.pipeline_mode<synchronous>, transform_indices = @transform_11, window_bounds = array<i64: 1, 32>}, {pipeline_mode = #tpu.pipeline_mode<synchronous>, transform_indices = @transform_12, window_bounds = array<i64: 1, 32>}, {pipeline_mode = #tpu.pipeline_mode<synchronous>, transform_indices = @transform_13, window_bounds = array<i64: 3, 32, 32>}, {pipeline_mode = #tpu.pipeline_mode<synchronous>, transform_indices = @transform_14, window_bounds = array<i64: 3, 1, 32>}, {pipeline_mode = #tpu.pipeline_mode<synchronous>, transform_indices = @transform_15, window_bounds = array<i64: 3, 1, 32>}, {pipeline_mode = #tpu.pipeline_mode<synchronous>, transform_indices = @transform_16, window_bounds = array<i64: 3, 1, 32>}, {pipeline_mode = #tpu.pipeline_mode<synchronous>, transform_indices = @transform_17, window_bounds = array<i64: 32, 1>}, {pipeline_mode = #tpu.pipeline_mode<synchronous>, transform_indices = @transform_18, window_bounds = array<i64: 1, 1>}, {pipeline_mode = #tpu.pipeline_mode<synchronous>, transform_indices = @transform_19, window_bounds = array<i64: 64, 1>}]} {
    %get3A = arith.constant 0 : index
    %get3A_0 = arith.constant 0 : index
    %get3A_1 = vector.load %arg1[%get3A, %get3A_0] : memref<2000x64xf32, #tpu.memory_space<vmem>>, vector<2000x64xf32>
    %get3A_2 = arith.constant 0 : index
    %get3A_3 = arith.constant 0 : index
    %get3A_4 = vector.load %arg2[%get3A_2, %get3A_3] : memref<2000x64xf32, #tpu.memory_space<vmem>>, vector<2000x64xf32>
    %add3A = arith.addf %get3A_1, %get3A_4 : vector<2000x64xf32>
    %get3A_5 = arith.constant 0 : index
    %get3A_6 = arith.constant 0 : index
    %get3A_7 = vector.load %arg3[%get3A_5, %get3A_6] : memref<2000x1xf32, #tpu.memory_space<vmem>>, vector<2000x1xf32>
    %mul3A = vector.broadcast %get3A_7 : vector<2000x1xf32> to vector<2000x64xf32>
    %mul3A_8 = arith.mulf %add3A, %mul3A : vector<2000x64xf32>
    %get3A_9 = arith.constant 0 : index
    %get3A_10 = arith.constant 0 : index
    %get3A_11 = vector.load %arg4[%get3A_9, %get3A_10] : memref<2000x64xf32, #tpu.memory_space<vmem>>, vector<2000x64xf32>
    %add3A_12 = arith.addf %mul3A_8, %get3A_11 : vector<2000x64xf32>
    %mul3A_13 = arith.constant 5.000000e-01 : f32
    %mul3A_14 = vector.broadcast %mul3A_13 : f32 to vector<2000x64xf32>
    %mul3A_15 = arith.mulf %mul3A_14, %add3A_12 : vector<2000x64xf32>
    %mul3A_16 = arith.constant 0.707106769 : f32
    %mul3A_17 = vector.broadcast %mul3A_16 : f32 to vector<2000x64xf32>
    %mul3A_18 = arith.mulf %add3A_12, %mul3A_17 : vector<2000x64xf32>
    %erf3A = math.erf %mul3A_18 : vector<2000x64xf32>
    %add3A_19 = arith.constant 1.000000e+00 : f32
    %add3A_20 = vector.broadcast %add3A_19 : f32 to vector<2000x64xf32>
    %add3A_21 = arith.addf %add3A_20, %erf3A : vector<2000x64xf32>
    %mul3A_22 = arith.mulf %mul3A_15, %add3A_21 : vector<2000x64xf32>
    %get3A_23 = arith.constant 0 : index
    %get3A_24 = arith.constant 0 : index
    %get3A_25 = vector.load %arg5[%get3A_23, %get3A_24] : memref<1x64xf32, #tpu.memory_space<vmem>>, vector<1x64xf32>
    %get3A_26 = arith.constant 0 : index
    %get3A_27 = arith.constant 0 : index
    %get3A_28 = vector.load %arg6[%get3A_26, %get3A_27] : memref<1x64xf32, #tpu.memory_space<vmem>>, vector<1x64xf32>
    %reduce_sum3A = arith.constant dense<0.000000e+00> : vector<2000xf32>
    %reduce_sum3A_29 = vector.multi_reduction <add>, %mul3A_22, %reduce_sum3A [1] : vector<2000x64xf32> to vector<2000xf32>
    %broadcast_in_dim3A = vector.shape_cast %reduce_sum3A_29 : vector<2000xf32> to vector<2000x1xf32>
    %div3A = arith.constant 6.400000e+01 : f32
    %div3A_30 = vector.broadcast %div3A : f32 to vector<2000x1xf32>
    %div3A_31 = arith.divf %broadcast_in_dim3A, %div3A_30 : vector<2000x1xf32>
    %sub3A = vector.broadcast %div3A_31 : vector<2000x1xf32> to vector<2000x64xf32>
    %sub3A_32 = arith.subf %mul3A_22, %sub3A : vector<2000x64xf32>
    %integer_pow3A = arith.mulf %sub3A_32, %sub3A_32 : vector<2000x64xf32>
    %reduce_sum3A_33 = arith.constant dense<0.000000e+00> : vector<2000xf32>
    %reduce_sum3A_34 = vector.multi_reduction <add>, %integer_pow3A, %reduce_sum3A_33 [1] : vector<2000x64xf32> to vector<2000xf32>
    %broadcast_in_dim3A_35 = vector.shape_cast %reduce_sum3A_34 : vector<2000xf32> to vector<2000x1xf32>
    %div3A_36 = arith.constant 6.400000e+01 : f32
    %div3A_37 = vector.broadcast %div3A_36 : f32 to vector<2000x1xf32>
    %div3A_38 = arith.divf %broadcast_in_dim3A_35, %div3A_37 : vector<2000x1xf32>
    %sub3A_39 = vector.broadcast %div3A_31 : vector<2000x1xf32> to vector<2000x64xf32>
    %sub3A_40 = arith.subf %mul3A_22, %sub3A_39 : vector<2000x64xf32>
    %add3A_41 = arith.constant 9.99999974E-6 : f32
    %add3A_42 = vector.broadcast %add3A_41 : f32 to vector<2000x1xf32>
    %add3A_43 = arith.addf %div3A_38, %add3A_42 : vector<2000x1xf32>
    %rsqrt3A = math.rsqrt %add3A_43 : vector<2000x1xf32>
    %mul3A_44 = vector.broadcast %rsqrt3A : vector<2000x1xf32> to vector<2000x64xf32>
    %mul3A_45 = arith.mulf %sub3A_40, %mul3A_44 : vector<2000x64xf32>
    %mul3A_46 = vector.broadcast %get3A_25 : vector<1x64xf32> to vector<2000x64xf32>
    %mul3A_47 = arith.mulf %mul3A_45, %mul3A_46 : vector<2000x64xf32>
    %add3A_48 = vector.broadcast %get3A_28 : vector<1x64xf32> to vector<2000x64xf32>
    %add3A_49 = arith.addf %mul3A_47, %add3A_48 : vector<2000x64xf32>
    %get3A_50 = arith.constant 0 : index
    %get3A_51 = arith.constant 0 : index
    %get3A_52 = vector.load %arg7[%get3A_50, %get3A_51] : memref<2000x1xi32, #tpu.memory_space<vmem>>, vector<2000x1xi32>
    %iota3A = tpu.iota {dimensions = array<i32: 1>} : vector<2000x64xi32>
    %eq3A = vector.broadcast %get3A_52 : vector<2000x1xi32> to vector<2000x64xi32>
    %eq3A_53 = arith.cmpi eq, %eq3A, %iota3A : vector<2000x64xi32>
    %convert_element_type3A = arith.extui %eq3A_53 : vector<2000x64xi1> to vector<2000x64xi32>
    %convert_element_type3A_54 = arith.sitofp %convert_element_type3A : vector<2000x64xi32> to vector<2000x64xf32>
    %dot_general3A = arith.constant dense<0.000000e+00> : vector<64x64xf32>
    %dot_general3A_55 = tpu.matmul %convert_element_type3A_54, %add3A_49, %dot_general3A {dimension_numbers = #tpu.dot_dimension_numbers<[0], [0], [1], [1], [0, 1, 1, 1], [], []>, transpose_lhs_hint = false} : vector<2000x64xf32>, vector<2000x64xf32>, vector<64x64xf32> -> vector<64x64xf32>
    %broadcast_in_dim3A_56 = arith.constant 1.000000e+00 : f32
    %broadcast_in_dim3A_57 = vector.broadcast %broadcast_in_dim3A_56 : f32 to vector<2000x1xf32>
    %dot_general3A_58 = arith.constant dense<0.000000e+00> : vector<64x1xf32>
    %dot_general3A_59 = tpu.matmul %convert_element_type3A_54, %broadcast_in_dim3A_57, %dot_general3A_58 {dimension_numbers = #tpu.dot_dimension_numbers<[0], [0], [1], [1], [0, 1, 1, 1], [], []>, transpose_lhs_hint = false} : vector<2000x64xf32>, vector<2000x1xf32>, vector<64x1xf32> -> vector<64x1xf32>
    %eq3A_60 = arith.constant 0 : i32
    %eq3A_61 = arith.cmpi eq, %arg0, %eq3A_60 : i32
    %convert_element_type3A_62 = arith.extui %eq3A_61 : i1 to i32
    %cond3A = arith.constant 0 : i32
    %cond3A_63 = arith.cmpi ne, %convert_element_type3A_62, %cond3A : i32
    scf.if %cond3A_63 {
      %swap3A = arith.constant 0 : index
      %swap3A_73 = arith.constant 0 : index
      %swap3A_74 = vector.load %arg21[%swap3A, %swap3A_73] : memref<64x64xf32, #tpu.memory_space<vmem>>, vector<64x64xf32>
      tpu.vector_store %arg21[%swap3A, %swap3A_73], %dot_general3A_55 {strides = array<i32>} : memref<64x64xf32, #tpu.memory_space<vmem>>, vector<64x64xf32>,
      %swap3A_75 = arith.constant 0 : index
      %swap3A_76 = arith.constant 0 : index
      %swap3A_77 = vector.load %arg22[%swap3A_75, %swap3A_76] : memref<64x1xf32, #tpu.memory_space<vmem>>, vector<64x1xf32>
      tpu.vector_store %arg22[%swap3A_75, %swap3A_76], %dot_general3A_59 {strides = array<i32>} : memref<64x1xf32, #tpu.memory_space<vmem>>, vector<64x1xf32>,
    } else {
    }
    %gt3A = arith.constant 0 : i32
    %gt3A_64 = arith.cmpi sgt, %arg0, %gt3A : i32
    %convert_element_type3A_65 = arith.extui %gt3A_64 : i1 to i32
    %cond3A_66 = arith.constant 0 : i32
    %cond3A_67 = arith.cmpi ne, %convert_element_type3A_65, %cond3A_66 : i32
    scf.if %cond3A_67 {
      %get3A_73 = arith.constant 0 : index
      %get3A_74 = arith.constant 0 : index
      %get3A_75 = vector.load %arg21[%get3A_73, %get3A_74] : memref<64x64xf32, #tpu.memory_space<vmem>>, vector<64x64xf32>
      %add3A_76 = arith.addf %get3A_75, %dot_general3A_55 : vector<64x64xf32>
      %swap3A = arith.constant 0 : index
      %swap3A_77 = arith.constant 0 : index
      %swap3A_78 = vector.load %arg21[%swap3A, %swap3A_77] : memref<64x64xf32, #tpu.memory_space<vmem>>, vector<64x64xf32>
      tpu.vector_store %arg21[%swap3A, %swap3A_77], %add3A_76 {strides = array<i32>} : memref<64x64xf32, #tpu.memory_space<vmem>>, vector<64x64xf32>,
      %get3A_79 = arith.constant 0 : index
      %get3A_80 = arith.constant 0 : index
      %get3A_81 = vector.load %arg22[%get3A_79, %get3A_80] : memref<64x1xf32, #tpu.memory_space<vmem>>, vector<64x1xf32>
      %add3A_82 = arith.addf %get3A_81, %dot_general3A_59 : vector<64x1xf32>
      %swap3A_83 = arith.constant 0 : index
      %swap3A_84 = arith.constant 0 : index
      %swap3A_85 = vector.load %arg22[%swap3A_83, %swap3A_84] : memref<64x1xf32, #tpu.memory_space<vmem>>, vector<64x1xf32>
      tpu.vector_store %arg22[%swap3A_83, %swap3A_84], %add3A_82 {strides = array<i32>} : memref<64x1xf32, #tpu.memory_space<vmem>>, vector<64x1xf32>,
    } else {
    }
    %eq3A_68 = arith.constant 4 : i32
    %eq3A_69 = arith.cmpi eq, %arg0, %eq3A_68 : i32
    %convert_element_type3A_70 = arith.extui %eq3A_69 : i1 to i32
    %cond3A_71 = arith.constant 0 : i32
    %cond3A_72 = arith.cmpi ne, %convert_element_type3A_70, %cond3A_71 : i32
    scf.if %cond3A_72 {
      %get3A_73 = arith.constant 0 : index
      %get3A_74 = arith.constant 0 : index
      %get3A_75 = vector.load %arg21[%get3A_73, %get3A_74] : memref<64x64xf32, #tpu.memory_space<vmem>>, vector<64x64xf32>
      %get3A_76 = arith.constant 0 : index
      %get3A_77 = arith.constant 0 : index
      %get3A_78 = vector.load %arg22[%get3A_76, %get3A_77] : memref<64x1xf32, #tpu.memory_space<vmem>>, vector<64x1xf32>
      %max3A = arith.constant 1.000000e+00 : f32
      %max3A_79 = vector.broadcast %max3A : f32 to vector<64x1xf32>
      %max3A_80 = arith.maximumf %get3A_78, %max3A_79 : vector<64x1xf32>
      %div3A_81 = vector.broadcast %max3A_80 : vector<64x1xf32> to vector<64x64xf32>
      %div3A_82 = arith.divf %get3A_75, %div3A_81 : vector<64x64xf32>
      %get3A_83 = arith.constant 0 : index
      %get3A_84 = arith.constant 0 : index
      %get3A_85 = vector.load %arg9[%get3A_83, %get3A_84] : memref<64x32xf32, #tpu.memory_space<vmem>>, vector<64x32xf32>
      %dot_general3A_86 = arith.constant dense<0.000000e+00> : vector<64x32xf32>
      %dot_general3A_87 = tpu.matmul %div3A_82, %get3A_85, %dot_general3A_86 {dimension_numbers = #tpu.dot_dimension_numbers<[1], [0], [0], [1], [0, 0, 1, 1], [], []>, transpose_lhs_hint = false} : vector<64x64xf32>, vector<64x32xf32>, vector<64x32xf32> -> vector<64x32xf32>
      %get3A_88 = arith.constant 0 : index
      %get3A_89 = arith.constant 0 : index
      %get3A_90 = vector.load %arg8[%get3A_88, %get3A_89] : memref<64x24xf32, #tpu.memory_space<vmem>>, vector<64x24xf32>
      %get3A_91 = arith.constant 0 : index
      %get3A_92 = arith.constant 0 : index
      %get3A_93 = vector.load %arg10[%get3A_91, %get3A_92] : memref<24x32xf32, #tpu.memory_space<vmem>>, vector<24x32xf32>
      %dot_general3A_94 = arith.constant dense<0.000000e+00> : vector<64x32xf32>
      %dot_general3A_95 = tpu.matmul %get3A_90, %get3A_93, %dot_general3A_94 {dimension_numbers = #tpu.dot_dimension_numbers<[1], [0], [0], [1], [0, 0, 1, 1], [], []>, transpose_lhs_hint = false} : vector<64x24xf32>, vector<24x32xf32>, vector<64x32xf32> -> vector<64x32xf32>
      %add3A_96 = arith.addf %dot_general3A_87, %dot_general3A_95 : vector<64x32xf32>
      %get3A_97 = arith.constant 0 : index
      %get3A_98 = arith.constant 0 : index
      %get3A_99 = vector.load %arg11[%get3A_97, %get3A_98] : memref<1x32xf32, #tpu.memory_space<vmem>>, vector<1x32xf32>
      %add3A_100 = vector.broadcast %get3A_99 : vector<1x32xf32> to vector<64x32xf32>
      %add3A_101 = arith.addf %add3A_96, %add3A_100 : vector<64x32xf32>
      %mul3A_102 = arith.constant 5.000000e-01 : f32
      %mul3A_103 = vector.broadcast %mul3A_102 : f32 to vector<64x32xf32>
      %mul3A_104 = arith.mulf %mul3A_103, %add3A_101 : vector<64x32xf32>
      %mul3A_105 = arith.constant 0.707106769 : f32
      %mul3A_106 = vector.broadcast %mul3A_105 : f32 to vector<64x32xf32>
      %mul3A_107 = arith.mulf %add3A_101, %mul3A_106 : vector<64x32xf32>
      %erf3A_108 = math.erf %mul3A_107 : vector<64x32xf32>
      %add3A_109 = arith.constant 1.000000e+00 : f32
      %add3A_110 = vector.broadcast %add3A_109 : f32 to vector<64x32xf32>
      %add3A_111 = arith.addf %add3A_110, %erf3A_108 : vector<64x32xf32>
      %mul3A_112 = arith.mulf %mul3A_104, %add3A_111 : vector<64x32xf32>
      %get3A_113 = arith.constant 0 : index
      %get3A_114 = arith.constant 0 : index
      %get3A_115 = vector.load %arg12[%get3A_113, %get3A_114] : memref<1x32xf32, #tpu.memory_space<vmem>>, vector<1x32xf32>
      %get3A_116 = arith.constant 0 : index
      %get3A_117 = arith.constant 0 : index
      %get3A_118 = vector.load %arg13[%get3A_116, %get3A_117] : memref<1x32xf32, #tpu.memory_space<vmem>>, vector<1x32xf32>
      %reduce_sum3A_119 = arith.constant dense<0.000000e+00> : vector<64xf32>
      %reduce_sum3A_120 = vector.multi_reduction <add>, %mul3A_112, %reduce_sum3A_119 [1] : vector<64x32xf32> to vector<64xf32>
      %broadcast_in_dim3A_121 = vector.shape_cast %reduce_sum3A_120 : vector<64xf32> to vector<64x1xf32>
      %div3A_122 = arith.constant 3.200000e+01 : f32
      %div3A_123 = vector.broadcast %div3A_122 : f32 to vector<64x1xf32>
      %div3A_124 = arith.divf %broadcast_in_dim3A_121, %div3A_123 : vector<64x1xf32>
      %sub3A_125 = vector.broadcast %div3A_124 : vector<64x1xf32> to vector<64x32xf32>
      %sub3A_126 = arith.subf %mul3A_112, %sub3A_125 : vector<64x32xf32>
      %integer_pow3A_127 = arith.mulf %sub3A_126, %sub3A_126 : vector<64x32xf32>
      %reduce_sum3A_128 = arith.constant dense<0.000000e+00> : vector<64xf32>
      %reduce_sum3A_129 = vector.multi_reduction <add>, %integer_pow3A_127, %reduce_sum3A_128 [1] : vector<64x32xf32> to vector<64xf32>
      %broadcast_in_dim3A_130 = vector.shape_cast %reduce_sum3A_129 : vector<64xf32> to vector<64x1xf32>
      %div3A_131 = arith.constant 3.200000e+01 : f32
      %div3A_132 = vector.broadcast %div3A_131 : f32 to vector<64x1xf32>
      %div3A_133 = arith.divf %broadcast_in_dim3A_130, %div3A_132 : vector<64x1xf32>
      %sub3A_134 = vector.broadcast %div3A_124 : vector<64x1xf32> to vector<64x32xf32>
      %sub3A_135 = arith.subf %mul3A_112, %sub3A_134 : vector<64x32xf32>
      %add3A_136 = arith.constant 9.99999974E-6 : f32
      %add3A_137 = vector.broadcast %add3A_136 : f32 to vector<64x1xf32>
      %add3A_138 = arith.addf %div3A_133, %add3A_137 : vector<64x1xf32>
      %rsqrt3A_139 = math.rsqrt %add3A_138 : vector<64x1xf32>
      %mul3A_140 = vector.broadcast %rsqrt3A_139 : vector<64x1xf32> to vector<64x32xf32>
      %mul3A_141 = arith.mulf %sub3A_135, %mul3A_140 : vector<64x32xf32>
      %mul3A_142 = vector.broadcast %get3A_115 : vector<1x32xf32> to vector<64x32xf32>
      %mul3A_143 = arith.mulf %mul3A_141, %mul3A_142 : vector<64x32xf32>
      %add3A_144 = vector.broadcast %get3A_118 : vector<1x32xf32> to vector<64x32xf32>
      %add3A_145 = arith.addf %mul3A_143, %add3A_144 : vector<64x32xf32>
      %get3A_146 = arith.constant 0 : index
      %get3A_147 = arith.constant 0 : index
      %get3A_148 = arith.constant 0 : index
      %get3A_149 = vector.load %arg14[%get3A_146, %get3A_147, %get3A_148] : memref<3x32x32xf32, #tpu.memory_space<vmem>>, vector<1x32x32xf32>
      %get3A_150 = vector.shape_cast %get3A_149 : vector<1x32x32xf32> to vector<32x32xf32>
      %dot_general3A_151 = arith.constant dense<0.000000e+00> : vector<64x32xf32>
      %dot_general3A_152 = tpu.matmul %add3A_145, %get3A_150, %dot_general3A_151 {dimension_numbers = #tpu.dot_dimension_numbers<[1], [0], [0], [1], [0, 0, 1, 1], [], []>, transpose_lhs_hint = false} : vector<64x32xf32>, vector<32x32xf32>, vector<64x32xf32> -> vector<64x32xf32>
      %get3A_153 = arith.constant 0 : index
      %get3A_154 = arith.constant 0 : index
      %get3A_155 = arith.constant 0 : index
      %get3A_156 = vector.load %arg15[%get3A_153, %get3A_154, %get3A_155] : memref<3x1x32xf32, #tpu.memory_space<vmem>>, vector<1x1x32xf32>
      %get3A_157 = vector.shape_cast %get3A_156 : vector<1x1x32xf32> to vector<1x32xf32>
      %add3A_158 = vector.broadcast %get3A_157 : vector<1x32xf32> to vector<64x32xf32>
      %add3A_159 = arith.addf %dot_general3A_152, %add3A_158 : vector<64x32xf32>
      %mul3A_160 = arith.constant 5.000000e-01 : f32
      %mul3A_161 = vector.broadcast %mul3A_160 : f32 to vector<64x32xf32>
      %mul3A_162 = arith.mulf %mul3A_161, %add3A_159 : vector<64x32xf32>
      %mul3A_163 = arith.constant 0.707106769 : f32
      %mul3A_164 = vector.broadcast %mul3A_163 : f32 to vector<64x32xf32>
      %mul3A_165 = arith.mulf %add3A_159, %mul3A_164 : vector<64x32xf32>
      %erf3A_166 = math.erf %mul3A_165 : vector<64x32xf32>
      %add3A_167 = arith.constant 1.000000e+00 : f32
      %add3A_168 = vector.broadcast %add3A_167 : f32 to vector<64x32xf32>
      %add3A_169 = arith.addf %add3A_168, %erf3A_166 : vector<64x32xf32>
      %mul3A_170 = arith.mulf %mul3A_162, %add3A_169 : vector<64x32xf32>
      %get3A_171 = arith.constant 0 : index
      %get3A_172 = arith.constant 0 : index
      %get3A_173 = arith.constant 0 : index
      %get3A_174 = vector.load %arg16[%get3A_171, %get3A_172, %get3A_173] : memref<3x1x32xf32, #tpu.memory_space<vmem>>, vector<1x1x32xf32>
      %get3A_175 = vector.shape_cast %get3A_174 : vector<1x1x32xf32> to vector<1x32xf32>
      %get3A_176 = arith.constant 0 : index
      %get3A_177 = arith.constant 0 : index
      %get3A_178 = arith.constant 0 : index
      %get3A_179 = vector.load %arg17[%get3A_176, %get3A_177, %get3A_178] : memref<3x1x32xf32, #tpu.memory_space<vmem>>, vector<1x1x32xf32>
      %get3A_180 = vector.shape_cast %get3A_179 : vector<1x1x32xf32> to vector<1x32xf32>
      %reduce_sum3A_181 = arith.constant dense<0.000000e+00> : vector<64xf32>
      %reduce_sum3A_182 = vector.multi_reduction <add>, %mul3A_170, %reduce_sum3A_181 [1] : vector<64x32xf32> to vector<64xf32>
      %broadcast_in_dim3A_183 = vector.shape_cast %reduce_sum3A_182 : vector<64xf32> to vector<64x1xf32>
      %div3A_184 = arith.constant 3.200000e+01 : f32
      %div3A_185 = vector.broadcast %div3A_184 : f32 to vector<64x1xf32>
      %div3A_186 = arith.divf %broadcast_in_dim3A_183, %div3A_185 : vector<64x1xf32>
      %sub3A_187 = vector.broadcast %div3A_186 : vector<64x1xf32> to vector<64x32xf32>
      %sub3A_188 = arith.subf %mul3A_170, %sub3A_187 : vector<64x32xf32>
      %integer_pow3A_189 = arith.mulf %sub3A_188, %sub3A_188 : vector<64x32xf32>
      %reduce_sum3A_190 = arith.constant dense<0.000000e+00> : vector<64xf32>
      %reduce_sum3A_191 = vector.multi_reduction <add>, %integer_pow3A_189, %reduce_sum3A_190 [1] : vector<64x32xf32> to vector<64xf32>
      %broadcast_in_dim3A_192 = vector.shape_cast %reduce_sum3A_191 : vector<64xf32> to vector<64x1xf32>
      %div3A_193 = arith.constant 3.200000e+01 : f32
      %div3A_194 = vector.broadcast %div3A_193 : f32 to vector<64x1xf32>
      %div3A_195 = arith.divf %broadcast_in_dim3A_192, %div3A_194 : vector<64x1xf32>
      %sub3A_196 = vector.broadcast %div3A_186 : vector<64x1xf32> to vector<64x32xf32>
      %sub3A_197 = arith.subf %mul3A_170, %sub3A_196 : vector<64x32xf32>
      %add3A_198 = arith.constant 9.99999974E-6 : f32
      %add3A_199 = vector.broadcast %add3A_198 : f32 to vector<64x1xf32>
      %add3A_200 = arith.addf %div3A_195, %add3A_199 : vector<64x1xf32>
      %rsqrt3A_201 = math.rsqrt %add3A_200 : vector<64x1xf32>
      %mul3A_202 = vector.broadcast %rsqrt3A_201 : vector<64x1xf32> to vector<64x32xf32>
      %mul3A_203 = arith.mulf %sub3A_197, %mul3A_202 : vector<64x32xf32>
      %mul3A_204 = vector.broadcast %get3A_175 : vector<1x32xf32> to vector<64x32xf32>
      %mul3A_205 = arith.mulf %mul3A_203, %mul3A_204 : vector<64x32xf32>
      %add3A_206 = vector.broadcast %get3A_180 : vector<1x32xf32> to vector<64x32xf32>
      %add3A_207 = arith.addf %mul3A_205, %add3A_206 : vector<64x32xf32>
      %add3A_208 = arith.addf %add3A_207, %add3A_145 : vector<64x32xf32>
      %get3A_209 = arith.constant 1 : index
      %get3A_210 = arith.constant 0 : index
      %get3A_211 = arith.constant 0 : index
      %get3A_212 = vector.load %arg14[%get3A_209, %get3A_210, %get3A_211] : memref<3x32x32xf32, #tpu.memory_space<vmem>>, vector<1x32x32xf32>
      %get3A_213 = vector.shape_cast %get3A_212 : vector<1x32x32xf32> to vector<32x32xf32>
      %dot_general3A_214 = arith.constant dense<0.000000e+00> : vector<64x32xf32>
      %dot_general3A_215 = tpu.matmul %add3A_208, %get3A_213, %dot_general3A_214 {dimension_numbers = #tpu.dot_dimension_numbers<[1], [0], [0], [1], [0, 0, 1, 1], [], []>, transpose_lhs_hint = false} : vector<64x32xf32>, vector<32x32xf32>, vector<64x32xf32> -> vector<64x32xf32>
      %get3A_216 = arith.constant 1 : index
      %get3A_217 = arith.constant 0 : index
      %get3A_218 = arith.constant 0 : index
      %get3A_219 = vector.load %arg15[%get3A_216, %get3A_217, %get3A_218] : memref<3x1x32xf32, #tpu.memory_space<vmem>>, vector<1x1x32xf32>
      %get3A_220 = vector.shape_cast %get3A_219 : vector<1x1x32xf32> to vector<1x32xf32>
      %add3A_221 = vector.broadcast %get3A_220 : vector<1x32xf32> to vector<64x32xf32>
      %add3A_222 = arith.addf %dot_general3A_215, %add3A_221 : vector<64x32xf32>
      %mul3A_223 = arith.constant 5.000000e-01 : f32
      %mul3A_224 = vector.broadcast %mul3A_223 : f32 to vector<64x32xf32>
      %mul3A_225 = arith.mulf %mul3A_224, %add3A_222 : vector<64x32xf32>
      %mul3A_226 = arith.constant 0.707106769 : f32
      %mul3A_227 = vector.broadcast %mul3A_226 : f32 to vector<64x32xf32>
      %mul3A_228 = arith.mulf %add3A_222, %mul3A_227 : vector<64x32xf32>
      %erf3A_229 = math.erf %mul3A_228 : vector<64x32xf32>
      %add3A_230 = arith.constant 1.000000e+00 : f32
      %add3A_231 = vector.broadcast %add3A_230 : f32 to vector<64x32xf32>
      %add3A_232 = arith.addf %add3A_231, %erf3A_229 : vector<64x32xf32>
      %mul3A_233 = arith.mulf %mul3A_225, %add3A_232 : vector<64x32xf32>
      %get3A_234 = arith.constant 1 : index
      %get3A_235 = arith.constant 0 : index
      %get3A_236 = arith.constant 0 : index
      %get3A_237 = vector.load %arg16[%get3A_234, %get3A_235, %get3A_236] : memref<3x1x32xf32, #tpu.memory_space<vmem>>, vector<1x1x32xf32>
      %get3A_238 = vector.shape_cast %get3A_237 : vector<1x1x32xf32> to vector<1x32xf32>
      %get3A_239 = arith.constant 1 : index
      %get3A_240 = arith.constant 0 : index
      %get3A_241 = arith.constant 0 : index
      %get3A_242 = vector.load %arg17[%get3A_239, %get3A_240, %get3A_241] : memref<3x1x32xf32, #tpu.memory_space<vmem>>, vector<1x1x32xf32>
      %get3A_243 = vector.shape_cast %get3A_242 : vector<1x1x32xf32> to vector<1x32xf32>
      %reduce_sum3A_244 = arith.constant dense<0.000000e+00> : vector<64xf32>
      %reduce_sum3A_245 = vector.multi_reduction <add>, %mul3A_233, %reduce_sum3A_244 [1] : vector<64x32xf32> to vector<64xf32>
      %broadcast_in_dim3A_246 = vector.shape_cast %reduce_sum3A_245 : vector<64xf32> to vector<64x1xf32>
      %div3A_247 = arith.constant 3.200000e+01 : f32
      %div3A_248 = vector.broadcast %div3A_247 : f32 to vector<64x1xf32>
      %div3A_249 = arith.divf %broadcast_in_dim3A_246, %div3A_248 : vector<64x1xf32>
      %sub3A_250 = vector.broadcast %div3A_249 : vector<64x1xf32> to vector<64x32xf32>
      %sub3A_251 = arith.subf %mul3A_233, %sub3A_250 : vector<64x32xf32>
      %integer_pow3A_252 = arith.mulf %sub3A_251, %sub3A_251 : vector<64x32xf32>
      %reduce_sum3A_253 = arith.constant dense<0.000000e+00> : vector<64xf32>
      %reduce_sum3A_254 = vector.multi_reduction <add>, %integer_pow3A_252, %reduce_sum3A_253 [1] : vector<64x32xf32> to vector<64xf32>
      %broadcast_in_dim3A_255 = vector.shape_cast %reduce_sum3A_254 : vector<64xf32> to vector<64x1xf32>
      %div3A_256 = arith.constant 3.200000e+01 : f32
      %div3A_257 = vector.broadcast %div3A_256 : f32 to vector<64x1xf32>
      %div3A_258 = arith.divf %broadcast_in_dim3A_255, %div3A_257 : vector<64x1xf32>
      %sub3A_259 = vector.broadcast %div3A_249 : vector<64x1xf32> to vector<64x32xf32>
      %sub3A_260 = arith.subf %mul3A_233, %sub3A_259 : vector<64x32xf32>
      %add3A_261 = arith.constant 9.99999974E-6 : f32
      %add3A_262 = vector.broadcast %add3A_261 : f32 to vector<64x1xf32>
      %add3A_263 = arith.addf %div3A_258, %add3A_262 : vector<64x1xf32>
      %rsqrt3A_264 = math.rsqrt %add3A_263 : vector<64x1xf32>
      %mul3A_265 = vector.broadcast %rsqrt3A_264 : vector<64x1xf32> to vector<64x32xf32>
      %mul3A_266 = arith.mulf %sub3A_260, %mul3A_265 : vector<64x32xf32>
      %mul3A_267 = vector.broadcast %get3A_238 : vector<1x32xf32> to vector<64x32xf32>
      %mul3A_268 = arith.mulf %mul3A_266, %mul3A_267 : vector<64x32xf32>
      %add3A_269 = vector.broadcast %get3A_243 : vector<1x32xf32> to vector<64x32xf32>
      %add3A_270 = arith.addf %mul3A_268, %add3A_269 : vector<64x32xf32>
      %add3A_271 = arith.addf %add3A_270, %add3A_208 : vector<64x32xf32>
      %get3A_272 = arith.constant 2 : index
      %get3A_273 = arith.constant 0 : index
      %get3A_274 = arith.constant 0 : index
      %get3A_275 = vector.load %arg14[%get3A_272, %get3A_273, %get3A_274] : memref<3x32x32xf32, #tpu.memory_space<vmem>>, vector<1x32x32xf32>
      %get3A_276 = vector.shape_cast %get3A_275 : vector<1x32x32xf32> to vector<32x32xf32>
      %dot_general3A_277 = arith.constant dense<0.000000e+00> : vector<64x32xf32>
      %dot_general3A_278 = tpu.matmul %add3A_271, %get3A_276, %dot_general3A_277 {dimension_numbers = #tpu.dot_dimension_numbers<[1], [0], [0], [1], [0, 0, 1, 1], [], []>, transpose_lhs_hint = false} : vector<64x32xf32>, vector<32x32xf32>, vector<64x32xf32> -> vector<64x32xf32>
      %get3A_279 = arith.constant 2 : index
      %get3A_280 = arith.constant 0 : index
      %get3A_281 = arith.constant 0 : index
      %get3A_282 = vector.load %arg15[%get3A_279, %get3A_280, %get3A_281] : memref<3x1x32xf32, #tpu.memory_space<vmem>>, vector<1x1x32xf32>
      %get3A_283 = vector.shape_cast %get3A_282 : vector<1x1x32xf32> to vector<1x32xf32>
      %add3A_284 = vector.broadcast %get3A_283 : vector<1x32xf32> to vector<64x32xf32>
      %add3A_285 = arith.addf %dot_general3A_278, %add3A_284 : vector<64x32xf32>
      %mul3A_286 = arith.constant 5.000000e-01 : f32
      %mul3A_287 = vector.broadcast %mul3A_286 : f32 to vector<64x32xf32>
      %mul3A_288 = arith.mulf %mul3A_287, %add3A_285 : vector<64x32xf32>
      %mul3A_289 = arith.constant 0.707106769 : f32
      %mul3A_290 = vector.broadcast %mul3A_289 : f32 to vector<64x32xf32>
      %mul3A_291 = arith.mulf %add3A_285, %mul3A_290 : vector<64x32xf32>
      %erf3A_292 = math.erf %mul3A_291 : vector<64x32xf32>
      %add3A_293 = arith.constant 1.000000e+00 : f32
      %add3A_294 = vector.broadcast %add3A_293 : f32 to vector<64x32xf32>
      %add3A_295 = arith.addf %add3A_294, %erf3A_292 : vector<64x32xf32>
      %mul3A_296 = arith.mulf %mul3A_288, %add3A_295 : vector<64x32xf32>
      %get3A_297 = arith.constant 2 : index
      %get3A_298 = arith.constant 0 : index
      %get3A_299 = arith.constant 0 : index
      %get3A_300 = vector.load %arg16[%get3A_297, %get3A_298, %get3A_299] : memref<3x1x32xf32, #tpu.memory_space<vmem>>, vector<1x1x32xf32>
      %get3A_301 = vector.shape_cast %get3A_300 : vector<1x1x32xf32> to vector<1x32xf32>
      %get3A_302 = arith.constant 2 : index
      %get3A_303 = arith.constant 0 : index
      %get3A_304 = arith.constant 0 : index
      %get3A_305 = vector.load %arg17[%get3A_302, %get3A_303, %get3A_304] : memref<3x1x32xf32, #tpu.memory_space<vmem>>, vector<1x1x32xf32>
      %get3A_306 = vector.shape_cast %get3A_305 : vector<1x1x32xf32> to vector<1x32xf32>
      %reduce_sum3A_307 = arith.constant dense<0.000000e+00> : vector<64xf32>
      %reduce_sum3A_308 = vector.multi_reduction <add>, %mul3A_296, %reduce_sum3A_307 [1] : vector<64x32xf32> to vector<64xf32>
      %broadcast_in_dim3A_309 = vector.shape_cast %reduce_sum3A_308 : vector<64xf32> to vector<64x1xf32>
      %div3A_310 = arith.constant 3.200000e+01 : f32
      %div3A_311 = vector.broadcast %div3A_310 : f32 to vector<64x1xf32>
      %div3A_312 = arith.divf %broadcast_in_dim3A_309, %div3A_311 : vector<64x1xf32>
      %sub3A_313 = vector.broadcast %div3A_312 : vector<64x1xf32> to vector<64x32xf32>
      %sub3A_314 = arith.subf %mul3A_296, %sub3A_313 : vector<64x32xf32>
      %integer_pow3A_315 = arith.mulf %sub3A_314, %sub3A_314 : vector<64x32xf32>
      %reduce_sum3A_316 = arith.constant dense<0.000000e+00> : vector<64xf32>
      %reduce_sum3A_317 = vector.multi_reduction <add>, %integer_pow3A_315, %reduce_sum3A_316 [1] : vector<64x32xf32> to vector<64xf32>
      %broadcast_in_dim3A_318 = vector.shape_cast %reduce_sum3A_317 : vector<64xf32> to vector<64x1xf32>
      %div3A_319 = arith.constant 3.200000e+01 : f32
      %div3A_320 = vector.broadcast %div3A_319 : f32 to vector<64x1xf32>
      %div3A_321 = arith.divf %broadcast_in_dim3A_318, %div3A_320 : vector<64x1xf32>
      %sub3A_322 = vector.broadcast %div3A_312 : vector<64x1xf32> to vector<64x32xf32>
      %sub3A_323 = arith.subf %mul3A_296, %sub3A_322 : vector<64x32xf32>
      %add3A_324 = arith.constant 9.99999974E-6 : f32
      %add3A_325 = vector.broadcast %add3A_324 : f32 to vector<64x1xf32>
      %add3A_326 = arith.addf %div3A_321, %add3A_325 : vector<64x1xf32>
      %rsqrt3A_327 = math.rsqrt %add3A_326 : vector<64x1xf32>
      %mul3A_328 = vector.broadcast %rsqrt3A_327 : vector<64x1xf32> to vector<64x32xf32>
      %mul3A_329 = arith.mulf %sub3A_323, %mul3A_328 : vector<64x32xf32>
      %mul3A_330 = vector.broadcast %get3A_301 : vector<1x32xf32> to vector<64x32xf32>
      %mul3A_331 = arith.mulf %mul3A_329, %mul3A_330 : vector<64x32xf32>
      %add3A_332 = vector.broadcast %get3A_306 : vector<1x32xf32> to vector<64x32xf32>
      %add3A_333 = arith.addf %mul3A_331, %add3A_332 : vector<64x32xf32>
      %add3A_334 = arith.addf %add3A_333, %add3A_271 : vector<64x32xf32>
      %get3A_335 = arith.constant 0 : index
      %get3A_336 = arith.constant 0 : index
      %get3A_337 = vector.load %arg18[%get3A_335, %get3A_336] : memref<32x1xf32, #tpu.memory_space<vmem>>, vector<32x1xf32>
      %dot_general3A_338 = arith.constant dense<0.000000e+00> : vector<64x1xf32>
      %dot_general3A_339 = tpu.matmul %add3A_334, %get3A_337, %dot_general3A_338 {dimension_numbers = #tpu.dot_dimension_numbers<[1], [0], [0], [1], [0, 0, 1, 1], [], []>, transpose_lhs_hint = false} : vector<64x32xf32>, vector<32x1xf32>, vector<64x1xf32> -> vector<64x1xf32>
      %get3A_340 = arith.constant 0 : index
      %get3A_341 = arith.constant 0 : index
      %get3A_342 = vector.load %arg19[%get3A_340, %get3A_341] : memref<1x1xf32, #tpu.memory_space<vmem>>, vector<1x1xf32>
      %add3A_343 = vector.broadcast %get3A_342 : vector<1x1xf32> to vector<64x1xf32>
      %add3A_344 = arith.addf %dot_general3A_339, %add3A_343 : vector<64x1xf32>
      %swap3A = arith.constant 0 : index
      %swap3A_345 = arith.constant 0 : index
      %swap3A_346 = vector.load %arg20[%swap3A, %swap3A_345] : memref<64x1xf32, #tpu.memory_space<vmem>>, vector<64x1xf32>
      tpu.vector_store %arg20[%swap3A, %swap3A_345], %add3A_344 {strides = array<i32>} : memref<64x1xf32, #tpu.memory_space<vmem>>, vector<64x1xf32>,
    } else {
    }
    return
  }
  func.func @transform_0(%arg0: i32) -> (i32, i32) {
    %c0_i32 = arith.constant 0 : i32
    %c0_i32_0 = arith.constant 0 : i32
    return %arg0, %c0_i32 : i32, i32
  }
  func.func @transform_1(%arg0: i32) -> (i32, i32) {
    %c0_i32 = arith.constant 0 : i32
    %c0_i32_0 = arith.constant 0 : i32
    return %arg0, %c0_i32 : i32, i32
  }
  func.func @transform_2(%arg0: i32) -> (i32, i32) {
    %c0_i32 = arith.constant 0 : i32
    %c0_i32_0 = arith.constant 0 : i32
    return %arg0, %c0_i32 : i32, i32
  }
  func.func @transform_3(%arg0: i32) -> (i32, i32) {
    %c0_i32 = arith.constant 0 : i32
    %c0_i32_0 = arith.constant 0 : i32
    return %arg0, %c0_i32 : i32, i32
  }
  func.func @transform_4(%arg0: i32) -> (i32, i32) {
    %c0_i32 = arith.constant 0 : i32
    %c0_i32_0 = arith.constant 0 : i32
    %c0_i32_1 = arith.constant 0 : i32
    return %c0_i32, %c0_i32_0 : i32, i32
  }
  func.func @transform_5(%arg0: i32) -> (i32, i32) {
    %c0_i32 = arith.constant 0 : i32
    %c0_i32_0 = arith.constant 0 : i32
    %c0_i32_1 = arith.constant 0 : i32
    return %c0_i32, %c0_i32_0 : i32, i32
  }
  func.func @transform_6(%arg0: i32) -> (i32, i32) {
    %c0_i32 = arith.constant 0 : i32
    %c0_i32_0 = arith.constant 0 : i32
    return %arg0, %c0_i32 : i32, i32
  }
  func.func @transform_7(%arg0: i32) -> (i32, i32) {
    %c0_i32 = arith.constant 0 : i32
    %c0_i32_0 = arith.constant 0 : i32
    %c0_i32_1 = arith.constant 0 : i32
    return %c0_i32, %c0_i32_0 : i32, i32
  }
  func.func @transform_8(%arg0: i32) -> (i32, i32) {
    %c0_i32 = arith.constant 0 : i32
    %c0_i32_0 = arith.constant 0 : i32
    %c0_i32_1 = arith.constant 0 : i32
    return %c0_i32, %c0_i32_0 : i32, i32
  }
  func.func @transform_9(%arg0: i32) -> (i32, i32) {
    %c0_i32 = arith.constant 0 : i32
    %c0_i32_0 = arith.constant 0 : i32
    %c0_i32_1 = arith.constant 0 : i32
    return %c0_i32, %c0_i32_0 : i32, i32
  }
  func.func @transform_10(%arg0: i32) -> (i32, i32) {
    %c0_i32 = arith.constant 0 : i32
    %c0_i32_0 = arith.constant 0 : i32
    %c0_i32_1 = arith.constant 0 : i32
    return %c0_i32, %c0_i32_0 : i32, i32
  }
  func.func @transform_11(%arg0: i32) -> (i32, i32) {
    %c0_i32 = arith.constant 0 : i32
    %c0_i32_0 = arith.constant 0 : i32
    %c0_i32_1 = arith.constant 0 : i32
    return %c0_i32, %c0_i32_0 : i32, i32
  }
  func.func @transform_12(%arg0: i32) -> (i32, i32) {
    %c0_i32 = arith.constant 0 : i32
    %c0_i32_0 = arith.constant 0 : i32
    %c0_i32_1 = arith.constant 0 : i32
    return %c0_i32, %c0_i32_0 : i32, i32
  }
  func.func @transform_13(%arg0: i32) -> (i32, i32, i32) {
    %c0_i32 = arith.constant 0 : i32
    %c0_i32_0 = arith.constant 0 : i32
    %c0_i32_1 = arith.constant 0 : i32
    %c0_i32_2 = arith.constant 0 : i32
    return %c0_i32, %c0_i32_0, %c0_i32_1 : i32, i32, i32
  }
  func.func @transform_14(%arg0: i32) -> (i32, i32, i32) {
    %c0_i32 = arith.constant 0 : i32
    %c0_i32_0 = arith.constant 0 : i32
    %c0_i32_1 = arith.constant 0 : i32
    %c0_i32_2 = arith.constant 0 : i32
    return %c0_i32, %c0_i32_0, %c0_i32_1 : i32, i32, i32
  }
  func.func @transform_15(%arg0: i32) -> (i32, i32, i32) {
    %c0_i32 = arith.constant 0 : i32
    %c0_i32_0 = arith.constant 0 : i32
    %c0_i32_1 = arith.constant 0 : i32
    %c0_i32_2 = arith.constant 0 : i32
    return %c0_i32, %c0_i32_0, %c0_i32_1 : i32, i32, i32
  }
  func.func @transform_16(%arg0: i32) -> (i32, i32, i32) {
    %c0_i32 = arith.constant 0 : i32
    %c0_i32_0 = arith.constant 0 : i32
    %c0_i32_1 = arith.constant 0 : i32
    %c0_i32_2 = arith.constant 0 : i32
    return %c0_i32, %c0_i32_0, %c0_i32_1 : i32, i32, i32
  }
  func.func @transform_17(%arg0: i32) -> (i32, i32) {
    %c0_i32 = arith.constant 0 : i32
    %c0_i32_0 = arith.constant 0 : i32
    %c0_i32_1 = arith.constant 0 : i32
    return %c0_i32, %c0_i32_0 : i32, i32
  }
  func.func @transform_18(%arg0: i32) -> (i32, i32) {
    %c0_i32 = arith.constant 0 : i32
    %c0_i32_0 = arith.constant 0 : i32
    %c0_i32_1 = arith.constant 0 : i32
    return %c0_i32, %c0_i32_0 : i32, i32
  }
  func.func @transform_19(%arg0: i32) -> (i32, i32) {
    %c0_i32 = arith.constant 0 : i32
    %c0_i32_0 = arith.constant 0 : i32
    %c0_i32_1 = arith.constant 0 : i32
    return %c0_i32, %c0_i32_0 : i32, i32
  }
}

</mosaic_0001>

<sc_bundles>
// kernel: kernel.18.cloned.1.call-start
scs
__scs_entry_jumppad:
0x0: {  	(pc) =	sbr.rel $0x88, $3  }
0x1: {  	(tag) =	ssettag $0x0;
	lr =	simm.s32 $0x1  }
0x2: {  	[smem:$0x3F89] =	sst lr;
	_ =	strace $0xD0000000  }
0x3: {  	_ = 	snop  }
0x4: {  	_ = 	snop  }
0x5: {  	_ = 	snop  }
0x6: {  	_ = 	snop  }
0x7: {  	_ = 	snop  }
__scs_overlays_trampoline_lowered:
0x8: {  	[smem:$0x3F98] =	sst s0  }
0x9: {  	[smem:$0x3F99] =	sst s1  }
0xa: {  	[smem:$0x3F9A] =	sst s2  }
0xb: {  	[smem:$0x3F9B] =	sst s3  }
0xc: {  	[smem:$0x3F9C] =	sst s4  }
0xd: {  	[smem:$0x3F9D] =	sst s5  }
0xe: {  	[smem:$0x3F9E] =	sst s6  }
0xf: {  	[smem:$0x3F9F] =	sst s7  }
0x10: {  	[smem:$0x3FA0] =	sst s8  }
0x11: {  	[smem:$0x3FA1] =	sst s9;
	s0 =	simm.s32 @!p0 $0x0  }
0x12: {  	s1 =	sld [smem:$0x3F87];
	s0 =	simm.s32 @p0 $0x1  }
0x13: {  	[smem:$0x3FA2] =	sst s0;
	s0 =	simm.s32 @!p1 $0x0  }
0x14: {  	s2 =	sld [smem:$0x3F86];
	s0 =	simm.s32 @p1 $0x1  }
0x15: {  	[smem:$0x3FA3] =	sst s0;
	s0 =	simm.s32 @!p2 $0x0  }
0x16: {  	s3 =	sld [smem:$0x3FDB];
	s0 =	simm.s32 @p2 $0x1  }
0x17: {  	s4 =	simm.s32 $0x1BF5;
	[smem:$0x3FA5] =	sst s0  }
0x18: {  	s0 =	sld [smem:$0x3F88];
	_ =	swait.ge [sflag:s4], $0x0  }
0x19: {  	s7 =	sld [smem:$0x3F89]  }
0x1a: {  	s8 =	sadd.s32 $0xFFFFE003, lr  }
0x1b: {  	s9 =	sadd.s32 $0xFFFFFEF7, lr;
	s5 =	simm.s32 $0xFFFFFFFF;
	p2 =	slt.u32 s8, $0xFFFFF086  }
0x1c: {  	p1 =	slt.u32 s9, $0xF7A;
	s5 =	simm.s32 @!p2 $0x0  }
0x1d: {  	s5 =	simm.s32 @p1 $0x1;
	p0 =	seq.s32 s7, s2  }
0x1e: {  	s7 =	smul.u32 @!p0 $0xF7A, s2;
	p2 =	seq.s32 @!p0 s5, $0x0  }
0x1f: {  	s9 =	smul.u32 $0xF7A, s1;
	s8 =	simm.s32 @!p0 $0x1BF5;
	p2 =	por !p2, p0  }
0x20: {  	[sflag:s8] =	ssyncset.s32 @!p0 $0xFFFFF086;
	s6 =	sadd.s32 @!p0 s3, s7;
	s7 =	simm.s32 @!p0 $0x108  }
0x21: {  	s3 =	sadd.s32 s3, s9;
	s6 =	sadd.s32 @!p0 $0x88, s6;
	s7 =	simm.s32 @p2 $0x1082  }
0x22: {  	[simem:s7], [sflag:s8] =	dma.local @!p0 [hbm:s6], $0xF7A  }
0x23: {  	s9 =	sor.u32 $0xD0000000, s2;
	s6 =	simm.s32 $0x108;
	_ =	swait.ge @!p0 [sflag:s8], $0x0  }
0x24: {  	s3 =	sadd.s32 $0x88, s3;
	s6 =	simm.s32 @!p1 $0x1082;
	[sflag:s4] =	ssyncset.s32 $0xFFFFF086  }
0x25: {  	[simem:s6], [sflag:s4] =	dma.local [hbm:s3], $0xF7A  }
0x26: {  	[smem:$0x3F89] =	sst s1;
	(tag) =	ssettag s2;
	_ =	strace s9  }
0x27: {  	s1 =	sld [smem:$0x3F99]  }
0x28: {  	s2 =	sld [smem:$0x3F9A]  }
0x29: {  	s4 =	sld [smem:$0x3F9C]  }
0x2a: {  	p0 =	seq.s32 s5, $0x0;
	s5 =	sld [smem:$0x3F9D]  }
0x2b: {  	s6 =	sld [smem:$0x3F9E]  }
0x2c: {  	s7 =	sld [smem:$0x3F9F]  }
0x2d: {  	s3 =	simm.s32 $0x108;
	s8 =	sld [smem:$0x3FA0]  }
0x2e: {  	s3 =	simm.s32 @!p0 $0x1082;
	s9 =	sld [smem:$0x3FA1]  }
0x2f: {  	lr =	sadd.s32 s0, s3;
	s0 =	sld [smem:$0x3F98]  }
0x30: {  	s3 =	sld [smem:$0x3F9B]  }
0x31: {  	[smem:$0x3FA4] =	sst s10  }
0x32: {  	s10 =	sld [smem:$0x3FA2];
	_ =	sdelay $0x3  }
0x33: {  	p0 =	seq.s32 s10, $0x1;
	s10 =	sld [smem:$0x3FA4];
	_ =	sdelay $0x3  }
0x34: {  	[smem:$0x3FA4] =	sst s10  }
0x35: {  	s10 =	sld [smem:$0x3FA3];
	_ =	sdelay $0x3  }
0x36: {  	p1 =	seq.s32 s10, $0x1;
	s10 =	sld [smem:$0x3FA4];
	_ =	sdelay $0x3  }
0x37: {  	[smem:$0x3FA4] =	sst s10  }
0x38: {  	s10 =	sld [smem:$0x3FA5]  }
0x39: {  	_ = 	snop;
	(pc) =	sbr.ind lr, $3  }
0x3a: {  	_ = 	snop  }
0x3b: {  	_ = 	snop  }
0x3c: {  	p2 =	seq.s32 s10, $0x1;
	s10 =	sld [smem:$0x3FA4]  }
0x3d: {  	_ =	shalt  }
0x3e: {  	_ =	shalt  }
0x3f: {  	_ =	shalt  }
0x40: {  	_ =	shalt  }
0x41: {  	_ =	shalt  }
0x42: {  	_ =	shalt  }
0x43: {  	_ =	shalt  }
0x44: {  	_ =	shalt  }
0x45: {  	_ =	shalt  }
0x46: {  	_ =	shalt  }
0x47: {  	_ =	shalt  }
0x48: {  	_ =	shalt  }
0x49: {  	_ =	shalt  }
0x4a: {  	_ =	shalt  }
0x4b: {  	_ =	shalt  }
0x4c: {  	_ =	shalt  }
0x4d: {  	_ =	shalt  }
0x4e: {  	_ =	shalt  }
0x4f: {  	_ =	shalt  }
0x50: {  	_ =	shalt  }
0x51: {  	_ =	shalt  }
0x52: {  	_ =	shalt  }
0x53: {  	_ =	shalt  }
0x54: {  	_ =	shalt  }
0x55: {  	_ =	shalt  }
0x56: {  	_ =	shalt  }
0x57: {  	_ =	shalt  }
0x58: {  	_ =	shalt  }
0x59: {  	_ =	shalt  }
0x5a: {  	_ =	shalt  }
0x5b: {  	_ =	shalt  }
0x5c: {  	_ =	shalt  }
0x5d: {  	_ =	shalt  }
0x5e: {  	_ =	shalt  }
0x5f: {  	_ =	shalt  }
0x60: {  	_ =	shalt  }
0x61: {  	_ =	shalt  }
0x62: {  	_ =	shalt  }
0x63: {  	_ =	shalt  }
0x64: {  	_ =	shalt  }
0x65: {  	_ =	shalt  }
0x66: {  	_ =	shalt  }
0x67: {  	_ =	shalt  }
0x68: {  	_ =	shalt  }
0x69: {  	_ =	shalt  }
0x6a: {  	_ =	shalt  }
0x6b: {  	_ =	shalt  }
0x6c: {  	_ =	shalt  }
0x6d: {  	_ =	shalt  }
0x6e: {  	_ =	shalt  }
0x6f: {  	_ =	shalt  }
0x70: {  	_ =	shalt  }
0x71: {  	_ =	shalt  }
0x72: {  	_ =	shalt  }
0x73: {  	_ =	shalt  }
0x74: {  	_ =	shalt  }
0x75: {  	_ =	shalt  }
0x76: {  	_ =	shalt  }
0x77: {  	_ =	shalt  }
0x78: {  	_ =	shalt  }
0x79: {  	_ =	shalt  }
0x7a: {  	_ =	shalt  }
0x7b: {  	_ =	shalt  }
0x7c: {  	_ =	shalt  }
0x7d: {  	_ =	shalt  }
0x7e: {  	_ =	shalt  }
0x7f: {  	_ =	shalt  }
0x80: {  	_ =	shalt  }
0x81: {  	_ =	shalt  }
0x82: {  	_ =	shalt  }
0x83: {  	_ =	shalt  }
0x84: {  	_ =	shalt  }
0x85: {  	_ =	shalt  }
0x86: {  	_ =	shalt  }
0x87: {  	_ =	shalt  }
.Lfunc_end0:
.L_simem_size_0:
called_computation_lowered:
.L_overlay_start_0:
0x88: {  	s2 =	sld [smem:$0x3FD9]  }
0x89: {  	s3 =	sld [smem:$0x3FFE];
	_ =	sdelay $0x1  }
0x8a: {  	s1 =	srdreg.scid  }
0x8b: {  	s0 =	sand.u32 $0x1, s1  }
0x8c: {  	s17 =	sshll.u32 s0, $0xA;
	s2 =	sadd.s32 s3, s2  }
0x8d: {  	s2 =	sadd.s32 s2, s17  }
0x8e: {  	[smem:$0x3FB0] =	sst s2  }
0x8f: {  	_ = 	snop  }
0x90: {  	(tm) =	ssettm $0x1  }
0x91: {  	s18 =	sld [smem:$0x3FFB];
	_ =	sdelay $0x3  }
0x92: {  	_ =	strace s18  }
0x93: {  	s2 =	sld [smem:$0x3FFC];
	_ =	sdelay $0x3  }
0x94: {  	_ =	strace s2  }
0x95: {  	s2 =	sld [smem:$0x3FFD];
	_ =	sdelay $0x3  }
0x96: {  	_ =	strace s2  }
0x97: {  	_ =	strace $0x8FFFFFFF  }
0x98: {  	s19 =	sld [smem:$0x3FDB];
	_ =	sdelay $0x1  }
0x99: {  	s20 =	simm.s32 $_scs_section_size  }
0x9a: {  	s4 =	simm.s32 $_size__tile_overlayer_lowered;
	s5 =	simm.s32 $_tile_overlayer_lowered  }
0x9b: {  	s6 =	simm.s32 $0x1BFF;
	s21 =	sshll.u32 s5, $0x1;
	s3 =	sadd.s32 s20, s19  }
0x9c: {  	s22 =	simm.s32 $0x0;
	s4 =	sshll.u32 s4, $0x1;
	s5 =	sadd.s32 s21, s3  }
0x9d: {  	[timem:s22], [sflag:s6] =	dma.local [hbm:s5], s4  }
0x9e: {  	_ =	swait.ge [sflag:s6], s4  }
0x9f: {  	s4 =	ssub.s32 $0x0, s4;
	[sflag:s6] =	ssyncset.done $0x0  }
0xa0: {  	[sflag:s6] =	ssyncadd.s32 s4;
	_ =	sdelay $0x1  }
0xa1: {  	s23 =	simm.s32 $0x1B8B  }
0xa2: {  	_ =	swait.ge [sflag:s23], $0x1  }
0xa3: {  	[sflag:s23] =	ssyncset.done $0x0  }
0xa4: {  	[sflag:s23] =	ssyncadd.s32 $0xFFFFFFFF  }
0xa5: {  	s4 =	sld [smem:$0x0]  }
0xa6: {  	s5 =	sand.u32 $0xFFFFFFFE, s1  }
0xa7: {  	p0 =	sne.s32 s1, s5  }
0xa8: {  	s5 =	sshll.u32 @p0 s5, $0xE  }
0xa9: {  	s5 =	sadd.s32 @p0 $0x11B8D, s5;
	s6 =	sshll.u32 @p0 s4, $0x11  }
0xaa: {  	s5 =	sor.u32 @p0 s6, s5  }
0xab: {  	[sflag:s5] =	ssyncadd.remote.s32 @p0 $0x1;
	_ =	sdelay $0x1  }
0xac: {  	s5 =	simm.s32 @p0 $0x1B8D  }
0xad: {  	_ =	swait.eq @p0 [sflag:s5], $0x1  }
0xae: {  	[sflag:s5] =	ssyncadd.s32 @p0 $0xFFFFFFFF  }
0xaf: {  	s6 =	sshll.u32 @!p0 s1, $0xE  }
0xb0: {  	s6 =	sor.u32 @!p0 $0x4000, s6;
	s5 =	simm.s32 @!p0 $0x1B8D  }
0xb1: {  	s4 =	sshll.u32 @!p0 s4, $0x11;
	s6 =	sadd.s32 @!p0 $0x11B8D, s6;
	_ =	swait.eq @!p0 [sflag:s5], $0x1  }
0xb2: {  	s4 =	sor.u32 @!p0 s4, s6;
	[sflag:s5] =	ssyncadd.s32 @!p0 $0xFFFFFFFF  }
0xb3: {  	s25 =	simm.s32 $0x1B8E;
	s24 =	sld [smem:$0x3FFE];
	[sflag:s4] =	ssyncadd.remote.s32 @!p0 $0x1  }
0xb4: {  	s26 =	simm.s32 $execute0_lowered;
	[smem:$0x3FD2] =	sst s25  }
0xb5: {  	s5 =	sshll.u32 s26, $0x1;
	_ =	strace $0x80000049;
	[dreg:$0x1] =	wrdreg $0xFFFFFFFF  }
0xb6: {  	s28 =	simm.s32 $_size_execute0_lowered;
	s3 =	sadd.s32 s3, s5;
	[dreg:$0x0] =	wrdreg $0x0  }
0xb7: {  	s5 =	sshll.u32 s28, $0x1;
	[dreg:$0x2] =	wrdreg s3  }
0xb8: {  	[dreg:$0x3] =	wrdreg s5  }
0xb9: {  	[dreg:$0x4] =	wrdreg $0xC0  }
0xba: {  	_ =	task [dreg:s22], $0x5FFFF  }
0xbb: {  	[dreg:$0x1] =	wrdreg $0xFFFFFFFF  }
0xbc: {  	[dreg:$0x0] =	wrdreg $0x60  }
0xbd: {  	[dreg:$0x2] =	wrdreg s24  }
0xbe: {  	[dreg:$0x3] =	wrdreg $0x1C000  }
0xbf: {  	[dreg:$0x4] =	wrdreg $0x9  }
0xc0: {  	_ =	task.clear_ibuf [dreg:s22], $0x5FFFF;
	_ =	strace $0x90000049  }
0xc1: {  	s29 =	simm.s32 $0x9;
	_ =	strace $0x8000004B  }
0xc2: {  	_ =	swait.ge [sflag:s29], $0x1  }
0xc3: {  	[sflag:s29] =	ssyncadd.s32 $0xFFFFFFFF  }
0xc4: {  	_ =	strace $0x9000004B  }
0xc5: {  	_ =	sfence  }
0xc6: {  	s30 =	sld [smem:$0x0];
	_ =	sdelay $0x2  }
0xc7: {  	s31 =	sshll.u32 s1, $0xD;
	s1 =	sshrl.u32 s1, $0x2  }
0xc8: {  	s4 =	sand.u32 $0x4000, s31;
	s1 =	sadd.s32 s1, s30  }
0xc9: {  	s0 =	sor.u32 s4, s0;
	s1 =	sshll.u32 s1, $0x11  }
0xca: {  	s0 =	sor.u32 s1, s0  }
0xcb: {  	s0 =	sadd.s32 $0x8F2B, s0  }
0xcc: {  	[sflag:s0] =	ssyncadd.remote.s32 $0x1  }
0xcd: {  	_ =	sfence.sel $0xFFFF  }
0xce: {  	[dreg:$0x0] =	wrdreg $0xFFFFFFFF;
	(pc) =	sbr.abs _section_cstart, $3  }
0xcf: {  	[dreg:$0x1] =	wrdreg $0xFFFFFFFF  }
0xd0: {  	_ =	task.clear_ibuf [dreg:s22], $0x2FFFF;
	_ =	strace $0x9FFFFFFF  }
0xd1: {  	(tm) =	ssettm $0x7FFFFFFF  }
tec
execute0_lowered:
.L_overlay_start_1:
0x0: {  	(tag) =	ssettag $0x1  }
0x1: {  	s1 =	srdreg.scid;
	s5 =	rddreg [dreg:$0x0]  }
0x2: {  	s0 =	stileid.u32;
	s2 =	rddreg [dreg:$0x1];
	s3 =	simm.s32 $0x0  }
0x3: {  	s13 =	simm.s32 $0x80;
	s6 =	sand.u32 $0x1, s1;
	s1 =	rddreg [dreg:$0x2]  }
0x4: {  	s14 =	simm.s32 $0x0;
	s30 =	sshll.u32 s0, $0x1;
	[smem:$0x7FF] =	sst s3  }
0x5: {  	s7 =	smul.u32 $0x2800, s0;
	s31 =	sshll.u32 s0, $0x6;
	s4 =	sor.u32 s6, s30  }
0x6: {  	_ =	strace $0x8000004A;
	s8 =	ssub.s32 $0x2, s6;
	p0 =	seq.s32 s6, $0x1  }
0x7: {  	s4 =	smul.u32 $0x280, s4;
	s10 =	sshrl.u32 s7, $0x3;
	s11 =	sshrl.u32 s8, $0x1  }
0x8: {  	s12 =	sadd.s32 s7, s2;
	s10 =	sadd.s32 s10, s5;
	s8 =	ssub.s32 s8, s11  }
0x9: {  	s11 =	simm.s32 $0x67200;
	s12 =	sshrl.u32 s12, $0x3;
	s9 =	sadd.s32 s4, s5  }
0xa: {  	s4 =	sadd.s32 $0x67000, s5;
	s5 =	sadd.s32 $0x62000, s10;
	s11 =	simm.s32 @!p0 $0x6C200  }
0xb: {  	s7 =	smax.u32 s8, $0x1;
	s6 =	sadd.s32 $0x1C000, s9;
	s8 =	sadd.s32 s11, s10  }
0xc: {  	s9 =	simm.s32 $0x1400;
	s10 =	simm.s32 $0x1;
	s11 =	sor.u32 $0x1C01, s31  }
.LBB2_1:
0xd: {  	[tilespmem:s9], [sflag:$0x1] =	stream.linear.gather [hbm4b:s4+s3], $0x800, $0x38;
	[tilespmem:$0x4400] =	vst v63  }
0xe: {  	_ =	swait.ge [sflag:s10], $0x800  }
0xf: {  	[sflag:s10] =	ssyncset.done $0x0  }
0x10: {  	[sflag:s10] =	ssyncadd.s32 $0xFFFFF800  }
0x11: {  	[spmem:s12], [sflag:s11] =	dma.local [hbm:s5], $0x500  }
0x12: {  	_ =	swait.ge [sflag:s10], $0x500  }
0x13: {  	[sflag:s10] =	ssyncset.done $0x0  }
0x14: {  	[sflag:s10] =	ssyncadd.s32 $0xFFFFFB00  }
0x15: {  	[tilespmem:s3], [sflag:$0x1] =	stream.linear.gather [hbm4b:s6+s3], $0x1400, $0x38;
	[tilespmem:$0x4400] =	vst v63  }
0x16: {  	_ =	swait.ge [sflag:s10], $0x1400  }
0x17: {  	[sflag:s10] =	ssyncset.done $0x0  }
0x18: {  	[sflag:s10] =	ssyncadd.s32 $0xFFFFEC00  }
0x19: {  	s15 =	simm.s32 $0x0;
	[bflag:$0x0] =	sbarrier.arrive $0xFFFF  }
0x1a: {  	[spmem:s2] =	stream.indirect.scatter.add.f32 [tilespmem:s9], [sflag:$0x1], $0x10, s15, s13, $0xb8;
	[tilespmem:$0x4400] =	vst v63  }
0x1b: {  	_ =	swait.ge [sflag:s10], $0x800  }
0x1c: {  	s15 =	simm.s32 $0x200;
	[sflag:s10] =	ssyncset.done $0x0  }
.LBB2_2:
0x1d: {  	s16 =	sshra.s32 s15, $0x2;
	[sflag:s10] =	ssyncadd.s32 $0xFFFFF800;
	p0 =	sne.s32 s15, $0x4E00  }
0x1e: {  	[spmem:s2] =	stream.indirect.scatter.add.f32 [tilespmem:s9], [sflag:$0x1], $0x10, s16, s13, $0xb8;
	[tilespmem:$0x4400] =	vst v63  }
.Ltmp0:
0x1f: {  	_ = 	snop;
	(pc) =	sbr.rel @p0 .LBB2_2-.Ltmp0, $4  }
0x20: {  	_ = 	snop  }
0x21: {  	s15 =	sadd.s32 $0x200, s15  }
0x22: {  	_ =	swait.ge [sflag:s10], $0x800  }
0x23: {  	[sflag:s10] =	ssyncset.done $0x0  }
0x24: {  	s14 =	sadd.s32 $0x1, s14  }
0x25: {  	[sflag:s10] =	ssyncadd.s32 $0xFFFFF800;
	p0 =	sne.s32 s14, s7  }
.Ltmp1:
0x26: {  	[bflag:$0x0] =	sbarrier.arrive $0xFFFF;
	(pc) =	sbr.rel @p0 .LBB2_1-.Ltmp1, $4  }
0x27: {  	[hbm:s8], [sflag:s11] =	dma.local [spmem:s12], $0x500  }
0x28: {  	_ =	swait.ge [sflag:s10], $0x500  }
0x29: {  	[sflag:s10] =	ssyncset.done $0x0  }
0x2a: {  	[sflag:s10] =	ssyncadd.s32 $0xFFFFFB00  }
0x2b: {  	_ =	sfence.sel $0x180000  }
0x2c: {  	[bflag:$0x0] =	sbarrier.arrive $0xFFFF  }
0x2d: {  	p0 =	sne.s32 s0, $0x0;
	_ =	strace $0x9000004A  }
0x2e: {  	s0 =	sadd.s32 @!p0 $0x100000, s1;
	[bflag:$0x2] =	sbarrier.arrive $0xFFFF  }
0x2f: {  	[sflag:s0] =	ssyncadd.tile.s32 @!p0 $0x1;
	_ =	shalt  }
.Lfunc_end2:
_tile_overlayer_lowered:
.L_overlay_start_2:
0x30: {  	(tag) =	ssettag $0x2  }
0x31: {  	s0 =	rddreg [dreg:$0x0];
	s2 =	stileid.u32  }
0x32: {  	s1 =	rddreg [dreg:$0x1];
	p0 =	sne.s32 s2, $0x0  }
0x33: {  	s3 =	rddreg [dreg:$0x2];
	[bflag:$0x3] =	sbarrier.arrive $0xFFFF;
	s2 =	simm.s32 @!p0 $0x1C01  }
0x34: {  	[timem:s3], [sflag:s2] =	dma.local @!p0 [hbm:s0], s1  }
0x35: {  	s0 =	simm.s32 @!p0 $0x1  }
0x36: {  	_ =	swait.ge @!p0 [sflag:s0], s1  }
0x37: {  	s1 =	ssub.s32 @!p0 $0x0, s1;
	[sflag:s0] =	ssyncset.done @!p0 $0x0  }
0x38: {  	[sflag:s0] =	ssyncadd.s32 @!p0 s1  }
0x39: {  	[bflag:$0x3] =	sbarrier.arrive $0xFFFF  }
0x3a: {  	_ =	shalt  }

// kernel: kernel.21.cloned.1.call-start
scs
__scs_entry_jumppad:
0x0: {  	(pc) =	sbr.rel $0x88, $3  }
0x1: {  	(tag) =	ssettag $0x0;
	lr =	simm.s32 $0x1  }
0x2: {  	[smem:$0x3F89] =	sst lr;
	_ =	strace $0xD0000000  }
0x3: {  	_ = 	snop  }
0x4: {  	_ = 	snop  }
0x5: {  	_ = 	snop  }
0x6: {  	_ = 	snop  }
0x7: {  	_ = 	snop  }
__scs_overlays_trampoline_lowered:
0x8: {  	[smem:$0x3F98] =	sst s0  }
0x9: {  	[smem:$0x3F99] =	sst s1  }
0xa: {  	[smem:$0x3F9A] =	sst s2  }
0xb: {  	[smem:$0x3F9B] =	sst s3  }
0xc: {  	[smem:$0x3F9C] =	sst s4  }
0xd: {  	[smem:$0x3F9D] =	sst s5  }
0xe: {  	[smem:$0x3F9E] =	sst s6  }
0xf: {  	[smem:$0x3F9F] =	sst s7  }
0x10: {  	[smem:$0x3FA0] =	sst s8  }
0x11: {  	[smem:$0x3FA1] =	sst s9;
	s0 =	simm.s32 @!p0 $0x0  }
0x12: {  	s1 =	sld [smem:$0x3F87];
	s0 =	simm.s32 @p0 $0x1  }
0x13: {  	[smem:$0x3FA2] =	sst s0;
	s0 =	simm.s32 @!p1 $0x0  }
0x14: {  	s2 =	sld [smem:$0x3F86];
	s0 =	simm.s32 @p1 $0x1  }
0x15: {  	[smem:$0x3FA3] =	sst s0;
	s0 =	simm.s32 @!p2 $0x0  }
0x16: {  	s3 =	sld [smem:$0x3FDB];
	s0 =	simm.s32 @p2 $0x1  }
0x17: {  	s4 =	simm.s32 $0x1BF5;
	[smem:$0x3FA5] =	sst s0  }
0x18: {  	s0 =	sld [smem:$0x3F88];
	_ =	swait.ge [sflag:s4], $0x0  }
0x19: {  	s7 =	sld [smem:$0x3F89]  }
0x1a: {  	s8 =	sadd.s32 $0xFFFFE003, lr  }
0x1b: {  	s9 =	sadd.s32 $0xFFFFFEF7, lr;
	s5 =	simm.s32 $0xFFFFFFFF;
	p2 =	slt.u32 s8, $0xFFFFF086  }
0x1c: {  	p1 =	slt.u32 s9, $0xF7A;
	s5 =	simm.s32 @!p2 $0x0  }
0x1d: {  	s5 =	simm.s32 @p1 $0x1;
	p0 =	seq.s32 s7, s2  }
0x1e: {  	s7 =	smul.u32 @!p0 $0xF7A, s2;
	p2 =	seq.s32 @!p0 s5, $0x0  }
0x1f: {  	s9 =	smul.u32 $0xF7A, s1;
	s8 =	simm.s32 @!p0 $0x1BF5;
	p2 =	por !p2, p0  }
0x20: {  	[sflag:s8] =	ssyncset.s32 @!p0 $0xFFFFF086;
	s6 =	sadd.s32 @!p0 s3, s7;
	s7 =	simm.s32 @!p0 $0x108  }
0x21: {  	s3 =	sadd.s32 s3, s9;
	s6 =	sadd.s32 @!p0 $0x88, s6;
	s7 =	simm.s32 @p2 $0x1082  }
0x22: {  	[simem:s7], [sflag:s8] =	dma.local @!p0 [hbm:s6], $0xF7A  }
0x23: {  	s9 =	sor.u32 $0xD0000000, s2;
	s6 =	simm.s32 $0x108;
	_ =	swait.ge @!p0 [sflag:s8], $0x0  }
0x24: {  	s3 =	sadd.s32 $0x88, s3;
	s6 =	simm.s32 @!p1 $0x1082;
	[sflag:s4] =	ssyncset.s32 $0xFFFFF086  }
0x25: {  	[simem:s6], [sflag:s4] =	dma.local [hbm:s3], $0xF7A  }
0x26: {  	[smem:$0x3F89] =	sst s1;
	(tag) =	ssettag s2;
	_ =	strace s9  }
0x27: {  	s1 =	sld [smem:$0x3F99]  }
0x28: {  	s2 =	sld [smem:$0x3F9A]  }
0x29: {  	s4 =	sld [smem:$0x3F9C]  }
0x2a: {  	p0 =	seq.s32 s5, $0x0;
	s5 =	sld [smem:$0x3F9D]  }
0x2b: {  	s6 =	sld [smem:$0x3F9E]  }
0x2c: {  	s7 =	sld [smem:$0x3F9F]  }
0x2d: {  	s3 =	simm.s32 $0x108;
	s8 =	sld [smem:$0x3FA0]  }
0x2e: {  	s3 =	simm.s32 @!p0 $0x1082;
	s9 =	sld [smem:$0x3FA1]  }
0x2f: {  	lr =	sadd.s32 s0, s3;
	s0 =	sld [smem:$0x3F98]  }
0x30: {  	s3 =	sld [smem:$0x3F9B]  }
0x31: {  	[smem:$0x3FA4] =	sst s10  }
0x32: {  	s10 =	sld [smem:$0x3FA2];
	_ =	sdelay $0x3  }
0x33: {  	p0 =	seq.s32 s10, $0x1;
	s10 =	sld [smem:$0x3FA4];
	_ =	sdelay $0x3  }
0x34: {  	[smem:$0x3FA4] =	sst s10  }
0x35: {  	s10 =	sld [smem:$0x3FA3];
	_ =	sdelay $0x3  }
0x36: {  	p1 =	seq.s32 s10, $0x1;
	s10 =	sld [smem:$0x3FA4];
	_ =	sdelay $0x3  }
0x37: {  	[smem:$0x3FA4] =	sst s10  }
0x38: {  	s10 =	sld [smem:$0x3FA5]  }
0x39: {  	_ = 	snop;
	(pc) =	sbr.ind lr, $3  }
0x3a: {  	_ = 	snop  }
0x3b: {  	_ = 	snop  }
0x3c: {  	p2 =	seq.s32 s10, $0x1;
	s10 =	sld [smem:$0x3FA4]  }
0x3d: {  	_ =	shalt  }
0x3e: {  	_ =	shalt  }
0x3f: {  	_ =	shalt  }
0x40: {  	_ =	shalt  }
0x41: {  	_ =	shalt  }
0x42: {  	_ =	shalt  }
0x43: {  	_ =	shalt  }
0x44: {  	_ =	shalt  }
0x45: {  	_ =	shalt  }
0x46: {  	_ =	shalt  }
0x47: {  	_ =	shalt  }
0x48: {  	_ =	shalt  }
0x49: {  	_ =	shalt  }
0x4a: {  	_ =	shalt  }
0x4b: {  	_ =	shalt  }
0x4c: {  	_ =	shalt  }
0x4d: {  	_ =	shalt  }
0x4e: {  	_ =	shalt  }
0x4f: {  	_ =	shalt  }
0x50: {  	_ =	shalt  }
0x51: {  	_ =	shalt  }
0x52: {  	_ =	shalt  }
0x53: {  	_ =	shalt  }
0x54: {  	_ =	shalt  }
0x55: {  	_ =	shalt  }
0x56: {  	_ =	shalt  }
0x57: {  	_ =	shalt  }
0x58: {  	_ =	shalt  }
0x59: {  	_ =	shalt  }
0x5a: {  	_ =	shalt  }
0x5b: {  	_ =	shalt  }
0x5c: {  	_ =	shalt  }
0x5d: {  	_ =	shalt  }
0x5e: {  	_ =	shalt  }
0x5f: {  	_ =	shalt  }
0x60: {  	_ =	shalt  }
0x61: {  	_ =	shalt  }
0x62: {  	_ =	shalt  }
0x63: {  	_ =	shalt  }
0x64: {  	_ =	shalt  }
0x65: {  	_ =	shalt  }
0x66: {  	_ =	shalt  }
0x67: {  	_ =	shalt  }
0x68: {  	_ =	shalt  }
0x69: {  	_ =	shalt  }
0x6a: {  	_ =	shalt  }
0x6b: {  	_ =	shalt  }
0x6c: {  	_ =	shalt  }
0x6d: {  	_ =	shalt  }
0x6e: {  	_ =	shalt  }
0x6f: {  	_ =	shalt  }
0x70: {  	_ =	shalt  }
0x71: {  	_ =	shalt  }
0x72: {  	_ =	shalt  }
0x73: {  	_ =	shalt  }
0x74: {  	_ =	shalt  }
0x75: {  	_ =	shalt  }
0x76: {  	_ =	shalt  }
0x77: {  	_ =	shalt  }
0x78: {  	_ =	shalt  }
0x79: {  	_ =	shalt  }
0x7a: {  	_ =	shalt  }
0x7b: {  	_ =	shalt  }
0x7c: {  	_ =	shalt  }
0x7d: {  	_ =	shalt  }
0x7e: {  	_ =	shalt  }
0x7f: {  	_ =	shalt  }
0x80: {  	_ =	shalt  }
0x81: {  	_ =	shalt  }
0x82: {  	_ =	shalt  }
0x83: {  	_ =	shalt  }
0x84: {  	_ =	shalt  }
0x85: {  	_ =	shalt  }
0x86: {  	_ =	shalt  }
0x87: {  	_ =	shalt  }
.Lfunc_end0:
.L_simem_size_0:
called_computation.1_lowered:
.L_overlay_start_0:
0x88: {  	s2 =	sld [smem:$0x3FD9]  }
0x89: {  	s3 =	sld [smem:$0x3FFE];
	_ =	sdelay $0x1  }
0x8a: {  	s1 =	srdreg.scid  }
0x8b: {  	s0 =	sand.u32 $0x1, s1  }
0x8c: {  	s16 =	sshll.u32 s0, $0xA;
	s2 =	sadd.s32 s3, s2  }
0x8d: {  	s2 =	sadd.s32 s2, s16  }
0x8e: {  	[smem:$0x3FB0] =	sst s2  }
0x8f: {  	_ = 	snop  }
0x90: {  	(tm) =	ssettm $0x1  }
0x91: {  	s17 =	sld [smem:$0x3FFB];
	_ =	sdelay $0x3  }
0x92: {  	_ =	strace s17  }
0x93: {  	s2 =	sld [smem:$0x3FFC];
	_ =	sdelay $0x3  }
0x94: {  	_ =	strace s2  }
0x95: {  	s2 =	sld [smem:$0x3FFD];
	_ =	sdelay $0x3  }
0x96: {  	_ =	strace s2  }
0x97: {  	_ =	strace $0x8FFFFFFF  }
0x98: {  	s18 =	sld [smem:$0x3FDB];
	_ =	sdelay $0x1  }
0x99: {  	s19 =	simm.s32 $_scs_section_size  }
0x9a: {  	s4 =	simm.s32 $_size__tile_overlayer_lowered;
	s5 =	simm.s32 $_tile_overlayer_lowered  }
0x9b: {  	s22 =	simm.s32 $0x1BFF;
	s21 =	sshll.u32 s5, $0x1;
	s2 =	sadd.s32 s19, s18  }
0x9c: {  	s6 =	simm.s32 $0x0;
	s20 =	sshll.u32 s4, $0x1;
	s4 =	sadd.s32 s21, s2  }
0x9d: {  	[timem:s6], [sflag:s22] =	dma.local [hbm:s4], s20  }
0x9e: {  	_ =	swait.ge [sflag:s22], s20  }
0x9f: {  	s3 =	ssub.s32 $0x0, s20;
	[sflag:s22] =	ssyncset.done $0x0  }
0xa0: {  	[sflag:s22] =	ssyncadd.s32 s3;
	_ =	sdelay $0x1  }
0xa1: {  	s23 =	simm.s32 $0x1B8B  }
0xa2: {  	_ =	swait.ge [sflag:s23], $0x1  }
0xa3: {  	[sflag:s23] =	ssyncset.done $0x0  }
0xa4: {  	s25 =	simm.s32 $0x1B8E;
	s24 =	sld [smem:$0x3FFE];
	[sflag:s23] =	ssyncadd.s32 $0xFFFFFFFF  }
0xa5: {  	s26 =	simm.s32 $execute0_lowered;
	[smem:$0x3FD2] =	sst s25  }
0xa6: {  	s4 =	sshll.u32 s26, $0x1;
	_ =	strace $0x80000046;
	[dreg:$0x1] =	wrdreg $0xFFFFFFFF  }
0xa7: {  	s28 =	simm.s32 $_size_execute0_lowered;
	s2 =	sadd.s32 s2, s4;
	[dreg:$0x0] =	wrdreg $0x0  }
0xa8: {  	s4 =	sshll.u32 s28, $0x1;
	[dreg:$0x2] =	wrdreg s2  }
0xa9: {  	[dreg:$0x3] =	wrdreg s4  }
0xaa: {  	[dreg:$0x4] =	wrdreg $0xC0  }
0xab: {  	_ =	task [dreg:s6], $0x5FFFF  }
0xac: {  	[dreg:$0x1] =	wrdreg $0xFFFFFFFF  }
0xad: {  	[dreg:$0x0] =	wrdreg $0x60  }
0xae: {  	[dreg:$0x2] =	wrdreg s24  }
0xaf: {  	[dreg:$0x3] =	wrdreg $0x48000  }
0xb0: {  	[dreg:$0x4] =	wrdreg $0xA  }
0xb1: {  	_ =	task.clear_ibuf [dreg:s6], $0x5FFFF;
	_ =	strace $0x90000046  }
0xb2: {  	s29 =	simm.s32 $0xA;
	_ =	strace $0x80000048  }
0xb3: {  	_ =	swait.ge [sflag:s29], $0x1  }
0xb4: {  	[sflag:s29] =	ssyncadd.s32 $0xFFFFFFFF  }
0xb5: {  	_ =	strace $0x90000048  }
0xb6: {  	_ =	sfence  }
0xb7: {  	s30 =	sld [smem:$0x0];
	_ =	sdelay $0x2  }
0xb8: {  	s31 =	sshll.u32 s1, $0xD;
	s1 =	sshrl.u32 s1, $0x2  }
0xb9: {  	s3 =	sand.u32 $0x4000, s31;
	s1 =	sadd.s32 s1, s30  }
0xba: {  	s0 =	sor.u32 s3, s0;
	s1 =	sshll.u32 s1, $0x11  }
0xbb: {  	s0 =	sor.u32 s1, s0  }
0xbc: {  	s0 =	sadd.s32 $0x8F2B, s0  }
0xbd: {  	[sflag:s0] =	ssyncadd.remote.s32 $0x1  }
0xbe: {  	_ =	sfence.sel $0xFFFF  }
0xbf: {  	[dreg:$0x0] =	wrdreg $0xFFFFFFFF;
	(pc) =	sbr.abs _section_cstart, $3  }
0xc0: {  	[dreg:$0x1] =	wrdreg $0xFFFFFFFF  }
0xc1: {  	_ =	task.clear_ibuf [dreg:s6], $0x2FFFF;
	_ =	strace $0x9FFFFFFF  }
0xc2: {  	(tm) =	ssettm $0x7FFFFFFF  }
0xc3: {  	_ =	shalt  }
tec
execute0_lowered:
.L_overlay_start_1:
0x0: {  	(tag) =	ssettag $0x1  }
0x1: {  	s5 =	rddreg [dreg:$0x0]  }
0x2: {  	s2 =	rddreg [dreg:$0x1]  }
0x3: {  	s0 =	rddreg [dreg:$0x2]  }
0x4: {  	s4 =	srdreg.scid;
	s1 =	stileid.u32  }
0x5: {  	s3 =	simm.s32 $0x0;
	s12 =	simm.s32 $0x3A000;
	s13 =	simm.s32 $0x1400  }
0x6: {  	s14 =	simm.s32 $0x80;
	s15 =	simm.s32 $0x2800;
	s16 =	simm.s32 $0x1  }
0x7: {  	s17 =	simm.s32 $0x0;
	s7 =	sand.u32 $0x1, s4;
	s29 =	sshll.u32 s1, $0x1  }
0x8: {  	[smem:$0x7FF] =	sst s3;
	s6 =	smul.u32 $0xA000, s1;
	s31 =	sshll.u32 s1, $0x6  }
0x9: {  	s4 =	sor.u32 s7, s29;
	_ =	strace $0x80000047;
	s9 =	ssub.s32 $0x2, s7  }
0xa: {  	p0 =	seq.s32 s7, $0x1;
	s8 =	smul.u32 $0x280, s4;
	s4 =	sadd.s32 $0x8600, s5  }
0xb: {  	s10 =	sshrl.u32 s6, $0x3;
	s11 =	sshrl.u32 s9, $0x1;
	s30 =	sadd.s32 s6, s2  }
0xc: {  	s6 =	sor.u32 $0x1C02, s31;
	s12 =	simm.s32 @!p0 $0x4E000;
	s10 =	sadd.s32 s10, s5  }
0xd: {  	s9 =	ssub.s32 s9, s11;
	s11 =	sshrl.u32 s30, $0x3;
	s8 =	sadd.s32 s8, s5  }
0xe: {  	s5 =	sadd.s32 $0x26000, s10;
	s9 =	smax.u32 s9, $0x1;
	s10 =	sadd.s32 s12, s10  }
0xf: {  	s12 =	simm.s32 $0x2;
	s7 =	sadd.s32 $0x21000, s8;
	s8 =	sadd.s32 $0x1C000, s8  }
.LBB2_1:
0x10: {  	[spmem:s11], [sflag:s6] =	dma.local [hbm:s5], $0x1400  }
0x11: {  	_ =	swait.ge [sflag:s12], $0x1400  }
0x12: {  	[sflag:s12] =	ssyncset.done $0x0  }
0x13: {  	[sflag:s12] =	ssyncadd.s32 $0xFFFFEC00  }
0x14: {  	[tilespmem:s3], [sflag:$0x2] =	stream.linear.gather [hbm4b:s7+s3], $0x1400, $0x38;
	[tilespmem:$0xE800] =	vst v63  }
0x15: {  	_ =	swait.ge [sflag:s12], $0x1400  }
0x16: {  	[sflag:s12] =	ssyncset.done $0x0  }
0x17: {  	[sflag:s12] =	ssyncadd.s32 $0xFFFFEC00  }
0x18: {  	[tilespmem:s13], [sflag:$0x2] =	stream.linear.gather [hbm4b:s8+s3], $0x1400, $0x38;
	[tilespmem:$0xE800] =	vst v63  }
0x19: {  	_ =	swait.ge [sflag:s12], $0x1400  }
0x1a: {  	[sflag:s12] =	ssyncset.done $0x0  }
0x1b: {  	[sflag:s12] =	ssyncadd.s32 $0xFFFFEC00  }
0x1c: {  	s18 =	simm.s32 $0x0;
	[bflag:$0x0] =	sbarrier.arrive $0xFFFF  }
0x1d: {  	[tilespmem:s15], [sflag:$0x1] =	stream.indirect.gather [hbm4b:s4+s14], $0x40, s18, s14, $0xb8;
	[tilespmem:$0xE800] =	vst v63  }
0x1e: {  	_ =	swait.ge [sflag:s16], $0x2000  }
0x1f: {  	[sflag:s16] =	ssyncset.done $0x0  }
0x20: {  	s31 =	simm.s32 $0x1400;
	[sflag:s16] =	ssyncadd.s32 $0xFFFFE000  }
0x21: {  	[spmem:s2] =	stream.indirect.scatter.add.f32 [tilespmem:s15], [sflag:$0x2], $0x40, s31, s14, $0xb8;
	[tilespmem:$0xE800] =	vst v63  }
0x22: {  	_ =	swait.ge [sflag:s12], $0x2000  }
0x23: {  	s19 =	simm.s32 $0x400;
	s18 =	simm.s32 $0x200;
	[sflag:s12] =	ssyncset.done $0x0  }
.LBB2_2:
0x24: {  	s20 =	sshra.s32 s18, $0x2  }
0x25: {  	[sflag:s12] =	ssyncadd.s32 $0xFFFFE000;
	s18 =	smov.u32 s19;
	s21 =	sadd.s32 $0x200, s19  }
0x26: {  	[tilespmem:s15], [sflag:$0x1] =	stream.indirect.gather [hbm4b:s4+s14], $0x40, s20, s14, $0xb8;
	[tilespmem:$0xE800] =	vst v63  }
0x27: {  	p0 =	sne.s32 s19, $0x4E00;
	_ =	swait.ge [sflag:s16], $0x2000  }
.Ltmp0:
0x28: {  	[sflag:s16] =	ssyncset.done $0x0;
	(pc) =	sbr.rel @p0 .LBB2_2-.Ltmp0, $4  }
0x29: {  	s19 =	sadd.s32 $0x1400, s20;
	[sflag:s16] =	ssyncadd.s32 $0xFFFFE000  }
0x2a: {  	[spmem:s2] =	stream.indirect.scatter.add.f32 [tilespmem:s15], [sflag:$0x2], $0x40, s19, s14, $0xb8;
	[tilespmem:$0xE800] =	vst v63  }
0x2b: {  	_ =	swait.ge [sflag:s12], $0x2000  }
0x2c: {  	s19 =	smov.u32 s21;
	[sflag:s12] =	ssyncset.done $0x0  }
0x2d: {  	s18 =	sshra.s32 s18, $0x2;
	[sflag:s12] =	ssyncadd.s32 $0xFFFFE000  }
0x2e: {  	[tilespmem:s15], [sflag:$0x1] =	stream.indirect.gather [hbm4b:s4+s14], $0x40, s18, s14, $0xb8;
	[tilespmem:$0xE800] =	vst v63  }
0x2f: {  	_ =	swait.ge [sflag:s16], $0x2000  }
0x30: {  	[sflag:s16] =	ssyncset.done $0x0  }
0x31: {  	s18 =	sadd.s32 $0x1400, s18;
	[sflag:s16] =	ssyncadd.s32 $0xFFFFE000  }
0x32: {  	[spmem:s2] =	stream.indirect.scatter.add.f32 [tilespmem:s15], [sflag:$0x2], $0x40, s18, s14, $0xb8;
	[tilespmem:$0xE800] =	vst v63  }
0x33: {  	_ =	swait.ge [sflag:s12], $0x2000  }
0x34: {  	s17 =	sadd.s32 $0x1, s17;
	[sflag:s12] =	ssyncset.done $0x0  }
0x35: {  	p0 =	sne.s32 s17, s9;
	[sflag:s12] =	ssyncadd.s32 $0xFFFFE000  }
.Ltmp1:
0x36: {  	[bflag:$0x0] =	sbarrier.arrive $0xFFFF;
	(pc) =	sbr.rel @p0 .LBB2_1-.Ltmp1, $4  }
0x37: {  	[hbm:s10], [sflag:s6] =	dma.local [spmem:s11], $0x1400  }
0x38: {  	_ =	swait.ge [sflag:s12], $0x1400  }
0x39: {  	[sflag:s12] =	ssyncset.done $0x0  }
0x3a: {  	[sflag:s12] =	ssyncadd.s32 $0xFFFFEC00  }
0x3b: {  	_ =	sfence.sel $0x180000  }
0x3c: {  	[bflag:$0x0] =	sbarrier.arrive $0xFFFF  }
0x3d: {  	p0 =	sne.s32 s1, $0x0;
	_ =	strace $0x90000047  }
0x3e: {  	s0 =	sadd.s32 @!p0 $0x100000, s0;
	[bflag:$0x2] =	sbarrier.arrive $0xFFFF  }
0x3f: {  	[sflag:s0] =	ssyncadd.tile.s32 @!p0 $0x1;
	_ =	shalt  }
.Lfunc_end2:
_tile_overlayer_lowered:
.L_overlay_start_2:
0x40: {  	(tag) =	ssettag $0x2  }
0x41: {  	s0 =	rddreg [dreg:$0x0];
	s2 =	stileid.u32  }
0x42: {  	s1 =	rddreg [dreg:$0x1];
	p0 =	sne.s32 s2, $0x0  }
0x43: {  	s3 =	rddreg [dreg:$0x2];
	[bflag:$0x3] =	sbarrier.arrive $0xFFFF;
	s2 =	simm.s32 @!p0 $0x1C02  }
0x44: {  	[timem:s3], [sflag:s2] =	dma.local @!p0 [hbm:s0], s1  }
0x45: {  	s0 =	simm.s32 @!p0 $0x2  }
0x46: {  	_ =	swait.ge @!p0 [sflag:s0], s1  }
0x47: {  	s1 =	ssub.s32 @!p0 $0x0, s1;
	[sflag:s0] =	ssyncset.done @!p0 $0x0  }
0x48: {  	[sflag:s0] =	ssyncadd.s32 @!p0 s1  }
0x49: {  	[bflag:$0x3] =	sbarrier.arrive $0xFFFF  }
0x4a: {  	_ =	shalt  }

// kernel: kernel.24.cloned.1.call-start
scs
__scs_entry_jumppad:
0x0: {  	(pc) =	sbr.rel $0x88, $3  }
0x1: {  	(tag) =	ssettag $0x0;
	lr =	simm.s32 $0x1  }
0x2: {  	[smem:$0x3F89] =	sst lr;
	_ =	strace $0xD0000000  }
0x3: {  	_ = 	snop  }
0x4: {  	_ = 	snop  }
0x5: {  	_ = 	snop  }
0x6: {  	_ = 	snop  }
0x7: {  	_ = 	snop  }
__scs_overlays_trampoline_lowered:
0x8: {  	[smem:$0x3F98] =	sst s0  }
0x9: {  	[smem:$0x3F99] =	sst s1  }
0xa: {  	[smem:$0x3F9A] =	sst s2  }
0xb: {  	[smem:$0x3F9B] =	sst s3  }
0xc: {  	[smem:$0x3F9C] =	sst s4  }
0xd: {  	[smem:$0x3F9D] =	sst s5  }
0xe: {  	[smem:$0x3F9E] =	sst s6  }
0xf: {  	[smem:$0x3F9F] =	sst s7  }
0x10: {  	[smem:$0x3FA0] =	sst s8  }
0x11: {  	[smem:$0x3FA1] =	sst s9;
	s0 =	simm.s32 @!p0 $0x0  }
0x12: {  	s1 =	sld [smem:$0x3F87];
	s0 =	simm.s32 @p0 $0x1  }
0x13: {  	[smem:$0x3FA2] =	sst s0;
	s0 =	simm.s32 @!p1 $0x0  }
0x14: {  	s2 =	sld [smem:$0x3F86];
	s0 =	simm.s32 @p1 $0x1  }
0x15: {  	[smem:$0x3FA3] =	sst s0;
	s0 =	simm.s32 @!p2 $0x0  }
0x16: {  	s3 =	sld [smem:$0x3FDB];
	s0 =	simm.s32 @p2 $0x1  }
0x17: {  	s4 =	simm.s32 $0x1BF5;
	[smem:$0x3FA5] =	sst s0  }
0x18: {  	s0 =	sld [smem:$0x3F88];
	_ =	swait.ge [sflag:s4], $0x0  }
0x19: {  	s7 =	sld [smem:$0x3F89]  }
0x1a: {  	s8 =	sadd.s32 $0xFFFFE003, lr  }
0x1b: {  	s9 =	sadd.s32 $0xFFFFFEF7, lr;
	s5 =	simm.s32 $0xFFFFFFFF;
	p2 =	slt.u32 s8, $0xFFFFF086  }
0x1c: {  	p1 =	slt.u32 s9, $0xF7A;
	s5 =	simm.s32 @!p2 $0x0  }
0x1d: {  	s5 =	simm.s32 @p1 $0x1;
	p0 =	seq.s32 s7, s2  }
0x1e: {  	s7 =	smul.u32 @!p0 $0xF7A, s2;
	p2 =	seq.s32 @!p0 s5, $0x0  }
0x1f: {  	s9 =	smul.u32 $0xF7A, s1;
	s8 =	simm.s32 @!p0 $0x1BF5;
	p2 =	por !p2, p0  }
0x20: {  	[sflag:s8] =	ssyncset.s32 @!p0 $0xFFFFF086;
	s6 =	sadd.s32 @!p0 s3, s7;
	s7 =	simm.s32 @!p0 $0x108  }
0x21: {  	s3 =	sadd.s32 s3, s9;
	s6 =	sadd.s32 @!p0 $0x88, s6;
	s7 =	simm.s32 @p2 $0x1082  }
0x22: {  	[simem:s7], [sflag:s8] =	dma.local @!p0 [hbm:s6], $0xF7A  }
0x23: {  	s9 =	sor.u32 $0xD0000000, s2;
	s6 =	simm.s32 $0x108;
	_ =	swait.ge @!p0 [sflag:s8], $0x0  }
0x24: {  	s3 =	sadd.s32 $0x88, s3;
	s6 =	simm.s32 @!p1 $0x1082;
	[sflag:s4] =	ssyncset.s32 $0xFFFFF086  }
0x25: {  	[simem:s6], [sflag:s4] =	dma.local [hbm:s3], $0xF7A  }
0x26: {  	[smem:$0x3F89] =	sst s1;
	(tag) =	ssettag s2;
	_ =	strace s9  }
0x27: {  	s1 =	sld [smem:$0x3F99]  }
0x28: {  	s2 =	sld [smem:$0x3F9A]  }
0x29: {  	s4 =	sld [smem:$0x3F9C]  }
0x2a: {  	p0 =	seq.s32 s5, $0x0;
	s5 =	sld [smem:$0x3F9D]  }
0x2b: {  	s6 =	sld [smem:$0x3F9E]  }
0x2c: {  	s7 =	sld [smem:$0x3F9F]  }
0x2d: {  	s3 =	simm.s32 $0x108;
	s8 =	sld [smem:$0x3FA0]  }
0x2e: {  	s3 =	simm.s32 @!p0 $0x1082;
	s9 =	sld [smem:$0x3FA1]  }
0x2f: {  	lr =	sadd.s32 s0, s3;
	s0 =	sld [smem:$0x3F98]  }
0x30: {  	s3 =	sld [smem:$0x3F9B]  }
0x31: {  	[smem:$0x3FA4] =	sst s10  }
0x32: {  	s10 =	sld [smem:$0x3FA2];
	_ =	sdelay $0x3  }
0x33: {  	p0 =	seq.s32 s10, $0x1;
	s10 =	sld [smem:$0x3FA4];
	_ =	sdelay $0x3  }
0x34: {  	[smem:$0x3FA4] =	sst s10  }
0x35: {  	s10 =	sld [smem:$0x3FA3];
	_ =	sdelay $0x3  }
0x36: {  	p1 =	seq.s32 s10, $0x1;
	s10 =	sld [smem:$0x3FA4];
	_ =	sdelay $0x3  }
0x37: {  	[smem:$0x3FA4] =	sst s10  }
0x38: {  	s10 =	sld [smem:$0x3FA5]  }
0x39: {  	_ = 	snop;
	(pc) =	sbr.ind lr, $3  }
0x3a: {  	_ = 	snop  }
0x3b: {  	_ = 	snop  }
0x3c: {  	p2 =	seq.s32 s10, $0x1;
	s10 =	sld [smem:$0x3FA4]  }
0x3d: {  	_ =	shalt  }
0x3e: {  	_ =	shalt  }
0x3f: {  	_ =	shalt  }
0x40: {  	_ =	shalt  }
0x41: {  	_ =	shalt  }
0x42: {  	_ =	shalt  }
0x43: {  	_ =	shalt  }
0x44: {  	_ =	shalt  }
0x45: {  	_ =	shalt  }
0x46: {  	_ =	shalt  }
0x47: {  	_ =	shalt  }
0x48: {  	_ =	shalt  }
0x49: {  	_ =	shalt  }
0x4a: {  	_ =	shalt  }
0x4b: {  	_ =	shalt  }
0x4c: {  	_ =	shalt  }
0x4d: {  	_ =	shalt  }
0x4e: {  	_ =	shalt  }
0x4f: {  	_ =	shalt  }
0x50: {  	_ =	shalt  }
0x51: {  	_ =	shalt  }
0x52: {  	_ =	shalt  }
0x53: {  	_ =	shalt  }
0x54: {  	_ =	shalt  }
0x55: {  	_ =	shalt  }
0x56: {  	_ =	shalt  }
0x57: {  	_ =	shalt  }
0x58: {  	_ =	shalt  }
0x59: {  	_ =	shalt  }
0x5a: {  	_ =	shalt  }
0x5b: {  	_ =	shalt  }
0x5c: {  	_ =	shalt  }
0x5d: {  	_ =	shalt  }
0x5e: {  	_ =	shalt  }
0x5f: {  	_ =	shalt  }
0x60: {  	_ =	shalt  }
0x61: {  	_ =	shalt  }
0x62: {  	_ =	shalt  }
0x63: {  	_ =	shalt  }
0x64: {  	_ =	shalt  }
0x65: {  	_ =	shalt  }
0x66: {  	_ =	shalt  }
0x67: {  	_ =	shalt  }
0x68: {  	_ =	shalt  }
0x69: {  	_ =	shalt  }
0x6a: {  	_ =	shalt  }
0x6b: {  	_ =	shalt  }
0x6c: {  	_ =	shalt  }
0x6d: {  	_ =	shalt  }
0x6e: {  	_ =	shalt  }
0x6f: {  	_ =	shalt  }
0x70: {  	_ =	shalt  }
0x71: {  	_ =	shalt  }
0x72: {  	_ =	shalt  }
0x73: {  	_ =	shalt  }
0x74: {  	_ =	shalt  }
0x75: {  	_ =	shalt  }
0x76: {  	_ =	shalt  }
0x77: {  	_ =	shalt  }
0x78: {  	_ =	shalt  }
0x79: {  	_ =	shalt  }
0x7a: {  	_ =	shalt  }
0x7b: {  	_ =	shalt  }
0x7c: {  	_ =	shalt  }
0x7d: {  	_ =	shalt  }
0x7e: {  	_ =	shalt  }
0x7f: {  	_ =	shalt  }
0x80: {  	_ =	shalt  }
0x81: {  	_ =	shalt  }
0x82: {  	_ =	shalt  }
0x83: {  	_ =	shalt  }
0x84: {  	_ =	shalt  }
0x85: {  	_ =	shalt  }
0x86: {  	_ =	shalt  }
0x87: {  	_ =	shalt  }
.Lfunc_end0:
.L_simem_size_0:
called_computation.2_lowered:
.L_overlay_start_0:
0x88: {  	s2 =	sld [smem:$0x3FD9]  }
0x89: {  	s3 =	sld [smem:$0x3FFE];
	_ =	sdelay $0x1  }
0x8a: {  	s1 =	srdreg.scid  }
0x8b: {  	s0 =	sand.u32 $0x1, s1  }
0x8c: {  	s16 =	sshll.u32 s0, $0xA;
	s2 =	sadd.s32 s3, s2  }
0x8d: {  	s2 =	sadd.s32 s2, s16  }
0x8e: {  	[smem:$0x3FB0] =	sst s2  }
0x8f: {  	_ = 	snop  }
0x90: {  	(tm) =	ssettm $0x1  }
0x91: {  	s17 =	sld [smem:$0x3FFB];
	_ =	sdelay $0x3  }
0x92: {  	_ =	strace s17  }
0x93: {  	s2 =	sld [smem:$0x3FFC];
	_ =	sdelay $0x3  }
0x94: {  	_ =	strace s2  }
0x95: {  	s2 =	sld [smem:$0x3FFD];
	_ =	sdelay $0x3  }
0x96: {  	_ =	strace s2  }
0x97: {  	_ =	strace $0x8FFFFFFF  }
0x98: {  	s18 =	sld [smem:$0x3FDB];
	_ =	sdelay $0x1  }
0x99: {  	s19 =	simm.s32 $_scs_section_size  }
0x9a: {  	s4 =	simm.s32 $_size__tile_overlayer_lowered;
	s5 =	simm.s32 $_tile_overlayer_lowered  }
0x9b: {  	s22 =	simm.s32 $0x1BFF;
	s21 =	sshll.u32 s5, $0x1;
	s2 =	sadd.s32 s19, s18  }
0x9c: {  	s6 =	simm.s32 $0x0;
	s20 =	sshll.u32 s4, $0x1;
	s4 =	sadd.s32 s21, s2  }
0x9d: {  	[timem:s6], [sflag:s22] =	dma.local [hbm:s4], s20  }
0x9e: {  	_ =	swait.ge [sflag:s22], s20  }
0x9f: {  	s3 =	ssub.s32 $0x0, s20;
	[sflag:s22] =	ssyncset.done $0x0  }
0xa0: {  	[sflag:s22] =	ssyncadd.s32 s3;
	_ =	sdelay $0x1  }
0xa1: {  	s23 =	simm.s32 $0x1B8B  }
0xa2: {  	_ =	swait.ge [sflag:s23], $0x1  }
0xa3: {  	[sflag:s23] =	ssyncset.done $0x0  }
0xa4: {  	s25 =	simm.s32 $0x1B8E;
	s24 =	sld [smem:$0x3FFE];
	[sflag:s23] =	ssyncadd.s32 $0xFFFFFFFF  }
0xa5: {  	s26 =	simm.s32 $execute0_lowered;
	[smem:$0x3FD2] =	sst s25  }
0xa6: {  	s4 =	sshll.u32 s26, $0x1;
	_ =	strace $0x8000004C;
	[dreg:$0x1] =	wrdreg $0xFFFFFFFF  }
0xa7: {  	s28 =	simm.s32 $_size_execute0_lowered;
	s2 =	sadd.s32 s2, s4;
	[dreg:$0x0] =	wrdreg $0x0  }
0xa8: {  	s4 =	sshll.u32 s28, $0x1;
	[dreg:$0x2] =	wrdreg s2  }
0xa9: {  	[dreg:$0x3] =	wrdreg s4  }
0xaa: {  	[dreg:$0x4] =	wrdreg $0xC0  }
0xab: {  	_ =	task [dreg:s6], $0x5FFFF  }
0xac: {  	[dreg:$0x1] =	wrdreg $0xFFFFFFFF  }
0xad: {  	[dreg:$0x0] =	wrdreg $0x60  }
0xae: {  	[dreg:$0x2] =	wrdreg s24  }
0xaf: {  	[dreg:$0x3] =	wrdreg $0x48000  }
0xb0: {  	[dreg:$0x4] =	wrdreg $0x9  }
0xb1: {  	_ =	task.clear_ibuf [dreg:s6], $0x5FFFF;
	_ =	strace $0x9000004C  }
0xb2: {  	s29 =	simm.s32 $0x9;
	_ =	strace $0x8000004E  }
0xb3: {  	_ =	swait.ge [sflag:s29], $0x1  }
0xb4: {  	[sflag:s29] =	ssyncadd.s32 $0xFFFFFFFF  }
0xb5: {  	_ =	strace $0x9000004E  }
0xb6: {  	_ =	sfence  }
0xb7: {  	s30 =	sld [smem:$0x0];
	_ =	sdelay $0x2  }
0xb8: {  	s31 =	sshll.u32 s1, $0xD;
	s1 =	sshrl.u32 s1, $0x2  }
0xb9: {  	s3 =	sand.u32 $0x4000, s31;
	s1 =	sadd.s32 s1, s30  }
0xba: {  	s0 =	sor.u32 s3, s0;
	s1 =	sshll.u32 s1, $0x11  }
0xbb: {  	s0 =	sor.u32 s1, s0  }
0xbc: {  	s0 =	sadd.s32 $0x8F2B, s0  }
0xbd: {  	[sflag:s0] =	ssyncadd.remote.s32 $0x1  }
0xbe: {  	_ =	sfence.sel $0xFFFF  }
0xbf: {  	[dreg:$0x0] =	wrdreg $0xFFFFFFFF;
	(pc) =	sbr.abs _section_cstart, $3  }
0xc0: {  	[dreg:$0x1] =	wrdreg $0xFFFFFFFF  }
0xc1: {  	_ =	task.clear_ibuf [dreg:s6], $0x2FFFF;
	_ =	strace $0x9FFFFFFF  }
0xc2: {  	(tm) =	ssettm $0x7FFFFFFF  }
0xc3: {  	_ =	shalt  }
tec
execute0_lowered:
.L_overlay_start_1:
0x0: {  	(tag) =	ssettag $0x1  }
0x1: {  	s5 =	rddreg [dreg:$0x0]  }
0x2: {  	s2 =	rddreg [dreg:$0x1]  }
0x3: {  	s0 =	rddreg [dreg:$0x2]  }
0x4: {  	s4 =	srdreg.scid;
	s1 =	stileid.u32  }
0x5: {  	s3 =	simm.s32 $0x0;
	s12 =	simm.s32 $0x3A000;
	s13 =	simm.s32 $0x1400  }
0x6: {  	s14 =	simm.s32 $0x80;
	s15 =	simm.s32 $0x2800;
	s16 =	simm.s32 $0x1  }
0x7: {  	s17 =	simm.s32 $0x0;
	s7 =	sand.u32 $0x1, s4;
	s29 =	sshll.u32 s1, $0x1  }
0x8: {  	[smem:$0x7FF] =	sst s3;
	s6 =	smul.u32 $0xA000, s1;
	s31 =	sshll.u32 s1, $0x6  }
0x9: {  	s4 =	sor.u32 s7, s29;
	_ =	strace $0x8000004D;
	s9 =	ssub.s32 $0x2, s7  }
0xa: {  	p0 =	seq.s32 s7, $0x1;
	s8 =	smul.u32 $0x280, s4;
	s4 =	sadd.s32 $0x8600, s5  }
0xb: {  	s10 =	sshrl.u32 s6, $0x3;
	s11 =	sshrl.u32 s9, $0x1;
	s30 =	sadd.s32 s6, s2  }
0xc: {  	s6 =	sor.u32 $0x1C02, s31;
	s12 =	simm.s32 @!p0 $0x4E000;
	s10 =	sadd.s32 s10, s5  }
0xd: {  	s9 =	ssub.s32 s9, s11;
	s11 =	sshrl.u32 s30, $0x3;
	s8 =	sadd.s32 s8, s5  }
0xe: {  	s5 =	sadd.s32 $0x26000, s10;
	s9 =	smax.u32 s9, $0x1;
	s10 =	sadd.s32 s12, s10  }
0xf: {  	s12 =	simm.s32 $0x2;
	s7 =	sadd.s32 $0x21000, s8;
	s8 =	sadd.s32 $0x1C000, s8  }
.LBB2_1:
0x10: {  	[spmem:s11], [sflag:s6] =	dma.local [hbm:s5], $0x1400  }
0x11: {  	_ =	swait.ge [sflag:s12], $0x1400  }
0x12: {  	[sflag:s12] =	ssyncset.done $0x0  }
0x13: {  	[sflag:s12] =	ssyncadd.s32 $0xFFFFEC00  }
0x14: {  	[tilespmem:s3], [sflag:$0x2] =	stream.linear.gather [hbm4b:s7+s3], $0x1400, $0x38;
	[tilespmem:$0xE800] =	vst v63  }
0x15: {  	_ =	swait.ge [sflag:s12], $0x1400  }
0x16: {  	[sflag:s12] =	ssyncset.done $0x0  }
0x17: {  	[sflag:s12] =	ssyncadd.s32 $0xFFFFEC00  }
0x18: {  	[tilespmem:s13], [sflag:$0x2] =	stream.linear.gather [hbm4b:s8+s3], $0x1400, $0x38;
	[tilespmem:$0xE800] =	vst v63  }
0x19: {  	_ =	swait.ge [sflag:s12], $0x1400  }
0x1a: {  	[sflag:s12] =	ssyncset.done $0x0  }
0x1b: {  	[sflag:s12] =	ssyncadd.s32 $0xFFFFEC00  }
0x1c: {  	s18 =	simm.s32 $0x0;
	[bflag:$0x0] =	sbarrier.arrive $0xFFFF  }
0x1d: {  	[tilespmem:s15], [sflag:$0x1] =	stream.indirect.gather [hbm4b:s4+s14], $0x40, s18, s14, $0xb8;
	[tilespmem:$0xE800] =	vst v63  }
0x1e: {  	_ =	swait.ge [sflag:s16], $0x2000  }
0x1f: {  	[sflag:s16] =	ssyncset.done $0x0  }
0x20: {  	s31 =	simm.s32 $0x1400;
	[sflag:s16] =	ssyncadd.s32 $0xFFFFE000  }
0x21: {  	[spmem:s2] =	stream.indirect.scatter.add.f32 [tilespmem:s15], [sflag:$0x2], $0x40, s31, s14, $0xb8;
	[tilespmem:$0xE800] =	vst v63  }
0x22: {  	_ =	swait.ge [sflag:s12], $0x2000  }
0x23: {  	s19 =	simm.s32 $0x400;
	s18 =	simm.s32 $0x200;
	[sflag:s12] =	ssyncset.done $0x0  }
.LBB2_2:
0x24: {  	s20 =	sshra.s32 s18, $0x2  }
0x25: {  	[sflag:s12] =	ssyncadd.s32 $0xFFFFE000;
	s18 =	smov.u32 s19;
	s21 =	sadd.s32 $0x200, s19  }
0x26: {  	[tilespmem:s15], [sflag:$0x1] =	stream.indirect.gather [hbm4b:s4+s14], $0x40, s20, s14, $0xb8;
	[tilespmem:$0xE800] =	vst v63  }
0x27: {  	p0 =	sne.s32 s19, $0x4E00;
	_ =	swait.ge [sflag:s16], $0x2000  }
.Ltmp0:
0x28: {  	[sflag:s16] =	ssyncset.done $0x0;
	(pc) =	sbr.rel @p0 .LBB2_2-.Ltmp0, $4  }
0x29: {  	s19 =	sadd.s32 $0x1400, s20;
	[sflag:s16] =	ssyncadd.s32 $0xFFFFE000  }
0x2a: {  	[spmem:s2] =	stream.indirect.scatter.add.f32 [tilespmem:s15], [sflag:$0x2], $0x40, s19, s14, $0xb8;
	[tilespmem:$0xE800] =	vst v63  }
0x2b: {  	_ =	swait.ge [sflag:s12], $0x2000  }
0x2c: {  	s19 =	smov.u32 s21;
	[sflag:s12] =	ssyncset.done $0x0  }
0x2d: {  	s18 =	sshra.s32 s18, $0x2;
	[sflag:s12] =	ssyncadd.s32 $0xFFFFE000  }
0x2e: {  	[tilespmem:s15], [sflag:$0x1] =	stream.indirect.gather [hbm4b:s4+s14], $0x40, s18, s14, $0xb8;
	[tilespmem:$0xE800] =	vst v63  }
0x2f: {  	_ =	swait.ge [sflag:s16], $0x2000  }
0x30: {  	[sflag:s16] =	ssyncset.done $0x0  }
0x31: {  	s18 =	sadd.s32 $0x1400, s18;
	[sflag:s16] =	ssyncadd.s32 $0xFFFFE000  }
0x32: {  	[spmem:s2] =	stream.indirect.scatter.add.f32 [tilespmem:s15], [sflag:$0x2], $0x40, s18, s14, $0xb8;
	[tilespmem:$0xE800] =	vst v63  }
0x33: {  	_ =	swait.ge [sflag:s12], $0x2000  }
0x34: {  	s17 =	sadd.s32 $0x1, s17;
	[sflag:s12] =	ssyncset.done $0x0  }
0x35: {  	p0 =	sne.s32 s17, s9;
	[sflag:s12] =	ssyncadd.s32 $0xFFFFE000  }
.Ltmp1:
0x36: {  	[bflag:$0x0] =	sbarrier.arrive $0xFFFF;
	(pc) =	sbr.rel @p0 .LBB2_1-.Ltmp1, $4  }
0x37: {  	[hbm:s10], [sflag:s6] =	dma.local [spmem:s11], $0x1400  }
0x38: {  	_ =	swait.ge [sflag:s12], $0x1400  }
0x39: {  	[sflag:s12] =	ssyncset.done $0x0  }
0x3a: {  	[sflag:s12] =	ssyncadd.s32 $0xFFFFEC00  }
0x3b: {  	_ =	sfence.sel $0x180000  }
0x3c: {  	[bflag:$0x0] =	sbarrier.arrive $0xFFFF  }
0x3d: {  	p0 =	sne.s32 s1, $0x0;
	_ =	strace $0x9000004D  }
0x3e: {  	s0 =	sadd.s32 @!p0 $0x100000, s0;
	[bflag:$0x2] =	sbarrier.arrive $0xFFFF  }
0x3f: {  	[sflag:s0] =	ssyncadd.tile.s32 @!p0 $0x1;
	_ =	shalt  }
.Lfunc_end2:
_tile_overlayer_lowered:
.L_overlay_start_2:
0x40: {  	(tag) =	ssettag $0x2  }
0x41: {  	s0 =	rddreg [dreg:$0x0];
	s2 =	stileid.u32  }
0x42: {  	s1 =	rddreg [dreg:$0x1];
	p0 =	sne.s32 s2, $0x0  }
0x43: {  	s3 =	rddreg [dreg:$0x2];
	[bflag:$0x3] =	sbarrier.arrive $0xFFFF;
	s2 =	simm.s32 @!p0 $0x1C02  }
0x44: {  	[timem:s3], [sflag:s2] =	dma.local @!p0 [hbm:s0], s1  }
0x45: {  	s0 =	simm.s32 @!p0 $0x2  }
0x46: {  	_ =	swait.ge @!p0 [sflag:s0], s1  }
0x47: {  	s1 =	ssub.s32 @!p0 $0x0, s1;
	[sflag:s0] =	ssyncset.done @!p0 $0x0  }
0x48: {  	[sflag:s0] =	ssyncadd.s32 @!p0 s1  }
0x49: {  	[bflag:$0x3] =	sbarrier.arrive $0xFFFF  }
0x4a: {  	_ =	shalt  }

// kernel: kernel.27.cloned.1.call-start
scs
__scs_entry_jumppad:
0x0: {  	(pc) =	sbr.rel $0x88, $3  }
0x1: {  	(tag) =	ssettag $0x0;
	lr =	simm.s32 $0x1  }
0x2: {  	[smem:$0x3F89] =	sst lr;
	_ =	strace $0xD0000000  }
0x3: {  	_ = 	snop  }
0x4: {  	_ = 	snop  }
0x5: {  	_ = 	snop  }
0x6: {  	_ = 	snop  }
0x7: {  	_ = 	snop  }
__scs_overlays_trampoline_lowered:
0x8: {  	[smem:$0x3F98] =	sst s0  }
0x9: {  	[smem:$0x3F99] =	sst s1  }
0xa: {  	[smem:$0x3F9A] =	sst s2  }
0xb: {  	[smem:$0x3F9B] =	sst s3  }
0xc: {  	[smem:$0x3F9C] =	sst s4  }
0xd: {  	[smem:$0x3F9D] =	sst s5  }
0xe: {  	[smem:$0x3F9E] =	sst s6  }
0xf: {  	[smem:$0x3F9F] =	sst s7  }
0x10: {  	[smem:$0x3FA0] =	sst s8  }
0x11: {  	[smem:$0x3FA1] =	sst s9;
	s0 =	simm.s32 @!p0 $0x0  }
0x12: {  	s1 =	sld [smem:$0x3F87];
	s0 =	simm.s32 @p0 $0x1  }
0x13: {  	[smem:$0x3FA2] =	sst s0;
	s0 =	simm.s32 @!p1 $0x0  }
0x14: {  	s2 =	sld [smem:$0x3F86];
	s0 =	simm.s32 @p1 $0x1  }
0x15: {  	[smem:$0x3FA3] =	sst s0;
	s0 =	simm.s32 @!p2 $0x0  }
0x16: {  	s3 =	sld [smem:$0x3FDB];
	s0 =	simm.s32 @p2 $0x1  }
0x17: {  	s4 =	simm.s32 $0x1BF5;
	[smem:$0x3FA5] =	sst s0  }
0x18: {  	s0 =	sld [smem:$0x3F88];
	_ =	swait.ge [sflag:s4], $0x0  }
0x19: {  	s7 =	sld [smem:$0x3F89]  }
0x1a: {  	s8 =	sadd.s32 $0xFFFFE003, lr  }
0x1b: {  	s9 =	sadd.s32 $0xFFFFFEF7, lr;
	s5 =	simm.s32 $0xFFFFFFFF;
	p2 =	slt.u32 s8, $0xFFFFF086  }
0x1c: {  	p1 =	slt.u32 s9, $0xF7A;
	s5 =	simm.s32 @!p2 $0x0  }
0x1d: {  	s5 =	simm.s32 @p1 $0x1;
	p0 =	seq.s32 s7, s2  }
0x1e: {  	s7 =	smul.u32 @!p0 $0xF7A, s2;
	p2 =	seq.s32 @!p0 s5, $0x0  }
0x1f: {  	s9 =	smul.u32 $0xF7A, s1;
	s8 =	simm.s32 @!p0 $0x1BF5;
	p2 =	por !p2, p0  }
0x20: {  	[sflag:s8] =	ssyncset.s32 @!p0 $0xFFFFF086;
	s6 =	sadd.s32 @!p0 s3, s7;
	s7 =	simm.s32 @!p0 $0x108  }
0x21: {  	s3 =	sadd.s32 s3, s9;
	s6 =	sadd.s32 @!p0 $0x88, s6;
	s7 =	simm.s32 @p2 $0x1082  }
0x22: {  	[simem:s7], [sflag:s8] =	dma.local @!p0 [hbm:s6], $0xF7A  }
0x23: {  	s9 =	sor.u32 $0xD0000000, s2;
	s6 =	simm.s32 $0x108;
	_ =	swait.ge @!p0 [sflag:s8], $0x0  }
0x24: {  	s3 =	sadd.s32 $0x88, s3;
	s6 =	simm.s32 @!p1 $0x1082;
	[sflag:s4] =	ssyncset.s32 $0xFFFFF086  }
0x25: {  	[simem:s6], [sflag:s4] =	dma.local [hbm:s3], $0xF7A  }
0x26: {  	[smem:$0x3F89] =	sst s1;
	(tag) =	ssettag s2;
	_ =	strace s9  }
0x27: {  	s1 =	sld [smem:$0x3F99]  }
0x28: {  	s2 =	sld [smem:$0x3F9A]  }
0x29: {  	s4 =	sld [smem:$0x3F9C]  }
0x2a: {  	p0 =	seq.s32 s5, $0x0;
	s5 =	sld [smem:$0x3F9D]  }
0x2b: {  	s6 =	sld [smem:$0x3F9E]  }
0x2c: {  	s7 =	sld [smem:$0x3F9F]  }
0x2d: {  	s3 =	simm.s32 $0x108;
	s8 =	sld [smem:$0x3FA0]  }
0x2e: {  	s3 =	simm.s32 @!p0 $0x1082;
	s9 =	sld [smem:$0x3FA1]  }
0x2f: {  	lr =	sadd.s32 s0, s3;
	s0 =	sld [smem:$0x3F98]  }
0x30: {  	s3 =	sld [smem:$0x3F9B]  }
0x31: {  	[smem:$0x3FA4] =	sst s10  }
0x32: {  	s10 =	sld [smem:$0x3FA2];
	_ =	sdelay $0x3  }
0x33: {  	p0 =	seq.s32 s10, $0x1;
	s10 =	sld [smem:$0x3FA4];
	_ =	sdelay $0x3  }
0x34: {  	[smem:$0x3FA4] =	sst s10  }
0x35: {  	s10 =	sld [smem:$0x3FA3];
	_ =	sdelay $0x3  }
0x36: {  	p1 =	seq.s32 s10, $0x1;
	s10 =	sld [smem:$0x3FA4];
	_ =	sdelay $0x3  }
0x37: {  	[smem:$0x3FA4] =	sst s10  }
0x38: {  	s10 =	sld [smem:$0x3FA5]  }
0x39: {  	_ = 	snop;
	(pc) =	sbr.ind lr, $3  }
0x3a: {  	_ = 	snop  }
0x3b: {  	_ = 	snop  }
0x3c: {  	p2 =	seq.s32 s10, $0x1;
	s10 =	sld [smem:$0x3FA4]  }
0x3d: {  	_ =	shalt  }
0x3e: {  	_ =	shalt  }
0x3f: {  	_ =	shalt  }
0x40: {  	_ =	shalt  }
0x41: {  	_ =	shalt  }
0x42: {  	_ =	shalt  }
0x43: {  	_ =	shalt  }
0x44: {  	_ =	shalt  }
0x45: {  	_ =	shalt  }
0x46: {  	_ =	shalt  }
0x47: {  	_ =	shalt  }
0x48: {  	_ =	shalt  }
0x49: {  	_ =	shalt  }
0x4a: {  	_ =	shalt  }
0x4b: {  	_ =	shalt  }
0x4c: {  	_ =	shalt  }
0x4d: {  	_ =	shalt  }
0x4e: {  	_ =	shalt  }
0x4f: {  	_ =	shalt  }
0x50: {  	_ =	shalt  }
0x51: {  	_ =	shalt  }
0x52: {  	_ =	shalt  }
0x53: {  	_ =	shalt  }
0x54: {  	_ =	shalt  }
0x55: {  	_ =	shalt  }
0x56: {  	_ =	shalt  }
0x57: {  	_ =	shalt  }
0x58: {  	_ =	shalt  }
0x59: {  	_ =	shalt  }
0x5a: {  	_ =	shalt  }
0x5b: {  	_ =	shalt  }
0x5c: {  	_ =	shalt  }
0x5d: {  	_ =	shalt  }
0x5e: {  	_ =	shalt  }
0x5f: {  	_ =	shalt  }
0x60: {  	_ =	shalt  }
0x61: {  	_ =	shalt  }
0x62: {  	_ =	shalt  }
0x63: {  	_ =	shalt  }
0x64: {  	_ =	shalt  }
0x65: {  	_ =	shalt  }
0x66: {  	_ =	shalt  }
0x67: {  	_ =	shalt  }
0x68: {  	_ =	shalt  }
0x69: {  	_ =	shalt  }
0x6a: {  	_ =	shalt  }
0x6b: {  	_ =	shalt  }
0x6c: {  	_ =	shalt  }
0x6d: {  	_ =	shalt  }
0x6e: {  	_ =	shalt  }
0x6f: {  	_ =	shalt  }
0x70: {  	_ =	shalt  }
0x71: {  	_ =	shalt  }
0x72: {  	_ =	shalt  }
0x73: {  	_ =	shalt  }
0x74: {  	_ =	shalt  }
0x75: {  	_ =	shalt  }
0x76: {  	_ =	shalt  }
0x77: {  	_ =	shalt  }
0x78: {  	_ =	shalt  }
0x79: {  	_ =	shalt  }
0x7a: {  	_ =	shalt  }
0x7b: {  	_ =	shalt  }
0x7c: {  	_ =	shalt  }
0x7d: {  	_ =	shalt  }
0x7e: {  	_ =	shalt  }
0x7f: {  	_ =	shalt  }
0x80: {  	_ =	shalt  }
0x81: {  	_ =	shalt  }
0x82: {  	_ =	shalt  }
0x83: {  	_ =	shalt  }
0x84: {  	_ =	shalt  }
0x85: {  	_ =	shalt  }
0x86: {  	_ =	shalt  }
0x87: {  	_ =	shalt  }
.Lfunc_end0:
.L_simem_size_0:
called_computation.3_lowered:
.L_overlay_start_0:
0x88: {  	s2 =	sld [smem:$0x3FD9]  }
0x89: {  	s3 =	sld [smem:$0x3FFE];
	_ =	sdelay $0x1  }
0x8a: {  	s1 =	srdreg.scid  }
0x8b: {  	s0 =	sand.u32 $0x1, s1  }
0x8c: {  	s16 =	sshll.u32 s0, $0xA;
	s2 =	sadd.s32 s3, s2  }
0x8d: {  	s2 =	sadd.s32 s2, s16  }
0x8e: {  	[smem:$0x3FB0] =	sst s2  }
0x8f: {  	_ = 	snop  }
0x90: {  	(tm) =	ssettm $0x1  }
0x91: {  	s17 =	sld [smem:$0x3FFB];
	_ =	sdelay $0x3  }
0x92: {  	_ =	strace s17  }
0x93: {  	s2 =	sld [smem:$0x3FFC];
	_ =	sdelay $0x3  }
0x94: {  	_ =	strace s2  }
0x95: {  	s2 =	sld [smem:$0x3FFD];
	_ =	sdelay $0x3  }
0x96: {  	_ =	strace s2  }
0x97: {  	_ =	strace $0x8FFFFFFF  }
0x98: {  	s18 =	sld [smem:$0x3FDB];
	_ =	sdelay $0x1  }
0x99: {  	s19 =	simm.s32 $_scs_section_size  }
0x9a: {  	s4 =	simm.s32 $_size__tile_overlayer_lowered;
	s5 =	simm.s32 $_tile_overlayer_lowered  }
0x9b: {  	s22 =	simm.s32 $0x1BFF;
	s21 =	sshll.u32 s5, $0x1;
	s2 =	sadd.s32 s19, s18  }
0x9c: {  	s6 =	simm.s32 $0x0;
	s20 =	sshll.u32 s4, $0x1;
	s4 =	sadd.s32 s21, s2  }
0x9d: {  	[timem:s6], [sflag:s22] =	dma.local [hbm:s4], s20  }
0x9e: {  	_ =	swait.ge [sflag:s22], s20  }
0x9f: {  	s3 =	ssub.s32 $0x0, s20;
	[sflag:s22] =	ssyncset.done $0x0  }
0xa0: {  	[sflag:s22] =	ssyncadd.s32 s3;
	_ =	sdelay $0x1  }
0xa1: {  	s23 =	simm.s32 $0x1B8B  }
0xa2: {  	_ =	swait.ge [sflag:s23], $0x1  }
0xa3: {  	[sflag:s23] =	ssyncset.done $0x0  }
0xa4: {  	s25 =	simm.s32 $0x1B8E;
	s24 =	sld [smem:$0x3FFE];
	[sflag:s23] =	ssyncadd.s32 $0xFFFFFFFF  }
0xa5: {  	s26 =	simm.s32 $execute0_lowered;
	[smem:$0x3FD2] =	sst s25  }
0xa6: {  	s4 =	sshll.u32 s26, $0x1;
	_ =	strace $0x8000004F;
	[dreg:$0x1] =	wrdreg $0xFFFFFFFF  }
0xa7: {  	s28 =	simm.s32 $_size_execute0_lowered;
	s2 =	sadd.s32 s2, s4;
	[dreg:$0x0] =	wrdreg $0x0  }
0xa8: {  	s4 =	sshll.u32 s28, $0x1;
	[dreg:$0x2] =	wrdreg s2  }
0xa9: {  	[dreg:$0x3] =	wrdreg s4  }
0xaa: {  	[dreg:$0x4] =	wrdreg $0xC0  }
0xab: {  	_ =	task [dreg:s6], $0x5FFFF  }
0xac: {  	[dreg:$0x1] =	wrdreg $0xFFFFFFFF  }
0xad: {  	[dreg:$0x0] =	wrdreg $0x60  }
0xae: {  	[dreg:$0x2] =	wrdreg s24  }
0xaf: {  	[dreg:$0x3] =	wrdreg $0x48000  }
0xb0: {  	[dreg:$0x4] =	wrdreg $0x9  }
0xb1: {  	_ =	task.clear_ibuf [dreg:s6], $0x5FFFF;
	_ =	strace $0x9000004F  }
0xb2: {  	s29 =	simm.s32 $0x9;
	_ =	strace $0x80000051  }
0xb3: {  	_ =	swait.ge [sflag:s29], $0x1  }
0xb4: {  	[sflag:s29] =	ssyncadd.s32 $0xFFFFFFFF  }
0xb5: {  	_ =	strace $0x90000051  }
0xb6: {  	_ =	sfence  }
0xb7: {  	s30 =	sld [smem:$0x0];
	_ =	sdelay $0x2  }
0xb8: {  	s31 =	sshll.u32 s1, $0xD;
	s1 =	sshrl.u32 s1, $0x2  }
0xb9: {  	s3 =	sand.u32 $0x4000, s31;
	s1 =	sadd.s32 s1, s30  }
0xba: {  	s0 =	sor.u32 s3, s0;
	s1 =	sshll.u32 s1, $0x11  }
0xbb: {  	s0 =	sor.u32 s1, s0  }
0xbc: {  	s0 =	sadd.s32 $0x8F2B, s0  }
0xbd: {  	[sflag:s0] =	ssyncadd.remote.s32 $0x1  }
0xbe: {  	_ =	sfence.sel $0xFFFF  }
0xbf: {  	[dreg:$0x0] =	wrdreg $0xFFFFFFFF;
	(pc) =	sbr.abs _section_cstart, $3  }
0xc0: {  	[dreg:$0x1] =	wrdreg $0xFFFFFFFF  }
0xc1: {  	_ =	task.clear_ibuf [dreg:s6], $0x2FFFF;
	_ =	strace $0x9FFFFFFF  }
0xc2: {  	(tm) =	ssettm $0x7FFFFFFF  }
0xc3: {  	_ =	shalt  }
tec
execute0_lowered:
.L_overlay_start_1:
0x0: {  	(tag) =	ssettag $0x1  }
0x1: {  	s5 =	rddreg [dreg:$0x0]  }
0x2: {  	s2 =	rddreg [dreg:$0x1]  }
0x3: {  	s0 =	rddreg [dreg:$0x2]  }
0x4: {  	s4 =	srdreg.scid;
	s1 =	stileid.u32  }
0x5: {  	s3 =	simm.s32 $0x0;
	s12 =	simm.s32 $0x3A000;
	s13 =	simm.s32 $0x1400  }
0x6: {  	s14 =	simm.s32 $0x80;
	s15 =	simm.s32 $0x2800;
	s16 =	simm.s32 $0x1  }
0x7: {  	s17 =	simm.s32 $0x0;
	s7 =	sand.u32 $0x1, s4;
	s29 =	sshll.u32 s1, $0x1  }
0x8: {  	[smem:$0x7FF] =	sst s3;
	s6 =	smul.u32 $0xA000, s1;
	s31 =	sshll.u32 s1, $0x6  }
0x9: {  	s4 =	sor.u32 s7, s29;
	_ =	strace $0x80000050;
	s9 =	ssub.s32 $0x2, s7  }
0xa: {  	p0 =	seq.s32 s7, $0x1;
	s8 =	smul.u32 $0x280, s4;
	s4 =	sadd.s32 $0x8600, s5  }
0xb: {  	s10 =	sshrl.u32 s6, $0x3;
	s11 =	sshrl.u32 s9, $0x1;
	s30 =	sadd.s32 s6, s2  }
0xc: {  	s6 =	sor.u32 $0x1C02, s31;
	s12 =	simm.s32 @!p0 $0x4E000;
	s10 =	sadd.s32 s10, s5  }
0xd: {  	s9 =	ssub.s32 s9, s11;
	s11 =	sshrl.u32 s30, $0x3;
	s8 =	sadd.s32 s8, s5  }
0xe: {  	s5 =	sadd.s32 $0x26000, s10;
	s9 =	smax.u32 s9, $0x1;
	s10 =	sadd.s32 s12, s10  }
0xf: {  	s12 =	simm.s32 $0x2;
	s7 =	sadd.s32 $0x21000, s8;
	s8 =	sadd.s32 $0x1C000, s8  }
.LBB2_1:
0x10: {  	[spmem:s11], [sflag:s6] =	dma.local [hbm:s5], $0x1400  }
0x11: {  	_ =	swait.ge [sflag:s12], $0x1400  }
0x12: {  	[sflag:s12] =	ssyncset.done $0x0  }
0x13: {  	[sflag:s12] =	ssyncadd.s32 $0xFFFFEC00  }
0x14: {  	[tilespmem:s3], [sflag:$0x2] =	stream.linear.gather [hbm4b:s7+s3], $0x1400, $0x38;
	[tilespmem:$0xE800] =	vst v63  }
0x15: {  	_ =	swait.ge [sflag:s12], $0x1400  }
0x16: {  	[sflag:s12] =	ssyncset.done $0x0  }
0x17: {  	[sflag:s12] =	ssyncadd.s32 $0xFFFFEC00  }
0x18: {  	[tilespmem:s13], [sflag:$0x2] =	stream.linear.gather [hbm4b:s8+s3], $0x1400, $0x38;
	[tilespmem:$0xE800] =	vst v63  }
0x19: {  	_ =	swait.ge [sflag:s12], $0x1400  }
0x1a: {  	[sflag:s12] =	ssyncset.done $0x0  }
0x1b: {  	[sflag:s12] =	ssyncadd.s32 $0xFFFFEC00  }
0x1c: {  	s18 =	simm.s32 $0x0;
	[bflag:$0x0] =	sbarrier.arrive $0xFFFF  }
0x1d: {  	[tilespmem:s15], [sflag:$0x1] =	stream.indirect.gather [hbm4b:s4+s14], $0x40, s18, s14, $0xb8;
	[tilespmem:$0xE800] =	vst v63  }
0x1e: {  	_ =	swait.ge [sflag:s16], $0x2000  }
0x1f: {  	[sflag:s16] =	ssyncset.done $0x0  }
0x20: {  	s31 =	simm.s32 $0x1400;
	[sflag:s16] =	ssyncadd.s32 $0xFFFFE000  }
0x21: {  	[spmem:s2] =	stream.indirect.scatter.add.f32 [tilespmem:s15], [sflag:$0x2], $0x40, s31, s14, $0xb8;
	[tilespmem:$0xE800] =	vst v63  }
0x22: {  	_ =	swait.ge [sflag:s12], $0x2000  }
0x23: {  	s19 =	simm.s32 $0x400;
	s18 =	simm.s32 $0x200;
	[sflag:s12] =	ssyncset.done $0x0  }
.LBB2_2:
0x24: {  	s20 =	sshra.s32 s18, $0x2  }
0x25: {  	[sflag:s12] =	ssyncadd.s32 $0xFFFFE000;
	s18 =	smov.u32 s19;
	s21 =	sadd.s32 $0x200, s19  }
0x26: {  	[tilespmem:s15], [sflag:$0x1] =	stream.indirect.gather [hbm4b:s4+s14], $0x40, s20, s14, $0xb8;
	[tilespmem:$0xE800] =	vst v63  }
0x27: {  	p0 =	sne.s32 s19, $0x4E00;
	_ =	swait.ge [sflag:s16], $0x2000  }
.Ltmp0:
0x28: {  	[sflag:s16] =	ssyncset.done $0x0;
	(pc) =	sbr.rel @p0 .LBB2_2-.Ltmp0, $4  }
0x29: {  	s19 =	sadd.s32 $0x1400, s20;
	[sflag:s16] =	ssyncadd.s32 $0xFFFFE000  }
0x2a: {  	[spmem:s2] =	stream.indirect.scatter.add.f32 [tilespmem:s15], [sflag:$0x2], $0x40, s19, s14, $0xb8;
	[tilespmem:$0xE800] =	vst v63  }
0x2b: {  	_ =	swait.ge [sflag:s12], $0x2000  }
0x2c: {  	s19 =	smov.u32 s21;
	[sflag:s12] =	ssyncset.done $0x0  }
0x2d: {  	s18 =	sshra.s32 s18, $0x2;
	[sflag:s12] =	ssyncadd.s32 $0xFFFFE000  }
0x2e: {  	[tilespmem:s15], [sflag:$0x1] =	stream.indirect.gather [hbm4b:s4+s14], $0x40, s18, s14, $0xb8;
	[tilespmem:$0xE800] =	vst v63  }
0x2f: {  	_ =	swait.ge [sflag:s16], $0x2000  }
0x30: {  	[sflag:s16] =	ssyncset.done $0x0  }
0x31: {  	s18 =	sadd.s32 $0x1400, s18;
	[sflag:s16] =	ssyncadd.s32 $0xFFFFE000  }
0x32: {  	[spmem:s2] =	stream.indirect.scatter.add.f32 [tilespmem:s15], [sflag:$0x2], $0x40, s18, s14, $0xb8;
	[tilespmem:$0xE800] =	vst v63  }
0x33: {  	_ =	swait.ge [sflag:s12], $0x2000  }
0x34: {  	s17 =	sadd.s32 $0x1, s17;
	[sflag:s12] =	ssyncset.done $0x0  }
0x35: {  	p0 =	sne.s32 s17, s9;
	[sflag:s12] =	ssyncadd.s32 $0xFFFFE000  }
.Ltmp1:
0x36: {  	[bflag:$0x0] =	sbarrier.arrive $0xFFFF;
	(pc) =	sbr.rel @p0 .LBB2_1-.Ltmp1, $4  }
0x37: {  	[hbm:s10], [sflag:s6] =	dma.local [spmem:s11], $0x1400  }
0x38: {  	_ =	swait.ge [sflag:s12], $0x1400  }
0x39: {  	[sflag:s12] =	ssyncset.done $0x0  }
0x3a: {  	[sflag:s12] =	ssyncadd.s32 $0xFFFFEC00  }
0x3b: {  	_ =	sfence.sel $0x180000  }
0x3c: {  	[bflag:$0x0] =	sbarrier.arrive $0xFFFF  }
0x3d: {  	p0 =	sne.s32 s1, $0x0;
	_ =	strace $0x90000050  }
0x3e: {  	s0 =	sadd.s32 @!p0 $0x100000, s0;
	[bflag:$0x2] =	sbarrier.arrive $0xFFFF  }
0x3f: {  	[sflag:s0] =	ssyncadd.tile.s32 @!p0 $0x1;
	_ =	shalt  }
.Lfunc_end2:
_tile_overlayer_lowered:
.L_overlay_start_2:
0x40: {  	(tag) =	ssettag $0x2  }
0x41: {  	s0 =	rddreg [dreg:$0x0];
	s2 =	stileid.u32  }
0x42: {  	s1 =	rddreg [dreg:$0x1];
	p0 =	sne.s32 s2, $0x0  }
0x43: {  	s3 =	rddreg [dreg:$0x2];
	[bflag:$0x3] =	sbarrier.arrive $0xFFFF;
	s2 =	simm.s32 @!p0 $0x1C02  }
0x44: {  	[timem:s3], [sflag:s2] =	dma.local @!p0 [hbm:s0], s1  }
0x45: {  	s0 =	simm.s32 @!p0 $0x2  }
0x46: {  	_ =	swait.ge @!p0 [sflag:s0], s1  }
0x47: {  	s1 =	ssub.s32 @!p0 $0x0, s1;
	[sflag:s0] =	ssyncset.done @!p0 $0x0  }
0x48: {  	[sflag:s0] =	ssyncadd.s32 @!p0 s1  }
0x49: {  	[bflag:$0x3] =	sbarrier.arrive $0xFFFF  }
0x4a: {  	_ =	shalt  }

// kernel: kernel.30.cloned.1.call-start
scs
__scs_entry_jumppad:
0x0: {  	(pc) =	sbr.rel $0x88, $3  }
0x1: {  	(tag) =	ssettag $0x0;
	lr =	simm.s32 $0x1  }
0x2: {  	[smem:$0x3F89] =	sst lr;
	_ =	strace $0xD0000000  }
0x3: {  	_ = 	snop  }
0x4: {  	_ = 	snop  }
0x5: {  	_ = 	snop  }
0x6: {  	_ = 	snop  }
0x7: {  	_ = 	snop  }
__scs_overlays_trampoline_lowered:
0x8: {  	[smem:$0x3F98] =	sst s0  }
0x9: {  	[smem:$0x3F99] =	sst s1  }
0xa: {  	[smem:$0x3F9A] =	sst s2  }
0xb: {  	[smem:$0x3F9B] =	sst s3  }
0xc: {  	[smem:$0x3F9C] =	sst s4  }
0xd: {  	[smem:$0x3F9D] =	sst s5  }
0xe: {  	[smem:$0x3F9E] =	sst s6  }
0xf: {  	[smem:$0x3F9F] =	sst s7  }
0x10: {  	[smem:$0x3FA0] =	sst s8  }
0x11: {  	[smem:$0x3FA1] =	sst s9;
	s0 =	simm.s32 @!p0 $0x0  }
0x12: {  	s1 =	sld [smem:$0x3F87];
	s0 =	simm.s32 @p0 $0x1  }
0x13: {  	[smem:$0x3FA2] =	sst s0;
	s0 =	simm.s32 @!p1 $0x0  }
0x14: {  	s2 =	sld [smem:$0x3F86];
	s0 =	simm.s32 @p1 $0x1  }
0x15: {  	[smem:$0x3FA3] =	sst s0;
	s0 =	simm.s32 @!p2 $0x0  }
0x16: {  	s3 =	sld [smem:$0x3FDB];
	s0 =	simm.s32 @p2 $0x1  }
0x17: {  	s4 =	simm.s32 $0x1BF5;
	[smem:$0x3FA5] =	sst s0  }
0x18: {  	s0 =	sld [smem:$0x3F88];
	_ =	swait.ge [sflag:s4], $0x0  }
0x19: {  	s7 =	sld [smem:$0x3F89]  }
0x1a: {  	s8 =	sadd.s32 $0xFFFFE003, lr  }
0x1b: {  	s9 =	sadd.s32 $0xFFFFFEF7, lr;
	s5 =	simm.s32 $0xFFFFFFFF;
	p2 =	slt.u32 s8, $0xFFFFF086  }
0x1c: {  	p1 =	slt.u32 s9, $0xF7A;
	s5 =	simm.s32 @!p2 $0x0  }
0x1d: {  	s5 =	simm.s32 @p1 $0x1;
	p0 =	seq.s32 s7, s2  }
0x1e: {  	s7 =	smul.u32 @!p0 $0xF7A, s2;
	p2 =	seq.s32 @!p0 s5, $0x0  }
0x1f: {  	s9 =	smul.u32 $0xF7A, s1;
	s8 =	simm.s32 @!p0 $0x1BF5;
	p2 =	por !p2, p0  }
0x20: {  	[sflag:s8] =	ssyncset.s32 @!p0 $0xFFFFF086;
	s6 =	sadd.s32 @!p0 s3, s7;
	s7 =	simm.s32 @!p0 $0x108  }
0x21: {  	s3 =	sadd.s32 s3, s9;
	s6 =	sadd.s32 @!p0 $0x88, s6;
	s7 =	simm.s32 @p2 $0x1082  }
0x22: {  	[simem:s7], [sflag:s8] =	dma.local @!p0 [hbm:s6], $0xF7A  }
0x23: {  	s9 =	sor.u32 $0xD0000000, s2;
	s6 =	simm.s32 $0x108;
	_ =	swait.ge @!p0 [sflag:s8], $0x0  }
0x24: {  	s3 =	sadd.s32 $0x88, s3;
	s6 =	simm.s32 @!p1 $0x1082;
	[sflag:s4] =	ssyncset.s32 $0xFFFFF086  }
0x25: {  	[simem:s6], [sflag:s4] =	dma.local [hbm:s3], $0xF7A  }
0x26: {  	[smem:$0x3F89] =	sst s1;
	(tag) =	ssettag s2;
	_ =	strace s9  }
0x27: {  	s1 =	sld [smem:$0x3F99]  }
0x28: {  	s2 =	sld [smem:$0x3F9A]  }
0x29: {  	s4 =	sld [smem:$0x3F9C]  }
0x2a: {  	p0 =	seq.s32 s5, $0x0;
	s5 =	sld [smem:$0x3F9D]  }
0x2b: {  	s6 =	sld [smem:$0x3F9E]  }
0x2c: {  	s7 =	sld [smem:$0x3F9F]  }
0x2d: {  	s3 =	simm.s32 $0x108;
	s8 =	sld [smem:$0x3FA0]  }
0x2e: {  	s3 =	simm.s32 @!p0 $0x1082;
	s9 =	sld [smem:$0x3FA1]  }
0x2f: {  	lr =	sadd.s32 s0, s3;
	s0 =	sld [smem:$0x3F98]  }
0x30: {  	s3 =	sld [smem:$0x3F9B]  }
0x31: {  	[smem:$0x3FA4] =	sst s10  }
0x32: {  	s10 =	sld [smem:$0x3FA2];
	_ =	sdelay $0x3  }
0x33: {  	p0 =	seq.s32 s10, $0x1;
	s10 =	sld [smem:$0x3FA4];
	_ =	sdelay $0x3  }
0x34: {  	[smem:$0x3FA4] =	sst s10  }
0x35: {  	s10 =	sld [smem:$0x3FA3];
	_ =	sdelay $0x3  }
0x36: {  	p1 =	seq.s32 s10, $0x1;
	s10 =	sld [smem:$0x3FA4];
	_ =	sdelay $0x3  }
0x37: {  	[smem:$0x3FA4] =	sst s10  }
0x38: {  	s10 =	sld [smem:$0x3FA5]  }
0x39: {  	_ = 	snop;
	(pc) =	sbr.ind lr, $3  }
0x3a: {  	_ = 	snop  }
0x3b: {  	_ = 	snop  }
0x3c: {  	p2 =	seq.s32 s10, $0x1;
	s10 =	sld [smem:$0x3FA4]  }
0x3d: {  	_ =	shalt  }
0x3e: {  	_ =	shalt  }
0x3f: {  	_ =	shalt  }
0x40: {  	_ =	shalt  }
0x41: {  	_ =	shalt  }
0x42: {  	_ =	shalt  }
0x43: {  	_ =	shalt  }
0x44: {  	_ =	shalt  }
0x45: {  	_ =	shalt  }
0x46: {  	_ =	shalt  }
0x47: {  	_ =	shalt  }
0x48: {  	_ =	shalt  }
0x49: {  	_ =	shalt  }
0x4a: {  	_ =	shalt  }
0x4b: {  	_ =	shalt  }
0x4c: {  	_ =	shalt  }
0x4d: {  	_ =	shalt  }
0x4e: {  	_ =	shalt  }
0x4f: {  	_ =	shalt  }
0x50: {  	_ =	shalt  }
0x51: {  	_ =	shalt  }
0x52: {  	_ =	shalt  }
0x53: {  	_ =	shalt  }
0x54: {  	_ =	shalt  }
0x55: {  	_ =	shalt  }
0x56: {  	_ =	shalt  }
0x57: {  	_ =	shalt  }
0x58: {  	_ =	shalt  }
0x59: {  	_ =	shalt  }
0x5a: {  	_ =	shalt  }
0x5b: {  	_ =	shalt  }
0x5c: {  	_ =	shalt  }
0x5d: {  	_ =	shalt  }
0x5e: {  	_ =	shalt  }
0x5f: {  	_ =	shalt  }
0x60: {  	_ =	shalt  }
0x61: {  	_ =	shalt  }
0x62: {  	_ =	shalt  }
0x63: {  	_ =	shalt  }
0x64: {  	_ =	shalt  }
0x65: {  	_ =	shalt  }
0x66: {  	_ =	shalt  }
0x67: {  	_ =	shalt  }
0x68: {  	_ =	shalt  }
0x69: {  	_ =	shalt  }
0x6a: {  	_ =	shalt  }
0x6b: {  	_ =	shalt  }
0x6c: {  	_ =	shalt  }
0x6d: {  	_ =	shalt  }
0x6e: {  	_ =	shalt  }
0x6f: {  	_ =	shalt  }
0x70: {  	_ =	shalt  }
0x71: {  	_ =	shalt  }
0x72: {  	_ =	shalt  }
0x73: {  	_ =	shalt  }
0x74: {  	_ =	shalt  }
0x75: {  	_ =	shalt  }
0x76: {  	_ =	shalt  }
0x77: {  	_ =	shalt  }
0x78: {  	_ =	shalt  }
0x79: {  	_ =	shalt  }
0x7a: {  	_ =	shalt  }
0x7b: {  	_ =	shalt  }
0x7c: {  	_ =	shalt  }
0x7d: {  	_ =	shalt  }
0x7e: {  	_ =	shalt  }
0x7f: {  	_ =	shalt  }
0x80: {  	_ =	shalt  }
0x81: {  	_ =	shalt  }
0x82: {  	_ =	shalt  }
0x83: {  	_ =	shalt  }
0x84: {  	_ =	shalt  }
0x85: {  	_ =	shalt  }
0x86: {  	_ =	shalt  }
0x87: {  	_ =	shalt  }
.Lfunc_end0:
.L_simem_size_0:
called_computation.4_lowered:
.L_overlay_start_0:
0x88: {  	s2 =	sld [smem:$0x3FD9]  }
0x89: {  	s3 =	sld [smem:$0x3FFE];
	_ =	sdelay $0x1  }
0x8a: {  	s1 =	srdreg.scid  }
0x8b: {  	s0 =	sand.u32 $0x1, s1  }
0x8c: {  	s16 =	sshll.u32 s0, $0xA;
	s2 =	sadd.s32 s3, s2  }
0x8d: {  	s2 =	sadd.s32 s2, s16  }
0x8e: {  	[smem:$0x3FB0] =	sst s2  }
0x8f: {  	_ = 	snop  }
0x90: {  	(tm) =	ssettm $0x1  }
0x91: {  	s17 =	sld [smem:$0x3FFB];
	_ =	sdelay $0x3  }
0x92: {  	_ =	strace s17  }
0x93: {  	s2 =	sld [smem:$0x3FFC];
	_ =	sdelay $0x3  }
0x94: {  	_ =	strace s2  }
0x95: {  	s2 =	sld [smem:$0x3FFD];
	_ =	sdelay $0x3  }
0x96: {  	_ =	strace s2  }
0x97: {  	_ =	strace $0x8FFFFFFF  }
0x98: {  	s18 =	sld [smem:$0x3FDB];
	_ =	sdelay $0x1  }
0x99: {  	s19 =	simm.s32 $_scs_section_size  }
0x9a: {  	s4 =	simm.s32 $_size__tile_overlayer_lowered;
	s5 =	simm.s32 $_tile_overlayer_lowered  }
0x9b: {  	s22 =	simm.s32 $0x1BFF;
	s21 =	sshll.u32 s5, $0x1;
	s2 =	sadd.s32 s19, s18  }
0x9c: {  	s6 =	simm.s32 $0x0;
	s20 =	sshll.u32 s4, $0x1;
	s4 =	sadd.s32 s21, s2  }
0x9d: {  	[timem:s6], [sflag:s22] =	dma.local [hbm:s4], s20  }
0x9e: {  	_ =	swait.ge [sflag:s22], s20  }
0x9f: {  	s3 =	ssub.s32 $0x0, s20;
	[sflag:s22] =	ssyncset.done $0x0  }
0xa0: {  	[sflag:s22] =	ssyncadd.s32 s3;
	_ =	sdelay $0x1  }
0xa1: {  	s23 =	simm.s32 $0x1B8B  }
0xa2: {  	_ =	swait.ge [sflag:s23], $0x1  }
0xa3: {  	[sflag:s23] =	ssyncset.done $0x0  }
0xa4: {  	s25 =	simm.s32 $0x1B8E;
	s24 =	sld [smem:$0x3FFE];
	[sflag:s23] =	ssyncadd.s32 $0xFFFFFFFF  }
0xa5: {  	s26 =	simm.s32 $execute0_lowered;
	[smem:$0x3FD2] =	sst s25  }
0xa6: {  	s4 =	sshll.u32 s26, $0x1;
	_ =	strace $0x80000052;
	[dreg:$0x1] =	wrdreg $0xFFFFFFFF  }
0xa7: {  	s28 =	simm.s32 $_size_execute0_lowered;
	s2 =	sadd.s32 s2, s4;
	[dreg:$0x0] =	wrdreg $0x0  }
0xa8: {  	s4 =	sshll.u32 s28, $0x1;
	[dreg:$0x2] =	wrdreg s2  }
0xa9: {  	[dreg:$0x3] =	wrdreg s4  }
0xaa: {  	[dreg:$0x4] =	wrdreg $0xC0  }
0xab: {  	_ =	task [dreg:s6], $0x5FFFF  }
0xac: {  	[dreg:$0x1] =	wrdreg $0xFFFFFFFF  }
0xad: {  	[dreg:$0x0] =	wrdreg $0x60  }
0xae: {  	[dreg:$0x2] =	wrdreg s24  }
0xaf: {  	[dreg:$0x3] =	wrdreg $0x48000  }
0xb0: {  	[dreg:$0x4] =	wrdreg $0x9  }
0xb1: {  	_ =	task.clear_ibuf [dreg:s6], $0x5FFFF;
	_ =	strace $0x90000052  }
0xb2: {  	s29 =	simm.s32 $0x9;
	_ =	strace $0x80000054  }
0xb3: {  	_ =	swait.ge [sflag:s29], $0x1  }
0xb4: {  	[sflag:s29] =	ssyncadd.s32 $0xFFFFFFFF  }
0xb5: {  	_ =	strace $0x90000054  }
0xb6: {  	_ =	sfence  }
0xb7: {  	s30 =	sld [smem:$0x0];
	_ =	sdelay $0x2  }
0xb8: {  	s31 =	sshll.u32 s1, $0xD;
	s1 =	sshrl.u32 s1, $0x2  }
0xb9: {  	s3 =	sand.u32 $0x4000, s31;
	s1 =	sadd.s32 s1, s30  }
0xba: {  	s0 =	sor.u32 s3, s0;
	s1 =	sshll.u32 s1, $0x11  }
0xbb: {  	s0 =	sor.u32 s1, s0  }
0xbc: {  	s0 =	sadd.s32 $0x8F2B, s0  }
0xbd: {  	[sflag:s0] =	ssyncadd.remote.s32 $0x1  }
0xbe: {  	_ =	sfence.sel $0xFFFF  }
0xbf: {  	[dreg:$0x0] =	wrdreg $0xFFFFFFFF;
	(pc) =	sbr.abs _section_cstart, $3  }
0xc0: {  	[dreg:$0x1] =	wrdreg $0xFFFFFFFF  }
0xc1: {  	_ =	task.clear_ibuf [dreg:s6], $0x2FFFF;
	_ =	strace $0x9FFFFFFF  }
0xc2: {  	(tm) =	ssettm $0x7FFFFFFF  }
0xc3: {  	_ =	shalt  }
tec
execute0_lowered:
.L_overlay_start_1:
0x0: {  	(tag) =	ssettag $0x1  }
0x1: {  	s5 =	rddreg [dreg:$0x0]  }
0x2: {  	s2 =	rddreg [dreg:$0x1]  }
0x3: {  	s0 =	rddreg [dreg:$0x2]  }
0x4: {  	s4 =	srdreg.scid;
	s1 =	stileid.u32  }
0x5: {  	s3 =	simm.s32 $0x0;
	s12 =	simm.s32 $0x3A000;
	s13 =	simm.s32 $0x1400  }
0x6: {  	s14 =	simm.s32 $0x80;
	s15 =	simm.s32 $0x2800;
	s16 =	simm.s32 $0x1  }
0x7: {  	s17 =	simm.s32 $0x0;
	s7 =	sand.u32 $0x1, s4;
	s29 =	sshll.u32 s1, $0x1  }
0x8: {  	[smem:$0x7FF] =	sst s3;
	s6 =	smul.u32 $0xA000, s1;
	s31 =	sshll.u32 s1, $0x6  }
0x9: {  	s4 =	sor.u32 s7, s29;
	_ =	strace $0x80000053;
	s9 =	ssub.s32 $0x2, s7  }
0xa: {  	p0 =	seq.s32 s7, $0x1;
	s8 =	smul.u32 $0x280, s4;
	s4 =	sadd.s32 $0x8600, s5  }
0xb: {  	s10 =	sshrl.u32 s6, $0x3;
	s11 =	sshrl.u32 s9, $0x1;
	s30 =	sadd.s32 s6, s2  }
0xc: {  	s6 =	sor.u32 $0x1C02, s31;
	s12 =	simm.s32 @!p0 $0x4E000;
	s10 =	sadd.s32 s10, s5  }
0xd: {  	s9 =	ssub.s32 s9, s11;
	s11 =	sshrl.u32 s30, $0x3;
	s8 =	sadd.s32 s8, s5  }
0xe: {  	s5 =	sadd.s32 $0x26000, s10;
	s9 =	smax.u32 s9, $0x1;
	s10 =	sadd.s32 s12, s10  }
0xf: {  	s12 =	simm.s32 $0x2;
	s7 =	sadd.s32 $0x21000, s8;
	s8 =	sadd.s32 $0x1C000, s8  }
.LBB2_1:
0x10: {  	[spmem:s11], [sflag:s6] =	dma.local [hbm:s5], $0x1400  }
0x11: {  	_ =	swait.ge [sflag:s12], $0x1400  }
0x12: {  	[sflag:s12] =	ssyncset.done $0x0  }
0x13: {  	[sflag:s12] =	ssyncadd.s32 $0xFFFFEC00  }
0x14: {  	[tilespmem:s3], [sflag:$0x2] =	stream.linear.gather [hbm4b:s7+s3], $0x1400, $0x38;
	[tilespmem:$0xE800] =	vst v63  }
0x15: {  	_ =	swait.ge [sflag:s12], $0x1400  }
0x16: {  	[sflag:s12] =	ssyncset.done $0x0  }
0x17: {  	[sflag:s12] =	ssyncadd.s32 $0xFFFFEC00  }
0x18: {  	[tilespmem:s13], [sflag:$0x2] =	stream.linear.gather [hbm4b:s8+s3], $0x1400, $0x38;
	[tilespmem:$0xE800] =	vst v63  }
0x19: {  	_ =	swait.ge [sflag:s12], $0x1400  }
0x1a: {  	[sflag:s12] =	ssyncset.done $0x0  }
0x1b: {  	[sflag:s12] =	ssyncadd.s32 $0xFFFFEC00  }
0x1c: {  	s18 =	simm.s32 $0x0;
	[bflag:$0x0] =	sbarrier.arrive $0xFFFF  }
0x1d: {  	[tilespmem:s15], [sflag:$0x1] =	stream.indirect.gather [hbm4b:s4+s14], $0x40, s18, s14, $0xb8;
	[tilespmem:$0xE800] =	vst v63  }
0x1e: {  	_ =	swait.ge [sflag:s16], $0x2000  }
0x1f: {  	[sflag:s16] =	ssyncset.done $0x0  }
0x20: {  	s31 =	simm.s32 $0x1400;
	[sflag:s16] =	ssyncadd.s32 $0xFFFFE000  }
0x21: {  	[spmem:s2] =	stream.indirect.scatter.add.f32 [tilespmem:s15], [sflag:$0x2], $0x40, s31, s14, $0xb8;
	[tilespmem:$0xE800] =	vst v63  }
0x22: {  	_ =	swait.ge [sflag:s12], $0x2000  }
0x23: {  	s19 =	simm.s32 $0x400;
	s18 =	simm.s32 $0x200;
	[sflag:s12] =	ssyncset.done $0x0  }
.LBB2_2:
0x24: {  	s20 =	sshra.s32 s18, $0x2  }
0x25: {  	[sflag:s12] =	ssyncadd.s32 $0xFFFFE000;
	s18 =	smov.u32 s19;
	s21 =	sadd.s32 $0x200, s19  }
0x26: {  	[tilespmem:s15], [sflag:$0x1] =	stream.indirect.gather [hbm4b:s4+s14], $0x40, s20, s14, $0xb8;
	[tilespmem:$0xE800] =	vst v63  }
0x27: {  	p0 =	sne.s32 s19, $0x4E00;
	_ =	swait.ge [sflag:s16], $0x2000  }
.Ltmp0:
0x28: {  	[sflag:s16] =	ssyncset.done $0x0;
	(pc) =	sbr.rel @p0 .LBB2_2-.Ltmp0, $4  }
0x29: {  	s19 =	sadd.s32 $0x1400, s20;
	[sflag:s16] =	ssyncadd.s32 $0xFFFFE000  }
0x2a: {  	[spmem:s2] =	stream.indirect.scatter.add.f32 [tilespmem:s15], [sflag:$0x2], $0x40, s19, s14, $0xb8;
	[tilespmem:$0xE800] =	vst v63  }
0x2b: {  	_ =	swait.ge [sflag:s12], $0x2000  }
0x2c: {  	s19 =	smov.u32 s21;
	[sflag:s12] =	ssyncset.done $0x0  }
0x2d: {  	s18 =	sshra.s32 s18, $0x2;
	[sflag:s12] =	ssyncadd.s32 $0xFFFFE000  }
0x2e: {  	[tilespmem:s15], [sflag:$0x1] =	stream.indirect.gather [hbm4b:s4+s14], $0x40, s18, s14, $0xb8;
	[tilespmem:$0xE800] =	vst v63  }
0x2f: {  	_ =	swait.ge [sflag:s16], $0x2000  }
0x30: {  	[sflag:s16] =	ssyncset.done $0x0  }
0x31: {  	s18 =	sadd.s32 $0x1400, s18;
	[sflag:s16] =	ssyncadd.s32 $0xFFFFE000  }
0x32: {  	[spmem:s2] =	stream.indirect.scatter.add.f32 [tilespmem:s15], [sflag:$0x2], $0x40, s18, s14, $0xb8;
	[tilespmem:$0xE800] =	vst v63  }
0x33: {  	_ =	swait.ge [sflag:s12], $0x2000  }
0x34: {  	s17 =	sadd.s32 $0x1, s17;
	[sflag:s12] =	ssyncset.done $0x0  }
0x35: {  	p0 =	sne.s32 s17, s9;
	[sflag:s12] =	ssyncadd.s32 $0xFFFFE000  }
.Ltmp1:
0x36: {  	[bflag:$0x0] =	sbarrier.arrive $0xFFFF;
	(pc) =	sbr.rel @p0 .LBB2_1-.Ltmp1, $4  }
0x37: {  	[hbm:s10], [sflag:s6] =	dma.local [spmem:s11], $0x1400  }
0x38: {  	_ =	swait.ge [sflag:s12], $0x1400  }
0x39: {  	[sflag:s12] =	ssyncset.done $0x0  }
0x3a: {  	[sflag:s12] =	ssyncadd.s32 $0xFFFFEC00  }
0x3b: {  	_ =	sfence.sel $0x180000  }
0x3c: {  	[bflag:$0x0] =	sbarrier.arrive $0xFFFF  }
0x3d: {  	p0 =	sne.s32 s1, $0x0;
	_ =	strace $0x90000053  }
0x3e: {  	s0 =	sadd.s32 @!p0 $0x100000, s0;
	[bflag:$0x2] =	sbarrier.arrive $0xFFFF  }
0x3f: {  	[sflag:s0] =	ssyncadd.tile.s32 @!p0 $0x1;
	_ =	shalt  }
.Lfunc_end2:
_tile_overlayer_lowered:
.L_overlay_start_2:
0x40: {  	(tag) =	ssettag $0x2  }
0x41: {  	s0 =	rddreg [dreg:$0x0];
	s2 =	stileid.u32  }
0x42: {  	s1 =	rddreg [dreg:$0x1];
	p0 =	sne.s32 s2, $0x0  }
0x43: {  	s3 =	rddreg [dreg:$0x2];
	[bflag:$0x3] =	sbarrier.arrive $0xFFFF;
	s2 =	simm.s32 @!p0 $0x1C02  }
0x44: {  	[timem:s3], [sflag:s2] =	dma.local @!p0 [hbm:s0], s1  }
0x45: {  	s0 =	simm.s32 @!p0 $0x2  }
0x46: {  	_ =	swait.ge @!p0 [sflag:s0], s1  }
0x47: {  	s1 =	ssub.s32 @!p0 $0x0, s1;
	[sflag:s0] =	ssyncset.done @!p0 $0x0  }
0x48: {  	[sflag:s0] =	ssyncadd.s32 @!p0 s1  }
0x49: {  	[bflag:$0x3] =	sbarrier.arrive $0xFFFF  }
0x4a: {  	_ =	shalt  }

// kernel: kernel.33.cloned.1.call-start
scs
__scs_entry_jumppad:
0x0: {  	(pc) =	sbr.rel $0x88, $3  }
0x1: {  	(tag) =	ssettag $0x0;
	lr =	simm.s32 $0x1  }
0x2: {  	[smem:$0x3F89] =	sst lr;
	_ =	strace $0xD0000000  }
0x3: {  	_ = 	snop  }
0x4: {  	_ = 	snop  }
0x5: {  	_ = 	snop  }
0x6: {  	_ = 	snop  }
0x7: {  	_ = 	snop  }
__scs_overlays_trampoline_lowered:
0x8: {  	[smem:$0x3F98] =	sst s0  }
0x9: {  	[smem:$0x3F99] =	sst s1  }
0xa: {  	[smem:$0x3F9A] =	sst s2  }
0xb: {  	[smem:$0x3F9B] =	sst s3  }
0xc: {  	[smem:$0x3F9C] =	sst s4  }
0xd: {  	[smem:$0x3F9D] =	sst s5  }
0xe: {  	[smem:$0x3F9E] =	sst s6  }
0xf: {  	[smem:$0x3F9F] =	sst s7  }
0x10: {  	[smem:$0x3FA0] =	sst s8  }
0x11: {  	[smem:$0x3FA1] =	sst s9;
	s0 =	simm.s32 @!p0 $0x0  }
0x12: {  	s1 =	sld [smem:$0x3F87];
	s0 =	simm.s32 @p0 $0x1  }
0x13: {  	[smem:$0x3FA2] =	sst s0;
	s0 =	simm.s32 @!p1 $0x0  }
0x14: {  	s2 =	sld [smem:$0x3F86];
	s0 =	simm.s32 @p1 $0x1  }
0x15: {  	[smem:$0x3FA3] =	sst s0;
	s0 =	simm.s32 @!p2 $0x0  }
0x16: {  	s3 =	sld [smem:$0x3FDB];
	s0 =	simm.s32 @p2 $0x1  }
0x17: {  	s4 =	simm.s32 $0x1BF5;
	[smem:$0x3FA5] =	sst s0  }
0x18: {  	s0 =	sld [smem:$0x3F88];
	_ =	swait.ge [sflag:s4], $0x0  }
0x19: {  	s7 =	sld [smem:$0x3F89]  }
0x1a: {  	s8 =	sadd.s32 $0xFFFFE003, lr  }
0x1b: {  	s9 =	sadd.s32 $0xFFFFFEF7, lr;
	s5 =	simm.s32 $0xFFFFFFFF;
	p2 =	slt.u32 s8, $0xFFFFF086  }
0x1c: {  	p1 =	slt.u32 s9, $0xF7A;
	s5 =	simm.s32 @!p2 $0x0  }
0x1d: {  	s5 =	simm.s32 @p1 $0x1;
	p0 =	seq.s32 s7, s2  }
0x1e: {  	s7 =	smul.u32 @!p0 $0xF7A, s2;
	p2 =	seq.s32 @!p0 s5, $0x0  }
0x1f: {  	s9 =	smul.u32 $0xF7A, s1;
	s8 =	simm.s32 @!p0 $0x1BF5;
	p2 =	por !p2, p0  }
0x20: {  	[sflag:s8] =	ssyncset.s32 @!p0 $0xFFFFF086;
	s6 =	sadd.s32 @!p0 s3, s7;
	s7 =	simm.s32 @!p0 $0x108  }
0x21: {  	s3 =	sadd.s32 s3, s9;
	s6 =	sadd.s32 @!p0 $0x88, s6;
	s7 =	simm.s32 @p2 $0x1082  }
0x22: {  	[simem:s7], [sflag:s8] =	dma.local @!p0 [hbm:s6], $0xF7A  }
0x23: {  	s9 =	sor.u32 $0xD0000000, s2;
	s6 =	simm.s32 $0x108;
	_ =	swait.ge @!p0 [sflag:s8], $0x0  }
0x24: {  	s3 =	sadd.s32 $0x88, s3;
	s6 =	simm.s32 @!p1 $0x1082;
	[sflag:s4] =	ssyncset.s32 $0xFFFFF086  }
0x25: {  	[simem:s6], [sflag:s4] =	dma.local [hbm:s3], $0xF7A  }
0x26: {  	[smem:$0x3F89] =	sst s1;
	(tag) =	ssettag s2;
	_ =	strace s9  }
0x27: {  	s1 =	sld [smem:$0x3F99]  }
0x28: {  	s2 =	sld [smem:$0x3F9A]  }
0x29: {  	s4 =	sld [smem:$0x3F9C]  }
0x2a: {  	p0 =	seq.s32 s5, $0x0;
	s5 =	sld [smem:$0x3F9D]  }
0x2b: {  	s6 =	sld [smem:$0x3F9E]  }
0x2c: {  	s7 =	sld [smem:$0x3F9F]  }
0x2d: {  	s3 =	simm.s32 $0x108;
	s8 =	sld [smem:$0x3FA0]  }
0x2e: {  	s3 =	simm.s32 @!p0 $0x1082;
	s9 =	sld [smem:$0x3FA1]  }
0x2f: {  	lr =	sadd.s32 s0, s3;
	s0 =	sld [smem:$0x3F98]  }
0x30: {  	s3 =	sld [smem:$0x3F9B]  }
0x31: {  	[smem:$0x3FA4] =	sst s10  }
0x32: {  	s10 =	sld [smem:$0x3FA2];
	_ =	sdelay $0x3  }
0x33: {  	p0 =	seq.s32 s10, $0x1;
	s10 =	sld [smem:$0x3FA4];
	_ =	sdelay $0x3  }
0x34: {  	[smem:$0x3FA4] =	sst s10  }
0x35: {  	s10 =	sld [smem:$0x3FA3];
	_ =	sdelay $0x3  }
0x36: {  	p1 =	seq.s32 s10, $0x1;
	s10 =	sld [smem:$0x3FA4];
	_ =	sdelay $0x3  }
0x37: {  	[smem:$0x3FA4] =	sst s10  }
0x38: {  	s10 =	sld [smem:$0x3FA5]  }
0x39: {  	_ = 	snop;
	(pc) =	sbr.ind lr, $3  }
0x3a: {  	_ = 	snop  }
0x3b: {  	_ = 	snop  }
0x3c: {  	p2 =	seq.s32 s10, $0x1;
	s10 =	sld [smem:$0x3FA4]  }
0x3d: {  	_ =	shalt  }
0x3e: {  	_ =	shalt  }
0x3f: {  	_ =	shalt  }
0x40: {  	_ =	shalt  }
0x41: {  	_ =	shalt  }
0x42: {  	_ =	shalt  }
0x43: {  	_ =	shalt  }
0x44: {  	_ =	shalt  }
0x45: {  	_ =	shalt  }
0x46: {  	_ =	shalt  }
0x47: {  	_ =	shalt  }
0x48: {  	_ =	shalt  }
0x49: {  	_ =	shalt  }
0x4a: {  	_ =	shalt  }
0x4b: {  	_ =	shalt  }
0x4c: {  	_ =	shalt  }
0x4d: {  	_ =	shalt  }
0x4e: {  	_ =	shalt  }
0x4f: {  	_ =	shalt  }
0x50: {  	_ =	shalt  }
0x51: {  	_ =	shalt  }
0x52: {  	_ =	shalt  }
0x53: {  	_ =	shalt  }
0x54: {  	_ =	shalt  }
0x55: {  	_ =	shalt  }
0x56: {  	_ =	shalt  }
0x57: {  	_ =	shalt  }
0x58: {  	_ =	shalt  }
0x59: {  	_ =	shalt  }
0x5a: {  	_ =	shalt  }
0x5b: {  	_ =	shalt  }
0x5c: {  	_ =	shalt  }
0x5d: {  	_ =	shalt  }
0x5e: {  	_ =	shalt  }
0x5f: {  	_ =	shalt  }
0x60: {  	_ =	shalt  }
0x61: {  	_ =	shalt  }
0x62: {  	_ =	shalt  }
0x63: {  	_ =	shalt  }
0x64: {  	_ =	shalt  }
0x65: {  	_ =	shalt  }
0x66: {  	_ =	shalt  }
0x67: {  	_ =	shalt  }
0x68: {  	_ =	shalt  }
0x69: {  	_ =	shalt  }
0x6a: {  	_ =	shalt  }
0x6b: {  	_ =	shalt  }
0x6c: {  	_ =	shalt  }
0x6d: {  	_ =	shalt  }
0x6e: {  	_ =	shalt  }
0x6f: {  	_ =	shalt  }
0x70: {  	_ =	shalt  }
0x71: {  	_ =	shalt  }
0x72: {  	_ =	shalt  }
0x73: {  	_ =	shalt  }
0x74: {  	_ =	shalt  }
0x75: {  	_ =	shalt  }
0x76: {  	_ =	shalt  }
0x77: {  	_ =	shalt  }
0x78: {  	_ =	shalt  }
0x79: {  	_ =	shalt  }
0x7a: {  	_ =	shalt  }
0x7b: {  	_ =	shalt  }
0x7c: {  	_ =	shalt  }
0x7d: {  	_ =	shalt  }
0x7e: {  	_ =	shalt  }
0x7f: {  	_ =	shalt  }
0x80: {  	_ =	shalt  }
0x81: {  	_ =	shalt  }
0x82: {  	_ =	shalt  }
0x83: {  	_ =	shalt  }
0x84: {  	_ =	shalt  }
0x85: {  	_ =	shalt  }
0x86: {  	_ =	shalt  }
0x87: {  	_ =	shalt  }
.Lfunc_end0:
.L_simem_size_0:
called_computation.5_lowered:
.L_overlay_start_0:
0x88: {  	s2 =	sld [smem:$0x3FD9]  }
0x89: {  	s3 =	sld [smem:$0x3FFE];
	_ =	sdelay $0x1  }
0x8a: {  	s1 =	srdreg.scid  }
0x8b: {  	s0 =	sand.u32 $0x1, s1  }
0x8c: {  	s16 =	sshll.u32 s0, $0xA;
	s2 =	sadd.s32 s3, s2  }
0x8d: {  	s2 =	sadd.s32 s2, s16  }
0x8e: {  	[smem:$0x3FB0] =	sst s2  }
0x8f: {  	_ = 	snop  }
0x90: {  	(tm) =	ssettm $0x1  }
0x91: {  	s17 =	sld [smem:$0x3FFB];
	_ =	sdelay $0x3  }
0x92: {  	_ =	strace s17  }
0x93: {  	s2 =	sld [smem:$0x3FFC];
	_ =	sdelay $0x3  }
0x94: {  	_ =	strace s2  }
0x95: {  	s2 =	sld [smem:$0x3FFD];
	_ =	sdelay $0x3  }
0x96: {  	_ =	strace s2  }
0x97: {  	_ =	strace $0x8FFFFFFF  }
0x98: {  	s18 =	sld [smem:$0x3FDB];
	_ =	sdelay $0x1  }
0x99: {  	s19 =	simm.s32 $_scs_section_size  }
0x9a: {  	s4 =	simm.s32 $_size__tile_overlayer_lowered;
	s5 =	simm.s32 $_tile_overlayer_lowered  }
0x9b: {  	s22 =	simm.s32 $0x1BFF;
	s21 =	sshll.u32 s5, $0x1;
	s2 =	sadd.s32 s19, s18  }
0x9c: {  	s6 =	simm.s32 $0x0;
	s20 =	sshll.u32 s4, $0x1;
	s4 =	sadd.s32 s21, s2  }
0x9d: {  	[timem:s6], [sflag:s22] =	dma.local [hbm:s4], s20  }
0x9e: {  	_ =	swait.ge [sflag:s22], s20  }
0x9f: {  	s3 =	ssub.s32 $0x0, s20;
	[sflag:s22] =	ssyncset.done $0x0  }
0xa0: {  	[sflag:s22] =	ssyncadd.s32 s3;
	_ =	sdelay $0x1  }
0xa1: {  	s23 =	simm.s32 $0x1B8B  }
0xa2: {  	_ =	swait.ge [sflag:s23], $0x1  }
0xa3: {  	[sflag:s23] =	ssyncset.done $0x0  }
0xa4: {  	s25 =	simm.s32 $0x1B8E;
	s24 =	sld [smem:$0x3FFE];
	[sflag:s23] =	ssyncadd.s32 $0xFFFFFFFF  }
0xa5: {  	s26 =	simm.s32 $execute0_lowered;
	[smem:$0x3FD2] =	sst s25  }
0xa6: {  	s4 =	sshll.u32 s26, $0x1;
	_ =	strace $0x80000055;
	[dreg:$0x1] =	wrdreg $0xFFFFFFFF  }
0xa7: {  	s28 =	simm.s32 $_size_execute0_lowered;
	s2 =	sadd.s32 s2, s4;
	[dreg:$0x0] =	wrdreg $0x0  }
0xa8: {  	s4 =	sshll.u32 s28, $0x1;
	[dreg:$0x2] =	wrdreg s2  }
0xa9: {  	[dreg:$0x3] =	wrdreg s4  }
0xaa: {  	[dreg:$0x4] =	wrdreg $0xC0  }
0xab: {  	_ =	task [dreg:s6], $0x5FFFF  }
0xac: {  	[dreg:$0x1] =	wrdreg $0xFFFFFFFF  }
0xad: {  	[dreg:$0x0] =	wrdreg $0x60  }
0xae: {  	[dreg:$0x2] =	wrdreg s24  }
0xaf: {  	[dreg:$0x3] =	wrdreg $0x48000  }
0xb0: {  	[dreg:$0x4] =	wrdreg $0x9  }
0xb1: {  	_ =	task.clear_ibuf [dreg:s6], $0x5FFFF;
	_ =	strace $0x90000055  }
0xb2: {  	s29 =	simm.s32 $0x9;
	_ =	strace $0x80000057  }
0xb3: {  	_ =	swait.ge [sflag:s29], $0x1  }
0xb4: {  	[sflag:s29] =	ssyncadd.s32 $0xFFFFFFFF  }
0xb5: {  	_ =	strace $0x90000057  }
0xb6: {  	_ =	sfence  }
0xb7: {  	s30 =	sld [smem:$0x0];
	_ =	sdelay $0x2  }
0xb8: {  	s31 =	sshll.u32 s1, $0xD;
	s1 =	sshrl.u32 s1, $0x2  }
0xb9: {  	s3 =	sand.u32 $0x4000, s31;
	s1 =	sadd.s32 s1, s30  }
0xba: {  	s0 =	sor.u32 s3, s0;
	s1 =	sshll.u32 s1, $0x11  }
0xbb: {  	s0 =	sor.u32 s1, s0  }
0xbc: {  	s0 =	sadd.s32 $0x8F2B, s0  }
0xbd: {  	[sflag:s0] =	ssyncadd.remote.s32 $0x1  }
0xbe: {  	_ =	sfence.sel $0xFFFF  }
0xbf: {  	[dreg:$0x0] =	wrdreg $0xFFFFFFFF;
	(pc) =	sbr.abs _section_cstart, $3  }
0xc0: {  	[dreg:$0x1] =	wrdreg $0xFFFFFFFF  }
0xc1: {  	_ =	task.clear_ibuf [dreg:s6], $0x2FFFF;
	_ =	strace $0x9FFFFFFF  }
0xc2: {  	(tm) =	ssettm $0x7FFFFFFF  }
0xc3: {  	_ =	shalt  }
tec
execute0_lowered:
.L_overlay_start_1:
0x0: {  	(tag) =	ssettag $0x1  }
0x1: {  	s5 =	rddreg [dreg:$0x0]  }
0x2: {  	s2 =	rddreg [dreg:$0x1]  }
0x3: {  	s0 =	rddreg [dreg:$0x2]  }
0x4: {  	s4 =	srdreg.scid;
	s1 =	stileid.u32  }
0x5: {  	s3 =	simm.s32 $0x0;
	s12 =	simm.s32 $0x3A000;
	s13 =	simm.s32 $0x1400  }
0x6: {  	s14 =	simm.s32 $0x80;
	s15 =	simm.s32 $0x2800;
	s16 =	simm.s32 $0x1  }
0x7: {  	s17 =	simm.s32 $0x0;
	s7 =	sand.u32 $0x1, s4;
	s29 =	sshll.u32 s1, $0x1  }
0x8: {  	[smem:$0x7FF] =	sst s3;
	s6 =	smul.u32 $0xA000, s1;
	s31 =	sshll.u32 s1, $0x6  }
0x9: {  	s4 =	sor.u32 s7, s29;
	_ =	strace $0x80000056;
	s9 =	ssub.s32 $0x2, s7  }
0xa: {  	p0 =	seq.s32 s7, $0x1;
	s8 =	smul.u32 $0x280, s4;
	s4 =	sadd.s32 $0x8600, s5  }
0xb: {  	s10 =	sshrl.u32 s6, $0x3;
	s11 =	sshrl.u32 s9, $0x1;
	s30 =	sadd.s32 s6, s2  }
0xc: {  	s6 =	sor.u32 $0x1C02, s31;
	s12 =	simm.s32 @!p0 $0x4E000;
	s10 =	sadd.s32 s10, s5  }
0xd: {  	s9 =	ssub.s32 s9, s11;
	s11 =	sshrl.u32 s30, $0x3;
	s8 =	sadd.s32 s8, s5  }
0xe: {  	s5 =	sadd.s32 $0x26000, s10;
	s9 =	smax.u32 s9, $0x1;
	s10 =	sadd.s32 s12, s10  }
0xf: {  	s12 =	simm.s32 $0x2;
	s7 =	sadd.s32 $0x21000, s8;
	s8 =	sadd.s32 $0x1C000, s8  }
.LBB2_1:
0x10: {  	[spmem:s11], [sflag:s6] =	dma.local [hbm:s5], $0x1400  }
0x11: {  	_ =	swait.ge [sflag:s12], $0x1400  }
0x12: {  	[sflag:s12] =	ssyncset.done $0x0  }
0x13: {  	[sflag:s12] =	ssyncadd.s32 $0xFFFFEC00  }
0x14: {  	[tilespmem:s3], [sflag:$0x2] =	stream.linear.gather [hbm4b:s7+s3], $0x1400, $0x38;
	[tilespmem:$0xE800] =	vst v63  }
0x15: {  	_ =	swait.ge [sflag:s12], $0x1400  }
0x16: {  	[sflag:s12] =	ssyncset.done $0x0  }
0x17: {  	[sflag:s12] =	ssyncadd.s32 $0xFFFFEC00  }
0x18: {  	[tilespmem:s13], [sflag:$0x2] =	stream.linear.gather [hbm4b:s8+s3], $0x1400, $0x38;
	[tilespmem:$0xE800] =	vst v63  }
0x19: {  	_ =	swait.ge [sflag:s12], $0x1400  }
0x1a: {  	[sflag:s12] =	ssyncset.done $0x0  }
0x1b: {  	[sflag:s12] =	ssyncadd.s32 $0xFFFFEC00  }
0x1c: {  	s18 =	simm.s32 $0x0;
	[bflag:$0x0] =	sbarrier.arrive $0xFFFF  }
0x1d: {  	[tilespmem:s15], [sflag:$0x1] =	stream.indirect.gather [hbm4b:s4+s14], $0x40, s18, s14, $0xb8;
	[tilespmem:$0xE800] =	vst v63  }
0x1e: {  	_ =	swait.ge [sflag:s16], $0x2000  }
0x1f: {  	[sflag:s16] =	ssyncset.done $0x0  }
0x20: {  	s31 =	simm.s32 $0x1400;
	[sflag:s16] =	ssyncadd.s32 $0xFFFFE000  }
0x21: {  	[spmem:s2] =	stream.indirect.scatter.add.f32 [tilespmem:s15], [sflag:$0x2], $0x40, s31, s14, $0xb8;
	[tilespmem:$0xE800] =	vst v63  }
0x22: {  	_ =	swait.ge [sflag:s12], $0x2000  }
0x23: {  	s19 =	simm.s32 $0x400;
	s18 =	simm.s32 $0x200;
	[sflag:s12] =	ssyncset.done $0x0  }
.LBB2_2:
0x24: {  	s20 =	sshra.s32 s18, $0x2  }
0x25: {  	[sflag:s12] =	ssyncadd.s32 $0xFFFFE000;
	s18 =	smov.u32 s19;
	s21 =	sadd.s32 $0x200, s19  }
0x26: {  	[tilespmem:s15], [sflag:$0x1] =	stream.indirect.gather [hbm4b:s4+s14], $0x40, s20, s14, $0xb8;
	[tilespmem:$0xE800] =	vst v63  }
0x27: {  	p0 =	sne.s32 s19, $0x4E00;
	_ =	swait.ge [sflag:s16], $0x2000  }
.Ltmp0:
0x28: {  	[sflag:s16] =	ssyncset.done $0x0;
	(pc) =	sbr.rel @p0 .LBB2_2-.Ltmp0, $4  }
0x29: {  	s19 =	sadd.s32 $0x1400, s20;
	[sflag:s16] =	ssyncadd.s32 $0xFFFFE000  }
0x2a: {  	[spmem:s2] =	stream.indirect.scatter.add.f32 [tilespmem:s15], [sflag:$0x2], $0x40, s19, s14, $0xb8;
	[tilespmem:$0xE800] =	vst v63  }
0x2b: {  	_ =	swait.ge [sflag:s12], $0x2000  }
0x2c: {  	s19 =	smov.u32 s21;
	[sflag:s12] =	ssyncset.done $0x0  }
0x2d: {  	s18 =	sshra.s32 s18, $0x2;
	[sflag:s12] =	ssyncadd.s32 $0xFFFFE000  }
0x2e: {  	[tilespmem:s15], [sflag:$0x1] =	stream.indirect.gather [hbm4b:s4+s14], $0x40, s18, s14, $0xb8;
	[tilespmem:$0xE800] =	vst v63  }
0x2f: {  	_ =	swait.ge [sflag:s16], $0x2000  }
0x30: {  	[sflag:s16] =	ssyncset.done $0x0  }
0x31: {  	s18 =	sadd.s32 $0x1400, s18;
	[sflag:s16] =	ssyncadd.s32 $0xFFFFE000  }
0x32: {  	[spmem:s2] =	stream.indirect.scatter.add.f32 [tilespmem:s15], [sflag:$0x2], $0x40, s18, s14, $0xb8;
	[tilespmem:$0xE800] =	vst v63  }
0x33: {  	_ =	swait.ge [sflag:s12], $0x2000  }
0x34: {  	s17 =	sadd.s32 $0x1, s17;
	[sflag:s12] =	ssyncset.done $0x0  }
0x35: {  	p0 =	sne.s32 s17, s9;
	[sflag:s12] =	ssyncadd.s32 $0xFFFFE000  }
.Ltmp1:
0x36: {  	[bflag:$0x0] =	sbarrier.arrive $0xFFFF;
	(pc) =	sbr.rel @p0 .LBB2_1-.Ltmp1, $4  }
0x37: {  	[hbm:s10], [sflag:s6] =	dma.local [spmem:s11], $0x1400  }
0x38: {  	_ =	swait.ge [sflag:s12], $0x1400  }
0x39: {  	[sflag:s12] =	ssyncset.done $0x0  }
0x3a: {  	[sflag:s12] =	ssyncadd.s32 $0xFFFFEC00  }
0x3b: {  	_ =	sfence.sel $0x180000  }
0x3c: {  	[bflag:$0x0] =	sbarrier.arrive $0xFFFF  }
0x3d: {  	p0 =	sne.s32 s1, $0x0;
	_ =	strace $0x90000056  }
0x3e: {  	s0 =	sadd.s32 @!p0 $0x100000, s0;
	[bflag:$0x2] =	sbarrier.arrive $0xFFFF  }
0x3f: {  	[sflag:s0] =	ssyncadd.tile.s32 @!p0 $0x1;
	_ =	shalt  }
.Lfunc_end2:
_tile_overlayer_lowered:
.L_overlay_start_2:
0x40: {  	(tag) =	ssettag $0x2  }
0x41: {  	s0 =	rddreg [dreg:$0x0];
	s2 =	stileid.u32  }
0x42: {  	s1 =	rddreg [dreg:$0x1];
	p0 =	sne.s32 s2, $0x0  }
0x43: {  	s3 =	rddreg [dreg:$0x2];
	[bflag:$0x3] =	sbarrier.arrive $0xFFFF;
	s2 =	simm.s32 @!p0 $0x1C02  }
0x44: {  	[timem:s3], [sflag:s2] =	dma.local @!p0 [hbm:s0], s1  }
0x45: {  	s0 =	simm.s32 @!p0 $0x2  }
0x46: {  	_ =	swait.ge @!p0 [sflag:s0], s1  }
0x47: {  	s1 =	ssub.s32 @!p0 $0x0, s1;
	[sflag:s0] =	ssyncset.done @!p0 $0x0  }
0x48: {  	[sflag:s0] =	ssyncadd.s32 @!p0 s1  }
0x49: {  	[bflag:$0x3] =	sbarrier.arrive $0xFFFF  }
0x4a: {  	_ =	shalt  }

// kernel: kernel.36.cloned.1.call-start
scs
__scs_entry_jumppad:
0x0: {  	(pc) =	sbr.rel $0x88, $3  }
0x1: {  	(tag) =	ssettag $0x0;
	lr =	simm.s32 $0x1  }
0x2: {  	[smem:$0x3F89] =	sst lr;
	_ =	strace $0xD0000000  }
0x3: {  	_ = 	snop  }
0x4: {  	_ = 	snop  }
0x5: {  	_ = 	snop  }
0x6: {  	_ = 	snop  }
0x7: {  	_ = 	snop  }
__scs_overlays_trampoline_lowered:
0x8: {  	[smem:$0x3F98] =	sst s0  }
0x9: {  	[smem:$0x3F99] =	sst s1  }
0xa: {  	[smem:$0x3F9A] =	sst s2  }
0xb: {  	[smem:$0x3F9B] =	sst s3  }
0xc: {  	[smem:$0x3F9C] =	sst s4  }
0xd: {  	[smem:$0x3F9D] =	sst s5  }
0xe: {  	[smem:$0x3F9E] =	sst s6  }
0xf: {  	[smem:$0x3F9F] =	sst s7  }
0x10: {  	[smem:$0x3FA0] =	sst s8  }
0x11: {  	[smem:$0x3FA1] =	sst s9;
	s0 =	simm.s32 @!p0 $0x0  }
0x12: {  	s1 =	sld [smem:$0x3F87];
	s0 =	simm.s32 @p0 $0x1  }
0x13: {  	[smem:$0x3FA2] =	sst s0;
	s0 =	simm.s32 @!p1 $0x0  }
0x14: {  	s2 =	sld [smem:$0x3F86];
	s0 =	simm.s32 @p1 $0x1  }
0x15: {  	[smem:$0x3FA3] =	sst s0;
	s0 =	simm.s32 @!p2 $0x0  }
0x16: {  	s3 =	sld [smem:$0x3FDB];
	s0 =	simm.s32 @p2 $0x1  }
0x17: {  	s4 =	simm.s32 $0x1BF5;
	[smem:$0x3FA5] =	sst s0  }
0x18: {  	s0 =	sld [smem:$0x3F88];
	_ =	swait.ge [sflag:s4], $0x0  }
0x19: {  	s7 =	sld [smem:$0x3F89]  }
0x1a: {  	s8 =	sadd.s32 $0xFFFFE003, lr  }
0x1b: {  	s9 =	sadd.s32 $0xFFFFFEF7, lr;
	s5 =	simm.s32 $0xFFFFFFFF;
	p2 =	slt.u32 s8, $0xFFFFF086  }
0x1c: {  	p1 =	slt.u32 s9, $0xF7A;
	s5 =	simm.s32 @!p2 $0x0  }
0x1d: {  	s5 =	simm.s32 @p1 $0x1;
	p0 =	seq.s32 s7, s2  }
0x1e: {  	s7 =	smul.u32 @!p0 $0xF7A, s2;
	p2 =	seq.s32 @!p0 s5, $0x0  }
0x1f: {  	s9 =	smul.u32 $0xF7A, s1;
	s8 =	simm.s32 @!p0 $0x1BF5;
	p2 =	por !p2, p0  }
0x20: {  	[sflag:s8] =	ssyncset.s32 @!p0 $0xFFFFF086;
	s6 =	sadd.s32 @!p0 s3, s7;
	s7 =	simm.s32 @!p0 $0x108  }
0x21: {  	s3 =	sadd.s32 s3, s9;
	s6 =	sadd.s32 @!p0 $0x88, s6;
	s7 =	simm.s32 @p2 $0x1082  }
0x22: {  	[simem:s7], [sflag:s8] =	dma.local @!p0 [hbm:s6], $0xF7A  }
0x23: {  	s9 =	sor.u32 $0xD0000000, s2;
	s6 =	simm.s32 $0x108;
	_ =	swait.ge @!p0 [sflag:s8], $0x0  }
0x24: {  	s3 =	sadd.s32 $0x88, s3;
	s6 =	simm.s32 @!p1 $0x1082;
	[sflag:s4] =	ssyncset.s32 $0xFFFFF086  }
0x25: {  	[simem:s6], [sflag:s4] =	dma.local [hbm:s3], $0xF7A  }
0x26: {  	[smem:$0x3F89] =	sst s1;
	(tag) =	ssettag s2;
	_ =	strace s9  }
0x27: {  	s1 =	sld [smem:$0x3F99]  }
0x28: {  	s2 =	sld [smem:$0x3F9A]  }
0x29: {  	s4 =	sld [smem:$0x3F9C]  }
0x2a: {  	p0 =	seq.s32 s5, $0x0;
	s5 =	sld [smem:$0x3F9D]  }
0x2b: {  	s6 =	sld [smem:$0x3F9E]  }
0x2c: {  	s7 =	sld [smem:$0x3F9F]  }
0x2d: {  	s3 =	simm.s32 $0x108;
	s8 =	sld [smem:$0x3FA0]  }
0x2e: {  	s3 =	simm.s32 @!p0 $0x1082;
	s9 =	sld [smem:$0x3FA1]  }
0x2f: {  	lr =	sadd.s32 s0, s3;
	s0 =	sld [smem:$0x3F98]  }
0x30: {  	s3 =	sld [smem:$0x3F9B]  }
0x31: {  	[smem:$0x3FA4] =	sst s10  }
0x32: {  	s10 =	sld [smem:$0x3FA2];
	_ =	sdelay $0x3  }
0x33: {  	p0 =	seq.s32 s10, $0x1;
	s10 =	sld [smem:$0x3FA4];
	_ =	sdelay $0x3  }
0x34: {  	[smem:$0x3FA4] =	sst s10  }
0x35: {  	s10 =	sld [smem:$0x3FA3];
	_ =	sdelay $0x3  }
0x36: {  	p1 =	seq.s32 s10, $0x1;
	s10 =	sld [smem:$0x3FA4];
	_ =	sdelay $0x3  }
0x37: {  	[smem:$0x3FA4] =	sst s10  }
0x38: {  	s10 =	sld [smem:$0x3FA5]  }
0x39: {  	_ = 	snop;
	(pc) =	sbr.ind lr, $3  }
0x3a: {  	_ = 	snop  }
0x3b: {  	_ = 	snop  }
0x3c: {  	p2 =	seq.s32 s10, $0x1;
	s10 =	sld [smem:$0x3FA4]  }
0x3d: {  	_ =	shalt  }
0x3e: {  	_ =	shalt  }
0x3f: {  	_ =	shalt  }
0x40: {  	_ =	shalt  }
0x41: {  	_ =	shalt  }
0x42: {  	_ =	shalt  }
0x43: {  	_ =	shalt  }
0x44: {  	_ =	shalt  }
0x45: {  	_ =	shalt  }
0x46: {  	_ =	shalt  }
0x47: {  	_ =	shalt  }
0x48: {  	_ =	shalt  }
0x49: {  	_ =	shalt  }
0x4a: {  	_ =	shalt  }
0x4b: {  	_ =	shalt  }
0x4c: {  	_ =	shalt  }
0x4d: {  	_ =	shalt  }
0x4e: {  	_ =	shalt  }
0x4f: {  	_ =	shalt  }
0x50: {  	_ =	shalt  }
0x51: {  	_ =	shalt  }
0x52: {  	_ =	shalt  }
0x53: {  	_ =	shalt  }
0x54: {  	_ =	shalt  }
0x55: {  	_ =	shalt  }
0x56: {  	_ =	shalt  }
0x57: {  	_ =	shalt  }
0x58: {  	_ =	shalt  }
0x59: {  	_ =	shalt  }
0x5a: {  	_ =	shalt  }
0x5b: {  	_ =	shalt  }
0x5c: {  	_ =	shalt  }
0x5d: {  	_ =	shalt  }
0x5e: {  	_ =	shalt  }
0x5f: {  	_ =	shalt  }
0x60: {  	_ =	shalt  }
0x61: {  	_ =	shalt  }
0x62: {  	_ =	shalt  }
0x63: {  	_ =	shalt  }
0x64: {  	_ =	shalt  }
0x65: {  	_ =	shalt  }
0x66: {  	_ =	shalt  }
0x67: {  	_ =	shalt  }
0x68: {  	_ =	shalt  }
0x69: {  	_ =	shalt  }
0x6a: {  	_ =	shalt  }
0x6b: {  	_ =	shalt  }
0x6c: {  	_ =	shalt  }
0x6d: {  	_ =	shalt  }
0x6e: {  	_ =	shalt  }
0x6f: {  	_ =	shalt  }
0x70: {  	_ =	shalt  }
0x71: {  	_ =	shalt  }
0x72: {  	_ =	shalt  }
0x73: {  	_ =	shalt  }
0x74: {  	_ =	shalt  }
0x75: {  	_ =	shalt  }
0x76: {  	_ =	shalt  }
0x77: {  	_ =	shalt  }
0x78: {  	_ =	shalt  }
0x79: {  	_ =	shalt  }
0x7a: {  	_ =	shalt  }
0x7b: {  	_ =	shalt  }
0x7c: {  	_ =	shalt  }
0x7d: {  	_ =	shalt  }
0x7e: {  	_ =	shalt  }
0x7f: {  	_ =	shalt  }
0x80: {  	_ =	shalt  }
0x81: {  	_ =	shalt  }
0x82: {  	_ =	shalt  }
0x83: {  	_ =	shalt  }
0x84: {  	_ =	shalt  }
0x85: {  	_ =	shalt  }
0x86: {  	_ =	shalt  }
0x87: {  	_ =	shalt  }
.Lfunc_end0:
.L_simem_size_0:
called_computation.6_lowered:
.L_overlay_start_0:
0x88: {  	s2 =	sld [smem:$0x3FD9]  }
0x89: {  	s3 =	sld [smem:$0x3FFE];
	_ =	sdelay $0x1  }
0x8a: {  	s1 =	srdreg.scid  }
0x8b: {  	s0 =	sand.u32 $0x1, s1  }
0x8c: {  	s16 =	sshll.u32 s0, $0xA;
	s2 =	sadd.s32 s3, s2  }
0x8d: {  	s2 =	sadd.s32 s2, s16  }
0x8e: {  	[smem:$0x3FB0] =	sst s2  }
0x8f: {  	_ = 	snop  }
0x90: {  	(tm) =	ssettm $0x1  }
0x91: {  	s17 =	sld [smem:$0x3FFB];
	_ =	sdelay $0x3  }
0x92: {  	_ =	strace s17  }
0x93: {  	s2 =	sld [smem:$0x3FFC];
	_ =	sdelay $0x3  }
0x94: {  	_ =	strace s2  }
0x95: {  	s2 =	sld [smem:$0x3FFD];
	_ =	sdelay $0x3  }
0x96: {  	_ =	strace s2  }
0x97: {  	_ =	strace $0x8FFFFFFF  }
0x98: {  	s18 =	sld [smem:$0x3FDB];
	_ =	sdelay $0x1  }
0x99: {  	s19 =	simm.s32 $_scs_section_size  }
0x9a: {  	s4 =	simm.s32 $_size__tile_overlayer_lowered;
	s5 =	simm.s32 $_tile_overlayer_lowered  }
0x9b: {  	s22 =	simm.s32 $0x1BFF;
	s21 =	sshll.u32 s5, $0x1;
	s2 =	sadd.s32 s19, s18  }
0x9c: {  	s6 =	simm.s32 $0x0;
	s20 =	sshll.u32 s4, $0x1;
	s4 =	sadd.s32 s21, s2  }
0x9d: {  	[timem:s6], [sflag:s22] =	dma.local [hbm:s4], s20  }
0x9e: {  	_ =	swait.ge [sflag:s22], s20  }
0x9f: {  	s3 =	ssub.s32 $0x0, s20;
	[sflag:s22] =	ssyncset.done $0x0  }
0xa0: {  	[sflag:s22] =	ssyncadd.s32 s3;
	_ =	sdelay $0x1  }
0xa1: {  	s23 =	simm.s32 $0x1B8B  }
0xa2: {  	_ =	swait.ge [sflag:s23], $0x1  }
0xa3: {  	[sflag:s23] =	ssyncset.done $0x0  }
0xa4: {  	s25 =	simm.s32 $0x1B8E;
	s24 =	sld [smem:$0x3FFE];
	[sflag:s23] =	ssyncadd.s32 $0xFFFFFFFF  }
0xa5: {  	s26 =	simm.s32 $execute0_lowered;
	[smem:$0x3FD2] =	sst s25  }
0xa6: {  	s4 =	sshll.u32 s26, $0x1;
	_ =	strace $0x80000058;
	[dreg:$0x1] =	wrdreg $0xFFFFFFFF  }
0xa7: {  	s28 =	simm.s32 $_size_execute0_lowered;
	s2 =	sadd.s32 s2, s4;
	[dreg:$0x0] =	wrdreg $0x0  }
0xa8: {  	s4 =	sshll.u32 s28, $0x1;
	[dreg:$0x2] =	wrdreg s2  }
0xa9: {  	[dreg:$0x3] =	wrdreg s4  }
0xaa: {  	[dreg:$0x4] =	wrdreg $0xC0  }
0xab: {  	_ =	task [dreg:s6], $0x5FFFF  }
0xac: {  	[dreg:$0x1] =	wrdreg $0xFFFFFFFF  }
0xad: {  	[dreg:$0x0] =	wrdreg $0x60  }
0xae: {  	[dreg:$0x2] =	wrdreg s24  }
0xaf: {  	[dreg:$0x3] =	wrdreg $0x48000  }
0xb0: {  	[dreg:$0x4] =	wrdreg $0x9  }
0xb1: {  	_ =	task.clear_ibuf [dreg:s6], $0x5FFFF;
	_ =	strace $0x90000058  }
0xb2: {  	s29 =	simm.s32 $0x9;
	_ =	strace $0x8000005A  }
0xb3: {  	_ =	swait.ge [sflag:s29], $0x1  }
0xb4: {  	[sflag:s29] =	ssyncadd.s32 $0xFFFFFFFF  }
0xb5: {  	_ =	strace $0x9000005A  }
0xb6: {  	_ =	sfence  }
0xb7: {  	s30 =	sld [smem:$0x0];
	_ =	sdelay $0x2  }
0xb8: {  	s31 =	sshll.u32 s1, $0xD;
	s1 =	sshrl.u32 s1, $0x2  }
0xb9: {  	s3 =	sand.u32 $0x4000, s31;
	s1 =	sadd.s32 s1, s30  }
0xba: {  	s0 =	sor.u32 s3, s0;
	s1 =	sshll.u32 s1, $0x11  }
0xbb: {  	s0 =	sor.u32 s1, s0  }
0xbc: {  	s0 =	sadd.s32 $0x8F2B, s0  }
0xbd: {  	[sflag:s0] =	ssyncadd.remote.s32 $0x1  }
0xbe: {  	_ =	sfence.sel $0xFFFF  }
0xbf: {  	[dreg:$0x0] =	wrdreg $0xFFFFFFFF;
	(pc) =	sbr.abs _section_cstart, $3  }
0xc0: {  	[dreg:$0x1] =	wrdreg $0xFFFFFFFF  }
0xc1: {  	_ =	task.clear_ibuf [dreg:s6], $0x2FFFF;
	_ =	strace $0x9FFFFFFF  }
0xc2: {  	(tm) =	ssettm $0x7FFFFFFF  }
0xc3: {  	_ =	shalt  }
tec
execute0_lowered:
.L_overlay_start_1:
0x0: {  	(tag) =	ssettag $0x1  }
0x1: {  	s5 =	rddreg [dreg:$0x0]  }
0x2: {  	s2 =	rddreg [dreg:$0x1]  }
0x3: {  	s0 =	rddreg [dreg:$0x2]  }
0x4: {  	s4 =	srdreg.scid;
	s1 =	stileid.u32  }
0x5: {  	s3 =	simm.s32 $0x0;
	s12 =	simm.s32 $0x3A000;
	s13 =	simm.s32 $0x1400  }
0x6: {  	s14 =	simm.s32 $0x80;
	s15 =	simm.s32 $0x2800;
	s16 =	simm.s32 $0x1  }
0x7: {  	s17 =	simm.s32 $0x0;
	s7 =	sand.u32 $0x1, s4;
	s29 =	sshll.u32 s1, $0x1  }
0x8: {  	[smem:$0x7FF] =	sst s3;
	s6 =	smul.u32 $0xA000, s1;
	s31 =	sshll.u32 s1, $0x6  }
0x9: {  	s4 =	sor.u32 s7, s29;
	_ =	strace $0x80000059;
	s9 =	ssub.s32 $0x2, s7  }
0xa: {  	p0 =	seq.s32 s7, $0x1;
	s8 =	smul.u32 $0x280, s4;
	s4 =	sadd.s32 $0x8600, s5  }
0xb: {  	s10 =	sshrl.u32 s6, $0x3;
	s11 =	sshrl.u32 s9, $0x1;
	s30 =	sadd.s32 s6, s2  }
0xc: {  	s6 =	sor.u32 $0x1C02, s31;
	s12 =	simm.s32 @!p0 $0x4E000;
	s10 =	sadd.s32 s10, s5  }
0xd: {  	s9 =	ssub.s32 s9, s11;
	s11 =	sshrl.u32 s30, $0x3;
	s8 =	sadd.s32 s8, s5  }
0xe: {  	s5 =	sadd.s32 $0x26000, s10;
	s9 =	smax.u32 s9, $0x1;
	s10 =	sadd.s32 s12, s10  }
0xf: {  	s12 =	simm.s32 $0x2;
	s7 =	sadd.s32 $0x21000, s8;
	s8 =	sadd.s32 $0x1C000, s8  }
.LBB2_1:
0x10: {  	[spmem:s11], [sflag:s6] =	dma.local [hbm:s5], $0x1400  }
0x11: {  	_ =	swait.ge [sflag:s12], $0x1400  }
0x12: {  	[sflag:s12] =	ssyncset.done $0x0  }
0x13: {  	[sflag:s12] =	ssyncadd.s32 $0xFFFFEC00  }
0x14: {  	[tilespmem:s3], [sflag:$0x2] =	stream.linear.gather [hbm4b:s7+s3], $0x1400, $0x38;
	[tilespmem:$0xE800] =	vst v63  }
0x15: {  	_ =	swait.ge [sflag:s12], $0x1400  }
0x16: {  	[sflag:s12] =	ssyncset.done $0x0  }
0x17: {  	[sflag:s12] =	ssyncadd.s32 $0xFFFFEC00  }
0x18: {  	[tilespmem:s13], [sflag:$0x2] =	stream.linear.gather [hbm4b:s8+s3], $0x1400, $0x38;
	[tilespmem:$0xE800] =	vst v63  }
0x19: {  	_ =	swait.ge [sflag:s12], $0x1400  }
0x1a: {  	[sflag:s12] =	ssyncset.done $0x0  }
0x1b: {  	[sflag:s12] =	ssyncadd.s32 $0xFFFFEC00  }
0x1c: {  	s18 =	simm.s32 $0x0;
	[bflag:$0x0] =	sbarrier.arrive $0xFFFF  }
0x1d: {  	[tilespmem:s15], [sflag:$0x1] =	stream.indirect.gather [hbm4b:s4+s14], $0x40, s18, s14, $0xb8;
	[tilespmem:$0xE800] =	vst v63  }
0x1e: {  	_ =	swait.ge [sflag:s16], $0x2000  }
0x1f: {  	[sflag:s16] =	ssyncset.done $0x0  }
0x20: {  	s31 =	simm.s32 $0x1400;
	[sflag:s16] =	ssyncadd.s32 $0xFFFFE000  }
0x21: {  	[spmem:s2] =	stream.indirect.scatter.add.f32 [tilespmem:s15], [sflag:$0x2], $0x40, s31, s14, $0xb8;
	[tilespmem:$0xE800] =	vst v63  }
0x22: {  	_ =	swait.ge [sflag:s12], $0x2000  }
0x23: {  	s19 =	simm.s32 $0x400;
	s18 =	simm.s32 $0x200;
	[sflag:s12] =	ssyncset.done $0x0  }
.LBB2_2:
0x24: {  	s20 =	sshra.s32 s18, $0x2  }
0x25: {  	[sflag:s12] =	ssyncadd.s32 $0xFFFFE000;
	s18 =	smov.u32 s19;
	s21 =	sadd.s32 $0x200, s19  }
0x26: {  	[tilespmem:s15], [sflag:$0x1] =	stream.indirect.gather [hbm4b:s4+s14], $0x40, s20, s14, $0xb8;
	[tilespmem:$0xE800] =	vst v63  }
0x27: {  	p0 =	sne.s32 s19, $0x4E00;
	_ =	swait.ge [sflag:s16], $0x2000  }
.Ltmp0:
0x28: {  	[sflag:s16] =	ssyncset.done $0x0;
	(pc) =	sbr.rel @p0 .LBB2_2-.Ltmp0, $4  }
0x29: {  	s19 =	sadd.s32 $0x1400, s20;
	[sflag:s16] =	ssyncadd.s32 $0xFFFFE000  }
0x2a: {  	[spmem:s2] =	stream.indirect.scatter.add.f32 [tilespmem:s15], [sflag:$0x2], $0x40, s19, s14, $0xb8;
	[tilespmem:$0xE800] =	vst v63  }
0x2b: {  	_ =	swait.ge [sflag:s12], $0x2000  }
0x2c: {  	s19 =	smov.u32 s21;
	[sflag:s12] =	ssyncset.done $0x0  }
0x2d: {  	s18 =	sshra.s32 s18, $0x2;
	[sflag:s12] =	ssyncadd.s32 $0xFFFFE000  }
0x2e: {  	[tilespmem:s15], [sflag:$0x1] =	stream.indirect.gather [hbm4b:s4+s14], $0x40, s18, s14, $0xb8;
	[tilespmem:$0xE800] =	vst v63  }
0x2f: {  	_ =	swait.ge [sflag:s16], $0x2000  }
0x30: {  	[sflag:s16] =	ssyncset.done $0x0  }
0x31: {  	s18 =	sadd.s32 $0x1400, s18;
	[sflag:s16] =	ssyncadd.s32 $0xFFFFE000  }
0x32: {  	[spmem:s2] =	stream.indirect.scatter.add.f32 [tilespmem:s15], [sflag:$0x2], $0x40, s18, s14, $0xb8;
	[tilespmem:$0xE800] =	vst v63  }
0x33: {  	_ =	swait.ge [sflag:s12], $0x2000  }
0x34: {  	s17 =	sadd.s32 $0x1, s17;
	[sflag:s12] =	ssyncset.done $0x0  }
0x35: {  	p0 =	sne.s32 s17, s9;
	[sflag:s12] =	ssyncadd.s32 $0xFFFFE000  }
.Ltmp1:
0x36: {  	[bflag:$0x0] =	sbarrier.arrive $0xFFFF;
	(pc) =	sbr.rel @p0 .LBB2_1-.Ltmp1, $4  }
0x37: {  	[hbm:s10], [sflag:s6] =	dma.local [spmem:s11], $0x1400  }
0x38: {  	_ =	swait.ge [sflag:s12], $0x1400  }
0x39: {  	[sflag:s12] =	ssyncset.done $0x0  }
0x3a: {  	[sflag:s12] =	ssyncadd.s32 $0xFFFFEC00  }
0x3b: {  	_ =	sfence.sel $0x180000  }
0x3c: {  	[bflag:$0x0] =	sbarrier.arrive $0xFFFF  }
0x3d: {  	p0 =	sne.s32 s1, $0x0;
	_ =	strace $0x90000059  }
0x3e: {  	s0 =	sadd.s32 @!p0 $0x100000, s0;
	[bflag:$0x2] =	sbarrier.arrive $0xFFFF  }
0x3f: {  	[sflag:s0] =	ssyncadd.tile.s32 @!p0 $0x1;
	_ =	shalt  }
.Lfunc_end2:
_tile_overlayer_lowered:
.L_overlay_start_2:
0x40: {  	(tag) =	ssettag $0x2  }
0x41: {  	s0 =	rddreg [dreg:$0x0];
	s2 =	stileid.u32  }
0x42: {  	s1 =	rddreg [dreg:$0x1];
	p0 =	sne.s32 s2, $0x0  }
0x43: {  	s3 =	rddreg [dreg:$0x2];
	[bflag:$0x3] =	sbarrier.arrive $0xFFFF;
	s2 =	simm.s32 @!p0 $0x1C02  }
0x44: {  	[timem:s3], [sflag:s2] =	dma.local @!p0 [hbm:s0], s1  }
0x45: {  	s0 =	simm.s32 @!p0 $0x2  }
0x46: {  	_ =	swait.ge @!p0 [sflag:s0], s1  }
0x47: {  	s1 =	ssub.s32 @!p0 $0x0, s1;
	[sflag:s0] =	ssyncset.done @!p0 $0x0  }
0x48: {  	[sflag:s0] =	ssyncadd.s32 @!p0 s1  }
0x49: {  	[bflag:$0x3] =	sbarrier.arrive $0xFFFF  }
0x4a: {  	_ =	shalt  }

// kernel: kernel.39.cloned.1.call-start
scs
__scs_entry_jumppad:
0x0: {  	(pc) =	sbr.rel $0x88, $3  }
0x1: {  	(tag) =	ssettag $0x0;
	lr =	simm.s32 $0x1  }
0x2: {  	[smem:$0x3F89] =	sst lr;
	_ =	strace $0xD0000000  }
0x3: {  	_ = 	snop  }
0x4: {  	_ = 	snop  }
0x5: {  	_ = 	snop  }
0x6: {  	_ = 	snop  }
0x7: {  	_ = 	snop  }
__scs_overlays_trampoline_lowered:
0x8: {  	[smem:$0x3F98] =	sst s0  }
0x9: {  	[smem:$0x3F99] =	sst s1  }
0xa: {  	[smem:$0x3F9A] =	sst s2  }
0xb: {  	[smem:$0x3F9B] =	sst s3  }
0xc: {  	[smem:$0x3F9C] =	sst s4  }
0xd: {  	[smem:$0x3F9D] =	sst s5  }
0xe: {  	[smem:$0x3F9E] =	sst s6  }
0xf: {  	[smem:$0x3F9F] =	sst s7  }
0x10: {  	[smem:$0x3FA0] =	sst s8  }
0x11: {  	[smem:$0x3FA1] =	sst s9;
	s0 =	simm.s32 @!p0 $0x0  }
0x12: {  	s1 =	sld [smem:$0x3F87];
	s0 =	simm.s32 @p0 $0x1  }
0x13: {  	[smem:$0x3FA2] =	sst s0;
	s0 =	simm.s32 @!p1 $0x0  }
0x14: {  	s2 =	sld [smem:$0x3F86];
	s0 =	simm.s32 @p1 $0x1  }
0x15: {  	[smem:$0x3FA3] =	sst s0;
	s0 =	simm.s32 @!p2 $0x0  }
0x16: {  	s3 =	sld [smem:$0x3FDB];
	s0 =	simm.s32 @p2 $0x1  }
0x17: {  	s4 =	simm.s32 $0x1BF5;
	[smem:$0x3FA5] =	sst s0  }
0x18: {  	s0 =	sld [smem:$0x3F88];
	_ =	swait.ge [sflag:s4], $0x0  }
0x19: {  	s7 =	sld [smem:$0x3F89]  }
0x1a: {  	s8 =	sadd.s32 $0xFFFFE003, lr  }
0x1b: {  	s9 =	sadd.s32 $0xFFFFFEF7, lr;
	s5 =	simm.s32 $0xFFFFFFFF;
	p2 =	slt.u32 s8, $0xFFFFF086  }
0x1c: {  	p1 =	slt.u32 s9, $0xF7A;
	s5 =	simm.s32 @!p2 $0x0  }
0x1d: {  	s5 =	simm.s32 @p1 $0x1;
	p0 =	seq.s32 s7, s2  }
0x1e: {  	s7 =	smul.u32 @!p0 $0xF7A, s2;
	p2 =	seq.s32 @!p0 s5, $0x0  }
0x1f: {  	s9 =	smul.u32 $0xF7A, s1;
	s8 =	simm.s32 @!p0 $0x1BF5;
	p2 =	por !p2, p0  }
0x20: {  	[sflag:s8] =	ssyncset.s32 @!p0 $0xFFFFF086;
	s6 =	sadd.s32 @!p0 s3, s7;
	s7 =	simm.s32 @!p0 $0x108  }
0x21: {  	s3 =	sadd.s32 s3, s9;
	s6 =	sadd.s32 @!p0 $0x88, s6;
	s7 =	simm.s32 @p2 $0x1082  }
0x22: {  	[simem:s7], [sflag:s8] =	dma.local @!p0 [hbm:s6], $0xF7A  }
0x23: {  	s9 =	sor.u32 $0xD0000000, s2;
	s6 =	simm.s32 $0x108;
	_ =	swait.ge @!p0 [sflag:s8], $0x0  }
0x24: {  	s3 =	sadd.s32 $0x88, s3;
	s6 =	simm.s32 @!p1 $0x1082;
	[sflag:s4] =	ssyncset.s32 $0xFFFFF086  }
0x25: {  	[simem:s6], [sflag:s4] =	dma.local [hbm:s3], $0xF7A  }
0x26: {  	[smem:$0x3F89] =	sst s1;
	(tag) =	ssettag s2;
	_ =	strace s9  }
0x27: {  	s1 =	sld [smem:$0x3F99]  }
0x28: {  	s2 =	sld [smem:$0x3F9A]  }
0x29: {  	s4 =	sld [smem:$0x3F9C]  }
0x2a: {  	p0 =	seq.s32 s5, $0x0;
	s5 =	sld [smem:$0x3F9D]  }
0x2b: {  	s6 =	sld [smem:$0x3F9E]  }
0x2c: {  	s7 =	sld [smem:$0x3F9F]  }
0x2d: {  	s3 =	simm.s32 $0x108;
	s8 =	sld [smem:$0x3FA0]  }
0x2e: {  	s3 =	simm.s32 @!p0 $0x1082;
	s9 =	sld [smem:$0x3FA1]  }
0x2f: {  	lr =	sadd.s32 s0, s3;
	s0 =	sld [smem:$0x3F98]  }
0x30: {  	s3 =	sld [smem:$0x3F9B]  }
0x31: {  	[smem:$0x3FA4] =	sst s10  }
0x32: {  	s10 =	sld [smem:$0x3FA2];
	_ =	sdelay $0x3  }
0x33: {  	p0 =	seq.s32 s10, $0x1;
	s10 =	sld [smem:$0x3FA4];
	_ =	sdelay $0x3  }
0x34: {  	[smem:$0x3FA4] =	sst s10  }
0x35: {  	s10 =	sld [smem:$0x3FA3];
	_ =	sdelay $0x3  }
0x36: {  	p1 =	seq.s32 s10, $0x1;
	s10 =	sld [smem:$0x3FA4];
	_ =	sdelay $0x3  }
0x37: {  	[smem:$0x3FA4] =	sst s10  }
0x38: {  	s10 =	sld [smem:$0x3FA5]  }
0x39: {  	_ = 	snop;
	(pc) =	sbr.ind lr, $3  }
0x3a: {  	_ = 	snop  }
0x3b: {  	_ = 	snop  }
0x3c: {  	p2 =	seq.s32 s10, $0x1;
	s10 =	sld [smem:$0x3FA4]  }
0x3d: {  	_ =	shalt  }
0x3e: {  	_ =	shalt  }
0x3f: {  	_ =	shalt  }
0x40: {  	_ =	shalt  }
0x41: {  	_ =	shalt  }
0x42: {  	_ =	shalt  }
0x43: {  	_ =	shalt  }
0x44: {  	_ =	shalt  }
0x45: {  	_ =	shalt  }
0x46: {  	_ =	shalt  }
0x47: {  	_ =	shalt  }
0x48: {  	_ =	shalt  }
0x49: {  	_ =	shalt  }
0x4a: {  	_ =	shalt  }
0x4b: {  	_ =	shalt  }
0x4c: {  	_ =	shalt  }
0x4d: {  	_ =	shalt  }
0x4e: {  	_ =	shalt  }
0x4f: {  	_ =	shalt  }
0x50: {  	_ =	shalt  }
0x51: {  	_ =	shalt  }
0x52: {  	_ =	shalt  }
0x53: {  	_ =	shalt  }
0x54: {  	_ =	shalt  }
0x55: {  	_ =	shalt  }
0x56: {  	_ =	shalt  }
0x57: {  	_ =	shalt  }
0x58: {  	_ =	shalt  }
0x59: {  	_ =	shalt  }
0x5a: {  	_ =	shalt  }
0x5b: {  	_ =	shalt  }
0x5c: {  	_ =	shalt  }
0x5d: {  	_ =	shalt  }
0x5e: {  	_ =	shalt  }
0x5f: {  	_ =	shalt  }
0x60: {  	_ =	shalt  }
0x61: {  	_ =	shalt  }
0x62: {  	_ =	shalt  }
0x63: {  	_ =	shalt  }
0x64: {  	_ =	shalt  }
0x65: {  	_ =	shalt  }
0x66: {  	_ =	shalt  }
0x67: {  	_ =	shalt  }
0x68: {  	_ =	shalt  }
0x69: {  	_ =	shalt  }
0x6a: {  	_ =	shalt  }
0x6b: {  	_ =	shalt  }
0x6c: {  	_ =	shalt  }
0x6d: {  	_ =	shalt  }
0x6e: {  	_ =	shalt  }
0x6f: {  	_ =	shalt  }
0x70: {  	_ =	shalt  }
0x71: {  	_ =	shalt  }
0x72: {  	_ =	shalt  }
0x73: {  	_ =	shalt  }
0x74: {  	_ =	shalt  }
0x75: {  	_ =	shalt  }
0x76: {  	_ =	shalt  }
0x77: {  	_ =	shalt  }
0x78: {  	_ =	shalt  }
0x79: {  	_ =	shalt  }
0x7a: {  	_ =	shalt  }
0x7b: {  	_ =	shalt  }
0x7c: {  	_ =	shalt  }
0x7d: {  	_ =	shalt  }
0x7e: {  	_ =	shalt  }
0x7f: {  	_ =	shalt  }
0x80: {  	_ =	shalt  }
0x81: {  	_ =	shalt  }
0x82: {  	_ =	shalt  }
0x83: {  	_ =	shalt  }
0x84: {  	_ =	shalt  }
0x85: {  	_ =	shalt  }
0x86: {  	_ =	shalt  }
0x87: {  	_ =	shalt  }
.Lfunc_end0:
.L_simem_size_0:
called_computation.7_lowered:
.L_overlay_start_0:
0x88: {  	s2 =	sld [smem:$0x3FD9]  }
0x89: {  	s3 =	sld [smem:$0x3FFE];
	_ =	sdelay $0x1  }
0x8a: {  	s1 =	srdreg.scid  }
0x8b: {  	s0 =	sand.u32 $0x1, s1  }
0x8c: {  	s16 =	sshll.u32 s0, $0xA;
	s2 =	sadd.s32 s3, s2  }
0x8d: {  	s2 =	sadd.s32 s2, s16  }
0x8e: {  	[smem:$0x3FB0] =	sst s2  }
0x8f: {  	_ = 	snop  }
0x90: {  	(tm) =	ssettm $0x1  }
0x91: {  	s17 =	sld [smem:$0x3FFB];
	_ =	sdelay $0x3  }
0x92: {  	_ =	strace s17  }
0x93: {  	s2 =	sld [smem:$0x3FFC];
	_ =	sdelay $0x3  }
0x94: {  	_ =	strace s2  }
0x95: {  	s2 =	sld [smem:$0x3FFD];
	_ =	sdelay $0x3  }
0x96: {  	_ =	strace s2  }
0x97: {  	_ =	strace $0x8FFFFFFF  }
0x98: {  	s18 =	sld [smem:$0x3FDB];
	_ =	sdelay $0x1  }
0x99: {  	s19 =	simm.s32 $_scs_section_size  }
0x9a: {  	s4 =	simm.s32 $_size__tile_overlayer_lowered;
	s5 =	simm.s32 $_tile_overlayer_lowered  }
0x9b: {  	s22 =	simm.s32 $0x1BFF;
	s21 =	sshll.u32 s5, $0x1;
	s2 =	sadd.s32 s19, s18  }
0x9c: {  	s6 =	simm.s32 $0x0;
	s20 =	sshll.u32 s4, $0x1;
	s4 =	sadd.s32 s21, s2  }
0x9d: {  	[timem:s6], [sflag:s22] =	dma.local [hbm:s4], s20  }
0x9e: {  	_ =	swait.ge [sflag:s22], s20  }
0x9f: {  	s3 =	ssub.s32 $0x0, s20;
	[sflag:s22] =	ssyncset.done $0x0  }
0xa0: {  	[sflag:s22] =	ssyncadd.s32 s3;
	_ =	sdelay $0x1  }
0xa1: {  	s23 =	simm.s32 $0x1B8B  }
0xa2: {  	_ =	swait.ge [sflag:s23], $0x1  }
0xa3: {  	[sflag:s23] =	ssyncset.done $0x0  }
0xa4: {  	s25 =	simm.s32 $0x1B8E;
	s24 =	sld [smem:$0x3FFE];
	[sflag:s23] =	ssyncadd.s32 $0xFFFFFFFF  }
0xa5: {  	s26 =	simm.s32 $execute0_lowered;
	[smem:$0x3FD2] =	sst s25  }
0xa6: {  	s4 =	sshll.u32 s26, $0x1;
	_ =	strace $0x8000005B;
	[dreg:$0x1] =	wrdreg $0xFFFFFFFF  }
0xa7: {  	s28 =	simm.s32 $_size_execute0_lowered;
	s2 =	sadd.s32 s2, s4;
	[dreg:$0x0] =	wrdreg $0x0  }
0xa8: {  	s4 =	sshll.u32 s28, $0x1;
	[dreg:$0x2] =	wrdreg s2  }
0xa9: {  	[dreg:$0x3] =	wrdreg s4  }
0xaa: {  	[dreg:$0x4] =	wrdreg $0xC0  }
0xab: {  	_ =	task [dreg:s6], $0x5FFFF  }
0xac: {  	[dreg:$0x1] =	wrdreg $0xFFFFFFFF  }
0xad: {  	[dreg:$0x0] =	wrdreg $0x60  }
0xae: {  	[dreg:$0x2] =	wrdreg s24  }
0xaf: {  	[dreg:$0x3] =	wrdreg $0x48000  }
0xb0: {  	[dreg:$0x4] =	wrdreg $0x9  }
0xb1: {  	_ =	task.clear_ibuf [dreg:s6], $0x5FFFF;
	_ =	strace $0x9000005B  }
0xb2: {  	s29 =	simm.s32 $0x9;
	_ =	strace $0x8000005D  }
0xb3: {  	_ =	swait.ge [sflag:s29], $0x1  }
0xb4: {  	[sflag:s29] =	ssyncadd.s32 $0xFFFFFFFF  }
0xb5: {  	_ =	strace $0x9000005D  }
0xb6: {  	_ =	sfence  }
0xb7: {  	s30 =	sld [smem:$0x0];
	_ =	sdelay $0x2  }
0xb8: {  	s31 =	sshll.u32 s1, $0xD;
	s1 =	sshrl.u32 s1, $0x2  }
0xb9: {  	s3 =	sand.u32 $0x4000, s31;
	s1 =	sadd.s32 s1, s30  }
0xba: {  	s0 =	sor.u32 s3, s0;
	s1 =	sshll.u32 s1, $0x11  }
0xbb: {  	s0 =	sor.u32 s1, s0  }
0xbc: {  	s0 =	sadd.s32 $0x8F2B, s0  }
0xbd: {  	[sflag:s0] =	ssyncadd.remote.s32 $0x1  }
0xbe: {  	_ =	sfence.sel $0xFFFF  }
0xbf: {  	[dreg:$0x0] =	wrdreg $0xFFFFFFFF;
	(pc) =	sbr.abs _section_cstart, $3  }
0xc0: {  	[dreg:$0x1] =	wrdreg $0xFFFFFFFF  }
0xc1: {  	_ =	task.clear_ibuf [dreg:s6], $0x2FFFF;
	_ =	strace $0x9FFFFFFF  }
0xc2: {  	(tm) =	ssettm $0x7FFFFFFF  }
0xc3: {  	_ =	shalt  }
tec
execute0_lowered:
.L_overlay_start_1:
0x0: {  	(tag) =	ssettag $0x1  }
0x1: {  	s5 =	rddreg [dreg:$0x0]  }
0x2: {  	s2 =	rddreg [dreg:$0x1]  }
0x3: {  	s0 =	rddreg [dreg:$0x2]  }
0x4: {  	s4 =	srdreg.scid;
	s1 =	stileid.u32  }
0x5: {  	s3 =	simm.s32 $0x0;
	s12 =	simm.s32 $0x3A000;
	s13 =	simm.s32 $0x1400  }
0x6: {  	s14 =	simm.s32 $0x80;
	s15 =	simm.s32 $0x2800;
	s16 =	simm.s32 $0x1  }
0x7: {  	s17 =	simm.s32 $0x0;
	s7 =	sand.u32 $0x1, s4;
	s29 =	sshll.u32 s1, $0x1  }
0x8: {  	[smem:$0x7FF] =	sst s3;
	s6 =	smul.u32 $0xA000, s1;
	s31 =	sshll.u32 s1, $0x6  }
0x9: {  	s4 =	sor.u32 s7, s29;
	_ =	strace $0x8000005C;
	s9 =	ssub.s32 $0x2, s7  }
0xa: {  	p0 =	seq.s32 s7, $0x1;
	s8 =	smul.u32 $0x280, s4;
	s4 =	sadd.s32 $0x8600, s5  }
0xb: {  	s10 =	sshrl.u32 s6, $0x3;
	s11 =	sshrl.u32 s9, $0x1;
	s30 =	sadd.s32 s6, s2  }
0xc: {  	s6 =	sor.u32 $0x1C02, s31;
	s12 =	simm.s32 @!p0 $0x4E000;
	s10 =	sadd.s32 s10, s5  }
0xd: {  	s9 =	ssub.s32 s9, s11;
	s11 =	sshrl.u32 s30, $0x3;
	s8 =	sadd.s32 s8, s5  }
0xe: {  	s5 =	sadd.s32 $0x26000, s10;
	s9 =	smax.u32 s9, $0x1;
	s10 =	sadd.s32 s12, s10  }
0xf: {  	s12 =	simm.s32 $0x2;
	s7 =	sadd.s32 $0x21000, s8;
	s8 =	sadd.s32 $0x1C000, s8  }
.LBB2_1:
0x10: {  	[spmem:s11], [sflag:s6] =	dma.local [hbm:s5], $0x1400  }
0x11: {  	_ =	swait.ge [sflag:s12], $0x1400  }
0x12: {  	[sflag:s12] =	ssyncset.done $0x0  }
0x13: {  	[sflag:s12] =	ssyncadd.s32 $0xFFFFEC00  }
0x14: {  	[tilespmem:s3], [sflag:$0x2] =	stream.linear.gather [hbm4b:s7+s3], $0x1400, $0x38;
	[tilespmem:$0xE800] =	vst v63  }
0x15: {  	_ =	swait.ge [sflag:s12], $0x1400  }
0x16: {  	[sflag:s12] =	ssyncset.done $0x0  }
0x17: {  	[sflag:s12] =	ssyncadd.s32 $0xFFFFEC00  }
0x18: {  	[tilespmem:s13], [sflag:$0x2] =	stream.linear.gather [hbm4b:s8+s3], $0x1400, $0x38;
	[tilespmem:$0xE800] =	vst v63  }
0x19: {  	_ =	swait.ge [sflag:s12], $0x1400  }
0x1a: {  	[sflag:s12] =	ssyncset.done $0x0  }
0x1b: {  	[sflag:s12] =	ssyncadd.s32 $0xFFFFEC00  }
0x1c: {  	s18 =	simm.s32 $0x0;
	[bflag:$0x0] =	sbarrier.arrive $0xFFFF  }
0x1d: {  	[tilespmem:s15], [sflag:$0x1] =	stream.indirect.gather [hbm4b:s4+s14], $0x40, s18, s14, $0xb8;
	[tilespmem:$0xE800] =	vst v63  }
0x1e: {  	_ =	swait.ge [sflag:s16], $0x2000  }
0x1f: {  	[sflag:s16] =	ssyncset.done $0x0  }
0x20: {  	s31 =	simm.s32 $0x1400;
	[sflag:s16] =	ssyncadd.s32 $0xFFFFE000  }
0x21: {  	[spmem:s2] =	stream.indirect.scatter.add.f32 [tilespmem:s15], [sflag:$0x2], $0x40, s31, s14, $0xb8;
	[tilespmem:$0xE800] =	vst v63  }
0x22: {  	_ =	swait.ge [sflag:s12], $0x2000  }
0x23: {  	s19 =	simm.s32 $0x400;
	s18 =	simm.s32 $0x200;
	[sflag:s12] =	ssyncset.done $0x0  }
.LBB2_2:
0x24: {  	s20 =	sshra.s32 s18, $0x2  }
0x25: {  	[sflag:s12] =	ssyncadd.s32 $0xFFFFE000;
	s18 =	smov.u32 s19;
	s21 =	sadd.s32 $0x200, s19  }
0x26: {  	[tilespmem:s15], [sflag:$0x1] =	stream.indirect.gather [hbm4b:s4+s14], $0x40, s20, s14, $0xb8;
	[tilespmem:$0xE800] =	vst v63  }
0x27: {  	p0 =	sne.s32 s19, $0x4E00;
	_ =	swait.ge [sflag:s16], $0x2000  }
.Ltmp0:
0x28: {  	[sflag:s16] =	ssyncset.done $0x0;
	(pc) =	sbr.rel @p0 .LBB2_2-.Ltmp0, $4  }
0x29: {  	s19 =	sadd.s32 $0x1400, s20;
	[sflag:s16] =	ssyncadd.s32 $0xFFFFE000  }
0x2a: {  	[spmem:s2] =	stream.indirect.scatter.add.f32 [tilespmem:s15], [sflag:$0x2], $0x40, s19, s14, $0xb8;
	[tilespmem:$0xE800] =	vst v63  }
0x2b: {  	_ =	swait.ge [sflag:s12], $0x2000  }
0x2c: {  	s19 =	smov.u32 s21;
	[sflag:s12] =	ssyncset.done $0x0  }
0x2d: {  	s18 =	sshra.s32 s18, $0x2;
	[sflag:s12] =	ssyncadd.s32 $0xFFFFE000  }
0x2e: {  	[tilespmem:s15], [sflag:$0x1] =	stream.indirect.gather [hbm4b:s4+s14], $0x40, s18, s14, $0xb8;
	[tilespmem:$0xE800] =	vst v63  }
0x2f: {  	_ =	swait.ge [sflag:s16], $0x2000  }
0x30: {  	[sflag:s16] =	ssyncset.done $0x0  }
0x31: {  	s18 =	sadd.s32 $0x1400, s18;
	[sflag:s16] =	ssyncadd.s32 $0xFFFFE000  }
0x32: {  	[spmem:s2] =	stream.indirect.scatter.add.f32 [tilespmem:s15], [sflag:$0x2], $0x40, s18, s14, $0xb8;
	[tilespmem:$0xE800] =	vst v63  }
0x33: {  	_ =	swait.ge [sflag:s12], $0x2000  }
0x34: {  	s17 =	sadd.s32 $0x1, s17;
	[sflag:s12] =	ssyncset.done $0x0  }
0x35: {  	p0 =	sne.s32 s17, s9;
	[sflag:s12] =	ssyncadd.s32 $0xFFFFE000  }
.Ltmp1:
0x36: {  	[bflag:$0x0] =	sbarrier.arrive $0xFFFF;
	(pc) =	sbr.rel @p0 .LBB2_1-.Ltmp1, $4  }
0x37: {  	[hbm:s10], [sflag:s6] =	dma.local [spmem:s11], $0x1400  }
0x38: {  	_ =	swait.ge [sflag:s12], $0x1400  }
0x39: {  	[sflag:s12] =	ssyncset.done $0x0  }
0x3a: {  	[sflag:s12] =	ssyncadd.s32 $0xFFFFEC00  }
0x3b: {  	_ =	sfence.sel $0x180000  }
0x3c: {  	[bflag:$0x0] =	sbarrier.arrive $0xFFFF  }
0x3d: {  	p0 =	sne.s32 s1, $0x0;
	_ =	strace $0x9000005C  }
0x3e: {  	s0 =	sadd.s32 @!p0 $0x100000, s0;
	[bflag:$0x2] =	sbarrier.arrive $0xFFFF  }
0x3f: {  	[sflag:s0] =	ssyncadd.tile.s32 @!p0 $0x1;
	_ =	shalt  }
.Lfunc_end2:
_tile_overlayer_lowered:
.L_overlay_start_2:
0x40: {  	(tag) =	ssettag $0x2  }
0x41: {  	s0 =	rddreg [dreg:$0x0];
	s2 =	stileid.u32  }
0x42: {  	s1 =	rddreg [dreg:$0x1];
	p0 =	sne.s32 s2, $0x0  }
0x43: {  	s3 =	rddreg [dreg:$0x2];
	[bflag:$0x3] =	sbarrier.arrive $0xFFFF;
	s2 =	simm.s32 @!p0 $0x1C02  }
0x44: {  	[timem:s3], [sflag:s2] =	dma.local @!p0 [hbm:s0], s1  }
0x45: {  	s0 =	simm.s32 @!p0 $0x2  }
0x46: {  	_ =	swait.ge @!p0 [sflag:s0], s1  }
0x47: {  	s1 =	ssub.s32 @!p0 $0x0, s1;
	[sflag:s0] =	ssyncset.done @!p0 $0x0  }
0x48: {  	[sflag:s0] =	ssyncadd.s32 @!p0 s1  }
0x49: {  	[bflag:$0x3] =	sbarrier.arrive $0xFFFF  }
0x4a: {  	_ =	shalt  }

</sc_bundles>
